<compile_context>
chip_gen: v7x
topology: tpu7x:2x2x1
jax: 0.10.2.dev20260603
libtpu: 0.0.44.dev20260713+nightly
codegen_flags: <defaults>
</compile_context>

<pallas_src>
import functools

import jax
import jax.numpy as jnp
from jax import lax
from jax.experimental import pallas as pl
from jax.experimental.pallas import tpu as pltpu
from jax.experimental.pallas import tpu_sc as plsc

_B = 16384
_V = 100000
_D = 4
_F_NS = 26
_F_SEQ = 4
_T = 50

_NW = 32
_BW = _B // _NW

_CBS = 32
_NCH_S = _BW // _CBS
_SEQ_ROWS = _CBS * _F_SEQ * _T
_OUT_SEQ = _CBS * _F_SEQ * _D

_CBN = 64
_NCH_N = _BW // _CBN
_NS_ROWS = _CBN * _F_NS
_NS_ELEMS = _NS_ROWS * _D

_MESH = dict(core_axis_name="c", subcore_axis_name="s",
             num_cores=2, num_subcores=16)
_CPARAMS = pltpu.CompilerParams(
    needs_layout_passes=False, use_tc_tiling_on_sc=False)


def _seq_body(t0, t1, t2, t3, seq_idx, fo_seq, out_seq,
              raw0, raw1, idx0, idx1, vals0, vals1, fo_v, stage_v,
              sem0, sem1):
    tabs = (t0, t1, t2, t3)
    raw = (raw0, raw1)
    idx = (idx0, idx1)
    vals = (vals0, vals1)
    sems = (sem0, sem1)
    wid = lax.axis_index("s") * 2 + lax.axis_index("c")

    iota = lax.iota(jnp.int32, 16)
    rowq = iota >> 2
    colr = iota & 3

    pltpu.sync_copy(fo_seq, fo_v)

    def stage_and_fire(c, slot):
        blk = wid * _NCH_S + c
        pltpu.sync_copy(seq_idx.at[pl.ds(blk * _SEQ_ROWS, _SEQ_ROWS)],
                        raw[slot])
        def _exp(s, carry):
            idx[slot][pl.ds(s * 16, 16)] = (raw[slot][pl.ds(s * 16, 16)]
                                            + fo_v[pl.ds(s * 16, 16)])
            return carry
        lax.fori_loop(0, _SEQ_ROWS // 16, _exp, 0)
        return [
            pltpu.async_copy(
                tabs[d].at[idx[slot]],
                vals[slot].at[pl.ds(d * _SEQ_ROWS, _SEQ_ROWS)],
                sems[slot])
            for d in range(_D)
        ]

    def drain(c, slot, cps):
        blk = wid * _NCH_S + c
        for cp in cps:
            cp.wait()
        def _pool(k, carry):
            base = colr * _SEQ_ROWS + 200 * k + _T * rowq
            def _t(t, accs):
                a0, a1 = accs
                a0 = a0 + plsc.load_gather(vals[slot], [base + t])
                a1 = a1 + plsc.load_gather(vals[slot], [base + t + 25])
                return a0, a1
            a0, a1 = lax.fori_loop(0, _T // 2, _t,
                                   (jnp.zeros((16,), jnp.float32),
                                    jnp.zeros((16,), jnp.float32)))
            stage_v[pl.ds(k * 16, 16)] = (a0 + a1) * (1.0 / _T)
            return carry
        lax.fori_loop(0, _OUT_SEQ // 16, _pool, 0)
        pltpu.sync_copy(stage_v, out_seq.at[pl.ds(blk * _OUT_SEQ, _OUT_SEQ)])

    cps = stage_and_fire(0, 0)
    for c in range(_NCH_S):
        if c + 1 < _NCH_S:
            nxt = stage_and_fire(c + 1, (c + 1) & 1)
        drain(c, c & 1, cps)
        if c + 1 < _NCH_S:
            cps = nxt


def _ns_body(t0, t1, t2, t3, ns_idx, fo_ns, tok, out_ns,
             raw0, raw1, idx0, idx1, vals0, vals1, fo_v, out_v,
             sem0, sem1):
    tabs = (t0, t1, t2, t3)
    raw = (raw0, raw1)
    idx = (idx0, idx1)
    vals = (vals0, vals1)
    sems = (sem0, sem1)
    wid = lax.axis_index("s") * 2 + lax.axis_index("c")

    iota = lax.iota(jnp.int32, 16)

    pltpu.sync_copy(fo_ns, fo_v)

    def stage_and_fire(c, slot):
        blk = wid * _NCH_N + c
        pltpu.sync_copy(ns_idx.at[pl.ds(blk * _NS_ROWS, _NS_ROWS)],
                        raw[slot])
        def _exp(s, carry):
            idx[slot][pl.ds(s * 16, 16)] = (raw[slot][pl.ds(s * 16, 16)]
                                            + fo_v[pl.ds(s * 16, 16)])
            return carry
        lax.fori_loop(0, _NS_ROWS // 16, _exp, 0)
        return [
            pltpu.async_copy(
                tabs[d].at[idx[slot]],
                vals[slot].at[pl.ds(d * _NS_ROWS, _NS_ROWS)],
                sems[slot])
            for d in range(_D)
        ]

    def drain(c, slot, cps):
        blk = wid * _NCH_N + c
        for cp in cps:
            cp.wait()
        def _il(s, carry):
            pos = (s * 16 + iota) * 4
            for d in range(_D):
                v = vals[slot][pl.ds(d * _NS_ROWS + s * 16, 16)]
                plsc.store_scatter(out_v, [pos + d], v)
            return carry
        lax.fori_loop(0, _NS_ROWS // 16, _il, 0)
        pltpu.sync_copy(out_v, out_ns.at[pl.ds(blk * _NS_ELEMS, _NS_ELEMS)])

    cps = stage_and_fire(0, 0)
    for c in range(_NCH_N):
        if c + 1 < _NCH_N:
            nxt = stage_and_fire(c + 1, (c + 1) & 1)
        drain(c, c & 1, cps)
        if c + 1 < _NCH_N:
            cps = nxt


@jax.jit
def _sc_calls(ns_tabs, seq_tabs, ns_idx, seq_idx, fo_seq, fo_ns):
    seq_f = functools.partial(
        pl.kernel,
        out_type=jax.ShapeDtypeStruct((_B * _F_SEQ * _D,), jnp.float32),
        mesh=plsc.VectorSubcoreMesh(**_MESH),
        compiler_params=_CPARAMS,
        scratch_types=(
            [pltpu.VMEM((_SEQ_ROWS,), jnp.int32)] * 4
            + [pltpu.VMEM((_SEQ_ROWS * _D,), jnp.float32)] * 2
            + [pltpu.VMEM((_SEQ_ROWS,), jnp.int32),
               pltpu.VMEM((_OUT_SEQ,), jnp.float32)]
            + [pltpu.SemaphoreType.DMA] * 2
        ),
    )(_seq_body)
    out_seq = seq_f(*seq_tabs, seq_idx, fo_seq)

    ns_f = functools.partial(
        pl.kernel,
        out_type=jax.ShapeDtypeStruct((_B * _F_NS * _D,), jnp.float32),
        mesh=plsc.VectorSubcoreMesh(**_MESH),
        compiler_params=_CPARAMS,
        scratch_types=(
            [pltpu.VMEM((_NS_ROWS,), jnp.int32)] * 4
            + [pltpu.VMEM((_NS_ELEMS,), jnp.float32)] * 2
            + [pltpu.VMEM((_NS_ROWS,), jnp.int32),
               pltpu.VMEM((_NS_ELEMS,), jnp.float32)]
            + [pltpu.SemaphoreType.DMA] * 2
        ),
    )(_ns_body)
    tok = lax.slice(out_seq, (0,), (8,))
    out_ns = ns_f(*ns_tabs, ns_idx, fo_ns, tok)
    return out_ns, out_seq


def kernel(ns_numeric, ns_sparse_idx, seq_sparse_idx, ns_tables, seq_tables):
    b = ns_sparse_idx.shape[0]
    j_seq = jnp.arange(_SEQ_ROWS, dtype=jnp.int32)
    fo_seq = ((j_seq // _T) % _F_SEQ) * _V
    j_ns = jnp.arange(_NS_ROWS, dtype=jnp.int32)
    fo_ns = (j_ns % _F_NS) * _V

    ns_tabs = tuple(ns_tables[:, :, d].reshape(-1) for d in range(_D))
    seq_tabs = tuple(seq_tables[:, :, d].reshape(-1) for d in range(_D))

    out_ns, out_seq = _sc_calls(
        ns_tabs, seq_tabs,
        ns_sparse_idx.reshape(-1), seq_sparse_idx.reshape(-1),
        fo_seq, fo_ns)

    return jnp.concatenate(
        [out_ns.reshape(b, _F_NS * _D), ns_numeric,
         out_seq.reshape(b, _F_SEQ * _D)], axis=1)

# --- scband reference (transcript-rebuilt; emitter-appended) ---
"""Pipeline reference for scband-transform-layer-8100308320892 (READ-ONLY COPY).

The authoritative reference and input builder live on the scoring server;
editing this copy changes nothing except your own understanding.
"""

import jax, jax.numpy as jnp
import numpy as np

B = 16384
V = 100000
D = 4
F_NS = 26
F_NUM = 13
F_SEQ = 4
T = 50


def setup_inputs(seed: int = 0) -> dict:
    key = jax.random.key(seed)
    k1, k2, k3, k4, k5 = jax.random.split(key, 5)
    return {
        "ns_numeric": jax.random.normal(k1, (B, F_NUM), dtype=jnp.float32),
        "ns_sparse_idx": jax.random.randint(k2, (B, F_NS), 0, V, dtype=jnp.int32),
        "seq_sparse_idx": jax.random.randint(k3, (B, F_SEQ, T), 0, V, dtype=jnp.int32),
        "ns_tables": jax.random.normal(k4, (F_NS, V, D), dtype=jnp.float32) * 0.05,
        "seq_tables": jax.random.normal(k5, (F_SEQ, V, D), dtype=jnp.float32) * 0.05,
    }


def reference(ns_numeric, ns_sparse_idx, seq_sparse_idx, ns_tables, seq_tables):
    # Non-sequential sparse features: per-field embedding lookup (DenseFeatures over
    # embedding_column with dimension=4), concatenated along the feature axis.
    b = ns_sparse_idx.shape[0]
    ns_emb = jax.vmap(lambda tbl, idx: jnp.take(tbl, idx, axis=0), in_axes=(0, 1), out_axes=1)(
        ns_tables, ns_sparse_idx
    )  # [B, F_NS, D]
    ns_flat = ns_emb.reshape(b, -1)  # [B, F_NS*D]
    # Sequential sparse features: SequenceFeatures -> [B, T, D] per field, then
    # tf.reduce_mean over the time axis (axis=1), concatenated along features.
    seq_emb = jax.vmap(lambda tbl, idx: jnp.take(tbl, idx, axis=0), in_axes=(0, 1), out_axes=1)(
        seq_tables, seq_sparse_idx
    )  # [B, F_SEQ, T, D]
    seq_pooled = jnp.mean(seq_emb, axis=2).reshape(b, -1)  # [B, F_SEQ*D]
    # Final concat across dim groups (non_sequential dense block then sequential block),
    # matching the sorted-key concat of the original call().
    return jnp.concatenate([ns_flat, ns_numeric, seq_pooled], axis=1)  # [B, 133]

if __name__ == "__main__":
    import jax
    _d = setup_inputs()
    print(jax.jit(kernel)(*tuple(_d.values())))

</pallas_src>

<mosaic_0001>
#map = affine_map<(d0, d1) -> (0)>
module attributes {stable_mosaic.version = 14 : i64} {
  func.func @_ns_body(%arg0: i32, %arg1: i32, %arg2: memref<2600000xf32, #tpu.memory_space<hbm>>, %arg3: memref<2600000xf32, #tpu.memory_space<hbm>>, %arg4: memref<2600000xf32, #tpu.memory_space<hbm>>, %arg5: memref<2600000xf32, #tpu.memory_space<hbm>>, %arg6: memref<425984xi32, #tpu.memory_space<hbm>>, %arg7: memref<1664xi32, #tpu.memory_space<hbm>>, %arg8: memref<8xf32, #tpu.memory_space<hbm>>, %arg9: memref<1703936xf32, #tpu.memory_space<hbm>>, %arg10: memref<1664xi32, #tpu.memory_space<vmem>>, %arg11: memref<1664xi32, #tpu.memory_space<vmem>>, %arg12: memref<1664xi32, #tpu.memory_space<vmem>>, %arg13: memref<1664xi32, #tpu.memory_space<vmem>>, %arg14: memref<6656xf32, #tpu.memory_space<vmem>>, %arg15: memref<6656xf32, #tpu.memory_space<vmem>>, %arg16: memref<1664xi32, #tpu.memory_space<vmem>>, %arg17: memref<6656xf32, #tpu.memory_space<vmem>>, %arg18: memref<!tpu.dma_semaphore, #tpu.memory_space<semaphore_mem>>, %arg19: memref<!tpu.dma_semaphore, #tpu.memory_space<semaphore_mem>>) attributes {dimension_semantics = [#tpu.dimension_semantics<core_parallel>, #tpu.dimension_semantics<subcore_parallel>], iteration_bounds = array<i64: 2, 16>, scalar_prefetch = 0 : i64, scratch_operands = 10 : i64, tpu.core_type = #tpu.core_type<sc_vector_subcore>, window_params = [{transform_indices = #map}, {transform_indices = #map}, {transform_indices = #map}, {transform_indices = #map}, {transform_indices = #map}, {transform_indices = #map}, {transform_indices = #map}, {transform_indices = #map}]} {
    %mul3A = arith.constant 2 : i32
    %mul3A_0 = arith.muli %arg1, %mul3A : i32
    %add3A = arith.addi %mul3A_0, %arg0 : i32
    %iota3A = tpu.iota {dimensions = array<i32: 0>} : vector<16xi32>
    "tpu.region"() ({
      %run_scoped3A = tpu.sem_alloc : memref<!tpu.dma_semaphore, #tpu.memory_space<semaphore_mem>>
      tpu.enqueue_dma source(%arg7 : memref<1664xi32, #tpu.memory_space<hbm>>) target(%arg16 : memref<1664xi32, #tpu.memory_space<vmem>>) target_semaphore(%run_scoped3A : memref<!tpu.dma_semaphore, #tpu.memory_space<semaphore_mem>>)
      tpu.wait_dma2 semaphore(%run_scoped3A : memref<!tpu.dma_semaphore, #tpu.memory_space<semaphore_mem>>) src(%arg7 : memref<1664xi32, #tpu.memory_space<hbm>>) dst(%arg16 : memref<1664xi32, #tpu.memory_space<vmem>>)
      tpu.yield
    }) : () -> ()
    %mul3A_1 = arith.constant 8 : i32
    %mul3A_2 = arith.muli %add3A, %mul3A_1 : i32
    %add3A_3 = arith.constant 0 : i32
    %add3A_4 = arith.addi %mul3A_2, %add3A_3 : i32
    %mul3A_5 = arith.constant 1664 : i32
    %mul3A_6 = arith.muli %add3A_4, %mul3A_5 : i32
    "tpu.region"() ({
      %run_scoped3A = tpu.sem_alloc : memref<!tpu.dma_semaphore, #tpu.memory_space<semaphore_mem>>
      %dma_start3A_446 = tpu.memref_slice %arg6[%mul3A_6] : memref<425984xi32, #tpu.memory_space<hbm>> -> memref<1664xi32, #tpu.memory_space<hbm>>
      %dma_start3A_447 = tpu.memref_slice %arg6[%mul3A_6] : memref<425984xi32, #tpu.memory_space<hbm>> -> memref<1664xi32, #tpu.memory_space<hbm>>
      tpu.enqueue_dma source(%dma_start3A_447 : memref<1664xi32, #tpu.memory_space<hbm>>) target(%arg10 : memref<1664xi32, #tpu.memory_space<vmem>>) target_semaphore(%run_scoped3A : memref<!tpu.dma_semaphore, #tpu.memory_space<semaphore_mem>>)
      %dma_wait3A_448 = tpu.memref_slice %arg6[%mul3A_6] : memref<425984xi32, #tpu.memory_space<hbm>> -> memref<1664xi32, #tpu.memory_space<hbm>>
      %dma_wait3A_449 = tpu.memref_slice %arg6[%mul3A_6] : memref<425984xi32, #tpu.memory_space<hbm>> -> memref<1664xi32, #tpu.memory_space<hbm>>
      tpu.wait_dma2 semaphore(%run_scoped3A : memref<!tpu.dma_semaphore, #tpu.memory_space<semaphore_mem>>) src(%dma_wait3A_449 : memref<1664xi32, #tpu.memory_space<hbm>>) dst(%arg10 : memref<1664xi32, #tpu.memory_space<vmem>>)
      tpu.yield
    }) : () -> ()
    %scan3A = arith.constant 0 : i32
    %scan3A_7 = arith.constant 0 : i32
    %scan3A_8 = arith.constant 104 : i32
    %scan3A_9 = arith.addi %scan3A_7, %scan3A_8 : i32
    %scan3A_10 = arith.constant 1 : i32
    scf.for %scan3A_446 = %scan3A_7 to %scan3A_9 step %scan3A_10  : i32 {
      %mul3A_447 = arith.constant 16 : i32
      %mul3A_448 = arith.muli %scan3A_446, %mul3A_447 : i32
      %get3A = arith.index_cast %mul3A_448 : i32 to index
      %get3A_449 = tpu.vector_load %arg10[%get3A] {strides = array<i32>} : memref<1664xi32, #tpu.memory_space<vmem>>, vector<16xi32>,
      %mul3A_450 = arith.constant 16 : i32
      %mul3A_451 = arith.muli %scan3A_446, %mul3A_450 : i32
      %get3A_452 = arith.index_cast %mul3A_451 : i32 to index
      %get3A_453 = tpu.vector_load %arg16[%get3A_452] {strides = array<i32>} : memref<1664xi32, #tpu.memory_space<vmem>>, vector<16xi32>,
      %add3A_454 = arith.addi %get3A_449, %get3A_453 : vector<16xi32>
      %mul3A_455 = arith.constant 16 : i32
      %mul3A_456 = arith.muli %scan3A_446, %mul3A_455 : i32
      %swap3A = arith.index_cast %mul3A_456 : i32 to index
      %swap3A_457 = tpu.vector_load %arg12[%swap3A] {strides = array<i32>} : memref<1664xi32, #tpu.memory_space<vmem>>, vector<16xi32>,
      tpu.vector_store %arg12[%swap3A], %add3A_454 {strides = array<i32>} : memref<1664xi32, #tpu.memory_space<vmem>>, vector<16xi32>,
    }
    %scan3A_11 = arith.constant 104 : i32
    %dma_start3A = arith.constant 0 : i32
    %dma_start3A_12 = tpu.memref_slice %arg14[%dma_start3A] : memref<6656xf32, #tpu.memory_space<vmem>> -> memref<1664xf32, #tpu.memory_space<vmem>>
    %dma_start3A_13 = arith.constant 0 : i32
    %dma_start3A_14 = tpu.memref_slice %arg2[%dma_start3A_13] : memref<2600000xf32, #tpu.memory_space<hbm>> -> memref<2600000xf32, #tpu.memory_space<hbm>>
    tpu.enqueue_indirect_dma source(%dma_start3A_14 : memref<2600000xf32, #tpu.memory_space<hbm>>) target(%dma_start3A_12 : memref<1664xf32, #tpu.memory_space<vmem>>) offsets(%arg12 : memref<1664xi32, #tpu.memory_space<vmem>>) semaphore(%arg18 : memref<!tpu.dma_semaphore, #tpu.memory_space<semaphore_mem>>)
    %dma_start3A_15 = arith.constant 1664 : i32
    %dma_start3A_16 = tpu.memref_slice %arg14[%dma_start3A_15] : memref<6656xf32, #tpu.memory_space<vmem>> -> memref<1664xf32, #tpu.memory_space<vmem>>
    %dma_start3A_17 = arith.constant 0 : i32
    %dma_start3A_18 = tpu.memref_slice %arg3[%dma_start3A_17] : memref<2600000xf32, #tpu.memory_space<hbm>> -> memref<2600000xf32, #tpu.memory_space<hbm>>
    tpu.enqueue_indirect_dma source(%dma_start3A_18 : memref<2600000xf32, #tpu.memory_space<hbm>>) target(%dma_start3A_16 : memref<1664xf32, #tpu.memory_space<vmem>>) offsets(%arg12 : memref<1664xi32, #tpu.memory_space<vmem>>) semaphore(%arg18 : memref<!tpu.dma_semaphore, #tpu.memory_space<semaphore_mem>>)
    %dma_start3A_19 = arith.constant 3328 : i32
    %dma_start3A_20 = tpu.memref_slice %arg14[%dma_start3A_19] : memref<6656xf32, #tpu.memory_space<vmem>> -> memref<1664xf32, #tpu.memory_space<vmem>>
    %dma_start3A_21 = arith.constant 0 : i32
    %dma_start3A_22 = tpu.memref_slice %arg4[%dma_start3A_21] : memref<2600000xf32, #tpu.memory_space<hbm>> -> memref<2600000xf32, #tpu.memory_space<hbm>>
    tpu.enqueue_indirect_dma source(%dma_start3A_22 : memref<2600000xf32, #tpu.memory_space<hbm>>) target(%dma_start3A_20 : memref<1664xf32, #tpu.memory_space<vmem>>) offsets(%arg12 : memref<1664xi32, #tpu.memory_space<vmem>>) semaphore(%arg18 : memref<!tpu.dma_semaphore, #tpu.memory_space<semaphore_mem>>)
    %dma_start3A_23 = arith.constant 4992 : i32
    %dma_start3A_24 = tpu.memref_slice %arg14[%dma_start3A_23] : memref<6656xf32, #tpu.memory_space<vmem>> -> memref<1664xf32, #tpu.memory_space<vmem>>
    %dma_start3A_25 = arith.constant 0 : i32
    %dma_start3A_26 = tpu.memref_slice %arg5[%dma_start3A_25] : memref<2600000xf32, #tpu.memory_space<hbm>> -> memref<2600000xf32, #tpu.memory_space<hbm>>
    tpu.enqueue_indirect_dma source(%dma_start3A_26 : memref<2600000xf32, #tpu.memory_space<hbm>>) target(%dma_start3A_24 : memref<1664xf32, #tpu.memory_space<vmem>>) offsets(%arg12 : memref<1664xi32, #tpu.memory_space<vmem>>) semaphore(%arg18 : memref<!tpu.dma_semaphore, #tpu.memory_space<semaphore_mem>>)
    %mul3A_27 = arith.constant 8 : i32
    %mul3A_28 = arith.muli %add3A, %mul3A_27 : i32
    %add3A_29 = arith.constant 1 : i32
    %add3A_30 = arith.addi %mul3A_28, %add3A_29 : i32
    %mul3A_31 = arith.constant 1664 : i32
    %mul3A_32 = arith.muli %add3A_30, %mul3A_31 : i32
    "tpu.region"() ({
      %run_scoped3A = tpu.sem_alloc : memref<!tpu.dma_semaphore, #tpu.memory_space<semaphore_mem>>
      %dma_start3A_446 = tpu.memref_slice %arg6[%mul3A_32] : memref<425984xi32, #tpu.memory_space<hbm>> -> memref<1664xi32, #tpu.memory_space<hbm>>
      %dma_start3A_447 = tpu.memref_slice %arg6[%mul3A_32] : memref<425984xi32, #tpu.memory_space<hbm>> -> memref<1664xi32, #tpu.memory_space<hbm>>
      tpu.enqueue_dma source(%dma_start3A_447 : memref<1664xi32, #tpu.memory_space<hbm>>) target(%arg11 : memref<1664xi32, #tpu.memory_space<vmem>>) target_semaphore(%run_scoped3A : memref<!tpu.dma_semaphore, #tpu.memory_space<semaphore_mem>>)
      %dma_wait3A_448 = tpu.memref_slice %arg6[%mul3A_32] : memref<425984xi32, #tpu.memory_space<hbm>> -> memref<1664xi32, #tpu.memory_space<hbm>>
      %dma_wait3A_449 = tpu.memref_slice %arg6[%mul3A_32] : memref<425984xi32, #tpu.memory_space<hbm>> -> memref<1664xi32, #tpu.memory_space<hbm>>
      tpu.wait_dma2 semaphore(%run_scoped3A : memref<!tpu.dma_semaphore, #tpu.memory_space<semaphore_mem>>) src(%dma_wait3A_449 : memref<1664xi32, #tpu.memory_space<hbm>>) dst(%arg11 : memref<1664xi32, #tpu.memory_space<vmem>>)
      tpu.yield
    }) : () -> ()
    %scan3A_33 = arith.constant 0 : i32
    %scan3A_34 = arith.constant 0 : i32
    %scan3A_35 = arith.constant 104 : i32
    %scan3A_36 = arith.addi %scan3A_34, %scan3A_35 : i32
    %scan3A_37 = arith.constant 1 : i32
    scf.for %scan3A_446 = %scan3A_34 to %scan3A_36 step %scan3A_37  : i32 {
      %mul3A_447 = arith.constant 16 : i32
      %mul3A_448 = arith.muli %scan3A_446, %mul3A_447 : i32
      %get3A = arith.index_cast %mul3A_448 : i32 to index
      %get3A_449 = tpu.vector_load %arg11[%get3A] {strides = array<i32>} : memref<1664xi32, #tpu.memory_space<vmem>>, vector<16xi32>,
      %mul3A_450 = arith.constant 16 : i32
      %mul3A_451 = arith.muli %scan3A_446, %mul3A_450 : i32
      %get3A_452 = arith.index_cast %mul3A_451 : i32 to index
      %get3A_453 = tpu.vector_load %arg16[%get3A_452] {strides = array<i32>} : memref<1664xi32, #tpu.memory_space<vmem>>, vector<16xi32>,
      %add3A_454 = arith.addi %get3A_449, %get3A_453 : vector<16xi32>
      %mul3A_455 = arith.constant 16 : i32
      %mul3A_456 = arith.muli %scan3A_446, %mul3A_455 : i32
      %swap3A = arith.index_cast %mul3A_456 : i32 to index
      %swap3A_457 = tpu.vector_load %arg13[%swap3A] {strides = array<i32>} : memref<1664xi32, #tpu.memory_space<vmem>>, vector<16xi32>,
      tpu.vector_store %arg13[%swap3A], %add3A_454 {strides = array<i32>} : memref<1664xi32, #tpu.memory_space<vmem>>, vector<16xi32>,
    }
    %scan3A_38 = arith.constant 104 : i32
    %dma_start3A_39 = arith.constant 0 : i32
    %dma_start3A_40 = tpu.memref_slice %arg15[%dma_start3A_39] : memref<6656xf32, #tpu.memory_space<vmem>> -> memref<1664xf32, #tpu.memory_space<vmem>>
    %dma_start3A_41 = arith.constant 0 : i32
    %dma_start3A_42 = tpu.memref_slice %arg2[%dma_start3A_41] : memref<2600000xf32, #tpu.memory_space<hbm>> -> memref<2600000xf32, #tpu.memory_space<hbm>>
    tpu.enqueue_indirect_dma source(%dma_start3A_42 : memref<2600000xf32, #tpu.memory_space<hbm>>) target(%dma_start3A_40 : memref<1664xf32, #tpu.memory_space<vmem>>) offsets(%arg13 : memref<1664xi32, #tpu.memory_space<vmem>>) semaphore(%arg19 : memref<!tpu.dma_semaphore, #tpu.memory_space<semaphore_mem>>)
    %dma_start3A_43 = arith.constant 1664 : i32
    %dma_start3A_44 = tpu.memref_slice %arg15[%dma_start3A_43] : memref<6656xf32, #tpu.memory_space<vmem>> -> memref<1664xf32, #tpu.memory_space<vmem>>
    %dma_start3A_45 = arith.constant 0 : i32
    %dma_start3A_46 = tpu.memref_slice %arg3[%dma_start3A_45] : memref<2600000xf32, #tpu.memory_space<hbm>> -> memref<2600000xf32, #tpu.memory_space<hbm>>
    tpu.enqueue_indirect_dma source(%dma_start3A_46 : memref<2600000xf32, #tpu.memory_space<hbm>>) target(%dma_start3A_44 : memref<1664xf32, #tpu.memory_space<vmem>>) offsets(%arg13 : memref<1664xi32, #tpu.memory_space<vmem>>) semaphore(%arg19 : memref<!tpu.dma_semaphore, #tpu.memory_space<semaphore_mem>>)
    %dma_start3A_47 = arith.constant 3328 : i32
    %dma_start3A_48 = tpu.memref_slice %arg15[%dma_start3A_47] : memref<6656xf32, #tpu.memory_space<vmem>> -> memref<1664xf32, #tpu.memory_space<vmem>>
    %dma_start3A_49 = arith.constant 0 : i32
    %dma_start3A_50 = tpu.memref_slice %arg4[%dma_start3A_49] : memref<2600000xf32, #tpu.memory_space<hbm>> -> memref<2600000xf32, #tpu.memory_space<hbm>>
    tpu.enqueue_indirect_dma source(%dma_start3A_50 : memref<2600000xf32, #tpu.memory_space<hbm>>) target(%dma_start3A_48 : memref<1664xf32, #tpu.memory_space<vmem>>) offsets(%arg13 : memref<1664xi32, #tpu.memory_space<vmem>>) semaphore(%arg19 : memref<!tpu.dma_semaphore, #tpu.memory_space<semaphore_mem>>)
    %dma_start3A_51 = arith.constant 4992 : i32
    %dma_start3A_52 = tpu.memref_slice %arg15[%dma_start3A_51] : memref<6656xf32, #tpu.memory_space<vmem>> -> memref<1664xf32, #tpu.memory_space<vmem>>
    %dma_start3A_53 = arith.constant 0 : i32
    %dma_start3A_54 = tpu.memref_slice %arg5[%dma_start3A_53] : memref<2600000xf32, #tpu.memory_space<hbm>> -> memref<2600000xf32, #tpu.memory_space<hbm>>
    tpu.enqueue_indirect_dma source(%dma_start3A_54 : memref<2600000xf32, #tpu.memory_space<hbm>>) target(%dma_start3A_52 : memref<1664xf32, #tpu.memory_space<vmem>>) offsets(%arg13 : memref<1664xi32, #tpu.memory_space<vmem>>) semaphore(%arg19 : memref<!tpu.dma_semaphore, #tpu.memory_space<semaphore_mem>>)
    %mul3A_55 = arith.constant 8 : i32
    %mul3A_56 = arith.muli %add3A, %mul3A_55 : i32
    %add3A_57 = arith.constant 0 : i32
    %add3A_58 = arith.addi %mul3A_56, %add3A_57 : i32
    %dma_wait3A = arith.constant 0 : i32
    %dma_wait3A_59 = tpu.memref_slice %arg14[%dma_wait3A] : memref<6656xf32, #tpu.memory_space<vmem>> -> memref<1664xf32, #tpu.memory_space<vmem>>
    %dma_wait3A_60 = arith.constant 0 : i32
    %dma_wait3A_61 = tpu.memref_slice %arg2[%dma_wait3A_60] : memref<2600000xf32, #tpu.memory_space<hbm>> -> memref<2600000xf32, #tpu.memory_space<hbm>>
    tpu.wait_indirect_dma semaphore(%arg18 : memref<!tpu.dma_semaphore, #tpu.memory_space<semaphore_mem>>) src(%dma_wait3A_61 : memref<2600000xf32, #tpu.memory_space<hbm>>) dst(%dma_wait3A_59 : memref<1664xf32, #tpu.memory_space<vmem>>)
    %dma_wait3A_62 = arith.constant 1664 : i32
    %dma_wait3A_63 = tpu.memref_slice %arg14[%dma_wait3A_62] : memref<6656xf32, #tpu.memory_space<vmem>> -> memref<1664xf32, #tpu.memory_space<vmem>>
    %dma_wait3A_64 = arith.constant 0 : i32
    %dma_wait3A_65 = tpu.memref_slice %arg3[%dma_wait3A_64] : memref<2600000xf32, #tpu.memory_space<hbm>> -> memref<2600000xf32, #tpu.memory_space<hbm>>
    tpu.wait_indirect_dma semaphore(%arg18 : memref<!tpu.dma_semaphore, #tpu.memory_space<semaphore_mem>>) src(%dma_wait3A_65 : memref<2600000xf32, #tpu.memory_space<hbm>>) dst(%dma_wait3A_63 : memref<1664xf32, #tpu.memory_space<vmem>>)
    %dma_wait3A_66 = arith.constant 3328 : i32
    %dma_wait3A_67 = tpu.memref_slice %arg14[%dma_wait3A_66] : memref<6656xf32, #tpu.memory_space<vmem>> -> memref<1664xf32, #tpu.memory_space<vmem>>
    %dma_wait3A_68 = arith.constant 0 : i32
    %dma_wait3A_69 = tpu.memref_slice %arg4[%dma_wait3A_68] : memref<2600000xf32, #tpu.memory_space<hbm>> -> memref<2600000xf32, #tpu.memory_space<hbm>>
    tpu.wait_indirect_dma semaphore(%arg18 : memref<!tpu.dma_semaphore, #tpu.memory_space<semaphore_mem>>) src(%dma_wait3A_69 : memref<2600000xf32, #tpu.memory_space<hbm>>) dst(%dma_wait3A_67 : memref<1664xf32, #tpu.memory_space<vmem>>)
    %dma_wait3A_70 = arith.constant 4992 : i32
    %dma_wait3A_71 = tpu.memref_slice %arg14[%dma_wait3A_70] : memref<6656xf32, #tpu.memory_space<vmem>> -> memref<1664xf32, #tpu.memory_space<vmem>>
    %dma_wait3A_72 = arith.constant 0 : i32
    %dma_wait3A_73 = tpu.memref_slice %arg5[%dma_wait3A_72] : memref<2600000xf32, #tpu.memory_space<hbm>> -> memref<2600000xf32, #tpu.memory_space<hbm>>
    tpu.wait_indirect_dma semaphore(%arg18 : memref<!tpu.dma_semaphore, #tpu.memory_space<semaphore_mem>>) src(%dma_wait3A_73 : memref<2600000xf32, #tpu.memory_space<hbm>>) dst(%dma_wait3A_71 : memref<1664xf32, #tpu.memory_space<vmem>>)
    %scan3A_74 = arith.constant 0 : i32
    %scan3A_75 = arith.constant 0 : i32
    %scan3A_76 = arith.constant 104 : i32
    %scan3A_77 = arith.addi %scan3A_75, %scan3A_76 : i32
    %scan3A_78 = arith.constant 1 : i32
    scf.for %scan3A_446 = %scan3A_75 to %scan3A_77 step %scan3A_78  : i32 {
      %mul3A_447 = arith.constant 16 : i32
      %mul3A_448 = arith.muli %scan3A_446, %mul3A_447 : i32
      %add3A_449 = vector.broadcast %mul3A_448 : i32 to vector<16xi32>
      %add3A_450 = arith.addi %add3A_449, %iota3A : vector<16xi32>
      %mul3A_451 = arith.constant 4 : i32
      %mul3A_452 = vector.broadcast %mul3A_451 : i32 to vector<16xi32>
      %mul3A_453 = arith.muli %add3A_450, %mul3A_452 : vector<16xi32>
      %mul3A_454 = arith.constant 16 : i32
      %mul3A_455 = arith.muli %scan3A_446, %mul3A_454 : i32
      %add3A_456 = arith.constant 0 : i32
      %add3A_457 = arith.addi %add3A_456, %mul3A_455 : i32
      %get3A = arith.index_cast %add3A_457 : i32 to index
      %get3A_458 = tpu.vector_load %arg14[%get3A] {strides = array<i32>} : memref<6656xf32, #tpu.memory_space<vmem>>, vector<16xf32>,
      %add3A_459 = arith.constant 0 : i32
      %add3A_460 = vector.broadcast %add3A_459 : i32 to vector<16xi32>
      %add3A_461 = arith.addi %mul3A_453, %add3A_460 : vector<16xi32>
      tpu.vector_store_idx %arg17[%add3A_461], %get3A_458 : memref<6656xf32, #tpu.memory_space<vmem>>[vector<16xi32>], vector<16xf32>,
      %mul3A_462 = arith.constant 16 : i32
      %mul3A_463 = arith.muli %scan3A_446, %mul3A_462 : i32
      %add3A_464 = arith.constant 1664 : i32
      %add3A_465 = arith.addi %add3A_464, %mul3A_463 : i32
      %get3A_466 = arith.index_cast %add3A_465 : i32 to index
      %get3A_467 = tpu.vector_load %arg14[%get3A_466] {strides = array<i32>} : memref<6656xf32, #tpu.memory_space<vmem>>, vector<16xf32>,
      %add3A_468 = arith.constant 1 : i32
      %add3A_469 = vector.broadcast %add3A_468 : i32 to vector<16xi32>
      %add3A_470 = arith.addi %mul3A_453, %add3A_469 : vector<16xi32>
      tpu.vector_store_idx %arg17[%add3A_470], %get3A_467 : memref<6656xf32, #tpu.memory_space<vmem>>[vector<16xi32>], vector<16xf32>,
      %mul3A_471 = arith.constant 16 : i32
      %mul3A_472 = arith.muli %scan3A_446, %mul3A_471 : i32
      %add3A_473 = arith.constant 3328 : i32
      %add3A_474 = arith.addi %add3A_473, %mul3A_472 : i32
      %get3A_475 = arith.index_cast %add3A_474 : i32 to index
      %get3A_476 = tpu.vector_load %arg14[%get3A_475] {strides = array<i32>} : memref<6656xf32, #tpu.memory_space<vmem>>, vector<16xf32>,
      %add3A_477 = arith.constant 2 : i32
      %add3A_478 = vector.broadcast %add3A_477 : i32 to vector<16xi32>
      %add3A_479 = arith.addi %mul3A_453, %add3A_478 : vector<16xi32>
      tpu.vector_store_idx %arg17[%add3A_479], %get3A_476 : memref<6656xf32, #tpu.memory_space<vmem>>[vector<16xi32>], vector<16xf32>,
      %mul3A_480 = arith.constant 16 : i32
      %mul3A_481 = arith.muli %scan3A_446, %mul3A_480 : i32
      %add3A_482 = arith.constant 4992 : i32
      %add3A_483 = arith.addi %add3A_482, %mul3A_481 : i32
      %get3A_484 = arith.index_cast %add3A_483 : i32 to index
      %get3A_485 = tpu.vector_load %arg14[%get3A_484] {strides = array<i32>} : memref<6656xf32, #tpu.memory_space<vmem>>, vector<16xf32>,
      %add3A_486 = arith.constant 3 : i32
      %add3A_487 = vector.broadcast %add3A_486 : i32 to vector<16xi32>
      %add3A_488 = arith.addi %mul3A_453, %add3A_487 : vector<16xi32>
      tpu.vector_store_idx %arg17[%add3A_488], %get3A_485 : memref<6656xf32, #tpu.memory_space<vmem>>[vector<16xi32>], vector<16xf32>,
    }
    %scan3A_79 = arith.constant 104 : i32
    %mul3A_80 = arith.constant 6656 : i32
    %mul3A_81 = arith.muli %add3A_58, %mul3A_80 : i32
    "tpu.region"() ({
      %run_scoped3A = tpu.sem_alloc : memref<!tpu.dma_semaphore, #tpu.memory_space<semaphore_mem>>
      %dma_start3A_446 = tpu.memref_slice %arg9[%mul3A_81] : memref<1703936xf32, #tpu.memory_space<hbm>> -> memref<6656xf32, #tpu.memory_space<hbm>>
      %dma_start3A_447 = tpu.memref_slice %arg9[%mul3A_81] : memref<1703936xf32, #tpu.memory_space<hbm>> -> memref<6656xf32, #tpu.memory_space<hbm>>
      tpu.enqueue_dma source(%arg17 : memref<6656xf32, #tpu.memory_space<vmem>>) target(%dma_start3A_447 : memref<6656xf32, #tpu.memory_space<hbm>>) target_semaphore(%run_scoped3A : memref<!tpu.dma_semaphore, #tpu.memory_space<semaphore_mem>>)
      %dma_wait3A_448 = tpu.memref_slice %arg9[%mul3A_81] : memref<1703936xf32, #tpu.memory_space<hbm>> -> memref<6656xf32, #tpu.memory_space<hbm>>
      %dma_wait3A_449 = tpu.memref_slice %arg9[%mul3A_81] : memref<1703936xf32, #tpu.memory_space<hbm>> -> memref<6656xf32, #tpu.memory_space<hbm>>
      tpu.wait_dma2 semaphore(%run_scoped3A : memref<!tpu.dma_semaphore, #tpu.memory_space<semaphore_mem>>) src(%arg17 : memref<6656xf32, #tpu.memory_space<vmem>>) dst(%dma_wait3A_449 : memref<6656xf32, #tpu.memory_space<hbm>>)
      tpu.yield
    }) : () -> ()
    %mul3A_82 = arith.constant 8 : i32
    %mul3A_83 = arith.muli %add3A, %mul3A_82 : i32
    %add3A_84 = arith.constant 2 : i32
    %add3A_85 = arith.addi %mul3A_83, %add3A_84 : i32
    %mul3A_86 = arith.constant 1664 : i32
    %mul3A_87 = arith.muli %add3A_85, %mul3A_86 : i32
    "tpu.region"() ({
      %run_scoped3A = tpu.sem_alloc : memref<!tpu.dma_semaphore, #tpu.memory_space<semaphore_mem>>
      %dma_start3A_446 = tpu.memref_slice %arg6[%mul3A_87] : memref<425984xi32, #tpu.memory_space<hbm>> -> memref<1664xi32, #tpu.memory_space<hbm>>
      %dma_start3A_447 = tpu.memref_slice %arg6[%mul3A_87] : memref<425984xi32, #tpu.memory_space<hbm>> -> memref<1664xi32, #tpu.memory_space<hbm>>
      tpu.enqueue_dma source(%dma_start3A_447 : memref<1664xi32, #tpu.memory_space<hbm>>) target(%arg10 : memref<1664xi32, #tpu.memory_space<vmem>>) target_semaphore(%run_scoped3A : memref<!tpu.dma_semaphore, #tpu.memory_space<semaphore_mem>>)
      %dma_wait3A_448 = tpu.memref_slice %arg6[%mul3A_87] : memref<425984xi32, #tpu.memory_space<hbm>> -> memref<1664xi32, #tpu.memory_space<hbm>>
      %dma_wait3A_449 = tpu.memref_slice %arg6[%mul3A_87] : memref<425984xi32, #tpu.memory_space<hbm>> -> memref<1664xi32, #tpu.memory_space<hbm>>
      tpu.wait_dma2 semaphore(%run_scoped3A : memref<!tpu.dma_semaphore, #tpu.memory_space<semaphore_mem>>) src(%dma_wait3A_449 : memref<1664xi32, #tpu.memory_space<hbm>>) dst(%arg10 : memref<1664xi32, #tpu.memory_space<vmem>>)
      tpu.yield
    }) : () -> ()
    %scan3A_88 = arith.constant 0 : i32
    %scan3A_89 = arith.constant 0 : i32
    %scan3A_90 = arith.constant 104 : i32
    %scan3A_91 = arith.addi %scan3A_89, %scan3A_90 : i32
    %scan3A_92 = arith.constant 1 : i32
    scf.for %scan3A_446 = %scan3A_89 to %scan3A_91 step %scan3A_92  : i32 {
      %mul3A_447 = arith.constant 16 : i32
      %mul3A_448 = arith.muli %scan3A_446, %mul3A_447 : i32
      %get3A = arith.index_cast %mul3A_448 : i32 to index
      %get3A_449 = tpu.vector_load %arg10[%get3A] {strides = array<i32>} : memref<1664xi32, #tpu.memory_space<vmem>>, vector<16xi32>,
      %mul3A_450 = arith.constant 16 : i32
      %mul3A_451 = arith.muli %scan3A_446, %mul3A_450 : i32
      %get3A_452 = arith.index_cast %mul3A_451 : i32 to index
      %get3A_453 = tpu.vector_load %arg16[%get3A_452] {strides = array<i32>} : memref<1664xi32, #tpu.memory_space<vmem>>, vector<16xi32>,
      %add3A_454 = arith.addi %get3A_449, %get3A_453 : vector<16xi32>
      %mul3A_455 = arith.constant 16 : i32
      %mul3A_456 = arith.muli %scan3A_446, %mul3A_455 : i32
      %swap3A = arith.index_cast %mul3A_456 : i32 to index
      %swap3A_457 = tpu.vector_load %arg12[%swap3A] {strides = array<i32>} : memref<1664xi32, #tpu.memory_space<vmem>>, vector<16xi32>,
      tpu.vector_store %arg12[%swap3A], %add3A_454 {strides = array<i32>} : memref<1664xi32, #tpu.memory_space<vmem>>, vector<16xi32>,
    }
    %scan3A_93 = arith.constant 104 : i32
    %dma_start3A_94 = arith.constant 0 : i32
    %dma_start3A_95 = tpu.memref_slice %arg14[%dma_start3A_94] : memref<6656xf32, #tpu.memory_space<vmem>> -> memref<1664xf32, #tpu.memory_space<vmem>>
    %dma_start3A_96 = arith.constant 0 : i32
    %dma_start3A_97 = tpu.memref_slice %arg2[%dma_start3A_96] : memref<2600000xf32, #tpu.memory_space<hbm>> -> memref<2600000xf32, #tpu.memory_space<hbm>>
    tpu.enqueue_indirect_dma source(%dma_start3A_97 : memref<2600000xf32, #tpu.memory_space<hbm>>) target(%dma_start3A_95 : memref<1664xf32, #tpu.memory_space<vmem>>) offsets(%arg12 : memref<1664xi32, #tpu.memory_space<vmem>>) semaphore(%arg18 : memref<!tpu.dma_semaphore, #tpu.memory_space<semaphore_mem>>)
    %dma_start3A_98 = arith.constant 1664 : i32
    %dma_start3A_99 = tpu.memref_slice %arg14[%dma_start3A_98] : memref<6656xf32, #tpu.memory_space<vmem>> -> memref<1664xf32, #tpu.memory_space<vmem>>
    %dma_start3A_100 = arith.constant 0 : i32
    %dma_start3A_101 = tpu.memref_slice %arg3[%dma_start3A_100] : memref<2600000xf32, #tpu.memory_space<hbm>> -> memref<2600000xf32, #tpu.memory_space<hbm>>
    tpu.enqueue_indirect_dma source(%dma_start3A_101 : memref<2600000xf32, #tpu.memory_space<hbm>>) target(%dma_start3A_99 : memref<1664xf32, #tpu.memory_space<vmem>>) offsets(%arg12 : memref<1664xi32, #tpu.memory_space<vmem>>) semaphore(%arg18 : memref<!tpu.dma_semaphore, #tpu.memory_space<semaphore_mem>>)
    %dma_start3A_102 = arith.constant 3328 : i32
    %dma_start3A_103 = tpu.memref_slice %arg14[%dma_start3A_102] : memref<6656xf32, #tpu.memory_space<vmem>> -> memref<1664xf32, #tpu.memory_space<vmem>>
    %dma_start3A_104 = arith.constant 0 : i32
    %dma_start3A_105 = tpu.memref_slice %arg4[%dma_start3A_104] : memref<2600000xf32, #tpu.memory_space<hbm>> -> memref<2600000xf32, #tpu.memory_space<hbm>>
    tpu.enqueue_indirect_dma source(%dma_start3A_105 : memref<2600000xf32, #tpu.memory_space<hbm>>) target(%dma_start3A_103 : memref<1664xf32, #tpu.memory_space<vmem>>) offsets(%arg12 : memref<1664xi32, #tpu.memory_space<vmem>>) semaphore(%arg18 : memref<!tpu.dma_semaphore, #tpu.memory_space<semaphore_mem>>)
    %dma_start3A_106 = arith.constant 4992 : i32
    %dma_start3A_107 = tpu.memref_slice %arg14[%dma_start3A_106] : memref<6656xf32, #tpu.memory_space<vmem>> -> memref<1664xf32, #tpu.memory_space<vmem>>
    %dma_start3A_108 = arith.constant 0 : i32
    %dma_start3A_109 = tpu.memref_slice %arg5[%dma_start3A_108] : memref<2600000xf32, #tpu.memory_space<hbm>> -> memref<2600000xf32, #tpu.memory_space<hbm>>
    tpu.enqueue_indirect_dma source(%dma_start3A_109 : memref<2600000xf32, #tpu.memory_space<hbm>>) target(%dma_start3A_107 : memref<1664xf32, #tpu.memory_space<vmem>>) offsets(%arg12 : memref<1664xi32, #tpu.memory_space<vmem>>) semaphore(%arg18 : memref<!tpu.dma_semaphore, #tpu.memory_space<semaphore_mem>>)
    %mul3A_110 = arith.constant 8 : i32
    %mul3A_111 = arith.muli %add3A, %mul3A_110 : i32
    %add3A_112 = arith.constant 1 : i32
    %add3A_113 = arith.addi %mul3A_111, %add3A_112 : i32
    %dma_wait3A_114 = arith.constant 0 : i32
    %dma_wait3A_115 = tpu.memref_slice %arg15[%dma_wait3A_114] : memref<6656xf32, #tpu.memory_space<vmem>> -> memref<1664xf32, #tpu.memory_space<vmem>>
    %dma_wait3A_116 = arith.constant 0 : i32
    %dma_wait3A_117 = tpu.memref_slice %arg2[%dma_wait3A_116] : memref<2600000xf32, #tpu.memory_space<hbm>> -> memref<2600000xf32, #tpu.memory_space<hbm>>
    tpu.wait_indirect_dma semaphore(%arg19 : memref<!tpu.dma_semaphore, #tpu.memory_space<semaphore_mem>>) src(%dma_wait3A_117 : memref<2600000xf32, #tpu.memory_space<hbm>>) dst(%dma_wait3A_115 : memref<1664xf32, #tpu.memory_space<vmem>>)
    %dma_wait3A_118 = arith.constant 1664 : i32
    %dma_wait3A_119 = tpu.memref_slice %arg15[%dma_wait3A_118] : memref<6656xf32, #tpu.memory_space<vmem>> -> memref<1664xf32, #tpu.memory_space<vmem>>
    %dma_wait3A_120 = arith.constant 0 : i32
    %dma_wait3A_121 = tpu.memref_slice %arg3[%dma_wait3A_120] : memref<2600000xf32, #tpu.memory_space<hbm>> -> memref<2600000xf32, #tpu.memory_space<hbm>>
    tpu.wait_indirect_dma semaphore(%arg19 : memref<!tpu.dma_semaphore, #tpu.memory_space<semaphore_mem>>) src(%dma_wait3A_121 : memref<2600000xf32, #tpu.memory_space<hbm>>) dst(%dma_wait3A_119 : memref<1664xf32, #tpu.memory_space<vmem>>)
    %dma_wait3A_122 = arith.constant 3328 : i32
    %dma_wait3A_123 = tpu.memref_slice %arg15[%dma_wait3A_122] : memref<6656xf32, #tpu.memory_space<vmem>> -> memref<1664xf32, #tpu.memory_space<vmem>>
    %dma_wait3A_124 = arith.constant 0 : i32
    %dma_wait3A_125 = tpu.memref_slice %arg4[%dma_wait3A_124] : memref<2600000xf32, #tpu.memory_space<hbm>> -> memref<2600000xf32, #tpu.memory_space<hbm>>
    tpu.wait_indirect_dma semaphore(%arg19 : memref<!tpu.dma_semaphore, #tpu.memory_space<semaphore_mem>>) src(%dma_wait3A_125 : memref<2600000xf32, #tpu.memory_space<hbm>>) dst(%dma_wait3A_123 : memref<1664xf32, #tpu.memory_space<vmem>>)
    %dma_wait3A_126 = arith.constant 4992 : i32
    %dma_wait3A_127 = tpu.memref_slice %arg15[%dma_wait3A_126] : memref<6656xf32, #tpu.memory_space<vmem>> -> memref<1664xf32, #tpu.memory_space<vmem>>
    %dma_wait3A_128 = arith.constant 0 : i32
    %dma_wait3A_129 = tpu.memref_slice %arg5[%dma_wait3A_128] : memref<2600000xf32, #tpu.memory_space<hbm>> -> memref<2600000xf32, #tpu.memory_space<hbm>>
    tpu.wait_indirect_dma semaphore(%arg19 : memref<!tpu.dma_semaphore, #tpu.memory_space<semaphore_mem>>) src(%dma_wait3A_129 : memref<2600000xf32, #tpu.memory_space<hbm>>) dst(%dma_wait3A_127 : memref<1664xf32, #tpu.memory_space<vmem>>)
    %scan3A_130 = arith.constant 0 : i32
    %scan3A_131 = arith.constant 0 : i32
    %scan3A_132 = arith.constant 104 : i32
    %scan3A_133 = arith.addi %scan3A_131, %scan3A_132 : i32
    %scan3A_134 = arith.constant 1 : i32
    scf.for %scan3A_446 = %scan3A_131 to %scan3A_133 step %scan3A_134  : i32 {
      %mul3A_447 = arith.constant 16 : i32
      %mul3A_448 = arith.muli %scan3A_446, %mul3A_447 : i32
      %add3A_449 = vector.broadcast %mul3A_448 : i32 to vector<16xi32>
      %add3A_450 = arith.addi %add3A_449, %iota3A : vector<16xi32>
      %mul3A_451 = arith.constant 4 : i32
      %mul3A_452 = vector.broadcast %mul3A_451 : i32 to vector<16xi32>
      %mul3A_453 = arith.muli %add3A_450, %mul3A_452 : vector<16xi32>
      %mul3A_454 = arith.constant 16 : i32
      %mul3A_455 = arith.muli %scan3A_446, %mul3A_454 : i32
      %add3A_456 = arith.constant 0 : i32
      %add3A_457 = arith.addi %add3A_456, %mul3A_455 : i32
      %get3A = arith.index_cast %add3A_457 : i32 to index
      %get3A_458 = tpu.vector_load %arg15[%get3A] {strides = array<i32>} : memref<6656xf32, #tpu.memory_space<vmem>>, vector<16xf32>,
      %add3A_459 = arith.constant 0 : i32
      %add3A_460 = vector.broadcast %add3A_459 : i32 to vector<16xi32>
      %add3A_461 = arith.addi %mul3A_453, %add3A_460 : vector<16xi32>
      tpu.vector_store_idx %arg17[%add3A_461], %get3A_458 : memref<6656xf32, #tpu.memory_space<vmem>>[vector<16xi32>], vector<16xf32>,
      %mul3A_462 = arith.constant 16 : i32
      %mul3A_463 = arith.muli %scan3A_446, %mul3A_462 : i32
      %add3A_464 = arith.constant 1664 : i32
      %add3A_465 = arith.addi %add3A_464, %mul3A_463 : i32
      %get3A_466 = arith.index_cast %add3A_465 : i32 to index
      %get3A_467 = tpu.vector_load %arg15[%get3A_466] {strides = array<i32>} : memref<6656xf32, #tpu.memory_space<vmem>>, vector<16xf32>,
      %add3A_468 = arith.constant 1 : i32
      %add3A_469 = vector.broadcast %add3A_468 : i32 to vector<16xi32>
      %add3A_470 = arith.addi %mul3A_453, %add3A_469 : vector<16xi32>
      tpu.vector_store_idx %arg17[%add3A_470], %get3A_467 : memref<6656xf32, #tpu.memory_space<vmem>>[vector<16xi32>], vector<16xf32>,
      %mul3A_471 = arith.constant 16 : i32
      %mul3A_472 = arith.muli %scan3A_446, %mul3A_471 : i32
      %add3A_473 = arith.constant 3328 : i32
      %add3A_474 = arith.addi %add3A_473, %mul3A_472 : i32
      %get3A_475 = arith.index_cast %add3A_474 : i32 to index
      %get3A_476 = tpu.vector_load %arg15[%get3A_475] {strides = array<i32>} : memref<6656xf32, #tpu.memory_space<vmem>>, vector<16xf32>,
      %add3A_477 = arith.constant 2 : i32
      %add3A_478 = vector.broadcast %add3A_477 : i32 to vector<16xi32>
      %add3A_479 = arith.addi %mul3A_453, %add3A_478 : vector<16xi32>
      tpu.vector_store_idx %arg17[%add3A_479], %get3A_476 : memref<6656xf32, #tpu.memory_space<vmem>>[vector<16xi32>], vector<16xf32>,
      %mul3A_480 = arith.constant 16 : i32
      %mul3A_481 = arith.muli %scan3A_446, %mul3A_480 : i32
      %add3A_482 = arith.constant 4992 : i32
      %add3A_483 = arith.addi %add3A_482, %mul3A_481 : i32
      %get3A_484 = arith.index_cast %add3A_483 : i32 to index
      %get3A_485 = tpu.vector_load %arg15[%get3A_484] {strides = array<i32>} : memref<6656xf32, #tpu.memory_space<vmem>>, vector<16xf32>,
      %add3A_486 = arith.constant 3 : i32
      %add3A_487 = vector.broadcast %add3A_486 : i32 to vector<16xi32>
      %add3A_488 = arith.addi %mul3A_453, %add3A_487 : vector<16xi32>
      tpu.vector_store_idx %arg17[%add3A_488], %get3A_485 : memref<6656xf32, #tpu.memory_space<vmem>>[vector<16xi32>], vector<16xf32>,
    }
    %scan3A_135 = arith.constant 104 : i32
    %mul3A_136 = arith.constant 6656 : i32
    %mul3A_137 = arith.muli %add3A_113, %mul3A_136 : i32
    "tpu.region"() ({
      %run_scoped3A = tpu.sem_alloc : memref<!tpu.dma_semaphore, #tpu.memory_space<semaphore_mem>>
      %dma_start3A_446 = tpu.memref_slice %arg9[%mul3A_137] : memref<1703936xf32, #tpu.memory_space<hbm>> -> memref<6656xf32, #tpu.memory_space<hbm>>
      %dma_start3A_447 = tpu.memref_slice %arg9[%mul3A_137] : memref<1703936xf32, #tpu.memory_space<hbm>> -> memref<6656xf32, #tpu.memory_space<hbm>>
      tpu.enqueue_dma source(%arg17 : memref<6656xf32, #tpu.memory_space<vmem>>) target(%dma_start3A_447 : memref<6656xf32, #tpu.memory_space<hbm>>) target_semaphore(%run_scoped3A : memref<!tpu.dma_semaphore, #tpu.memory_space<semaphore_mem>>)
      %dma_wait3A_448 = tpu.memref_slice %arg9[%mul3A_137] : memref<1703936xf32, #tpu.memory_space<hbm>> -> memref<6656xf32, #tpu.memory_space<hbm>>
      %dma_wait3A_449 = tpu.memref_slice %arg9[%mul3A_137] : memref<1703936xf32, #tpu.memory_space<hbm>> -> memref<6656xf32, #tpu.memory_space<hbm>>
      tpu.wait_dma2 semaphore(%run_scoped3A : memref<!tpu.dma_semaphore, #tpu.memory_space<semaphore_mem>>) src(%arg17 : memref<6656xf32, #tpu.memory_space<vmem>>) dst(%dma_wait3A_449 : memref<6656xf32, #tpu.memory_space<hbm>>)
      tpu.yield
    }) : () -> ()
    %mul3A_138 = arith.constant 8 : i32
    %mul3A_139 = arith.muli %add3A, %mul3A_138 : i32
    %add3A_140 = arith.constant 3 : i32
    %add3A_141 = arith.addi %mul3A_139, %add3A_140 : i32
    %mul3A_142 = arith.constant 1664 : i32
    %mul3A_143 = arith.muli %add3A_141, %mul3A_142 : i32
    "tpu.region"() ({
      %run_scoped3A = tpu.sem_alloc : memref<!tpu.dma_semaphore, #tpu.memory_space<semaphore_mem>>
      %dma_start3A_446 = tpu.memref_slice %arg6[%mul3A_143] : memref<425984xi32, #tpu.memory_space<hbm>> -> memref<1664xi32, #tpu.memory_space<hbm>>
      %dma_start3A_447 = tpu.memref_slice %arg6[%mul3A_143] : memref<425984xi32, #tpu.memory_space<hbm>> -> memref<1664xi32, #tpu.memory_space<hbm>>
      tpu.enqueue_dma source(%dma_start3A_447 : memref<1664xi32, #tpu.memory_space<hbm>>) target(%arg11 : memref<1664xi32, #tpu.memory_space<vmem>>) target_semaphore(%run_scoped3A : memref<!tpu.dma_semaphore, #tpu.memory_space<semaphore_mem>>)
      %dma_wait3A_448 = tpu.memref_slice %arg6[%mul3A_143] : memref<425984xi32, #tpu.memory_space<hbm>> -> memref<1664xi32, #tpu.memory_space<hbm>>
      %dma_wait3A_449 = tpu.memref_slice %arg6[%mul3A_143] : memref<425984xi32, #tpu.memory_space<hbm>> -> memref<1664xi32, #tpu.memory_space<hbm>>
      tpu.wait_dma2 semaphore(%run_scoped3A : memref<!tpu.dma_semaphore, #tpu.memory_space<semaphore_mem>>) src(%dma_wait3A_449 : memref<1664xi32, #tpu.memory_space<hbm>>) dst(%arg11 : memref<1664xi32, #tpu.memory_space<vmem>>)
      tpu.yield
    }) : () -> ()
    %scan3A_144 = arith.constant 0 : i32
    %scan3A_145 = arith.constant 0 : i32
    %scan3A_146 = arith.constant 104 : i32
    %scan3A_147 = arith.addi %scan3A_145, %scan3A_146 : i32
    %scan3A_148 = arith.constant 1 : i32
    scf.for %scan3A_446 = %scan3A_145 to %scan3A_147 step %scan3A_148  : i32 {
      %mul3A_447 = arith.constant 16 : i32
      %mul3A_448 = arith.muli %scan3A_446, %mul3A_447 : i32
      %get3A = arith.index_cast %mul3A_448 : i32 to index
      %get3A_449 = tpu.vector_load %arg11[%get3A] {strides = array<i32>} : memref<1664xi32, #tpu.memory_space<vmem>>, vector<16xi32>,
      %mul3A_450 = arith.constant 16 : i32
      %mul3A_451 = arith.muli %scan3A_446, %mul3A_450 : i32
      %get3A_452 = arith.index_cast %mul3A_451 : i32 to index
      %get3A_453 = tpu.vector_load %arg16[%get3A_452] {strides = array<i32>} : memref<1664xi32, #tpu.memory_space<vmem>>, vector<16xi32>,
      %add3A_454 = arith.addi %get3A_449, %get3A_453 : vector<16xi32>
      %mul3A_455 = arith.constant 16 : i32
      %mul3A_456 = arith.muli %scan3A_446, %mul3A_455 : i32
      %swap3A = arith.index_cast %mul3A_456 : i32 to index
      %swap3A_457 = tpu.vector_load %arg13[%swap3A] {strides = array<i32>} : memref<1664xi32, #tpu.memory_space<vmem>>, vector<16xi32>,
      tpu.vector_store %arg13[%swap3A], %add3A_454 {strides = array<i32>} : memref<1664xi32, #tpu.memory_space<vmem>>, vector<16xi32>,
    }
    %scan3A_149 = arith.constant 104 : i32
    %dma_start3A_150 = arith.constant 0 : i32
    %dma_start3A_151 = tpu.memref_slice %arg15[%dma_start3A_150] : memref<6656xf32, #tpu.memory_space<vmem>> -> memref<1664xf32, #tpu.memory_space<vmem>>
    %dma_start3A_152 = arith.constant 0 : i32
    %dma_start3A_153 = tpu.memref_slice %arg2[%dma_start3A_152] : memref<2600000xf32, #tpu.memory_space<hbm>> -> memref<2600000xf32, #tpu.memory_space<hbm>>
    tpu.enqueue_indirect_dma source(%dma_start3A_153 : memref<2600000xf32, #tpu.memory_space<hbm>>) target(%dma_start3A_151 : memref<1664xf32, #tpu.memory_space<vmem>>) offsets(%arg13 : memref<1664xi32, #tpu.memory_space<vmem>>) semaphore(%arg19 : memref<!tpu.dma_semaphore, #tpu.memory_space<semaphore_mem>>)
    %dma_start3A_154 = arith.constant 1664 : i32
    %dma_start3A_155 = tpu.memref_slice %arg15[%dma_start3A_154] : memref<6656xf32, #tpu.memory_space<vmem>> -> memref<1664xf32, #tpu.memory_space<vmem>>
    %dma_start3A_156 = arith.constant 0 : i32
    %dma_start3A_157 = tpu.memref_slice %arg3[%dma_start3A_156] : memref<2600000xf32, #tpu.memory_space<hbm>> -> memref<2600000xf32, #tpu.memory_space<hbm>>
    tpu.enqueue_indirect_dma source(%dma_start3A_157 : memref<2600000xf32, #tpu.memory_space<hbm>>) target(%dma_start3A_155 : memref<1664xf32, #tpu.memory_space<vmem>>) offsets(%arg13 : memref<1664xi32, #tpu.memory_space<vmem>>) semaphore(%arg19 : memref<!tpu.dma_semaphore, #tpu.memory_space<semaphore_mem>>)
    %dma_start3A_158 = arith.constant 3328 : i32
    %dma_start3A_159 = tpu.memref_slice %arg15[%dma_start3A_158] : memref<6656xf32, #tpu.memory_space<vmem>> -> memref<1664xf32, #tpu.memory_space<vmem>>
    %dma_start3A_160 = arith.constant 0 : i32
    %dma_start3A_161 = tpu.memref_slice %arg4[%dma_start3A_160] : memref<2600000xf32, #tpu.memory_space<hbm>> -> memref<2600000xf32, #tpu.memory_space<hbm>>
    tpu.enqueue_indirect_dma source(%dma_start3A_161 : memref<2600000xf32, #tpu.memory_space<hbm>>) target(%dma_start3A_159 : memref<1664xf32, #tpu.memory_space<vmem>>) offsets(%arg13 : memref<1664xi32, #tpu.memory_space<vmem>>) semaphore(%arg19 : memref<!tpu.dma_semaphore, #tpu.memory_space<semaphore_mem>>)
    %dma_start3A_162 = arith.constant 4992 : i32
    %dma_start3A_163 = tpu.memref_slice %arg15[%dma_start3A_162] : memref<6656xf32, #tpu.memory_space<vmem>> -> memref<1664xf32, #tpu.memory_space<vmem>>
    %dma_start3A_164 = arith.constant 0 : i32
    %dma_start3A_165 = tpu.memref_slice %arg5[%dma_start3A_164] : memref<2600000xf32, #tpu.memory_space<hbm>> -> memref<2600000xf32, #tpu.memory_space<hbm>>
    tpu.enqueue_indirect_dma source(%dma_start3A_165 : memref<2600000xf32, #tpu.memory_space<hbm>>) target(%dma_start3A_163 : memref<1664xf32, #tpu.memory_space<vmem>>) offsets(%arg13 : memref<1664xi32, #tpu.memory_space<vmem>>) semaphore(%arg19 : memref<!tpu.dma_semaphore, #tpu.memory_space<semaphore_mem>>)
    %mul3A_166 = arith.constant 8 : i32
    %mul3A_167 = arith.muli %add3A, %mul3A_166 : i32
    %add3A_168 = arith.constant 2 : i32
    %add3A_169 = arith.addi %mul3A_167, %add3A_168 : i32
    %dma_wait3A_170 = arith.constant 0 : i32
    %dma_wait3A_171 = tpu.memref_slice %arg14[%dma_wait3A_170] : memref<6656xf32, #tpu.memory_space<vmem>> -> memref<1664xf32, #tpu.memory_space<vmem>>
    %dma_wait3A_172 = arith.constant 0 : i32
    %dma_wait3A_173 = tpu.memref_slice %arg2[%dma_wait3A_172] : memref<2600000xf32, #tpu.memory_space<hbm>> -> memref<2600000xf32, #tpu.memory_space<hbm>>
    tpu.wait_indirect_dma semaphore(%arg18 : memref<!tpu.dma_semaphore, #tpu.memory_space<semaphore_mem>>) src(%dma_wait3A_173 : memref<2600000xf32, #tpu.memory_space<hbm>>) dst(%dma_wait3A_171 : memref<1664xf32, #tpu.memory_space<vmem>>)
    %dma_wait3A_174 = arith.constant 1664 : i32
    %dma_wait3A_175 = tpu.memref_slice %arg14[%dma_wait3A_174] : memref<6656xf32, #tpu.memory_space<vmem>> -> memref<1664xf32, #tpu.memory_space<vmem>>
    %dma_wait3A_176 = arith.constant 0 : i32
    %dma_wait3A_177 = tpu.memref_slice %arg3[%dma_wait3A_176] : memref<2600000xf32, #tpu.memory_space<hbm>> -> memref<2600000xf32, #tpu.memory_space<hbm>>
    tpu.wait_indirect_dma semaphore(%arg18 : memref<!tpu.dma_semaphore, #tpu.memory_space<semaphore_mem>>) src(%dma_wait3A_177 : memref<2600000xf32, #tpu.memory_space<hbm>>) dst(%dma_wait3A_175 : memref<1664xf32, #tpu.memory_space<vmem>>)
    %dma_wait3A_178 = arith.constant 3328 : i32
    %dma_wait3A_179 = tpu.memref_slice %arg14[%dma_wait3A_178] : memref<6656xf32, #tpu.memory_space<vmem>> -> memref<1664xf32, #tpu.memory_space<vmem>>
    %dma_wait3A_180 = arith.constant 0 : i32
    %dma_wait3A_181 = tpu.memref_slice %arg4[%dma_wait3A_180] : memref<2600000xf32, #tpu.memory_space<hbm>> -> memref<2600000xf32, #tpu.memory_space<hbm>>
    tpu.wait_indirect_dma semaphore(%arg18 : memref<!tpu.dma_semaphore, #tpu.memory_space<semaphore_mem>>) src(%dma_wait3A_181 : memref<2600000xf32, #tpu.memory_space<hbm>>) dst(%dma_wait3A_179 : memref<1664xf32, #tpu.memory_space<vmem>>)
    %dma_wait3A_182 = arith.constant 4992 : i32
    %dma_wait3A_183 = tpu.memref_slice %arg14[%dma_wait3A_182] : memref<6656xf32, #tpu.memory_space<vmem>> -> memref<1664xf32, #tpu.memory_space<vmem>>
    %dma_wait3A_184 = arith.constant 0 : i32
    %dma_wait3A_185 = tpu.memref_slice %arg5[%dma_wait3A_184] : memref<2600000xf32, #tpu.memory_space<hbm>> -> memref<2600000xf32, #tpu.memory_space<hbm>>
    tpu.wait_indirect_dma semaphore(%arg18 : memref<!tpu.dma_semaphore, #tpu.memory_space<semaphore_mem>>) src(%dma_wait3A_185 : memref<2600000xf32, #tpu.memory_space<hbm>>) dst(%dma_wait3A_183 : memref<1664xf32, #tpu.memory_space<vmem>>)
    %scan3A_186 = arith.constant 0 : i32
    %scan3A_187 = arith.constant 0 : i32
    %scan3A_188 = arith.constant 104 : i32
    %scan3A_189 = arith.addi %scan3A_187, %scan3A_188 : i32
    %scan3A_190 = arith.constant 1 : i32
    scf.for %scan3A_446 = %scan3A_187 to %scan3A_189 step %scan3A_190  : i32 {
      %mul3A_447 = arith.constant 16 : i32
      %mul3A_448 = arith.muli %scan3A_446, %mul3A_447 : i32
      %add3A_449 = vector.broadcast %mul3A_448 : i32 to vector<16xi32>
      %add3A_450 = arith.addi %add3A_449, %iota3A : vector<16xi32>
      %mul3A_451 = arith.constant 4 : i32
      %mul3A_452 = vector.broadcast %mul3A_451 : i32 to vector<16xi32>
      %mul3A_453 = arith.muli %add3A_450, %mul3A_452 : vector<16xi32>
      %mul3A_454 = arith.constant 16 : i32
      %mul3A_455 = arith.muli %scan3A_446, %mul3A_454 : i32
      %add3A_456 = arith.constant 0 : i32
      %add3A_457 = arith.addi %add3A_456, %mul3A_455 : i32
      %get3A = arith.index_cast %add3A_457 : i32 to index
      %get3A_458 = tpu.vector_load %arg14[%get3A] {strides = array<i32>} : memref<6656xf32, #tpu.memory_space<vmem>>, vector<16xf32>,
      %add3A_459 = arith.constant 0 : i32
      %add3A_460 = vector.broadcast %add3A_459 : i32 to vector<16xi32>
      %add3A_461 = arith.addi %mul3A_453, %add3A_460 : vector<16xi32>
      tpu.vector_store_idx %arg17[%add3A_461], %get3A_458 : memref<6656xf32, #tpu.memory_space<vmem>>[vector<16xi32>], vector<16xf32>,
      %mul3A_462 = arith.constant 16 : i32
      %mul3A_463 = arith.muli %scan3A_446, %mul3A_462 : i32
      %add3A_464 = arith.constant 1664 : i32
      %add3A_465 = arith.addi %add3A_464, %mul3A_463 : i32
      %get3A_466 = arith.index_cast %add3A_465 : i32 to index
      %get3A_467 = tpu.vector_load %arg14[%get3A_466] {strides = array<i32>} : memref<6656xf32, #tpu.memory_space<vmem>>, vector<16xf32>,
      %add3A_468 = arith.constant 1 : i32
      %add3A_469 = vector.broadcast %add3A_468 : i32 to vector<16xi32>
      %add3A_470 = arith.addi %mul3A_453, %add3A_469 : vector<16xi32>
      tpu.vector_store_idx %arg17[%add3A_470], %get3A_467 : memref<6656xf32, #tpu.memory_space<vmem>>[vector<16xi32>], vector<16xf32>,
      %mul3A_471 = arith.constant 16 : i32
      %mul3A_472 = arith.muli %scan3A_446, %mul3A_471 : i32
      %add3A_473 = arith.constant 3328 : i32
      %add3A_474 = arith.addi %add3A_473, %mul3A_472 : i32
      %get3A_475 = arith.index_cast %add3A_474 : i32 to index
      %get3A_476 = tpu.vector_load %arg14[%get3A_475] {strides = array<i32>} : memref<6656xf32, #tpu.memory_space<vmem>>, vector<16xf32>,
      %add3A_477 = arith.constant 2 : i32
      %add3A_478 = vector.broadcast %add3A_477 : i32 to vector<16xi32>
      %add3A_479 = arith.addi %mul3A_453, %add3A_478 : vector<16xi32>
      tpu.vector_store_idx %arg17[%add3A_479], %get3A_476 : memref<6656xf32, #tpu.memory_space<vmem>>[vector<16xi32>], vector<16xf32>,
      %mul3A_480 = arith.constant 16 : i32
      %mul3A_481 = arith.muli %scan3A_446, %mul3A_480 : i32
      %add3A_482 = arith.constant 4992 : i32
      %add3A_483 = arith.addi %add3A_482, %mul3A_481 : i32
      %get3A_484 = arith.index_cast %add3A_483 : i32 to index
      %get3A_485 = tpu.vector_load %arg14[%get3A_484] {strides = array<i32>} : memref<6656xf32, #tpu.memory_space<vmem>>, vector<16xf32>,
      %add3A_486 = arith.constant 3 : i32
      %add3A_487 = vector.broadcast %add3A_486 : i32 to vector<16xi32>
      %add3A_488 = arith.addi %mul3A_453, %add3A_487 : vector<16xi32>
      tpu.vector_store_idx %arg17[%add3A_488], %get3A_485 : memref<6656xf32, #tpu.memory_space<vmem>>[vector<16xi32>], vector<16xf32>,
    }
    %scan3A_191 = arith.constant 104 : i32
    %mul3A_192 = arith.constant 6656 : i32
    %mul3A_193 = arith.muli %add3A_169, %mul3A_192 : i32
    "tpu.region"() ({
      %run_scoped3A = tpu.sem_alloc : memref<!tpu.dma_semaphore, #tpu.memory_space<semaphore_mem>>
      %dma_start3A_446 = tpu.memref_slice %arg9[%mul3A_193] : memref<1703936xf32, #tpu.memory_space<hbm>> -> memref<6656xf32, #tpu.memory_space<hbm>>
      %dma_start3A_447 = tpu.memref_slice %arg9[%mul3A_193] : memref<1703936xf32, #tpu.memory_space<hbm>> -> memref<6656xf32, #tpu.memory_space<hbm>>
      tpu.enqueue_dma source(%arg17 : memref<6656xf32, #tpu.memory_space<vmem>>) target(%dma_start3A_447 : memref<6656xf32, #tpu.memory_space<hbm>>) target_semaphore(%run_scoped3A : memref<!tpu.dma_semaphore, #tpu.memory_space<semaphore_mem>>)
      %dma_wait3A_448 = tpu.memref_slice %arg9[%mul3A_193] : memref<1703936xf32, #tpu.memory_space<hbm>> -> memref<6656xf32, #tpu.memory_space<hbm>>
      %dma_wait3A_449 = tpu.memref_slice %arg9[%mul3A_193] : memref<1703936xf32, #tpu.memory_space<hbm>> -> memref<6656xf32, #tpu.memory_space<hbm>>
      tpu.wait_dma2 semaphore(%run_scoped3A : memref<!tpu.dma_semaphore, #tpu.memory_space<semaphore_mem>>) src(%arg17 : memref<6656xf32, #tpu.memory_space<vmem>>) dst(%dma_wait3A_449 : memref<6656xf32, #tpu.memory_space<hbm>>)
      tpu.yield
    }) : () -> ()
    %mul3A_194 = arith.constant 8 : i32
    %mul3A_195 = arith.muli %add3A, %mul3A_194 : i32
    %add3A_196 = arith.constant 4 : i32
    %add3A_197 = arith.addi %mul3A_195, %add3A_196 : i32
    %mul3A_198 = arith.constant 1664 : i32
    %mul3A_199 = arith.muli %add3A_197, %mul3A_198 : i32
    "tpu.region"() ({
      %run_scoped3A = tpu.sem_alloc : memref<!tpu.dma_semaphore, #tpu.memory_space<semaphore_mem>>
      %dma_start3A_446 = tpu.memref_slice %arg6[%mul3A_199] : memref<425984xi32, #tpu.memory_space<hbm>> -> memref<1664xi32, #tpu.memory_space<hbm>>
      %dma_start3A_447 = tpu.memref_slice %arg6[%mul3A_199] : memref<425984xi32, #tpu.memory_space<hbm>> -> memref<1664xi32, #tpu.memory_space<hbm>>
      tpu.enqueue_dma source(%dma_start3A_447 : memref<1664xi32, #tpu.memory_space<hbm>>) target(%arg10 : memref<1664xi32, #tpu.memory_space<vmem>>) target_semaphore(%run_scoped3A : memref<!tpu.dma_semaphore, #tpu.memory_space<semaphore_mem>>)
      %dma_wait3A_448 = tpu.memref_slice %arg6[%mul3A_199] : memref<425984xi32, #tpu.memory_space<hbm>> -> memref<1664xi32, #tpu.memory_space<hbm>>
      %dma_wait3A_449 = tpu.memref_slice %arg6[%mul3A_199] : memref<425984xi32, #tpu.memory_space<hbm>> -> memref<1664xi32, #tpu.memory_space<hbm>>
      tpu.wait_dma2 semaphore(%run_scoped3A : memref<!tpu.dma_semaphore, #tpu.memory_space<semaphore_mem>>) src(%dma_wait3A_449 : memref<1664xi32, #tpu.memory_space<hbm>>) dst(%arg10 : memref<1664xi32, #tpu.memory_space<vmem>>)
      tpu.yield
    }) : () -> ()
    %scan3A_200 = arith.constant 0 : i32
    %scan3A_201 = arith.constant 0 : i32
    %scan3A_202 = arith.constant 104 : i32
    %scan3A_203 = arith.addi %scan3A_201, %scan3A_202 : i32
    %scan3A_204 = arith.constant 1 : i32
    scf.for %scan3A_446 = %scan3A_201 to %scan3A_203 step %scan3A_204  : i32 {
      %mul3A_447 = arith.constant 16 : i32
      %mul3A_448 = arith.muli %scan3A_446, %mul3A_447 : i32
      %get3A = arith.index_cast %mul3A_448 : i32 to index
      %get3A_449 = tpu.vector_load %arg10[%get3A] {strides = array<i32>} : memref<1664xi32, #tpu.memory_space<vmem>>, vector<16xi32>,
      %mul3A_450 = arith.constant 16 : i32
      %mul3A_451 = arith.muli %scan3A_446, %mul3A_450 : i32
      %get3A_452 = arith.index_cast %mul3A_451 : i32 to index
      %get3A_453 = tpu.vector_load %arg16[%get3A_452] {strides = array<i32>} : memref<1664xi32, #tpu.memory_space<vmem>>, vector<16xi32>,
      %add3A_454 = arith.addi %get3A_449, %get3A_453 : vector<16xi32>
      %mul3A_455 = arith.constant 16 : i32
      %mul3A_456 = arith.muli %scan3A_446, %mul3A_455 : i32
      %swap3A = arith.index_cast %mul3A_456 : i32 to index
      %swap3A_457 = tpu.vector_load %arg12[%swap3A] {strides = array<i32>} : memref<1664xi32, #tpu.memory_space<vmem>>, vector<16xi32>,
      tpu.vector_store %arg12[%swap3A], %add3A_454 {strides = array<i32>} : memref<1664xi32, #tpu.memory_space<vmem>>, vector<16xi32>,
    }
    %scan3A_205 = arith.constant 104 : i32
    %dma_start3A_206 = arith.constant 0 : i32
    %dma_start3A_207 = tpu.memref_slice %arg14[%dma_start3A_206] : memref<6656xf32, #tpu.memory_space<vmem>> -> memref<1664xf32, #tpu.memory_space<vmem>>
    %dma_start3A_208 = arith.constant 0 : i32
    %dma_start3A_209 = tpu.memref_slice %arg2[%dma_start3A_208] : memref<2600000xf32, #tpu.memory_space<hbm>> -> memref<2600000xf32, #tpu.memory_space<hbm>>
    tpu.enqueue_indirect_dma source(%dma_start3A_209 : memref<2600000xf32, #tpu.memory_space<hbm>>) target(%dma_start3A_207 : memref<1664xf32, #tpu.memory_space<vmem>>) offsets(%arg12 : memref<1664xi32, #tpu.memory_space<vmem>>) semaphore(%arg18 : memref<!tpu.dma_semaphore, #tpu.memory_space<semaphore_mem>>)
    %dma_start3A_210 = arith.constant 1664 : i32
    %dma_start3A_211 = tpu.memref_slice %arg14[%dma_start3A_210] : memref<6656xf32, #tpu.memory_space<vmem>> -> memref<1664xf32, #tpu.memory_space<vmem>>
    %dma_start3A_212 = arith.constant 0 : i32
    %dma_start3A_213 = tpu.memref_slice %arg3[%dma_start3A_212] : memref<2600000xf32, #tpu.memory_space<hbm>> -> memref<2600000xf32, #tpu.memory_space<hbm>>
    tpu.enqueue_indirect_dma source(%dma_start3A_213 : memref<2600000xf32, #tpu.memory_space<hbm>>) target(%dma_start3A_211 : memref<1664xf32, #tpu.memory_space<vmem>>) offsets(%arg12 : memref<1664xi32, #tpu.memory_space<vmem>>) semaphore(%arg18 : memref<!tpu.dma_semaphore, #tpu.memory_space<semaphore_mem>>)
    %dma_start3A_214 = arith.constant 3328 : i32
    %dma_start3A_215 = tpu.memref_slice %arg14[%dma_start3A_214] : memref<6656xf32, #tpu.memory_space<vmem>> -> memref<1664xf32, #tpu.memory_space<vmem>>
    %dma_start3A_216 = arith.constant 0 : i32
    %dma_start3A_217 = tpu.memref_slice %arg4[%dma_start3A_216] : memref<2600000xf32, #tpu.memory_space<hbm>> -> memref<2600000xf32, #tpu.memory_space<hbm>>
    tpu.enqueue_indirect_dma source(%dma_start3A_217 : memref<2600000xf32, #tpu.memory_space<hbm>>) target(%dma_start3A_215 : memref<1664xf32, #tpu.memory_space<vmem>>) offsets(%arg12 : memref<1664xi32, #tpu.memory_space<vmem>>) semaphore(%arg18 : memref<!tpu.dma_semaphore, #tpu.memory_space<semaphore_mem>>)
    %dma_start3A_218 = arith.constant 4992 : i32
    %dma_start3A_219 = tpu.memref_slice %arg14[%dma_start3A_218] : memref<6656xf32, #tpu.memory_space<vmem>> -> memref<1664xf32, #tpu.memory_space<vmem>>
    %dma_start3A_220 = arith.constant 0 : i32
    %dma_start3A_221 = tpu.memref_slice %arg5[%dma_start3A_220] : memref<2600000xf32, #tpu.memory_space<hbm>> -> memref<2600000xf32, #tpu.memory_space<hbm>>
    tpu.enqueue_indirect_dma source(%dma_start3A_221 : memref<2600000xf32, #tpu.memory_space<hbm>>) target(%dma_start3A_219 : memref<1664xf32, #tpu.memory_space<vmem>>) offsets(%arg12 : memref<1664xi32, #tpu.memory_space<vmem>>) semaphore(%arg18 : memref<!tpu.dma_semaphore, #tpu.memory_space<semaphore_mem>>)
    %mul3A_222 = arith.constant 8 : i32
    %mul3A_223 = arith.muli %add3A, %mul3A_222 : i32
    %add3A_224 = arith.constant 3 : i32
    %add3A_225 = arith.addi %mul3A_223, %add3A_224 : i32
    %dma_wait3A_226 = arith.constant 0 : i32
    %dma_wait3A_227 = tpu.memref_slice %arg15[%dma_wait3A_226] : memref<6656xf32, #tpu.memory_space<vmem>> -> memref<1664xf32, #tpu.memory_space<vmem>>
    %dma_wait3A_228 = arith.constant 0 : i32
    %dma_wait3A_229 = tpu.memref_slice %arg2[%dma_wait3A_228] : memref<2600000xf32, #tpu.memory_space<hbm>> -> memref<2600000xf32, #tpu.memory_space<hbm>>
    tpu.wait_indirect_dma semaphore(%arg19 : memref<!tpu.dma_semaphore, #tpu.memory_space<semaphore_mem>>) src(%dma_wait3A_229 : memref<2600000xf32, #tpu.memory_space<hbm>>) dst(%dma_wait3A_227 : memref<1664xf32, #tpu.memory_space<vmem>>)
    %dma_wait3A_230 = arith.constant 1664 : i32
    %dma_wait3A_231 = tpu.memref_slice %arg15[%dma_wait3A_230] : memref<6656xf32, #tpu.memory_space<vmem>> -> memref<1664xf32, #tpu.memory_space<vmem>>
    %dma_wait3A_232 = arith.constant 0 : i32
    %dma_wait3A_233 = tpu.memref_slice %arg3[%dma_wait3A_232] : memref<2600000xf32, #tpu.memory_space<hbm>> -> memref<2600000xf32, #tpu.memory_space<hbm>>
    tpu.wait_indirect_dma semaphore(%arg19 : memref<!tpu.dma_semaphore, #tpu.memory_space<semaphore_mem>>) src(%dma_wait3A_233 : memref<2600000xf32, #tpu.memory_space<hbm>>) dst(%dma_wait3A_231 : memref<1664xf32, #tpu.memory_space<vmem>>)
    %dma_wait3A_234 = arith.constant 3328 : i32
    %dma_wait3A_235 = tpu.memref_slice %arg15[%dma_wait3A_234] : memref<6656xf32, #tpu.memory_space<vmem>> -> memref<1664xf32, #tpu.memory_space<vmem>>
    %dma_wait3A_236 = arith.constant 0 : i32
    %dma_wait3A_237 = tpu.memref_slice %arg4[%dma_wait3A_236] : memref<2600000xf32, #tpu.memory_space<hbm>> -> memref<2600000xf32, #tpu.memory_space<hbm>>
    tpu.wait_indirect_dma semaphore(%arg19 : memref<!tpu.dma_semaphore, #tpu.memory_space<semaphore_mem>>) src(%dma_wait3A_237 : memref<2600000xf32, #tpu.memory_space<hbm>>) dst(%dma_wait3A_235 : memref<1664xf32, #tpu.memory_space<vmem>>)
    %dma_wait3A_238 = arith.constant 4992 : i32
    %dma_wait3A_239 = tpu.memref_slice %arg15[%dma_wait3A_238] : memref<6656xf32, #tpu.memory_space<vmem>> -> memref<1664xf32, #tpu.memory_space<vmem>>
    %dma_wait3A_240 = arith.constant 0 : i32
    %dma_wait3A_241 = tpu.memref_slice %arg5[%dma_wait3A_240] : memref<2600000xf32, #tpu.memory_space<hbm>> -> memref<2600000xf32, #tpu.memory_space<hbm>>
    tpu.wait_indirect_dma semaphore(%arg19 : memref<!tpu.dma_semaphore, #tpu.memory_space<semaphore_mem>>) src(%dma_wait3A_241 : memref<2600000xf32, #tpu.memory_space<hbm>>) dst(%dma_wait3A_239 : memref<1664xf32, #tpu.memory_space<vmem>>)
    %scan3A_242 = arith.constant 0 : i32
    %scan3A_243 = arith.constant 0 : i32
    %scan3A_244 = arith.constant 104 : i32
    %scan3A_245 = arith.addi %scan3A_243, %scan3A_244 : i32
    %scan3A_246 = arith.constant 1 : i32
    scf.for %scan3A_446 = %scan3A_243 to %scan3A_245 step %scan3A_246  : i32 {
      %mul3A_447 = arith.constant 16 : i32
      %mul3A_448 = arith.muli %scan3A_446, %mul3A_447 : i32
      %add3A_449 = vector.broadcast %mul3A_448 : i32 to vector<16xi32>
      %add3A_450 = arith.addi %add3A_449, %iota3A : vector<16xi32>
      %mul3A_451 = arith.constant 4 : i32
      %mul3A_452 = vector.broadcast %mul3A_451 : i32 to vector<16xi32>
      %mul3A_453 = arith.muli %add3A_450, %mul3A_452 : vector<16xi32>
      %mul3A_454 = arith.constant 16 : i32
      %mul3A_455 = arith.muli %scan3A_446, %mul3A_454 : i32
      %add3A_456 = arith.constant 0 : i32
      %add3A_457 = arith.addi %add3A_456, %mul3A_455 : i32
      %get3A = arith.index_cast %add3A_457 : i32 to index
      %get3A_458 = tpu.vector_load %arg15[%get3A] {strides = array<i32>} : memref<6656xf32, #tpu.memory_space<vmem>>, vector<16xf32>,
      %add3A_459 = arith.constant 0 : i32
      %add3A_460 = vector.broadcast %add3A_459 : i32 to vector<16xi32>
      %add3A_461 = arith.addi %mul3A_453, %add3A_460 : vector<16xi32>
      tpu.vector_store_idx %arg17[%add3A_461], %get3A_458 : memref<6656xf32, #tpu.memory_space<vmem>>[vector<16xi32>], vector<16xf32>,
      %mul3A_462 = arith.constant 16 : i32
      %mul3A_463 = arith.muli %scan3A_446, %mul3A_462 : i32
      %add3A_464 = arith.constant 1664 : i32
      %add3A_465 = arith.addi %add3A_464, %mul3A_463 : i32
      %get3A_466 = arith.index_cast %add3A_465 : i32 to index
      %get3A_467 = tpu.vector_load %arg15[%get3A_466] {strides = array<i32>} : memref<6656xf32, #tpu.memory_space<vmem>>, vector<16xf32>,
      %add3A_468 = arith.constant 1 : i32
      %add3A_469 = vector.broadcast %add3A_468 : i32 to vector<16xi32>
      %add3A_470 = arith.addi %mul3A_453, %add3A_469 : vector<16xi32>
      tpu.vector_store_idx %arg17[%add3A_470], %get3A_467 : memref<6656xf32, #tpu.memory_space<vmem>>[vector<16xi32>], vector<16xf32>,
      %mul3A_471 = arith.constant 16 : i32
      %mul3A_472 = arith.muli %scan3A_446, %mul3A_471 : i32
      %add3A_473 = arith.constant 3328 : i32
      %add3A_474 = arith.addi %add3A_473, %mul3A_472 : i32
      %get3A_475 = arith.index_cast %add3A_474 : i32 to index
      %get3A_476 = tpu.vector_load %arg15[%get3A_475] {strides = array<i32>} : memref<6656xf32, #tpu.memory_space<vmem>>, vector<16xf32>,
      %add3A_477 = arith.constant 2 : i32
      %add3A_478 = vector.broadcast %add3A_477 : i32 to vector<16xi32>
      %add3A_479 = arith.addi %mul3A_453, %add3A_478 : vector<16xi32>
      tpu.vector_store_idx %arg17[%add3A_479], %get3A_476 : memref<6656xf32, #tpu.memory_space<vmem>>[vector<16xi32>], vector<16xf32>,
      %mul3A_480 = arith.constant 16 : i32
      %mul3A_481 = arith.muli %scan3A_446, %mul3A_480 : i32
      %add3A_482 = arith.constant 4992 : i32
      %add3A_483 = arith.addi %add3A_482, %mul3A_481 : i32
      %get3A_484 = arith.index_cast %add3A_483 : i32 to index
      %get3A_485 = tpu.vector_load %arg15[%get3A_484] {strides = array<i32>} : memref<6656xf32, #tpu.memory_space<vmem>>, vector<16xf32>,
      %add3A_486 = arith.constant 3 : i32
      %add3A_487 = vector.broadcast %add3A_486 : i32 to vector<16xi32>
      %add3A_488 = arith.addi %mul3A_453, %add3A_487 : vector<16xi32>
      tpu.vector_store_idx %arg17[%add3A_488], %get3A_485 : memref<6656xf32, #tpu.memory_space<vmem>>[vector<16xi32>], vector<16xf32>,
    }
    %scan3A_247 = arith.constant 104 : i32
    %mul3A_248 = arith.constant 6656 : i32
    %mul3A_249 = arith.muli %add3A_225, %mul3A_248 : i32
    "tpu.region"() ({
      %run_scoped3A = tpu.sem_alloc : memref<!tpu.dma_semaphore, #tpu.memory_space<semaphore_mem>>
      %dma_start3A_446 = tpu.memref_slice %arg9[%mul3A_249] : memref<1703936xf32, #tpu.memory_space<hbm>> -> memref<6656xf32, #tpu.memory_space<hbm>>
      %dma_start3A_447 = tpu.memref_slice %arg9[%mul3A_249] : memref<1703936xf32, #tpu.memory_space<hbm>> -> memref<6656xf32, #tpu.memory_space<hbm>>
      tpu.enqueue_dma source(%arg17 : memref<6656xf32, #tpu.memory_space<vmem>>) target(%dma_start3A_447 : memref<6656xf32, #tpu.memory_space<hbm>>) target_semaphore(%run_scoped3A : memref<!tpu.dma_semaphore, #tpu.memory_space<semaphore_mem>>)
      %dma_wait3A_448 = tpu.memref_slice %arg9[%mul3A_249] : memref<1703936xf32, #tpu.memory_space<hbm>> -> memref<6656xf32, #tpu.memory_space<hbm>>
      %dma_wait3A_449 = tpu.memref_slice %arg9[%mul3A_249] : memref<1703936xf32, #tpu.memory_space<hbm>> -> memref<6656xf32, #tpu.memory_space<hbm>>
      tpu.wait_dma2 semaphore(%run_scoped3A : memref<!tpu.dma_semaphore, #tpu.memory_space<semaphore_mem>>) src(%arg17 : memref<6656xf32, #tpu.memory_space<vmem>>) dst(%dma_wait3A_449 : memref<6656xf32, #tpu.memory_space<hbm>>)
      tpu.yield
    }) : () -> ()
    %mul3A_250 = arith.constant 8 : i32
    %mul3A_251 = arith.muli %add3A, %mul3A_250 : i32
    %add3A_252 = arith.constant 5 : i32
    %add3A_253 = arith.addi %mul3A_251, %add3A_252 : i32
    %mul3A_254 = arith.constant 1664 : i32
    %mul3A_255 = arith.muli %add3A_253, %mul3A_254 : i32
    "tpu.region"() ({
      %run_scoped3A = tpu.sem_alloc : memref<!tpu.dma_semaphore, #tpu.memory_space<semaphore_mem>>
      %dma_start3A_446 = tpu.memref_slice %arg6[%mul3A_255] : memref<425984xi32, #tpu.memory_space<hbm>> -> memref<1664xi32, #tpu.memory_space<hbm>>
      %dma_start3A_447 = tpu.memref_slice %arg6[%mul3A_255] : memref<425984xi32, #tpu.memory_space<hbm>> -> memref<1664xi32, #tpu.memory_space<hbm>>
      tpu.enqueue_dma source(%dma_start3A_447 : memref<1664xi32, #tpu.memory_space<hbm>>) target(%arg11 : memref<1664xi32, #tpu.memory_space<vmem>>) target_semaphore(%run_scoped3A : memref<!tpu.dma_semaphore, #tpu.memory_space<semaphore_mem>>)
      %dma_wait3A_448 = tpu.memref_slice %arg6[%mul3A_255] : memref<425984xi32, #tpu.memory_space<hbm>> -> memref<1664xi32, #tpu.memory_space<hbm>>
      %dma_wait3A_449 = tpu.memref_slice %arg6[%mul3A_255] : memref<425984xi32, #tpu.memory_space<hbm>> -> memref<1664xi32, #tpu.memory_space<hbm>>
      tpu.wait_dma2 semaphore(%run_scoped3A : memref<!tpu.dma_semaphore, #tpu.memory_space<semaphore_mem>>) src(%dma_wait3A_449 : memref<1664xi32, #tpu.memory_space<hbm>>) dst(%arg11 : memref<1664xi32, #tpu.memory_space<vmem>>)
      tpu.yield
    }) : () -> ()
    %scan3A_256 = arith.constant 0 : i32
    %scan3A_257 = arith.constant 0 : i32
    %scan3A_258 = arith.constant 104 : i32
    %scan3A_259 = arith.addi %scan3A_257, %scan3A_258 : i32
    %scan3A_260 = arith.constant 1 : i32
    scf.for %scan3A_446 = %scan3A_257 to %scan3A_259 step %scan3A_260  : i32 {
      %mul3A_447 = arith.constant 16 : i32
      %mul3A_448 = arith.muli %scan3A_446, %mul3A_447 : i32
      %get3A = arith.index_cast %mul3A_448 : i32 to index
      %get3A_449 = tpu.vector_load %arg11[%get3A] {strides = array<i32>} : memref<1664xi32, #tpu.memory_space<vmem>>, vector<16xi32>,
      %mul3A_450 = arith.constant 16 : i32
      %mul3A_451 = arith.muli %scan3A_446, %mul3A_450 : i32
      %get3A_452 = arith.index_cast %mul3A_451 : i32 to index
      %get3A_453 = tpu.vector_load %arg16[%get3A_452] {strides = array<i32>} : memref<1664xi32, #tpu.memory_space<vmem>>, vector<16xi32>,
      %add3A_454 = arith.addi %get3A_449, %get3A_453 : vector<16xi32>
      %mul3A_455 = arith.constant 16 : i32
      %mul3A_456 = arith.muli %scan3A_446, %mul3A_455 : i32
      %swap3A = arith.index_cast %mul3A_456 : i32 to index
      %swap3A_457 = tpu.vector_load %arg13[%swap3A] {strides = array<i32>} : memref<1664xi32, #tpu.memory_space<vmem>>, vector<16xi32>,
      tpu.vector_store %arg13[%swap3A], %add3A_454 {strides = array<i32>} : memref<1664xi32, #tpu.memory_space<vmem>>, vector<16xi32>,
    }
    %scan3A_261 = arith.constant 104 : i32
    %dma_start3A_262 = arith.constant 0 : i32
    %dma_start3A_263 = tpu.memref_slice %arg15[%dma_start3A_262] : memref<6656xf32, #tpu.memory_space<vmem>> -> memref<1664xf32, #tpu.memory_space<vmem>>
    %dma_start3A_264 = arith.constant 0 : i32
    %dma_start3A_265 = tpu.memref_slice %arg2[%dma_start3A_264] : memref<2600000xf32, #tpu.memory_space<hbm>> -> memref<2600000xf32, #tpu.memory_space<hbm>>
    tpu.enqueue_indirect_dma source(%dma_start3A_265 : memref<2600000xf32, #tpu.memory_space<hbm>>) target(%dma_start3A_263 : memref<1664xf32, #tpu.memory_space<vmem>>) offsets(%arg13 : memref<1664xi32, #tpu.memory_space<vmem>>) semaphore(%arg19 : memref<!tpu.dma_semaphore, #tpu.memory_space<semaphore_mem>>)
    %dma_start3A_266 = arith.constant 1664 : i32
    %dma_start3A_267 = tpu.memref_slice %arg15[%dma_start3A_266] : memref<6656xf32, #tpu.memory_space<vmem>> -> memref<1664xf32, #tpu.memory_space<vmem>>
    %dma_start3A_268 = arith.constant 0 : i32
    %dma_start3A_269 = tpu.memref_slice %arg3[%dma_start3A_268] : memref<2600000xf32, #tpu.memory_space<hbm>> -> memref<2600000xf32, #tpu.memory_space<hbm>>
    tpu.enqueue_indirect_dma source(%dma_start3A_269 : memref<2600000xf32, #tpu.memory_space<hbm>>) target(%dma_start3A_267 : memref<1664xf32, #tpu.memory_space<vmem>>) offsets(%arg13 : memref<1664xi32, #tpu.memory_space<vmem>>) semaphore(%arg19 : memref<!tpu.dma_semaphore, #tpu.memory_space<semaphore_mem>>)
    %dma_start3A_270 = arith.constant 3328 : i32
    %dma_start3A_271 = tpu.memref_slice %arg15[%dma_start3A_270] : memref<6656xf32, #tpu.memory_space<vmem>> -> memref<1664xf32, #tpu.memory_space<vmem>>
    %dma_start3A_272 = arith.constant 0 : i32
    %dma_start3A_273 = tpu.memref_slice %arg4[%dma_start3A_272] : memref<2600000xf32, #tpu.memory_space<hbm>> -> memref<2600000xf32, #tpu.memory_space<hbm>>
    tpu.enqueue_indirect_dma source(%dma_start3A_273 : memref<2600000xf32, #tpu.memory_space<hbm>>) target(%dma_start3A_271 : memref<1664xf32, #tpu.memory_space<vmem>>) offsets(%arg13 : memref<1664xi32, #tpu.memory_space<vmem>>) semaphore(%arg19 : memref<!tpu.dma_semaphore, #tpu.memory_space<semaphore_mem>>)
    %dma_start3A_274 = arith.constant 4992 : i32
    %dma_start3A_275 = tpu.memref_slice %arg15[%dma_start3A_274] : memref<6656xf32, #tpu.memory_space<vmem>> -> memref<1664xf32, #tpu.memory_space<vmem>>
    %dma_start3A_276 = arith.constant 0 : i32
    %dma_start3A_277 = tpu.memref_slice %arg5[%dma_start3A_276] : memref<2600000xf32, #tpu.memory_space<hbm>> -> memref<2600000xf32, #tpu.memory_space<hbm>>
    tpu.enqueue_indirect_dma source(%dma_start3A_277 : memref<2600000xf32, #tpu.memory_space<hbm>>) target(%dma_start3A_275 : memref<1664xf32, #tpu.memory_space<vmem>>) offsets(%arg13 : memref<1664xi32, #tpu.memory_space<vmem>>) semaphore(%arg19 : memref<!tpu.dma_semaphore, #tpu.memory_space<semaphore_mem>>)
    %mul3A_278 = arith.constant 8 : i32
    %mul3A_279 = arith.muli %add3A, %mul3A_278 : i32
    %add3A_280 = arith.constant 4 : i32
    %add3A_281 = arith.addi %mul3A_279, %add3A_280 : i32
    %dma_wait3A_282 = arith.constant 0 : i32
    %dma_wait3A_283 = tpu.memref_slice %arg14[%dma_wait3A_282] : memref<6656xf32, #tpu.memory_space<vmem>> -> memref<1664xf32, #tpu.memory_space<vmem>>
    %dma_wait3A_284 = arith.constant 0 : i32
    %dma_wait3A_285 = tpu.memref_slice %arg2[%dma_wait3A_284] : memref<2600000xf32, #tpu.memory_space<hbm>> -> memref<2600000xf32, #tpu.memory_space<hbm>>
    tpu.wait_indirect_dma semaphore(%arg18 : memref<!tpu.dma_semaphore, #tpu.memory_space<semaphore_mem>>) src(%dma_wait3A_285 : memref<2600000xf32, #tpu.memory_space<hbm>>) dst(%dma_wait3A_283 : memref<1664xf32, #tpu.memory_space<vmem>>)
    %dma_wait3A_286 = arith.constant 1664 : i32
    %dma_wait3A_287 = tpu.memref_slice %arg14[%dma_wait3A_286] : memref<6656xf32, #tpu.memory_space<vmem>> -> memref<1664xf32, #tpu.memory_space<vmem>>
    %dma_wait3A_288 = arith.constant 0 : i32
    %dma_wait3A_289 = tpu.memref_slice %arg3[%dma_wait3A_288] : memref<2600000xf32, #tpu.memory_space<hbm>> -> memref<2600000xf32, #tpu.memory_space<hbm>>
    tpu.wait_indirect_dma semaphore(%arg18 : memref<!tpu.dma_semaphore, #tpu.memory_space<semaphore_mem>>) src(%dma_wait3A_289 : memref<2600000xf32, #tpu.memory_space<hbm>>) dst(%dma_wait3A_287 : memref<1664xf32, #tpu.memory_space<vmem>>)
    %dma_wait3A_290 = arith.constant 3328 : i32
    %dma_wait3A_291 = tpu.memref_slice %arg14[%dma_wait3A_290] : memref<6656xf32, #tpu.memory_space<vmem>> -> memref<1664xf32, #tpu.memory_space<vmem>>
    %dma_wait3A_292 = arith.constant 0 : i32
    %dma_wait3A_293 = tpu.memref_slice %arg4[%dma_wait3A_292] : memref<2600000xf32, #tpu.memory_space<hbm>> -> memref<2600000xf32, #tpu.memory_space<hbm>>
    tpu.wait_indirect_dma semaphore(%arg18 : memref<!tpu.dma_semaphore, #tpu.memory_space<semaphore_mem>>) src(%dma_wait3A_293 : memref<2600000xf32, #tpu.memory_space<hbm>>) dst(%dma_wait3A_291 : memref<1664xf32, #tpu.memory_space<vmem>>)
    %dma_wait3A_294 = arith.constant 4992 : i32
    %dma_wait3A_295 = tpu.memref_slice %arg14[%dma_wait3A_294] : memref<6656xf32, #tpu.memory_space<vmem>> -> memref<1664xf32, #tpu.memory_space<vmem>>
    %dma_wait3A_296 = arith.constant 0 : i32
    %dma_wait3A_297 = tpu.memref_slice %arg5[%dma_wait3A_296] : memref<2600000xf32, #tpu.memory_space<hbm>> -> memref<2600000xf32, #tpu.memory_space<hbm>>
    tpu.wait_indirect_dma semaphore(%arg18 : memref<!tpu.dma_semaphore, #tpu.memory_space<semaphore_mem>>) src(%dma_wait3A_297 : memref<2600000xf32, #tpu.memory_space<hbm>>) dst(%dma_wait3A_295 : memref<1664xf32, #tpu.memory_space<vmem>>)
    %scan3A_298 = arith.constant 0 : i32
    %scan3A_299 = arith.constant 0 : i32
    %scan3A_300 = arith.constant 104 : i32
    %scan3A_301 = arith.addi %scan3A_299, %scan3A_300 : i32
    %scan3A_302 = arith.constant 1 : i32
    scf.for %scan3A_446 = %scan3A_299 to %scan3A_301 step %scan3A_302  : i32 {
      %mul3A_447 = arith.constant 16 : i32
      %mul3A_448 = arith.muli %scan3A_446, %mul3A_447 : i32
      %add3A_449 = vector.broadcast %mul3A_448 : i32 to vector<16xi32>
      %add3A_450 = arith.addi %add3A_449, %iota3A : vector<16xi32>
      %mul3A_451 = arith.constant 4 : i32
      %mul3A_452 = vector.broadcast %mul3A_451 : i32 to vector<16xi32>
      %mul3A_453 = arith.muli %add3A_450, %mul3A_452 : vector<16xi32>
      %mul3A_454 = arith.constant 16 : i32
      %mul3A_455 = arith.muli %scan3A_446, %mul3A_454 : i32
      %add3A_456 = arith.constant 0 : i32
      %add3A_457 = arith.addi %add3A_456, %mul3A_455 : i32
      %get3A = arith.index_cast %add3A_457 : i32 to index
      %get3A_458 = tpu.vector_load %arg14[%get3A] {strides = array<i32>} : memref<6656xf32, #tpu.memory_space<vmem>>, vector<16xf32>,
      %add3A_459 = arith.constant 0 : i32
      %add3A_460 = vector.broadcast %add3A_459 : i32 to vector<16xi32>
      %add3A_461 = arith.addi %mul3A_453, %add3A_460 : vector<16xi32>
      tpu.vector_store_idx %arg17[%add3A_461], %get3A_458 : memref<6656xf32, #tpu.memory_space<vmem>>[vector<16xi32>], vector<16xf32>,
      %mul3A_462 = arith.constant 16 : i32
      %mul3A_463 = arith.muli %scan3A_446, %mul3A_462 : i32
      %add3A_464 = arith.constant 1664 : i32
      %add3A_465 = arith.addi %add3A_464, %mul3A_463 : i32
      %get3A_466 = arith.index_cast %add3A_465 : i32 to index
      %get3A_467 = tpu.vector_load %arg14[%get3A_466] {strides = array<i32>} : memref<6656xf32, #tpu.memory_space<vmem>>, vector<16xf32>,
      %add3A_468 = arith.constant 1 : i32
      %add3A_469 = vector.broadcast %add3A_468 : i32 to vector<16xi32>
      %add3A_470 = arith.addi %mul3A_453, %add3A_469 : vector<16xi32>
      tpu.vector_store_idx %arg17[%add3A_470], %get3A_467 : memref<6656xf32, #tpu.memory_space<vmem>>[vector<16xi32>], vector<16xf32>,
      %mul3A_471 = arith.constant 16 : i32
      %mul3A_472 = arith.muli %scan3A_446, %mul3A_471 : i32
      %add3A_473 = arith.constant 3328 : i32
      %add3A_474 = arith.addi %add3A_473, %mul3A_472 : i32
      %get3A_475 = arith.index_cast %add3A_474 : i32 to index
      %get3A_476 = tpu.vector_load %arg14[%get3A_475] {strides = array<i32>} : memref<6656xf32, #tpu.memory_space<vmem>>, vector<16xf32>,
      %add3A_477 = arith.constant 2 : i32
      %add3A_478 = vector.broadcast %add3A_477 : i32 to vector<16xi32>
      %add3A_479 = arith.addi %mul3A_453, %add3A_478 : vector<16xi32>
      tpu.vector_store_idx %arg17[%add3A_479], %get3A_476 : memref<6656xf32, #tpu.memory_space<vmem>>[vector<16xi32>], vector<16xf32>,
      %mul3A_480 = arith.constant 16 : i32
      %mul3A_481 = arith.muli %scan3A_446, %mul3A_480 : i32
      %add3A_482 = arith.constant 4992 : i32
      %add3A_483 = arith.addi %add3A_482, %mul3A_481 : i32
      %get3A_484 = arith.index_cast %add3A_483 : i32 to index
      %get3A_485 = tpu.vector_load %arg14[%get3A_484] {strides = array<i32>} : memref<6656xf32, #tpu.memory_space<vmem>>, vector<16xf32>,
      %add3A_486 = arith.constant 3 : i32
      %add3A_487 = vector.broadcast %add3A_486 : i32 to vector<16xi32>
      %add3A_488 = arith.addi %mul3A_453, %add3A_487 : vector<16xi32>
      tpu.vector_store_idx %arg17[%add3A_488], %get3A_485 : memref<6656xf32, #tpu.memory_space<vmem>>[vector<16xi32>], vector<16xf32>,
    }
    %scan3A_303 = arith.constant 104 : i32
    %mul3A_304 = arith.constant 6656 : i32
    %mul3A_305 = arith.muli %add3A_281, %mul3A_304 : i32
    "tpu.region"() ({
      %run_scoped3A = tpu.sem_alloc : memref<!tpu.dma_semaphore, #tpu.memory_space<semaphore_mem>>
      %dma_start3A_446 = tpu.memref_slice %arg9[%mul3A_305] : memref<1703936xf32, #tpu.memory_space<hbm>> -> memref<6656xf32, #tpu.memory_space<hbm>>
      %dma_start3A_447 = tpu.memref_slice %arg9[%mul3A_305] : memref<1703936xf32, #tpu.memory_space<hbm>> -> memref<6656xf32, #tpu.memory_space<hbm>>
      tpu.enqueue_dma source(%arg17 : memref<6656xf32, #tpu.memory_space<vmem>>) target(%dma_start3A_447 : memref<6656xf32, #tpu.memory_space<hbm>>) target_semaphore(%run_scoped3A : memref<!tpu.dma_semaphore, #tpu.memory_space<semaphore_mem>>)
      %dma_wait3A_448 = tpu.memref_slice %arg9[%mul3A_305] : memref<1703936xf32, #tpu.memory_space<hbm>> -> memref<6656xf32, #tpu.memory_space<hbm>>
      %dma_wait3A_449 = tpu.memref_slice %arg9[%mul3A_305] : memref<1703936xf32, #tpu.memory_space<hbm>> -> memref<6656xf32, #tpu.memory_space<hbm>>
      tpu.wait_dma2 semaphore(%run_scoped3A : memref<!tpu.dma_semaphore, #tpu.memory_space<semaphore_mem>>) src(%arg17 : memref<6656xf32, #tpu.memory_space<vmem>>) dst(%dma_wait3A_449 : memref<6656xf32, #tpu.memory_space<hbm>>)
      tpu.yield
    }) : () -> ()
    %mul3A_306 = arith.constant 8 : i32
    %mul3A_307 = arith.muli %add3A, %mul3A_306 : i32
    %add3A_308 = arith.constant 6 : i32
    %add3A_309 = arith.addi %mul3A_307, %add3A_308 : i32
    %mul3A_310 = arith.constant 1664 : i32
    %mul3A_311 = arith.muli %add3A_309, %mul3A_310 : i32
    "tpu.region"() ({
      %run_scoped3A = tpu.sem_alloc : memref<!tpu.dma_semaphore, #tpu.memory_space<semaphore_mem>>
      %dma_start3A_446 = tpu.memref_slice %arg6[%mul3A_311] : memref<425984xi32, #tpu.memory_space<hbm>> -> memref<1664xi32, #tpu.memory_space<hbm>>
      %dma_start3A_447 = tpu.memref_slice %arg6[%mul3A_311] : memref<425984xi32, #tpu.memory_space<hbm>> -> memref<1664xi32, #tpu.memory_space<hbm>>
      tpu.enqueue_dma source(%dma_start3A_447 : memref<1664xi32, #tpu.memory_space<hbm>>) target(%arg10 : memref<1664xi32, #tpu.memory_space<vmem>>) target_semaphore(%run_scoped3A : memref<!tpu.dma_semaphore, #tpu.memory_space<semaphore_mem>>)
      %dma_wait3A_448 = tpu.memref_slice %arg6[%mul3A_311] : memref<425984xi32, #tpu.memory_space<hbm>> -> memref<1664xi32, #tpu.memory_space<hbm>>
      %dma_wait3A_449 = tpu.memref_slice %arg6[%mul3A_311] : memref<425984xi32, #tpu.memory_space<hbm>> -> memref<1664xi32, #tpu.memory_space<hbm>>
      tpu.wait_dma2 semaphore(%run_scoped3A : memref<!tpu.dma_semaphore, #tpu.memory_space<semaphore_mem>>) src(%dma_wait3A_449 : memref<1664xi32, #tpu.memory_space<hbm>>) dst(%arg10 : memref<1664xi32, #tpu.memory_space<vmem>>)
      tpu.yield
    }) : () -> ()
    %scan3A_312 = arith.constant 0 : i32
    %scan3A_313 = arith.constant 0 : i32
    %scan3A_314 = arith.constant 104 : i32
    %scan3A_315 = arith.addi %scan3A_313, %scan3A_314 : i32
    %scan3A_316 = arith.constant 1 : i32
    scf.for %scan3A_446 = %scan3A_313 to %scan3A_315 step %scan3A_316  : i32 {
      %mul3A_447 = arith.constant 16 : i32
      %mul3A_448 = arith.muli %scan3A_446, %mul3A_447 : i32
      %get3A = arith.index_cast %mul3A_448 : i32 to index
      %get3A_449 = tpu.vector_load %arg10[%get3A] {strides = array<i32>} : memref<1664xi32, #tpu.memory_space<vmem>>, vector<16xi32>,
      %mul3A_450 = arith.constant 16 : i32
      %mul3A_451 = arith.muli %scan3A_446, %mul3A_450 : i32
      %get3A_452 = arith.index_cast %mul3A_451 : i32 to index
      %get3A_453 = tpu.vector_load %arg16[%get3A_452] {strides = array<i32>} : memref<1664xi32, #tpu.memory_space<vmem>>, vector<16xi32>,
      %add3A_454 = arith.addi %get3A_449, %get3A_453 : vector<16xi32>
      %mul3A_455 = arith.constant 16 : i32
      %mul3A_456 = arith.muli %scan3A_446, %mul3A_455 : i32
      %swap3A = arith.index_cast %mul3A_456 : i32 to index
      %swap3A_457 = tpu.vector_load %arg12[%swap3A] {strides = array<i32>} : memref<1664xi32, #tpu.memory_space<vmem>>, vector<16xi32>,
      tpu.vector_store %arg12[%swap3A], %add3A_454 {strides = array<i32>} : memref<1664xi32, #tpu.memory_space<vmem>>, vector<16xi32>,
    }
    %scan3A_317 = arith.constant 104 : i32
    %dma_start3A_318 = arith.constant 0 : i32
    %dma_start3A_319 = tpu.memref_slice %arg14[%dma_start3A_318] : memref<6656xf32, #tpu.memory_space<vmem>> -> memref<1664xf32, #tpu.memory_space<vmem>>
    %dma_start3A_320 = arith.constant 0 : i32
    %dma_start3A_321 = tpu.memref_slice %arg2[%dma_start3A_320] : memref<2600000xf32, #tpu.memory_space<hbm>> -> memref<2600000xf32, #tpu.memory_space<hbm>>
    tpu.enqueue_indirect_dma source(%dma_start3A_321 : memref<2600000xf32, #tpu.memory_space<hbm>>) target(%dma_start3A_319 : memref<1664xf32, #tpu.memory_space<vmem>>) offsets(%arg12 : memref<1664xi32, #tpu.memory_space<vmem>>) semaphore(%arg18 : memref<!tpu.dma_semaphore, #tpu.memory_space<semaphore_mem>>)
    %dma_start3A_322 = arith.constant 1664 : i32
    %dma_start3A_323 = tpu.memref_slice %arg14[%dma_start3A_322] : memref<6656xf32, #tpu.memory_space<vmem>> -> memref<1664xf32, #tpu.memory_space<vmem>>
    %dma_start3A_324 = arith.constant 0 : i32
    %dma_start3A_325 = tpu.memref_slice %arg3[%dma_start3A_324] : memref<2600000xf32, #tpu.memory_space<hbm>> -> memref<2600000xf32, #tpu.memory_space<hbm>>
    tpu.enqueue_indirect_dma source(%dma_start3A_325 : memref<2600000xf32, #tpu.memory_space<hbm>>) target(%dma_start3A_323 : memref<1664xf32, #tpu.memory_space<vmem>>) offsets(%arg12 : memref<1664xi32, #tpu.memory_space<vmem>>) semaphore(%arg18 : memref<!tpu.dma_semaphore, #tpu.memory_space<semaphore_mem>>)
    %dma_start3A_326 = arith.constant 3328 : i32
    %dma_start3A_327 = tpu.memref_slice %arg14[%dma_start3A_326] : memref<6656xf32, #tpu.memory_space<vmem>> -> memref<1664xf32, #tpu.memory_space<vmem>>
    %dma_start3A_328 = arith.constant 0 : i32
    %dma_start3A_329 = tpu.memref_slice %arg4[%dma_start3A_328] : memref<2600000xf32, #tpu.memory_space<hbm>> -> memref<2600000xf32, #tpu.memory_space<hbm>>
    tpu.enqueue_indirect_dma source(%dma_start3A_329 : memref<2600000xf32, #tpu.memory_space<hbm>>) target(%dma_start3A_327 : memref<1664xf32, #tpu.memory_space<vmem>>) offsets(%arg12 : memref<1664xi32, #tpu.memory_space<vmem>>) semaphore(%arg18 : memref<!tpu.dma_semaphore, #tpu.memory_space<semaphore_mem>>)
    %dma_start3A_330 = arith.constant 4992 : i32
    %dma_start3A_331 = tpu.memref_slice %arg14[%dma_start3A_330] : memref<6656xf32, #tpu.memory_space<vmem>> -> memref<1664xf32, #tpu.memory_space<vmem>>
    %dma_start3A_332 = arith.constant 0 : i32
    %dma_start3A_333 = tpu.memref_slice %arg5[%dma_start3A_332] : memref<2600000xf32, #tpu.memory_space<hbm>> -> memref<2600000xf32, #tpu.memory_space<hbm>>
    tpu.enqueue_indirect_dma source(%dma_start3A_333 : memref<2600000xf32, #tpu.memory_space<hbm>>) target(%dma_start3A_331 : memref<1664xf32, #tpu.memory_space<vmem>>) offsets(%arg12 : memref<1664xi32, #tpu.memory_space<vmem>>) semaphore(%arg18 : memref<!tpu.dma_semaphore, #tpu.memory_space<semaphore_mem>>)
    %mul3A_334 = arith.constant 8 : i32
    %mul3A_335 = arith.muli %add3A, %mul3A_334 : i32
    %add3A_336 = arith.constant 5 : i32
    %add3A_337 = arith.addi %mul3A_335, %add3A_336 : i32
    %dma_wait3A_338 = arith.constant 0 : i32
    %dma_wait3A_339 = tpu.memref_slice %arg15[%dma_wait3A_338] : memref<6656xf32, #tpu.memory_space<vmem>> -> memref<1664xf32, #tpu.memory_space<vmem>>
    %dma_wait3A_340 = arith.constant 0 : i32
    %dma_wait3A_341 = tpu.memref_slice %arg2[%dma_wait3A_340] : memref<2600000xf32, #tpu.memory_space<hbm>> -> memref<2600000xf32, #tpu.memory_space<hbm>>
    tpu.wait_indirect_dma semaphore(%arg19 : memref<!tpu.dma_semaphore, #tpu.memory_space<semaphore_mem>>) src(%dma_wait3A_341 : memref<2600000xf32, #tpu.memory_space<hbm>>) dst(%dma_wait3A_339 : memref<1664xf32, #tpu.memory_space<vmem>>)
    %dma_wait3A_342 = arith.constant 1664 : i32
    %dma_wait3A_343 = tpu.memref_slice %arg15[%dma_wait3A_342] : memref<6656xf32, #tpu.memory_space<vmem>> -> memref<1664xf32, #tpu.memory_space<vmem>>
    %dma_wait3A_344 = arith.constant 0 : i32
    %dma_wait3A_345 = tpu.memref_slice %arg3[%dma_wait3A_344] : memref<2600000xf32, #tpu.memory_space<hbm>> -> memref<2600000xf32, #tpu.memory_space<hbm>>
    tpu.wait_indirect_dma semaphore(%arg19 : memref<!tpu.dma_semaphore, #tpu.memory_space<semaphore_mem>>) src(%dma_wait3A_345 : memref<2600000xf32, #tpu.memory_space<hbm>>) dst(%dma_wait3A_343 : memref<1664xf32, #tpu.memory_space<vmem>>)
    %dma_wait3A_346 = arith.constant 3328 : i32
    %dma_wait3A_347 = tpu.memref_slice %arg15[%dma_wait3A_346] : memref<6656xf32, #tpu.memory_space<vmem>> -> memref<1664xf32, #tpu.memory_space<vmem>>
    %dma_wait3A_348 = arith.constant 0 : i32
    %dma_wait3A_349 = tpu.memref_slice %arg4[%dma_wait3A_348] : memref<2600000xf32, #tpu.memory_space<hbm>> -> memref<2600000xf32, #tpu.memory_space<hbm>>
    tpu.wait_indirect_dma semaphore(%arg19 : memref<!tpu.dma_semaphore, #tpu.memory_space<semaphore_mem>>) src(%dma_wait3A_349 : memref<2600000xf32, #tpu.memory_space<hbm>>) dst(%dma_wait3A_347 : memref<1664xf32, #tpu.memory_space<vmem>>)
    %dma_wait3A_350 = arith.constant 4992 : i32
    %dma_wait3A_351 = tpu.memref_slice %arg15[%dma_wait3A_350] : memref<6656xf32, #tpu.memory_space<vmem>> -> memref<1664xf32, #tpu.memory_space<vmem>>
    %dma_wait3A_352 = arith.constant 0 : i32
    %dma_wait3A_353 = tpu.memref_slice %arg5[%dma_wait3A_352] : memref<2600000xf32, #tpu.memory_space<hbm>> -> memref<2600000xf32, #tpu.memory_space<hbm>>
    tpu.wait_indirect_dma semaphore(%arg19 : memref<!tpu.dma_semaphore, #tpu.memory_space<semaphore_mem>>) src(%dma_wait3A_353 : memref<2600000xf32, #tpu.memory_space<hbm>>) dst(%dma_wait3A_351 : memref<1664xf32, #tpu.memory_space<vmem>>)
    %scan3A_354 = arith.constant 0 : i32
    %scan3A_355 = arith.constant 0 : i32
    %scan3A_356 = arith.constant 104 : i32
    %scan3A_357 = arith.addi %scan3A_355, %scan3A_356 : i32
    %scan3A_358 = arith.constant 1 : i32
    scf.for %scan3A_446 = %scan3A_355 to %scan3A_357 step %scan3A_358  : i32 {
      %mul3A_447 = arith.constant 16 : i32
      %mul3A_448 = arith.muli %scan3A_446, %mul3A_447 : i32
      %add3A_449 = vector.broadcast %mul3A_448 : i32 to vector<16xi32>
      %add3A_450 = arith.addi %add3A_449, %iota3A : vector<16xi32>
      %mul3A_451 = arith.constant 4 : i32
      %mul3A_452 = vector.broadcast %mul3A_451 : i32 to vector<16xi32>
      %mul3A_453 = arith.muli %add3A_450, %mul3A_452 : vector<16xi32>
      %mul3A_454 = arith.constant 16 : i32
      %mul3A_455 = arith.muli %scan3A_446, %mul3A_454 : i32
      %add3A_456 = arith.constant 0 : i32
      %add3A_457 = arith.addi %add3A_456, %mul3A_455 : i32
      %get3A = arith.index_cast %add3A_457 : i32 to index
      %get3A_458 = tpu.vector_load %arg15[%get3A] {strides = array<i32>} : memref<6656xf32, #tpu.memory_space<vmem>>, vector<16xf32>,
      %add3A_459 = arith.constant 0 : i32
      %add3A_460 = vector.broadcast %add3A_459 : i32 to vector<16xi32>
      %add3A_461 = arith.addi %mul3A_453, %add3A_460 : vector<16xi32>
      tpu.vector_store_idx %arg17[%add3A_461], %get3A_458 : memref<6656xf32, #tpu.memory_space<vmem>>[vector<16xi32>], vector<16xf32>,
      %mul3A_462 = arith.constant 16 : i32
      %mul3A_463 = arith.muli %scan3A_446, %mul3A_462 : i32
      %add3A_464 = arith.constant 1664 : i32
      %add3A_465 = arith.addi %add3A_464, %mul3A_463 : i32
      %get3A_466 = arith.index_cast %add3A_465 : i32 to index
      %get3A_467 = tpu.vector_load %arg15[%get3A_466] {strides = array<i32>} : memref<6656xf32, #tpu.memory_space<vmem>>, vector<16xf32>,
      %add3A_468 = arith.constant 1 : i32
      %add3A_469 = vector.broadcast %add3A_468 : i32 to vector<16xi32>
      %add3A_470 = arith.addi %mul3A_453, %add3A_469 : vector<16xi32>
      tpu.vector_store_idx %arg17[%add3A_470], %get3A_467 : memref<6656xf32, #tpu.memory_space<vmem>>[vector<16xi32>], vector<16xf32>,
      %mul3A_471 = arith.constant 16 : i32
      %mul3A_472 = arith.muli %scan3A_446, %mul3A_471 : i32
      %add3A_473 = arith.constant 3328 : i32
      %add3A_474 = arith.addi %add3A_473, %mul3A_472 : i32
      %get3A_475 = arith.index_cast %add3A_474 : i32 to index
      %get3A_476 = tpu.vector_load %arg15[%get3A_475] {strides = array<i32>} : memref<6656xf32, #tpu.memory_space<vmem>>, vector<16xf32>,
      %add3A_477 = arith.constant 2 : i32
      %add3A_478 = vector.broadcast %add3A_477 : i32 to vector<16xi32>
      %add3A_479 = arith.addi %mul3A_453, %add3A_478 : vector<16xi32>
      tpu.vector_store_idx %arg17[%add3A_479], %get3A_476 : memref<6656xf32, #tpu.memory_space<vmem>>[vector<16xi32>], vector<16xf32>,
      %mul3A_480 = arith.constant 16 : i32
      %mul3A_481 = arith.muli %scan3A_446, %mul3A_480 : i32
      %add3A_482 = arith.constant 4992 : i32
      %add3A_483 = arith.addi %add3A_482, %mul3A_481 : i32
      %get3A_484 = arith.index_cast %add3A_483 : i32 to index
      %get3A_485 = tpu.vector_load %arg15[%get3A_484] {strides = array<i32>} : memref<6656xf32, #tpu.memory_space<vmem>>, vector<16xf32>,
      %add3A_486 = arith.constant 3 : i32
      %add3A_487 = vector.broadcast %add3A_486 : i32 to vector<16xi32>
      %add3A_488 = arith.addi %mul3A_453, %add3A_487 : vector<16xi32>
      tpu.vector_store_idx %arg17[%add3A_488], %get3A_485 : memref<6656xf32, #tpu.memory_space<vmem>>[vector<16xi32>], vector<16xf32>,
    }
    %scan3A_359 = arith.constant 104 : i32
    %mul3A_360 = arith.constant 6656 : i32
    %mul3A_361 = arith.muli %add3A_337, %mul3A_360 : i32
    "tpu.region"() ({
      %run_scoped3A = tpu.sem_alloc : memref<!tpu.dma_semaphore, #tpu.memory_space<semaphore_mem>>
      %dma_start3A_446 = tpu.memref_slice %arg9[%mul3A_361] : memref<1703936xf32, #tpu.memory_space<hbm>> -> memref<6656xf32, #tpu.memory_space<hbm>>
      %dma_start3A_447 = tpu.memref_slice %arg9[%mul3A_361] : memref<1703936xf32, #tpu.memory_space<hbm>> -> memref<6656xf32, #tpu.memory_space<hbm>>
      tpu.enqueue_dma source(%arg17 : memref<6656xf32, #tpu.memory_space<vmem>>) target(%dma_start3A_447 : memref<6656xf32, #tpu.memory_space<hbm>>) target_semaphore(%run_scoped3A : memref<!tpu.dma_semaphore, #tpu.memory_space<semaphore_mem>>)
      %dma_wait3A_448 = tpu.memref_slice %arg9[%mul3A_361] : memref<1703936xf32, #tpu.memory_space<hbm>> -> memref<6656xf32, #tpu.memory_space<hbm>>
      %dma_wait3A_449 = tpu.memref_slice %arg9[%mul3A_361] : memref<1703936xf32, #tpu.memory_space<hbm>> -> memref<6656xf32, #tpu.memory_space<hbm>>
      tpu.wait_dma2 semaphore(%run_scoped3A : memref<!tpu.dma_semaphore, #tpu.memory_space<semaphore_mem>>) src(%arg17 : memref<6656xf32, #tpu.memory_space<vmem>>) dst(%dma_wait3A_449 : memref<6656xf32, #tpu.memory_space<hbm>>)
      tpu.yield
    }) : () -> ()
    %mul3A_362 = arith.constant 8 : i32
    %mul3A_363 = arith.muli %add3A, %mul3A_362 : i32
    %add3A_364 = arith.constant 7 : i32
    %add3A_365 = arith.addi %mul3A_363, %add3A_364 : i32
    %mul3A_366 = arith.constant 1664 : i32
    %mul3A_367 = arith.muli %add3A_365, %mul3A_366 : i32
    "tpu.region"() ({
      %run_scoped3A = tpu.sem_alloc : memref<!tpu.dma_semaphore, #tpu.memory_space<semaphore_mem>>
      %dma_start3A_446 = tpu.memref_slice %arg6[%mul3A_367] : memref<425984xi32, #tpu.memory_space<hbm>> -> memref<1664xi32, #tpu.memory_space<hbm>>
      %dma_start3A_447 = tpu.memref_slice %arg6[%mul3A_367] : memref<425984xi32, #tpu.memory_space<hbm>> -> memref<1664xi32, #tpu.memory_space<hbm>>
      tpu.enqueue_dma source(%dma_start3A_447 : memref<1664xi32, #tpu.memory_space<hbm>>) target(%arg11 : memref<1664xi32, #tpu.memory_space<vmem>>) target_semaphore(%run_scoped3A : memref<!tpu.dma_semaphore, #tpu.memory_space<semaphore_mem>>)
      %dma_wait3A_448 = tpu.memref_slice %arg6[%mul3A_367] : memref<425984xi32, #tpu.memory_space<hbm>> -> memref<1664xi32, #tpu.memory_space<hbm>>
      %dma_wait3A_449 = tpu.memref_slice %arg6[%mul3A_367] : memref<425984xi32, #tpu.memory_space<hbm>> -> memref<1664xi32, #tpu.memory_space<hbm>>
      tpu.wait_dma2 semaphore(%run_scoped3A : memref<!tpu.dma_semaphore, #tpu.memory_space<semaphore_mem>>) src(%dma_wait3A_449 : memref<1664xi32, #tpu.memory_space<hbm>>) dst(%arg11 : memref<1664xi32, #tpu.memory_space<vmem>>)
      tpu.yield
    }) : () -> ()
    %scan3A_368 = arith.constant 0 : i32
    %scan3A_369 = arith.constant 0 : i32
    %scan3A_370 = arith.constant 104 : i32
    %scan3A_371 = arith.addi %scan3A_369, %scan3A_370 : i32
    %scan3A_372 = arith.constant 1 : i32
    scf.for %scan3A_446 = %scan3A_369 to %scan3A_371 step %scan3A_372  : i32 {
      %mul3A_447 = arith.constant 16 : i32
      %mul3A_448 = arith.muli %scan3A_446, %mul3A_447 : i32
      %get3A = arith.index_cast %mul3A_448 : i32 to index
      %get3A_449 = tpu.vector_load %arg11[%get3A] {strides = array<i32>} : memref<1664xi32, #tpu.memory_space<vmem>>, vector<16xi32>,
      %mul3A_450 = arith.constant 16 : i32
      %mul3A_451 = arith.muli %scan3A_446, %mul3A_450 : i32
      %get3A_452 = arith.index_cast %mul3A_451 : i32 to index
      %get3A_453 = tpu.vector_load %arg16[%get3A_452] {strides = array<i32>} : memref<1664xi32, #tpu.memory_space<vmem>>, vector<16xi32>,
      %add3A_454 = arith.addi %get3A_449, %get3A_453 : vector<16xi32>
      %mul3A_455 = arith.constant 16 : i32
      %mul3A_456 = arith.muli %scan3A_446, %mul3A_455 : i32
      %swap3A = arith.index_cast %mul3A_456 : i32 to index
      %swap3A_457 = tpu.vector_load %arg13[%swap3A] {strides = array<i32>} : memref<1664xi32, #tpu.memory_space<vmem>>, vector<16xi32>,
      tpu.vector_store %arg13[%swap3A], %add3A_454 {strides = array<i32>} : memref<1664xi32, #tpu.memory_space<vmem>>, vector<16xi32>,
    }
    %scan3A_373 = arith.constant 104 : i32
    %dma_start3A_374 = arith.constant 0 : i32
    %dma_start3A_375 = tpu.memref_slice %arg15[%dma_start3A_374] : memref<6656xf32, #tpu.memory_space<vmem>> -> memref<1664xf32, #tpu.memory_space<vmem>>
    %dma_start3A_376 = arith.constant 0 : i32
    %dma_start3A_377 = tpu.memref_slice %arg2[%dma_start3A_376] : memref<2600000xf32, #tpu.memory_space<hbm>> -> memref<2600000xf32, #tpu.memory_space<hbm>>
    tpu.enqueue_indirect_dma source(%dma_start3A_377 : memref<2600000xf32, #tpu.memory_space<hbm>>) target(%dma_start3A_375 : memref<1664xf32, #tpu.memory_space<vmem>>) offsets(%arg13 : memref<1664xi32, #tpu.memory_space<vmem>>) semaphore(%arg19 : memref<!tpu.dma_semaphore, #tpu.memory_space<semaphore_mem>>)
    %dma_start3A_378 = arith.constant 1664 : i32
    %dma_start3A_379 = tpu.memref_slice %arg15[%dma_start3A_378] : memref<6656xf32, #tpu.memory_space<vmem>> -> memref<1664xf32, #tpu.memory_space<vmem>>
    %dma_start3A_380 = arith.constant 0 : i32
    %dma_start3A_381 = tpu.memref_slice %arg3[%dma_start3A_380] : memref<2600000xf32, #tpu.memory_space<hbm>> -> memref<2600000xf32, #tpu.memory_space<hbm>>
    tpu.enqueue_indirect_dma source(%dma_start3A_381 : memref<2600000xf32, #tpu.memory_space<hbm>>) target(%dma_start3A_379 : memref<1664xf32, #tpu.memory_space<vmem>>) offsets(%arg13 : memref<1664xi32, #tpu.memory_space<vmem>>) semaphore(%arg19 : memref<!tpu.dma_semaphore, #tpu.memory_space<semaphore_mem>>)
    %dma_start3A_382 = arith.constant 3328 : i32
    %dma_start3A_383 = tpu.memref_slice %arg15[%dma_start3A_382] : memref<6656xf32, #tpu.memory_space<vmem>> -> memref<1664xf32, #tpu.memory_space<vmem>>
    %dma_start3A_384 = arith.constant 0 : i32
    %dma_start3A_385 = tpu.memref_slice %arg4[%dma_start3A_384] : memref<2600000xf32, #tpu.memory_space<hbm>> -> memref<2600000xf32, #tpu.memory_space<hbm>>
    tpu.enqueue_indirect_dma source(%dma_start3A_385 : memref<2600000xf32, #tpu.memory_space<hbm>>) target(%dma_start3A_383 : memref<1664xf32, #tpu.memory_space<vmem>>) offsets(%arg13 : memref<1664xi32, #tpu.memory_space<vmem>>) semaphore(%arg19 : memref<!tpu.dma_semaphore, #tpu.memory_space<semaphore_mem>>)
    %dma_start3A_386 = arith.constant 4992 : i32
    %dma_start3A_387 = tpu.memref_slice %arg15[%dma_start3A_386] : memref<6656xf32, #tpu.memory_space<vmem>> -> memref<1664xf32, #tpu.memory_space<vmem>>
    %dma_start3A_388 = arith.constant 0 : i32
    %dma_start3A_389 = tpu.memref_slice %arg5[%dma_start3A_388] : memref<2600000xf32, #tpu.memory_space<hbm>> -> memref<2600000xf32, #tpu.memory_space<hbm>>
    tpu.enqueue_indirect_dma source(%dma_start3A_389 : memref<2600000xf32, #tpu.memory_space<hbm>>) target(%dma_start3A_387 : memref<1664xf32, #tpu.memory_space<vmem>>) offsets(%arg13 : memref<1664xi32, #tpu.memory_space<vmem>>) semaphore(%arg19 : memref<!tpu.dma_semaphore, #tpu.memory_space<semaphore_mem>>)
    %mul3A_390 = arith.constant 8 : i32
    %mul3A_391 = arith.muli %add3A, %mul3A_390 : i32
    %add3A_392 = arith.constant 6 : i32
    %add3A_393 = arith.addi %mul3A_391, %add3A_392 : i32
    %dma_wait3A_394 = arith.constant 0 : i32
    %dma_wait3A_395 = tpu.memref_slice %arg14[%dma_wait3A_394] : memref<6656xf32, #tpu.memory_space<vmem>> -> memref<1664xf32, #tpu.memory_space<vmem>>
    %dma_wait3A_396 = arith.constant 0 : i32
    %dma_wait3A_397 = tpu.memref_slice %arg2[%dma_wait3A_396] : memref<2600000xf32, #tpu.memory_space<hbm>> -> memref<2600000xf32, #tpu.memory_space<hbm>>
    tpu.wait_indirect_dma semaphore(%arg18 : memref<!tpu.dma_semaphore, #tpu.memory_space<semaphore_mem>>) src(%dma_wait3A_397 : memref<2600000xf32, #tpu.memory_space<hbm>>) dst(%dma_wait3A_395 : memref<1664xf32, #tpu.memory_space<vmem>>)
    %dma_wait3A_398 = arith.constant 1664 : i32
    %dma_wait3A_399 = tpu.memref_slice %arg14[%dma_wait3A_398] : memref<6656xf32, #tpu.memory_space<vmem>> -> memref<1664xf32, #tpu.memory_space<vmem>>
    %dma_wait3A_400 = arith.constant 0 : i32
    %dma_wait3A_401 = tpu.memref_slice %arg3[%dma_wait3A_400] : memref<2600000xf32, #tpu.memory_space<hbm>> -> memref<2600000xf32, #tpu.memory_space<hbm>>
    tpu.wait_indirect_dma semaphore(%arg18 : memref<!tpu.dma_semaphore, #tpu.memory_space<semaphore_mem>>) src(%dma_wait3A_401 : memref<2600000xf32, #tpu.memory_space<hbm>>) dst(%dma_wait3A_399 : memref<1664xf32, #tpu.memory_space<vmem>>)
    %dma_wait3A_402 = arith.constant 3328 : i32
    %dma_wait3A_403 = tpu.memref_slice %arg14[%dma_wait3A_402] : memref<6656xf32, #tpu.memory_space<vmem>> -> memref<1664xf32, #tpu.memory_space<vmem>>
    %dma_wait3A_404 = arith.constant 0 : i32
    %dma_wait3A_405 = tpu.memref_slice %arg4[%dma_wait3A_404] : memref<2600000xf32, #tpu.memory_space<hbm>> -> memref<2600000xf32, #tpu.memory_space<hbm>>
    tpu.wait_indirect_dma semaphore(%arg18 : memref<!tpu.dma_semaphore, #tpu.memory_space<semaphore_mem>>) src(%dma_wait3A_405 : memref<2600000xf32, #tpu.memory_space<hbm>>) dst(%dma_wait3A_403 : memref<1664xf32, #tpu.memory_space<vmem>>)
    %dma_wait3A_406 = arith.constant 4992 : i32
    %dma_wait3A_407 = tpu.memref_slice %arg14[%dma_wait3A_406] : memref<6656xf32, #tpu.memory_space<vmem>> -> memref<1664xf32, #tpu.memory_space<vmem>>
    %dma_wait3A_408 = arith.constant 0 : i32
    %dma_wait3A_409 = tpu.memref_slice %arg5[%dma_wait3A_408] : memref<2600000xf32, #tpu.memory_space<hbm>> -> memref<2600000xf32, #tpu.memory_space<hbm>>
    tpu.wait_indirect_dma semaphore(%arg18 : memref<!tpu.dma_semaphore, #tpu.memory_space<semaphore_mem>>) src(%dma_wait3A_409 : memref<2600000xf32, #tpu.memory_space<hbm>>) dst(%dma_wait3A_407 : memref<1664xf32, #tpu.memory_space<vmem>>)
    %scan3A_410 = arith.constant 0 : i32
    %scan3A_411 = arith.constant 0 : i32
    %scan3A_412 = arith.constant 104 : i32
    %scan3A_413 = arith.addi %scan3A_411, %scan3A_412 : i32
    %scan3A_414 = arith.constant 1 : i32
    scf.for %scan3A_446 = %scan3A_411 to %scan3A_413 step %scan3A_414  : i32 {
      %mul3A_447 = arith.constant 16 : i32
      %mul3A_448 = arith.muli %scan3A_446, %mul3A_447 : i32
      %add3A_449 = vector.broadcast %mul3A_448 : i32 to vector<16xi32>
      %add3A_450 = arith.addi %add3A_449, %iota3A : vector<16xi32>
      %mul3A_451 = arith.constant 4 : i32
      %mul3A_452 = vector.broadcast %mul3A_451 : i32 to vector<16xi32>
      %mul3A_453 = arith.muli %add3A_450, %mul3A_452 : vector<16xi32>
      %mul3A_454 = arith.constant 16 : i32
      %mul3A_455 = arith.muli %scan3A_446, %mul3A_454 : i32
      %add3A_456 = arith.constant 0 : i32
      %add3A_457 = arith.addi %add3A_456, %mul3A_455 : i32
      %get3A = arith.index_cast %add3A_457 : i32 to index
      %get3A_458 = tpu.vector_load %arg14[%get3A] {strides = array<i32>} : memref<6656xf32, #tpu.memory_space<vmem>>, vector<16xf32>,
      %add3A_459 = arith.constant 0 : i32
      %add3A_460 = vector.broadcast %add3A_459 : i32 to vector<16xi32>
      %add3A_461 = arith.addi %mul3A_453, %add3A_460 : vector<16xi32>
      tpu.vector_store_idx %arg17[%add3A_461], %get3A_458 : memref<6656xf32, #tpu.memory_space<vmem>>[vector<16xi32>], vector<16xf32>,
      %mul3A_462 = arith.constant 16 : i32
      %mul3A_463 = arith.muli %scan3A_446, %mul3A_462 : i32
      %add3A_464 = arith.constant 1664 : i32
      %add3A_465 = arith.addi %add3A_464, %mul3A_463 : i32
      %get3A_466 = arith.index_cast %add3A_465 : i32 to index
      %get3A_467 = tpu.vector_load %arg14[%get3A_466] {strides = array<i32>} : memref<6656xf32, #tpu.memory_space<vmem>>, vector<16xf32>,
      %add3A_468 = arith.constant 1 : i32
      %add3A_469 = vector.broadcast %add3A_468 : i32 to vector<16xi32>
      %add3A_470 = arith.addi %mul3A_453, %add3A_469 : vector<16xi32>
      tpu.vector_store_idx %arg17[%add3A_470], %get3A_467 : memref<6656xf32, #tpu.memory_space<vmem>>[vector<16xi32>], vector<16xf32>,
      %mul3A_471 = arith.constant 16 : i32
      %mul3A_472 = arith.muli %scan3A_446, %mul3A_471 : i32
      %add3A_473 = arith.constant 3328 : i32
      %add3A_474 = arith.addi %add3A_473, %mul3A_472 : i32
      %get3A_475 = arith.index_cast %add3A_474 : i32 to index
      %get3A_476 = tpu.vector_load %arg14[%get3A_475] {strides = array<i32>} : memref<6656xf32, #tpu.memory_space<vmem>>, vector<16xf32>,
      %add3A_477 = arith.constant 2 : i32
      %add3A_478 = vector.broadcast %add3A_477 : i32 to vector<16xi32>
      %add3A_479 = arith.addi %mul3A_453, %add3A_478 : vector<16xi32>
      tpu.vector_store_idx %arg17[%add3A_479], %get3A_476 : memref<6656xf32, #tpu.memory_space<vmem>>[vector<16xi32>], vector<16xf32>,
      %mul3A_480 = arith.constant 16 : i32
      %mul3A_481 = arith.muli %scan3A_446, %mul3A_480 : i32
      %add3A_482 = arith.constant 4992 : i32
      %add3A_483 = arith.addi %add3A_482, %mul3A_481 : i32
      %get3A_484 = arith.index_cast %add3A_483 : i32 to index
      %get3A_485 = tpu.vector_load %arg14[%get3A_484] {strides = array<i32>} : memref<6656xf32, #tpu.memory_space<vmem>>, vector<16xf32>,
      %add3A_486 = arith.constant 3 : i32
      %add3A_487 = vector.broadcast %add3A_486 : i32 to vector<16xi32>
      %add3A_488 = arith.addi %mul3A_453, %add3A_487 : vector<16xi32>
      tpu.vector_store_idx %arg17[%add3A_488], %get3A_485 : memref<6656xf32, #tpu.memory_space<vmem>>[vector<16xi32>], vector<16xf32>,
    }
    %scan3A_415 = arith.constant 104 : i32
    %mul3A_416 = arith.constant 6656 : i32
    %mul3A_417 = arith.muli %add3A_393, %mul3A_416 : i32
    "tpu.region"() ({
      %run_scoped3A = tpu.sem_alloc : memref<!tpu.dma_semaphore, #tpu.memory_space<semaphore_mem>>
      %dma_start3A_446 = tpu.memref_slice %arg9[%mul3A_417] : memref<1703936xf32, #tpu.memory_space<hbm>> -> memref<6656xf32, #tpu.memory_space<hbm>>
      %dma_start3A_447 = tpu.memref_slice %arg9[%mul3A_417] : memref<1703936xf32, #tpu.memory_space<hbm>> -> memref<6656xf32, #tpu.memory_space<hbm>>
      tpu.enqueue_dma source(%arg17 : memref<6656xf32, #tpu.memory_space<vmem>>) target(%dma_start3A_447 : memref<6656xf32, #tpu.memory_space<hbm>>) target_semaphore(%run_scoped3A : memref<!tpu.dma_semaphore, #tpu.memory_space<semaphore_mem>>)
      %dma_wait3A_448 = tpu.memref_slice %arg9[%mul3A_417] : memref<1703936xf32, #tpu.memory_space<hbm>> -> memref<6656xf32, #tpu.memory_space<hbm>>
      %dma_wait3A_449 = tpu.memref_slice %arg9[%mul3A_417] : memref<1703936xf32, #tpu.memory_space<hbm>> -> memref<6656xf32, #tpu.memory_space<hbm>>
      tpu.wait_dma2 semaphore(%run_scoped3A : memref<!tpu.dma_semaphore, #tpu.memory_space<semaphore_mem>>) src(%arg17 : memref<6656xf32, #tpu.memory_space<vmem>>) dst(%dma_wait3A_449 : memref<6656xf32, #tpu.memory_space<hbm>>)
      tpu.yield
    }) : () -> ()
    %mul3A_418 = arith.constant 8 : i32
    %mul3A_419 = arith.muli %add3A, %mul3A_418 : i32
    %add3A_420 = arith.constant 7 : i32
    %add3A_421 = arith.addi %mul3A_419, %add3A_420 : i32
    %dma_wait3A_422 = arith.constant 0 : i32
    %dma_wait3A_423 = tpu.memref_slice %arg15[%dma_wait3A_422] : memref<6656xf32, #tpu.memory_space<vmem>> -> memref<1664xf32, #tpu.memory_space<vmem>>
    %dma_wait3A_424 = arith.constant 0 : i32
    %dma_wait3A_425 = tpu.memref_slice %arg2[%dma_wait3A_424] : memref<2600000xf32, #tpu.memory_space<hbm>> -> memref<2600000xf32, #tpu.memory_space<hbm>>
    tpu.wait_indirect_dma semaphore(%arg19 : memref<!tpu.dma_semaphore, #tpu.memory_space<semaphore_mem>>) src(%dma_wait3A_425 : memref<2600000xf32, #tpu.memory_space<hbm>>) dst(%dma_wait3A_423 : memref<1664xf32, #tpu.memory_space<vmem>>)
    %dma_wait3A_426 = arith.constant 1664 : i32
    %dma_wait3A_427 = tpu.memref_slice %arg15[%dma_wait3A_426] : memref<6656xf32, #tpu.memory_space<vmem>> -> memref<1664xf32, #tpu.memory_space<vmem>>
    %dma_wait3A_428 = arith.constant 0 : i32
    %dma_wait3A_429 = tpu.memref_slice %arg3[%dma_wait3A_428] : memref<2600000xf32, #tpu.memory_space<hbm>> -> memref<2600000xf32, #tpu.memory_space<hbm>>
    tpu.wait_indirect_dma semaphore(%arg19 : memref<!tpu.dma_semaphore, #tpu.memory_space<semaphore_mem>>) src(%dma_wait3A_429 : memref<2600000xf32, #tpu.memory_space<hbm>>) dst(%dma_wait3A_427 : memref<1664xf32, #tpu.memory_space<vmem>>)
    %dma_wait3A_430 = arith.constant 3328 : i32
    %dma_wait3A_431 = tpu.memref_slice %arg15[%dma_wait3A_430] : memref<6656xf32, #tpu.memory_space<vmem>> -> memref<1664xf32, #tpu.memory_space<vmem>>
    %dma_wait3A_432 = arith.constant 0 : i32
    %dma_wait3A_433 = tpu.memref_slice %arg4[%dma_wait3A_432] : memref<2600000xf32, #tpu.memory_space<hbm>> -> memref<2600000xf32, #tpu.memory_space<hbm>>
    tpu.wait_indirect_dma semaphore(%arg19 : memref<!tpu.dma_semaphore, #tpu.memory_space<semaphore_mem>>) src(%dma_wait3A_433 : memref<2600000xf32, #tpu.memory_space<hbm>>) dst(%dma_wait3A_431 : memref<1664xf32, #tpu.memory_space<vmem>>)
    %dma_wait3A_434 = arith.constant 4992 : i32
    %dma_wait3A_435 = tpu.memref_slice %arg15[%dma_wait3A_434] : memref<6656xf32, #tpu.memory_space<vmem>> -> memref<1664xf32, #tpu.memory_space<vmem>>
    %dma_wait3A_436 = arith.constant 0 : i32
    %dma_wait3A_437 = tpu.memref_slice %arg5[%dma_wait3A_436] : memref<2600000xf32, #tpu.memory_space<hbm>> -> memref<2600000xf32, #tpu.memory_space<hbm>>
    tpu.wait_indirect_dma semaphore(%arg19 : memref<!tpu.dma_semaphore, #tpu.memory_space<semaphore_mem>>) src(%dma_wait3A_437 : memref<2600000xf32, #tpu.memory_space<hbm>>) dst(%dma_wait3A_435 : memref<1664xf32, #tpu.memory_space<vmem>>)
    %scan3A_438 = arith.constant 0 : i32
    %scan3A_439 = arith.constant 0 : i32
    %scan3A_440 = arith.constant 104 : i32
    %scan3A_441 = arith.addi %scan3A_439, %scan3A_440 : i32
    %scan3A_442 = arith.constant 1 : i32
    scf.for %scan3A_446 = %scan3A_439 to %scan3A_441 step %scan3A_442  : i32 {
      %mul3A_447 = arith.constant 16 : i32
      %mul3A_448 = arith.muli %scan3A_446, %mul3A_447 : i32
      %add3A_449 = vector.broadcast %mul3A_448 : i32 to vector<16xi32>
      %add3A_450 = arith.addi %add3A_449, %iota3A : vector<16xi32>
      %mul3A_451 = arith.constant 4 : i32
      %mul3A_452 = vector.broadcast %mul3A_451 : i32 to vector<16xi32>
      %mul3A_453 = arith.muli %add3A_450, %mul3A_452 : vector<16xi32>
      %mul3A_454 = arith.constant 16 : i32
      %mul3A_455 = arith.muli %scan3A_446, %mul3A_454 : i32
      %add3A_456 = arith.constant 0 : i32
      %add3A_457 = arith.addi %add3A_456, %mul3A_455 : i32
      %get3A = arith.index_cast %add3A_457 : i32 to index
      %get3A_458 = tpu.vector_load %arg15[%get3A] {strides = array<i32>} : memref<6656xf32, #tpu.memory_space<vmem>>, vector<16xf32>,
      %add3A_459 = arith.constant 0 : i32
      %add3A_460 = vector.broadcast %add3A_459 : i32 to vector<16xi32>
      %add3A_461 = arith.addi %mul3A_453, %add3A_460 : vector<16xi32>
      tpu.vector_store_idx %arg17[%add3A_461], %get3A_458 : memref<6656xf32, #tpu.memory_space<vmem>>[vector<16xi32>], vector<16xf32>,
      %mul3A_462 = arith.constant 16 : i32
      %mul3A_463 = arith.muli %scan3A_446, %mul3A_462 : i32
      %add3A_464 = arith.constant 1664 : i32
      %add3A_465 = arith.addi %add3A_464, %mul3A_463 : i32
      %get3A_466 = arith.index_cast %add3A_465 : i32 to index
      %get3A_467 = tpu.vector_load %arg15[%get3A_466] {strides = array<i32>} : memref<6656xf32, #tpu.memory_space<vmem>>, vector<16xf32>,
      %add3A_468 = arith.constant 1 : i32
      %add3A_469 = vector.broadcast %add3A_468 : i32 to vector<16xi32>
      %add3A_470 = arith.addi %mul3A_453, %add3A_469 : vector<16xi32>
      tpu.vector_store_idx %arg17[%add3A_470], %get3A_467 : memref<6656xf32, #tpu.memory_space<vmem>>[vector<16xi32>], vector<16xf32>,
      %mul3A_471 = arith.constant 16 : i32
      %mul3A_472 = arith.muli %scan3A_446, %mul3A_471 : i32
      %add3A_473 = arith.constant 3328 : i32
      %add3A_474 = arith.addi %add3A_473, %mul3A_472 : i32
      %get3A_475 = arith.index_cast %add3A_474 : i32 to index
      %get3A_476 = tpu.vector_load %arg15[%get3A_475] {strides = array<i32>} : memref<6656xf32, #tpu.memory_space<vmem>>, vector<16xf32>,
      %add3A_477 = arith.constant 2 : i32
      %add3A_478 = vector.broadcast %add3A_477 : i32 to vector<16xi32>
      %add3A_479 = arith.addi %mul3A_453, %add3A_478 : vector<16xi32>
      tpu.vector_store_idx %arg17[%add3A_479], %get3A_476 : memref<6656xf32, #tpu.memory_space<vmem>>[vector<16xi32>], vector<16xf32>,
      %mul3A_480 = arith.constant 16 : i32
      %mul3A_481 = arith.muli %scan3A_446, %mul3A_480 : i32
      %add3A_482 = arith.constant 4992 : i32
      %add3A_483 = arith.addi %add3A_482, %mul3A_481 : i32
      %get3A_484 = arith.index_cast %add3A_483 : i32 to index
      %get3A_485 = tpu.vector_load %arg15[%get3A_484] {strides = array<i32>} : memref<6656xf32, #tpu.memory_space<vmem>>, vector<16xf32>,
      %add3A_486 = arith.constant 3 : i32
      %add3A_487 = vector.broadcast %add3A_486 : i32 to vector<16xi32>
      %add3A_488 = arith.addi %mul3A_453, %add3A_487 : vector<16xi32>
      tpu.vector_store_idx %arg17[%add3A_488], %get3A_485 : memref<6656xf32, #tpu.memory_space<vmem>>[vector<16xi32>], vector<16xf32>,
    }
    %scan3A_443 = arith.constant 104 : i32
    %mul3A_444 = arith.constant 6656 : i32
    %mul3A_445 = arith.muli %add3A_421, %mul3A_444 : i32
    "tpu.region"() ({
      %run_scoped3A = tpu.sem_alloc : memref<!tpu.dma_semaphore, #tpu.memory_space<semaphore_mem>>
      %dma_start3A_446 = tpu.memref_slice %arg9[%mul3A_445] : memref<1703936xf32, #tpu.memory_space<hbm>> -> memref<6656xf32, #tpu.memory_space<hbm>>
      %dma_start3A_447 = tpu.memref_slice %arg9[%mul3A_445] : memref<1703936xf32, #tpu.memory_space<hbm>> -> memref<6656xf32, #tpu.memory_space<hbm>>
      tpu.enqueue_dma source(%arg17 : memref<6656xf32, #tpu.memory_space<vmem>>) target(%dma_start3A_447 : memref<6656xf32, #tpu.memory_space<hbm>>) target_semaphore(%run_scoped3A : memref<!tpu.dma_semaphore, #tpu.memory_space<semaphore_mem>>)
      %dma_wait3A_448 = tpu.memref_slice %arg9[%mul3A_445] : memref<1703936xf32, #tpu.memory_space<hbm>> -> memref<6656xf32, #tpu.memory_space<hbm>>
      %dma_wait3A_449 = tpu.memref_slice %arg9[%mul3A_445] : memref<1703936xf32, #tpu.memory_space<hbm>> -> memref<6656xf32, #tpu.memory_space<hbm>>
      tpu.wait_dma2 semaphore(%run_scoped3A : memref<!tpu.dma_semaphore, #tpu.memory_space<semaphore_mem>>) src(%arg17 : memref<6656xf32, #tpu.memory_space<vmem>>) dst(%dma_wait3A_449 : memref<6656xf32, #tpu.memory_space<hbm>>)
      tpu.yield
    }) : () -> ()
    return
  }
}

#map = affine_map<(d0, d1) -> (0)>
module attributes {stable_mosaic.version = 14 : i64} {
  func.func @_seq_body(%arg0: i32, %arg1: i32, %arg2: memref<400000xf32, #tpu.memory_space<hbm>>, %arg3: memref<400000xf32, #tpu.memory_space<hbm>>, %arg4: memref<400000xf32, #tpu.memory_space<hbm>>, %arg5: memref<400000xf32, #tpu.memory_space<hbm>>, %arg6: memref<3276800xi32, #tpu.memory_space<hbm>>, %arg7: memref<6400xi32, #tpu.memory_space<hbm>>, %arg8: memref<262144xf32, #tpu.memory_space<hbm>>, %arg9: memref<6400xi32, #tpu.memory_space<vmem>>, %arg10: memref<6400xi32, #tpu.memory_space<vmem>>, %arg11: memref<6400xi32, #tpu.memory_space<vmem>>, %arg12: memref<6400xi32, #tpu.memory_space<vmem>>, %arg13: memref<25600xf32, #tpu.memory_space<vmem>>, %arg14: memref<25600xf32, #tpu.memory_space<vmem>>, %arg15: memref<6400xi32, #tpu.memory_space<vmem>>, %arg16: memref<512xf32, #tpu.memory_space<vmem>>, %arg17: memref<!tpu.dma_semaphore, #tpu.memory_space<semaphore_mem>>, %arg18: memref<!tpu.dma_semaphore, #tpu.memory_space<semaphore_mem>>) attributes {dimension_semantics = [#tpu.dimension_semantics<core_parallel>, #tpu.dimension_semantics<subcore_parallel>], iteration_bounds = array<i64: 2, 16>, scalar_prefetch = 0 : i64, scratch_operands = 10 : i64, tpu.core_type = #tpu.core_type<sc_vector_subcore>, window_params = [{transform_indices = #map}, {transform_indices = #map}, {transform_indices = #map}, {transform_indices = #map}, {transform_indices = #map}, {transform_indices = #map}, {transform_indices = #map}]} {
    %mul3A = arith.constant 2 : i32
    %mul3A_0 = arith.muli %arg1, %mul3A : i32
    %add3A = arith.addi %mul3A_0, %arg0 : i32
    %iota3A = tpu.iota {dimensions = array<i32: 0>} : vector<16xi32>
    %shift_right_arithmetic3A = arith.constant 2 : i32
    %shift_right_arithmetic3A_1 = vector.broadcast %shift_right_arithmetic3A : i32 to vector<16xi32>
    %shift_right_arithmetic3A_2 = arith.shrsi %iota3A, %shift_right_arithmetic3A_1 : vector<16xi32>
    %and3A = arith.constant 3 : i32
    %and3A_3 = vector.broadcast %and3A : i32 to vector<16xi32>
    %and3A_4 = arith.andi %iota3A, %and3A_3 : vector<16xi32>
    "tpu.region"() ({
      %run_scoped3A = tpu.sem_alloc : memref<!tpu.dma_semaphore, #tpu.memory_space<semaphore_mem>>
      tpu.enqueue_dma source(%arg7 : memref<6400xi32, #tpu.memory_space<hbm>>) target(%arg15 : memref<6400xi32, #tpu.memory_space<vmem>>) target_semaphore(%run_scoped3A : memref<!tpu.dma_semaphore, #tpu.memory_space<semaphore_mem>>)
      tpu.wait_dma2 semaphore(%run_scoped3A : memref<!tpu.dma_semaphore, #tpu.memory_space<semaphore_mem>>) src(%arg7 : memref<6400xi32, #tpu.memory_space<hbm>>) dst(%arg15 : memref<6400xi32, #tpu.memory_space<vmem>>)
      tpu.yield
    }) : () -> ()
    %mul3A_5 = arith.constant 16 : i32
    %mul3A_6 = arith.muli %add3A, %mul3A_5 : i32
    %add3A_7 = arith.constant 0 : i32
    %add3A_8 = arith.addi %mul3A_6, %add3A_7 : i32
    %mul3A_9 = arith.constant 6400 : i32
    %mul3A_10 = arith.muli %add3A_8, %mul3A_9 : i32
    "tpu.region"() ({
      %run_scoped3A = tpu.sem_alloc : memref<!tpu.dma_semaphore, #tpu.memory_space<semaphore_mem>>
      %dma_start3A_898 = tpu.memref_slice %arg6[%mul3A_10] : memref<3276800xi32, #tpu.memory_space<hbm>> -> memref<6400xi32, #tpu.memory_space<hbm>>
      %dma_start3A_899 = tpu.memref_slice %arg6[%mul3A_10] : memref<3276800xi32, #tpu.memory_space<hbm>> -> memref<6400xi32, #tpu.memory_space<hbm>>
      tpu.enqueue_dma source(%dma_start3A_899 : memref<6400xi32, #tpu.memory_space<hbm>>) target(%arg9 : memref<6400xi32, #tpu.memory_space<vmem>>) target_semaphore(%run_scoped3A : memref<!tpu.dma_semaphore, #tpu.memory_space<semaphore_mem>>)
      %dma_wait3A_900 = tpu.memref_slice %arg6[%mul3A_10] : memref<3276800xi32, #tpu.memory_space<hbm>> -> memref<6400xi32, #tpu.memory_space<hbm>>
      %dma_wait3A_901 = tpu.memref_slice %arg6[%mul3A_10] : memref<3276800xi32, #tpu.memory_space<hbm>> -> memref<6400xi32, #tpu.memory_space<hbm>>
      tpu.wait_dma2 semaphore(%run_scoped3A : memref<!tpu.dma_semaphore, #tpu.memory_space<semaphore_mem>>) src(%dma_wait3A_901 : memref<6400xi32, #tpu.memory_space<hbm>>) dst(%arg9 : memref<6400xi32, #tpu.memory_space<vmem>>)
      tpu.yield
    }) : () -> ()
    %scan3A = arith.constant 0 : i32
    %scan3A_11 = arith.constant 0 : i32
    %scan3A_12 = arith.constant 400 : i32
    %scan3A_13 = arith.addi %scan3A_11, %scan3A_12 : i32
    %scan3A_14 = arith.constant 1 : i32
    scf.for %scan3A_898 = %scan3A_11 to %scan3A_13 step %scan3A_14  : i32 {
      %mul3A_899 = arith.constant 16 : i32
      %mul3A_900 = arith.muli %scan3A_898, %mul3A_899 : i32
      %get3A = arith.index_cast %mul3A_900 : i32 to index
      %get3A_901 = tpu.vector_load %arg9[%get3A] {strides = array<i32>} : memref<6400xi32, #tpu.memory_space<vmem>>, vector<16xi32>,
      %mul3A_902 = arith.constant 16 : i32
      %mul3A_903 = arith.muli %scan3A_898, %mul3A_902 : i32
      %get3A_904 = arith.index_cast %mul3A_903 : i32 to index
      %get3A_905 = tpu.vector_load %arg15[%get3A_904] {strides = array<i32>} : memref<6400xi32, #tpu.memory_space<vmem>>, vector<16xi32>,
      %add3A_906 = arith.addi %get3A_901, %get3A_905 : vector<16xi32>
      %mul3A_907 = arith.constant 16 : i32
      %mul3A_908 = arith.muli %scan3A_898, %mul3A_907 : i32
      %swap3A = arith.index_cast %mul3A_908 : i32 to index
      %swap3A_909 = tpu.vector_load %arg11[%swap3A] {strides = array<i32>} : memref<6400xi32, #tpu.memory_space<vmem>>, vector<16xi32>,
      tpu.vector_store %arg11[%swap3A], %add3A_906 {strides = array<i32>} : memref<6400xi32, #tpu.memory_space<vmem>>, vector<16xi32>,
    }
    %scan3A_15 = arith.constant 400 : i32
    %dma_start3A = arith.constant 0 : i32
    %dma_start3A_16 = tpu.memref_slice %arg13[%dma_start3A] : memref<25600xf32, #tpu.memory_space<vmem>> -> memref<6400xf32, #tpu.memory_space<vmem>>
    %dma_start3A_17 = arith.constant 0 : i32
    %dma_start3A_18 = tpu.memref_slice %arg2[%dma_start3A_17] : memref<400000xf32, #tpu.memory_space<hbm>> -> memref<400000xf32, #tpu.memory_space<hbm>>
    tpu.enqueue_indirect_dma source(%dma_start3A_18 : memref<400000xf32, #tpu.memory_space<hbm>>) target(%dma_start3A_16 : memref<6400xf32, #tpu.memory_space<vmem>>) offsets(%arg11 : memref<6400xi32, #tpu.memory_space<vmem>>) semaphore(%arg17 : memref<!tpu.dma_semaphore, #tpu.memory_space<semaphore_mem>>)
    %dma_start3A_19 = arith.constant 6400 : i32
    %dma_start3A_20 = tpu.memref_slice %arg13[%dma_start3A_19] : memref<25600xf32, #tpu.memory_space<vmem>> -> memref<6400xf32, #tpu.memory_space<vmem>>
    %dma_start3A_21 = arith.constant 0 : i32
    %dma_start3A_22 = tpu.memref_slice %arg3[%dma_start3A_21] : memref<400000xf32, #tpu.memory_space<hbm>> -> memref<400000xf32, #tpu.memory_space<hbm>>
    tpu.enqueue_indirect_dma source(%dma_start3A_22 : memref<400000xf32, #tpu.memory_space<hbm>>) target(%dma_start3A_20 : memref<6400xf32, #tpu.memory_space<vmem>>) offsets(%arg11 : memref<6400xi32, #tpu.memory_space<vmem>>) semaphore(%arg17 : memref<!tpu.dma_semaphore, #tpu.memory_space<semaphore_mem>>)
    %dma_start3A_23 = arith.constant 12800 : i32
    %dma_start3A_24 = tpu.memref_slice %arg13[%dma_start3A_23] : memref<25600xf32, #tpu.memory_space<vmem>> -> memref<6400xf32, #tpu.memory_space<vmem>>
    %dma_start3A_25 = arith.constant 0 : i32
    %dma_start3A_26 = tpu.memref_slice %arg4[%dma_start3A_25] : memref<400000xf32, #tpu.memory_space<hbm>> -> memref<400000xf32, #tpu.memory_space<hbm>>
    tpu.enqueue_indirect_dma source(%dma_start3A_26 : memref<400000xf32, #tpu.memory_space<hbm>>) target(%dma_start3A_24 : memref<6400xf32, #tpu.memory_space<vmem>>) offsets(%arg11 : memref<6400xi32, #tpu.memory_space<vmem>>) semaphore(%arg17 : memref<!tpu.dma_semaphore, #tpu.memory_space<semaphore_mem>>)
    %dma_start3A_27 = arith.constant 19200 : i32
    %dma_start3A_28 = tpu.memref_slice %arg13[%dma_start3A_27] : memref<25600xf32, #tpu.memory_space<vmem>> -> memref<6400xf32, #tpu.memory_space<vmem>>
    %dma_start3A_29 = arith.constant 0 : i32
    %dma_start3A_30 = tpu.memref_slice %arg5[%dma_start3A_29] : memref<400000xf32, #tpu.memory_space<hbm>> -> memref<400000xf32, #tpu.memory_space<hbm>>
    tpu.enqueue_indirect_dma source(%dma_start3A_30 : memref<400000xf32, #tpu.memory_space<hbm>>) target(%dma_start3A_28 : memref<6400xf32, #tpu.memory_space<vmem>>) offsets(%arg11 : memref<6400xi32, #tpu.memory_space<vmem>>) semaphore(%arg17 : memref<!tpu.dma_semaphore, #tpu.memory_space<semaphore_mem>>)
    %mul3A_31 = arith.constant 16 : i32
    %mul3A_32 = arith.muli %add3A, %mul3A_31 : i32
    %add3A_33 = arith.constant 1 : i32
    %add3A_34 = arith.addi %mul3A_32, %add3A_33 : i32
    %mul3A_35 = arith.constant 6400 : i32
    %mul3A_36 = arith.muli %add3A_34, %mul3A_35 : i32
    "tpu.region"() ({
      %run_scoped3A = tpu.sem_alloc : memref<!tpu.dma_semaphore, #tpu.memory_space<semaphore_mem>>
      %dma_start3A_898 = tpu.memref_slice %arg6[%mul3A_36] : memref<3276800xi32, #tpu.memory_space<hbm>> -> memref<6400xi32, #tpu.memory_space<hbm>>
      %dma_start3A_899 = tpu.memref_slice %arg6[%mul3A_36] : memref<3276800xi32, #tpu.memory_space<hbm>> -> memref<6400xi32, #tpu.memory_space<hbm>>
      tpu.enqueue_dma source(%dma_start3A_899 : memref<6400xi32, #tpu.memory_space<hbm>>) target(%arg10 : memref<6400xi32, #tpu.memory_space<vmem>>) target_semaphore(%run_scoped3A : memref<!tpu.dma_semaphore, #tpu.memory_space<semaphore_mem>>)
      %dma_wait3A_900 = tpu.memref_slice %arg6[%mul3A_36] : memref<3276800xi32, #tpu.memory_space<hbm>> -> memref<6400xi32, #tpu.memory_space<hbm>>
      %dma_wait3A_901 = tpu.memref_slice %arg6[%mul3A_36] : memref<3276800xi32, #tpu.memory_space<hbm>> -> memref<6400xi32, #tpu.memory_space<hbm>>
      tpu.wait_dma2 semaphore(%run_scoped3A : memref<!tpu.dma_semaphore, #tpu.memory_space<semaphore_mem>>) src(%dma_wait3A_901 : memref<6400xi32, #tpu.memory_space<hbm>>) dst(%arg10 : memref<6400xi32, #tpu.memory_space<vmem>>)
      tpu.yield
    }) : () -> ()
    %scan3A_37 = arith.constant 0 : i32
    %scan3A_38 = arith.constant 0 : i32
    %scan3A_39 = arith.constant 400 : i32
    %scan3A_40 = arith.addi %scan3A_38, %scan3A_39 : i32
    %scan3A_41 = arith.constant 1 : i32
    scf.for %scan3A_898 = %scan3A_38 to %scan3A_40 step %scan3A_41  : i32 {
      %mul3A_899 = arith.constant 16 : i32
      %mul3A_900 = arith.muli %scan3A_898, %mul3A_899 : i32
      %get3A = arith.index_cast %mul3A_900 : i32 to index
      %get3A_901 = tpu.vector_load %arg10[%get3A] {strides = array<i32>} : memref<6400xi32, #tpu.memory_space<vmem>>, vector<16xi32>,
      %mul3A_902 = arith.constant 16 : i32
      %mul3A_903 = arith.muli %scan3A_898, %mul3A_902 : i32
      %get3A_904 = arith.index_cast %mul3A_903 : i32 to index
      %get3A_905 = tpu.vector_load %arg15[%get3A_904] {strides = array<i32>} : memref<6400xi32, #tpu.memory_space<vmem>>, vector<16xi32>,
      %add3A_906 = arith.addi %get3A_901, %get3A_905 : vector<16xi32>
      %mul3A_907 = arith.constant 16 : i32
      %mul3A_908 = arith.muli %scan3A_898, %mul3A_907 : i32
      %swap3A = arith.index_cast %mul3A_908 : i32 to index
      %swap3A_909 = tpu.vector_load %arg12[%swap3A] {strides = array<i32>} : memref<6400xi32, #tpu.memory_space<vmem>>, vector<16xi32>,
      tpu.vector_store %arg12[%swap3A], %add3A_906 {strides = array<i32>} : memref<6400xi32, #tpu.memory_space<vmem>>, vector<16xi32>,
    }
    %scan3A_42 = arith.constant 400 : i32
    %dma_start3A_43 = arith.constant 0 : i32
    %dma_start3A_44 = tpu.memref_slice %arg14[%dma_start3A_43] : memref<25600xf32, #tpu.memory_space<vmem>> -> memref<6400xf32, #tpu.memory_space<vmem>>
    %dma_start3A_45 = arith.constant 0 : i32
    %dma_start3A_46 = tpu.memref_slice %arg2[%dma_start3A_45] : memref<400000xf32, #tpu.memory_space<hbm>> -> memref<400000xf32, #tpu.memory_space<hbm>>
    tpu.enqueue_indirect_dma source(%dma_start3A_46 : memref<400000xf32, #tpu.memory_space<hbm>>) target(%dma_start3A_44 : memref<6400xf32, #tpu.memory_space<vmem>>) offsets(%arg12 : memref<6400xi32, #tpu.memory_space<vmem>>) semaphore(%arg18 : memref<!tpu.dma_semaphore, #tpu.memory_space<semaphore_mem>>)
    %dma_start3A_47 = arith.constant 6400 : i32
    %dma_start3A_48 = tpu.memref_slice %arg14[%dma_start3A_47] : memref<25600xf32, #tpu.memory_space<vmem>> -> memref<6400xf32, #tpu.memory_space<vmem>>
    %dma_start3A_49 = arith.constant 0 : i32
    %dma_start3A_50 = tpu.memref_slice %arg3[%dma_start3A_49] : memref<400000xf32, #tpu.memory_space<hbm>> -> memref<400000xf32, #tpu.memory_space<hbm>>
    tpu.enqueue_indirect_dma source(%dma_start3A_50 : memref<400000xf32, #tpu.memory_space<hbm>>) target(%dma_start3A_48 : memref<6400xf32, #tpu.memory_space<vmem>>) offsets(%arg12 : memref<6400xi32, #tpu.memory_space<vmem>>) semaphore(%arg18 : memref<!tpu.dma_semaphore, #tpu.memory_space<semaphore_mem>>)
    %dma_start3A_51 = arith.constant 12800 : i32
    %dma_start3A_52 = tpu.memref_slice %arg14[%dma_start3A_51] : memref<25600xf32, #tpu.memory_space<vmem>> -> memref<6400xf32, #tpu.memory_space<vmem>>
    %dma_start3A_53 = arith.constant 0 : i32
    %dma_start3A_54 = tpu.memref_slice %arg4[%dma_start3A_53] : memref<400000xf32, #tpu.memory_space<hbm>> -> memref<400000xf32, #tpu.memory_space<hbm>>
    tpu.enqueue_indirect_dma source(%dma_start3A_54 : memref<400000xf32, #tpu.memory_space<hbm>>) target(%dma_start3A_52 : memref<6400xf32, #tpu.memory_space<vmem>>) offsets(%arg12 : memref<6400xi32, #tpu.memory_space<vmem>>) semaphore(%arg18 : memref<!tpu.dma_semaphore, #tpu.memory_space<semaphore_mem>>)
    %dma_start3A_55 = arith.constant 19200 : i32
    %dma_start3A_56 = tpu.memref_slice %arg14[%dma_start3A_55] : memref<25600xf32, #tpu.memory_space<vmem>> -> memref<6400xf32, #tpu.memory_space<vmem>>
    %dma_start3A_57 = arith.constant 0 : i32
    %dma_start3A_58 = tpu.memref_slice %arg5[%dma_start3A_57] : memref<400000xf32, #tpu.memory_space<hbm>> -> memref<400000xf32, #tpu.memory_space<hbm>>
    tpu.enqueue_indirect_dma source(%dma_start3A_58 : memref<400000xf32, #tpu.memory_space<hbm>>) target(%dma_start3A_56 : memref<6400xf32, #tpu.memory_space<vmem>>) offsets(%arg12 : memref<6400xi32, #tpu.memory_space<vmem>>) semaphore(%arg18 : memref<!tpu.dma_semaphore, #tpu.memory_space<semaphore_mem>>)
    %mul3A_59 = arith.constant 16 : i32
    %mul3A_60 = arith.muli %add3A, %mul3A_59 : i32
    %add3A_61 = arith.constant 0 : i32
    %add3A_62 = arith.addi %mul3A_60, %add3A_61 : i32
    %dma_wait3A = arith.constant 0 : i32
    %dma_wait3A_63 = tpu.memref_slice %arg13[%dma_wait3A] : memref<25600xf32, #tpu.memory_space<vmem>> -> memref<6400xf32, #tpu.memory_space<vmem>>
    %dma_wait3A_64 = arith.constant 0 : i32
    %dma_wait3A_65 = tpu.memref_slice %arg2[%dma_wait3A_64] : memref<400000xf32, #tpu.memory_space<hbm>> -> memref<400000xf32, #tpu.memory_space<hbm>>
    tpu.wait_indirect_dma semaphore(%arg17 : memref<!tpu.dma_semaphore, #tpu.memory_space<semaphore_mem>>) src(%dma_wait3A_65 : memref<400000xf32, #tpu.memory_space<hbm>>) dst(%dma_wait3A_63 : memref<6400xf32, #tpu.memory_space<vmem>>)
    %dma_wait3A_66 = arith.constant 6400 : i32
    %dma_wait3A_67 = tpu.memref_slice %arg13[%dma_wait3A_66] : memref<25600xf32, #tpu.memory_space<vmem>> -> memref<6400xf32, #tpu.memory_space<vmem>>
    %dma_wait3A_68 = arith.constant 0 : i32
    %dma_wait3A_69 = tpu.memref_slice %arg3[%dma_wait3A_68] : memref<400000xf32, #tpu.memory_space<hbm>> -> memref<400000xf32, #tpu.memory_space<hbm>>
    tpu.wait_indirect_dma semaphore(%arg17 : memref<!tpu.dma_semaphore, #tpu.memory_space<semaphore_mem>>) src(%dma_wait3A_69 : memref<400000xf32, #tpu.memory_space<hbm>>) dst(%dma_wait3A_67 : memref<6400xf32, #tpu.memory_space<vmem>>)
    %dma_wait3A_70 = arith.constant 12800 : i32
    %dma_wait3A_71 = tpu.memref_slice %arg13[%dma_wait3A_70] : memref<25600xf32, #tpu.memory_space<vmem>> -> memref<6400xf32, #tpu.memory_space<vmem>>
    %dma_wait3A_72 = arith.constant 0 : i32
    %dma_wait3A_73 = tpu.memref_slice %arg4[%dma_wait3A_72] : memref<400000xf32, #tpu.memory_space<hbm>> -> memref<400000xf32, #tpu.memory_space<hbm>>
    tpu.wait_indirect_dma semaphore(%arg17 : memref<!tpu.dma_semaphore, #tpu.memory_space<semaphore_mem>>) src(%dma_wait3A_73 : memref<400000xf32, #tpu.memory_space<hbm>>) dst(%dma_wait3A_71 : memref<6400xf32, #tpu.memory_space<vmem>>)
    %dma_wait3A_74 = arith.constant 19200 : i32
    %dma_wait3A_75 = tpu.memref_slice %arg13[%dma_wait3A_74] : memref<25600xf32, #tpu.memory_space<vmem>> -> memref<6400xf32, #tpu.memory_space<vmem>>
    %dma_wait3A_76 = arith.constant 0 : i32
    %dma_wait3A_77 = tpu.memref_slice %arg5[%dma_wait3A_76] : memref<400000xf32, #tpu.memory_space<hbm>> -> memref<400000xf32, #tpu.memory_space<hbm>>
    tpu.wait_indirect_dma semaphore(%arg17 : memref<!tpu.dma_semaphore, #tpu.memory_space<semaphore_mem>>) src(%dma_wait3A_77 : memref<400000xf32, #tpu.memory_space<hbm>>) dst(%dma_wait3A_75 : memref<6400xf32, #tpu.memory_space<vmem>>)
    %scan3A_78 = arith.constant 0 : i32
    %scan3A_79 = arith.constant 0 : i32
    %scan3A_80 = arith.constant 32 : i32
    %scan3A_81 = arith.addi %scan3A_79, %scan3A_80 : i32
    %scan3A_82 = arith.constant 1 : i32
    scf.for %scan3A_898 = %scan3A_79 to %scan3A_81 step %scan3A_82  : i32 {
      %mul3A_899 = arith.constant 6400 : i32
      %mul3A_900 = vector.broadcast %mul3A_899 : i32 to vector<16xi32>
      %mul3A_901 = arith.muli %and3A_4, %mul3A_900 : vector<16xi32>
      %mul3A_902 = arith.constant 200 : i32
      %mul3A_903 = arith.muli %mul3A_902, %scan3A_898 : i32
      %add3A_904 = vector.broadcast %mul3A_903 : i32 to vector<16xi32>
      %add3A_905 = arith.addi %mul3A_901, %add3A_904 : vector<16xi32>
      %mul3A_906 = arith.constant 50 : i32
      %mul3A_907 = vector.broadcast %mul3A_906 : i32 to vector<16xi32>
      %mul3A_908 = arith.muli %mul3A_907, %shift_right_arithmetic3A_2 : vector<16xi32>
      %add3A_909 = arith.addi %add3A_905, %mul3A_908 : vector<16xi32>
      %broadcast_in_dim3A = arith.constant 0.000000e+00 : f32
      %broadcast_in_dim3A_910 = vector.broadcast %broadcast_in_dim3A : f32 to vector<16xf32>
      %broadcast_in_dim3A_911 = arith.constant 0.000000e+00 : f32
      %broadcast_in_dim3A_912 = vector.broadcast %broadcast_in_dim3A_911 : f32 to vector<16xf32>
      %scan3A_913 = arith.constant 0 : i32
      %scan3A_914 = arith.constant 25 : i32
      %scan3A_915 = arith.addi %scan3A_913, %scan3A_914 : i32
      %scan3A_916 = arith.constant 1 : i32
      %scan3A_917:2 = scf.for %scan3A_926 = %scan3A_913 to %scan3A_915 step %scan3A_916 iter_args(%scan3A_927 = %broadcast_in_dim3A_910, %scan3A_928 = %broadcast_in_dim3A_912) -> (vector<16xf32>, vector<16xf32>)  : i32 {
        %add3A_929 = vector.broadcast %scan3A_926 : i32 to vector<16xi32>
        %add3A_930 = arith.addi %add3A_909, %add3A_929 : vector<16xi32>
        %gather3A = tpu.vector_load_idx %arg13[%add3A_930] : memref<25600xf32, #tpu.memory_space<vmem>>[vector<16xi32>], vector<16xf32>,
        %add3A_931 = arith.addf %scan3A_927, %gather3A : vector<16xf32>
        %add3A_932 = vector.broadcast %scan3A_926 : i32 to vector<16xi32>
        %add3A_933 = arith.addi %add3A_909, %add3A_932 : vector<16xi32>
        %add3A_934 = arith.constant 25 : i32
        %add3A_935 = vector.broadcast %add3A_934 : i32 to vector<16xi32>
        %add3A_936 = arith.addi %add3A_933, %add3A_935 : vector<16xi32>
        %gather3A_937 = tpu.vector_load_idx %arg13[%add3A_936] : memref<25600xf32, #tpu.memory_space<vmem>>[vector<16xi32>], vector<16xf32>,
        %add3A_938 = arith.addf %scan3A_928, %gather3A_937 : vector<16xf32>
        scf.yield %add3A_931, %add3A_938 : vector<16xf32>, vector<16xf32>
      }
      %scan3A_918 = arith.constant 25 : i32
      %add3A_919 = arith.addf %scan3A_917#0, %scan3A_917#1 : vector<16xf32>
      %mul3A_920 = arith.constant 2.000000e-02 : f32
      %mul3A_921 = vector.broadcast %mul3A_920 : f32 to vector<16xf32>
      %mul3A_922 = arith.mulf %add3A_919, %mul3A_921 : vector<16xf32>
      %mul3A_923 = arith.constant 16 : i32
      %mul3A_924 = arith.muli %scan3A_898, %mul3A_923 : i32
      %swap3A = arith.index_cast %mul3A_924 : i32 to index
      %swap3A_925 = tpu.vector_load %arg16[%swap3A] {strides = array<i32>} : memref<512xf32, #tpu.memory_space<vmem>>, vector<16xf32>,
      tpu.vector_store %arg16[%swap3A], %mul3A_922 {strides = array<i32>} : memref<512xf32, #tpu.memory_space<vmem>>, vector<16xf32>,
    }
    %scan3A_83 = arith.constant 32 : i32
    %mul3A_84 = arith.constant 512 : i32
    %mul3A_85 = arith.muli %add3A_62, %mul3A_84 : i32
    "tpu.region"() ({
      %run_scoped3A = tpu.sem_alloc : memref<!tpu.dma_semaphore, #tpu.memory_space<semaphore_mem>>
      %dma_start3A_898 = tpu.memref_slice %arg8[%mul3A_85] : memref<262144xf32, #tpu.memory_space<hbm>> -> memref<512xf32, #tpu.memory_space<hbm>>
      %dma_start3A_899 = tpu.memref_slice %arg8[%mul3A_85] : memref<262144xf32, #tpu.memory_space<hbm>> -> memref<512xf32, #tpu.memory_space<hbm>>
      tpu.enqueue_dma source(%arg16 : memref<512xf32, #tpu.memory_space<vmem>>) target(%dma_start3A_899 : memref<512xf32, #tpu.memory_space<hbm>>) target_semaphore(%run_scoped3A : memref<!tpu.dma_semaphore, #tpu.memory_space<semaphore_mem>>)
      %dma_wait3A_900 = tpu.memref_slice %arg8[%mul3A_85] : memref<262144xf32, #tpu.memory_space<hbm>> -> memref<512xf32, #tpu.memory_space<hbm>>
      %dma_wait3A_901 = tpu.memref_slice %arg8[%mul3A_85] : memref<262144xf32, #tpu.memory_space<hbm>> -> memref<512xf32, #tpu.memory_space<hbm>>
      tpu.wait_dma2 semaphore(%run_scoped3A : memref<!tpu.dma_semaphore, #tpu.memory_space<semaphore_mem>>) src(%arg16 : memref<512xf32, #tpu.memory_space<vmem>>) dst(%dma_wait3A_901 : memref<512xf32, #tpu.memory_space<hbm>>)
      tpu.yield
    }) : () -> ()
    %mul3A_86 = arith.constant 16 : i32
    %mul3A_87 = arith.muli %add3A, %mul3A_86 : i32
    %add3A_88 = arith.constant 2 : i32
    %add3A_89 = arith.addi %mul3A_87, %add3A_88 : i32
    %mul3A_90 = arith.constant 6400 : i32
    %mul3A_91 = arith.muli %add3A_89, %mul3A_90 : i32
    "tpu.region"() ({
      %run_scoped3A = tpu.sem_alloc : memref<!tpu.dma_semaphore, #tpu.memory_space<semaphore_mem>>
      %dma_start3A_898 = tpu.memref_slice %arg6[%mul3A_91] : memref<3276800xi32, #tpu.memory_space<hbm>> -> memref<6400xi32, #tpu.memory_space<hbm>>
      %dma_start3A_899 = tpu.memref_slice %arg6[%mul3A_91] : memref<3276800xi32, #tpu.memory_space<hbm>> -> memref<6400xi32, #tpu.memory_space<hbm>>
      tpu.enqueue_dma source(%dma_start3A_899 : memref<6400xi32, #tpu.memory_space<hbm>>) target(%arg9 : memref<6400xi32, #tpu.memory_space<vmem>>) target_semaphore(%run_scoped3A : memref<!tpu.dma_semaphore, #tpu.memory_space<semaphore_mem>>)
      %dma_wait3A_900 = tpu.memref_slice %arg6[%mul3A_91] : memref<3276800xi32, #tpu.memory_space<hbm>> -> memref<6400xi32, #tpu.memory_space<hbm>>
      %dma_wait3A_901 = tpu.memref_slice %arg6[%mul3A_91] : memref<3276800xi32, #tpu.memory_space<hbm>> -> memref<6400xi32, #tpu.memory_space<hbm>>
      tpu.wait_dma2 semaphore(%run_scoped3A : memref<!tpu.dma_semaphore, #tpu.memory_space<semaphore_mem>>) src(%dma_wait3A_901 : memref<6400xi32, #tpu.memory_space<hbm>>) dst(%arg9 : memref<6400xi32, #tpu.memory_space<vmem>>)
      tpu.yield
    }) : () -> ()
    %scan3A_92 = arith.constant 0 : i32
    %scan3A_93 = arith.constant 0 : i32
    %scan3A_94 = arith.constant 400 : i32
    %scan3A_95 = arith.addi %scan3A_93, %scan3A_94 : i32
    %scan3A_96 = arith.constant 1 : i32
    scf.for %scan3A_898 = %scan3A_93 to %scan3A_95 step %scan3A_96  : i32 {
      %mul3A_899 = arith.constant 16 : i32
      %mul3A_900 = arith.muli %scan3A_898, %mul3A_899 : i32
      %get3A = arith.index_cast %mul3A_900 : i32 to index
      %get3A_901 = tpu.vector_load %arg9[%get3A] {strides = array<i32>} : memref<6400xi32, #tpu.memory_space<vmem>>, vector<16xi32>,
      %mul3A_902 = arith.constant 16 : i32
      %mul3A_903 = arith.muli %scan3A_898, %mul3A_902 : i32
      %get3A_904 = arith.index_cast %mul3A_903 : i32 to index
      %get3A_905 = tpu.vector_load %arg15[%get3A_904] {strides = array<i32>} : memref<6400xi32, #tpu.memory_space<vmem>>, vector<16xi32>,
      %add3A_906 = arith.addi %get3A_901, %get3A_905 : vector<16xi32>
      %mul3A_907 = arith.constant 16 : i32
      %mul3A_908 = arith.muli %scan3A_898, %mul3A_907 : i32
      %swap3A = arith.index_cast %mul3A_908 : i32 to index
      %swap3A_909 = tpu.vector_load %arg11[%swap3A] {strides = array<i32>} : memref<6400xi32, #tpu.memory_space<vmem>>, vector<16xi32>,
      tpu.vector_store %arg11[%swap3A], %add3A_906 {strides = array<i32>} : memref<6400xi32, #tpu.memory_space<vmem>>, vector<16xi32>,
    }
    %scan3A_97 = arith.constant 400 : i32
    %dma_start3A_98 = arith.constant 0 : i32
    %dma_start3A_99 = tpu.memref_slice %arg13[%dma_start3A_98] : memref<25600xf32, #tpu.memory_space<vmem>> -> memref<6400xf32, #tpu.memory_space<vmem>>
    %dma_start3A_100 = arith.constant 0 : i32
    %dma_start3A_101 = tpu.memref_slice %arg2[%dma_start3A_100] : memref<400000xf32, #tpu.memory_space<hbm>> -> memref<400000xf32, #tpu.memory_space<hbm>>
    tpu.enqueue_indirect_dma source(%dma_start3A_101 : memref<400000xf32, #tpu.memory_space<hbm>>) target(%dma_start3A_99 : memref<6400xf32, #tpu.memory_space<vmem>>) offsets(%arg11 : memref<6400xi32, #tpu.memory_space<vmem>>) semaphore(%arg17 : memref<!tpu.dma_semaphore, #tpu.memory_space<semaphore_mem>>)
    %dma_start3A_102 = arith.constant 6400 : i32
    %dma_start3A_103 = tpu.memref_slice %arg13[%dma_start3A_102] : memref<25600xf32, #tpu.memory_space<vmem>> -> memref<6400xf32, #tpu.memory_space<vmem>>
    %dma_start3A_104 = arith.constant 0 : i32
    %dma_start3A_105 = tpu.memref_slice %arg3[%dma_start3A_104] : memref<400000xf32, #tpu.memory_space<hbm>> -> memref<400000xf32, #tpu.memory_space<hbm>>
    tpu.enqueue_indirect_dma source(%dma_start3A_105 : memref<400000xf32, #tpu.memory_space<hbm>>) target(%dma_start3A_103 : memref<6400xf32, #tpu.memory_space<vmem>>) offsets(%arg11 : memref<6400xi32, #tpu.memory_space<vmem>>) semaphore(%arg17 : memref<!tpu.dma_semaphore, #tpu.memory_space<semaphore_mem>>)
    %dma_start3A_106 = arith.constant 12800 : i32
    %dma_start3A_107 = tpu.memref_slice %arg13[%dma_start3A_106] : memref<25600xf32, #tpu.memory_space<vmem>> -> memref<6400xf32, #tpu.memory_space<vmem>>
    %dma_start3A_108 = arith.constant 0 : i32
    %dma_start3A_109 = tpu.memref_slice %arg4[%dma_start3A_108] : memref<400000xf32, #tpu.memory_space<hbm>> -> memref<400000xf32, #tpu.memory_space<hbm>>
    tpu.enqueue_indirect_dma source(%dma_start3A_109 : memref<400000xf32, #tpu.memory_space<hbm>>) target(%dma_start3A_107 : memref<6400xf32, #tpu.memory_space<vmem>>) offsets(%arg11 : memref<6400xi32, #tpu.memory_space<vmem>>) semaphore(%arg17 : memref<!tpu.dma_semaphore, #tpu.memory_space<semaphore_mem>>)
    %dma_start3A_110 = arith.constant 19200 : i32
    %dma_start3A_111 = tpu.memref_slice %arg13[%dma_start3A_110] : memref<25600xf32, #tpu.memory_space<vmem>> -> memref<6400xf32, #tpu.memory_space<vmem>>
    %dma_start3A_112 = arith.constant 0 : i32
    %dma_start3A_113 = tpu.memref_slice %arg5[%dma_start3A_112] : memref<400000xf32, #tpu.memory_space<hbm>> -> memref<400000xf32, #tpu.memory_space<hbm>>
    tpu.enqueue_indirect_dma source(%dma_start3A_113 : memref<400000xf32, #tpu.memory_space<hbm>>) target(%dma_start3A_111 : memref<6400xf32, #tpu.memory_space<vmem>>) offsets(%arg11 : memref<6400xi32, #tpu.memory_space<vmem>>) semaphore(%arg17 : memref<!tpu.dma_semaphore, #tpu.memory_space<semaphore_mem>>)
    %mul3A_114 = arith.constant 16 : i32
    %mul3A_115 = arith.muli %add3A, %mul3A_114 : i32
    %add3A_116 = arith.constant 1 : i32
    %add3A_117 = arith.addi %mul3A_115, %add3A_116 : i32
    %dma_wait3A_118 = arith.constant 0 : i32
    %dma_wait3A_119 = tpu.memref_slice %arg14[%dma_wait3A_118] : memref<25600xf32, #tpu.memory_space<vmem>> -> memref<6400xf32, #tpu.memory_space<vmem>>
    %dma_wait3A_120 = arith.constant 0 : i32
    %dma_wait3A_121 = tpu.memref_slice %arg2[%dma_wait3A_120] : memref<400000xf32, #tpu.memory_space<hbm>> -> memref<400000xf32, #tpu.memory_space<hbm>>
    tpu.wait_indirect_dma semaphore(%arg18 : memref<!tpu.dma_semaphore, #tpu.memory_space<semaphore_mem>>) src(%dma_wait3A_121 : memref<400000xf32, #tpu.memory_space<hbm>>) dst(%dma_wait3A_119 : memref<6400xf32, #tpu.memory_space<vmem>>)
    %dma_wait3A_122 = arith.constant 6400 : i32
    %dma_wait3A_123 = tpu.memref_slice %arg14[%dma_wait3A_122] : memref<25600xf32, #tpu.memory_space<vmem>> -> memref<6400xf32, #tpu.memory_space<vmem>>
    %dma_wait3A_124 = arith.constant 0 : i32
    %dma_wait3A_125 = tpu.memref_slice %arg3[%dma_wait3A_124] : memref<400000xf32, #tpu.memory_space<hbm>> -> memref<400000xf32, #tpu.memory_space<hbm>>
    tpu.wait_indirect_dma semaphore(%arg18 : memref<!tpu.dma_semaphore, #tpu.memory_space<semaphore_mem>>) src(%dma_wait3A_125 : memref<400000xf32, #tpu.memory_space<hbm>>) dst(%dma_wait3A_123 : memref<6400xf32, #tpu.memory_space<vmem>>)
    %dma_wait3A_126 = arith.constant 12800 : i32
    %dma_wait3A_127 = tpu.memref_slice %arg14[%dma_wait3A_126] : memref<25600xf32, #tpu.memory_space<vmem>> -> memref<6400xf32, #tpu.memory_space<vmem>>
    %dma_wait3A_128 = arith.constant 0 : i32
    %dma_wait3A_129 = tpu.memref_slice %arg4[%dma_wait3A_128] : memref<400000xf32, #tpu.memory_space<hbm>> -> memref<400000xf32, #tpu.memory_space<hbm>>
    tpu.wait_indirect_dma semaphore(%arg18 : memref<!tpu.dma_semaphore, #tpu.memory_space<semaphore_mem>>) src(%dma_wait3A_129 : memref<400000xf32, #tpu.memory_space<hbm>>) dst(%dma_wait3A_127 : memref<6400xf32, #tpu.memory_space<vmem>>)
    %dma_wait3A_130 = arith.constant 19200 : i32
    %dma_wait3A_131 = tpu.memref_slice %arg14[%dma_wait3A_130] : memref<25600xf32, #tpu.memory_space<vmem>> -> memref<6400xf32, #tpu.memory_space<vmem>>
    %dma_wait3A_132 = arith.constant 0 : i32
    %dma_wait3A_133 = tpu.memref_slice %arg5[%dma_wait3A_132] : memref<400000xf32, #tpu.memory_space<hbm>> -> memref<400000xf32, #tpu.memory_space<hbm>>
    tpu.wait_indirect_dma semaphore(%arg18 : memref<!tpu.dma_semaphore, #tpu.memory_space<semaphore_mem>>) src(%dma_wait3A_133 : memref<400000xf32, #tpu.memory_space<hbm>>) dst(%dma_wait3A_131 : memref<6400xf32, #tpu.memory_space<vmem>>)
    %scan3A_134 = arith.constant 0 : i32
    %scan3A_135 = arith.constant 0 : i32
    %scan3A_136 = arith.constant 32 : i32
    %scan3A_137 = arith.addi %scan3A_135, %scan3A_136 : i32
    %scan3A_138 = arith.constant 1 : i32
    scf.for %scan3A_898 = %scan3A_135 to %scan3A_137 step %scan3A_138  : i32 {
      %mul3A_899 = arith.constant 6400 : i32
      %mul3A_900 = vector.broadcast %mul3A_899 : i32 to vector<16xi32>
      %mul3A_901 = arith.muli %and3A_4, %mul3A_900 : vector<16xi32>
      %mul3A_902 = arith.constant 200 : i32
      %mul3A_903 = arith.muli %mul3A_902, %scan3A_898 : i32
      %add3A_904 = vector.broadcast %mul3A_903 : i32 to vector<16xi32>
      %add3A_905 = arith.addi %mul3A_901, %add3A_904 : vector<16xi32>
      %mul3A_906 = arith.constant 50 : i32
      %mul3A_907 = vector.broadcast %mul3A_906 : i32 to vector<16xi32>
      %mul3A_908 = arith.muli %mul3A_907, %shift_right_arithmetic3A_2 : vector<16xi32>
      %add3A_909 = arith.addi %add3A_905, %mul3A_908 : vector<16xi32>
      %broadcast_in_dim3A = arith.constant 0.000000e+00 : f32
      %broadcast_in_dim3A_910 = vector.broadcast %broadcast_in_dim3A : f32 to vector<16xf32>
      %broadcast_in_dim3A_911 = arith.constant 0.000000e+00 : f32
      %broadcast_in_dim3A_912 = vector.broadcast %broadcast_in_dim3A_911 : f32 to vector<16xf32>
      %scan3A_913 = arith.constant 0 : i32
      %scan3A_914 = arith.constant 25 : i32
      %scan3A_915 = arith.addi %scan3A_913, %scan3A_914 : i32
      %scan3A_916 = arith.constant 1 : i32
      %scan3A_917:2 = scf.for %scan3A_926 = %scan3A_913 to %scan3A_915 step %scan3A_916 iter_args(%scan3A_927 = %broadcast_in_dim3A_910, %scan3A_928 = %broadcast_in_dim3A_912) -> (vector<16xf32>, vector<16xf32>)  : i32 {
        %add3A_929 = vector.broadcast %scan3A_926 : i32 to vector<16xi32>
        %add3A_930 = arith.addi %add3A_909, %add3A_929 : vector<16xi32>
        %gather3A = tpu.vector_load_idx %arg14[%add3A_930] : memref<25600xf32, #tpu.memory_space<vmem>>[vector<16xi32>], vector<16xf32>,
        %add3A_931 = arith.addf %scan3A_927, %gather3A : vector<16xf32>
        %add3A_932 = vector.broadcast %scan3A_926 : i32 to vector<16xi32>
        %add3A_933 = arith.addi %add3A_909, %add3A_932 : vector<16xi32>
        %add3A_934 = arith.constant 25 : i32
        %add3A_935 = vector.broadcast %add3A_934 : i32 to vector<16xi32>
        %add3A_936 = arith.addi %add3A_933, %add3A_935 : vector<16xi32>
        %gather3A_937 = tpu.vector_load_idx %arg14[%add3A_936] : memref<25600xf32, #tpu.memory_space<vmem>>[vector<16xi32>], vector<16xf32>,
        %add3A_938 = arith.addf %scan3A_928, %gather3A_937 : vector<16xf32>
        scf.yield %add3A_931, %add3A_938 : vector<16xf32>, vector<16xf32>
      }
      %scan3A_918 = arith.constant 25 : i32
      %add3A_919 = arith.addf %scan3A_917#0, %scan3A_917#1 : vector<16xf32>
      %mul3A_920 = arith.constant 2.000000e-02 : f32
      %mul3A_921 = vector.broadcast %mul3A_920 : f32 to vector<16xf32>
      %mul3A_922 = arith.mulf %add3A_919, %mul3A_921 : vector<16xf32>
      %mul3A_923 = arith.constant 16 : i32
      %mul3A_924 = arith.muli %scan3A_898, %mul3A_923 : i32
      %swap3A = arith.index_cast %mul3A_924 : i32 to index
      %swap3A_925 = tpu.vector_load %arg16[%swap3A] {strides = array<i32>} : memref<512xf32, #tpu.memory_space<vmem>>, vector<16xf32>,
      tpu.vector_store %arg16[%swap3A], %mul3A_922 {strides = array<i32>} : memref<512xf32, #tpu.memory_space<vmem>>, vector<16xf32>,
    }
    %scan3A_139 = arith.constant 32 : i32
    %mul3A_140 = arith.constant 512 : i32
    %mul3A_141 = arith.muli %add3A_117, %mul3A_140 : i32
    "tpu.region"() ({
      %run_scoped3A = tpu.sem_alloc : memref<!tpu.dma_semaphore, #tpu.memory_space<semaphore_mem>>
      %dma_start3A_898 = tpu.memref_slice %arg8[%mul3A_141] : memref<262144xf32, #tpu.memory_space<hbm>> -> memref<512xf32, #tpu.memory_space<hbm>>
      %dma_start3A_899 = tpu.memref_slice %arg8[%mul3A_141] : memref<262144xf32, #tpu.memory_space<hbm>> -> memref<512xf32, #tpu.memory_space<hbm>>
      tpu.enqueue_dma source(%arg16 : memref<512xf32, #tpu.memory_space<vmem>>) target(%dma_start3A_899 : memref<512xf32, #tpu.memory_space<hbm>>) target_semaphore(%run_scoped3A : memref<!tpu.dma_semaphore, #tpu.memory_space<semaphore_mem>>)
      %dma_wait3A_900 = tpu.memref_slice %arg8[%mul3A_141] : memref<262144xf32, #tpu.memory_space<hbm>> -> memref<512xf32, #tpu.memory_space<hbm>>
      %dma_wait3A_901 = tpu.memref_slice %arg8[%mul3A_141] : memref<262144xf32, #tpu.memory_space<hbm>> -> memref<512xf32, #tpu.memory_space<hbm>>
      tpu.wait_dma2 semaphore(%run_scoped3A : memref<!tpu.dma_semaphore, #tpu.memory_space<semaphore_mem>>) src(%arg16 : memref<512xf32, #tpu.memory_space<vmem>>) dst(%dma_wait3A_901 : memref<512xf32, #tpu.memory_space<hbm>>)
      tpu.yield
    }) : () -> ()
    %mul3A_142 = arith.constant 16 : i32
    %mul3A_143 = arith.muli %add3A, %mul3A_142 : i32
    %add3A_144 = arith.constant 3 : i32
    %add3A_145 = arith.addi %mul3A_143, %add3A_144 : i32
    %mul3A_146 = arith.constant 6400 : i32
    %mul3A_147 = arith.muli %add3A_145, %mul3A_146 : i32
    "tpu.region"() ({
      %run_scoped3A = tpu.sem_alloc : memref<!tpu.dma_semaphore, #tpu.memory_space<semaphore_mem>>
      %dma_start3A_898 = tpu.memref_slice %arg6[%mul3A_147] : memref<3276800xi32, #tpu.memory_space<hbm>> -> memref<6400xi32, #tpu.memory_space<hbm>>
      %dma_start3A_899 = tpu.memref_slice %arg6[%mul3A_147] : memref<3276800xi32, #tpu.memory_space<hbm>> -> memref<6400xi32, #tpu.memory_space<hbm>>
      tpu.enqueue_dma source(%dma_start3A_899 : memref<6400xi32, #tpu.memory_space<hbm>>) target(%arg10 : memref<6400xi32, #tpu.memory_space<vmem>>) target_semaphore(%run_scoped3A : memref<!tpu.dma_semaphore, #tpu.memory_space<semaphore_mem>>)
      %dma_wait3A_900 = tpu.memref_slice %arg6[%mul3A_147] : memref<3276800xi32, #tpu.memory_space<hbm>> -> memref<6400xi32, #tpu.memory_space<hbm>>
      %dma_wait3A_901 = tpu.memref_slice %arg6[%mul3A_147] : memref<3276800xi32, #tpu.memory_space<hbm>> -> memref<6400xi32, #tpu.memory_space<hbm>>
      tpu.wait_dma2 semaphore(%run_scoped3A : memref<!tpu.dma_semaphore, #tpu.memory_space<semaphore_mem>>) src(%dma_wait3A_901 : memref<6400xi32, #tpu.memory_space<hbm>>) dst(%arg10 : memref<6400xi32, #tpu.memory_space<vmem>>)
      tpu.yield
    }) : () -> ()
    %scan3A_148 = arith.constant 0 : i32
    %scan3A_149 = arith.constant 0 : i32
    %scan3A_150 = arith.constant 400 : i32
    %scan3A_151 = arith.addi %scan3A_149, %scan3A_150 : i32
    %scan3A_152 = arith.constant 1 : i32
    scf.for %scan3A_898 = %scan3A_149 to %scan3A_151 step %scan3A_152  : i32 {
      %mul3A_899 = arith.constant 16 : i32
      %mul3A_900 = arith.muli %scan3A_898, %mul3A_899 : i32
      %get3A = arith.index_cast %mul3A_900 : i32 to index
      %get3A_901 = tpu.vector_load %arg10[%get3A] {strides = array<i32>} : memref<6400xi32, #tpu.memory_space<vmem>>, vector<16xi32>,
      %mul3A_902 = arith.constant 16 : i32
      %mul3A_903 = arith.muli %scan3A_898, %mul3A_902 : i32
      %get3A_904 = arith.index_cast %mul3A_903 : i32 to index
      %get3A_905 = tpu.vector_load %arg15[%get3A_904] {strides = array<i32>} : memref<6400xi32, #tpu.memory_space<vmem>>, vector<16xi32>,
      %add3A_906 = arith.addi %get3A_901, %get3A_905 : vector<16xi32>
      %mul3A_907 = arith.constant 16 : i32
      %mul3A_908 = arith.muli %scan3A_898, %mul3A_907 : i32
      %swap3A = arith.index_cast %mul3A_908 : i32 to index
      %swap3A_909 = tpu.vector_load %arg12[%swap3A] {strides = array<i32>} : memref<6400xi32, #tpu.memory_space<vmem>>, vector<16xi32>,
      tpu.vector_store %arg12[%swap3A], %add3A_906 {strides = array<i32>} : memref<6400xi32, #tpu.memory_space<vmem>>, vector<16xi32>,
    }
    %scan3A_153 = arith.constant 400 : i32
    %dma_start3A_154 = arith.constant 0 : i32
    %dma_start3A_155 = tpu.memref_slice %arg14[%dma_start3A_154] : memref<25600xf32, #tpu.memory_space<vmem>> -> memref<6400xf32, #tpu.memory_space<vmem>>
    %dma_start3A_156 = arith.constant 0 : i32
    %dma_start3A_157 = tpu.memref_slice %arg2[%dma_start3A_156] : memref<400000xf32, #tpu.memory_space<hbm>> -> memref<400000xf32, #tpu.memory_space<hbm>>
    tpu.enqueue_indirect_dma source(%dma_start3A_157 : memref<400000xf32, #tpu.memory_space<hbm>>) target(%dma_start3A_155 : memref<6400xf32, #tpu.memory_space<vmem>>) offsets(%arg12 : memref<6400xi32, #tpu.memory_space<vmem>>) semaphore(%arg18 : memref<!tpu.dma_semaphore, #tpu.memory_space<semaphore_mem>>)
    %dma_start3A_158 = arith.constant 6400 : i32
    %dma_start3A_159 = tpu.memref_slice %arg14[%dma_start3A_158] : memref<25600xf32, #tpu.memory_space<vmem>> -> memref<6400xf32, #tpu.memory_space<vmem>>
    %dma_start3A_160 = arith.constant 0 : i32
    %dma_start3A_161 = tpu.memref_slice %arg3[%dma_start3A_160] : memref<400000xf32, #tpu.memory_space<hbm>> -> memref<400000xf32, #tpu.memory_space<hbm>>
    tpu.enqueue_indirect_dma source(%dma_start3A_161 : memref<400000xf32, #tpu.memory_space<hbm>>) target(%dma_start3A_159 : memref<6400xf32, #tpu.memory_space<vmem>>) offsets(%arg12 : memref<6400xi32, #tpu.memory_space<vmem>>) semaphore(%arg18 : memref<!tpu.dma_semaphore, #tpu.memory_space<semaphore_mem>>)
    %dma_start3A_162 = arith.constant 12800 : i32
    %dma_start3A_163 = tpu.memref_slice %arg14[%dma_start3A_162] : memref<25600xf32, #tpu.memory_space<vmem>> -> memref<6400xf32, #tpu.memory_space<vmem>>
    %dma_start3A_164 = arith.constant 0 : i32
    %dma_start3A_165 = tpu.memref_slice %arg4[%dma_start3A_164] : memref<400000xf32, #tpu.memory_space<hbm>> -> memref<400000xf32, #tpu.memory_space<hbm>>
    tpu.enqueue_indirect_dma source(%dma_start3A_165 : memref<400000xf32, #tpu.memory_space<hbm>>) target(%dma_start3A_163 : memref<6400xf32, #tpu.memory_space<vmem>>) offsets(%arg12 : memref<6400xi32, #tpu.memory_space<vmem>>) semaphore(%arg18 : memref<!tpu.dma_semaphore, #tpu.memory_space<semaphore_mem>>)
    %dma_start3A_166 = arith.constant 19200 : i32
    %dma_start3A_167 = tpu.memref_slice %arg14[%dma_start3A_166] : memref<25600xf32, #tpu.memory_space<vmem>> -> memref<6400xf32, #tpu.memory_space<vmem>>
    %dma_start3A_168 = arith.constant 0 : i32
    %dma_start3A_169 = tpu.memref_slice %arg5[%dma_start3A_168] : memref<400000xf32, #tpu.memory_space<hbm>> -> memref<400000xf32, #tpu.memory_space<hbm>>
    tpu.enqueue_indirect_dma source(%dma_start3A_169 : memref<400000xf32, #tpu.memory_space<hbm>>) target(%dma_start3A_167 : memref<6400xf32, #tpu.memory_space<vmem>>) offsets(%arg12 : memref<6400xi32, #tpu.memory_space<vmem>>) semaphore(%arg18 : memref<!tpu.dma_semaphore, #tpu.memory_space<semaphore_mem>>)
    %mul3A_170 = arith.constant 16 : i32
    %mul3A_171 = arith.muli %add3A, %mul3A_170 : i32
    %add3A_172 = arith.constant 2 : i32
    %add3A_173 = arith.addi %mul3A_171, %add3A_172 : i32
    %dma_wait3A_174 = arith.constant 0 : i32
    %dma_wait3A_175 = tpu.memref_slice %arg13[%dma_wait3A_174] : memref<25600xf32, #tpu.memory_space<vmem>> -> memref<6400xf32, #tpu.memory_space<vmem>>
    %dma_wait3A_176 = arith.constant 0 : i32
    %dma_wait3A_177 = tpu.memref_slice %arg2[%dma_wait3A_176] : memref<400000xf32, #tpu.memory_space<hbm>> -> memref<400000xf32, #tpu.memory_space<hbm>>
    tpu.wait_indirect_dma semaphore(%arg17 : memref<!tpu.dma_semaphore, #tpu.memory_space<semaphore_mem>>) src(%dma_wait3A_177 : memref<400000xf32, #tpu.memory_space<hbm>>) dst(%dma_wait3A_175 : memref<6400xf32, #tpu.memory_space<vmem>>)
    %dma_wait3A_178 = arith.constant 6400 : i32
    %dma_wait3A_179 = tpu.memref_slice %arg13[%dma_wait3A_178] : memref<25600xf32, #tpu.memory_space<vmem>> -> memref<6400xf32, #tpu.memory_space<vmem>>
    %dma_wait3A_180 = arith.constant 0 : i32
    %dma_wait3A_181 = tpu.memref_slice %arg3[%dma_wait3A_180] : memref<400000xf32, #tpu.memory_space<hbm>> -> memref<400000xf32, #tpu.memory_space<hbm>>
    tpu.wait_indirect_dma semaphore(%arg17 : memref<!tpu.dma_semaphore, #tpu.memory_space<semaphore_mem>>) src(%dma_wait3A_181 : memref<400000xf32, #tpu.memory_space<hbm>>) dst(%dma_wait3A_179 : memref<6400xf32, #tpu.memory_space<vmem>>)
    %dma_wait3A_182 = arith.constant 12800 : i32
    %dma_wait3A_183 = tpu.memref_slice %arg13[%dma_wait3A_182] : memref<25600xf32, #tpu.memory_space<vmem>> -> memref<6400xf32, #tpu.memory_space<vmem>>
    %dma_wait3A_184 = arith.constant 0 : i32
    %dma_wait3A_185 = tpu.memref_slice %arg4[%dma_wait3A_184] : memref<400000xf32, #tpu.memory_space<hbm>> -> memref<400000xf32, #tpu.memory_space<hbm>>
    tpu.wait_indirect_dma semaphore(%arg17 : memref<!tpu.dma_semaphore, #tpu.memory_space<semaphore_mem>>) src(%dma_wait3A_185 : memref<400000xf32, #tpu.memory_space<hbm>>) dst(%dma_wait3A_183 : memref<6400xf32, #tpu.memory_space<vmem>>)
    %dma_wait3A_186 = arith.constant 19200 : i32
    %dma_wait3A_187 = tpu.memref_slice %arg13[%dma_wait3A_186] : memref<25600xf32, #tpu.memory_space<vmem>> -> memref<6400xf32, #tpu.memory_space<vmem>>
    %dma_wait3A_188 = arith.constant 0 : i32
    %dma_wait3A_189 = tpu.memref_slice %arg5[%dma_wait3A_188] : memref<400000xf32, #tpu.memory_space<hbm>> -> memref<400000xf32, #tpu.memory_space<hbm>>
    tpu.wait_indirect_dma semaphore(%arg17 : memref<!tpu.dma_semaphore, #tpu.memory_space<semaphore_mem>>) src(%dma_wait3A_189 : memref<400000xf32, #tpu.memory_space<hbm>>) dst(%dma_wait3A_187 : memref<6400xf32, #tpu.memory_space<vmem>>)
    %scan3A_190 = arith.constant 0 : i32
    %scan3A_191 = arith.constant 0 : i32
    %scan3A_192 = arith.constant 32 : i32
    %scan3A_193 = arith.addi %scan3A_191, %scan3A_192 : i32
    %scan3A_194 = arith.constant 1 : i32
    scf.for %scan3A_898 = %scan3A_191 to %scan3A_193 step %scan3A_194  : i32 {
      %mul3A_899 = arith.constant 6400 : i32
      %mul3A_900 = vector.broadcast %mul3A_899 : i32 to vector<16xi32>
      %mul3A_901 = arith.muli %and3A_4, %mul3A_900 : vector<16xi32>
      %mul3A_902 = arith.constant 200 : i32
      %mul3A_903 = arith.muli %mul3A_902, %scan3A_898 : i32
      %add3A_904 = vector.broadcast %mul3A_903 : i32 to vector<16xi32>
      %add3A_905 = arith.addi %mul3A_901, %add3A_904 : vector<16xi32>
      %mul3A_906 = arith.constant 50 : i32
      %mul3A_907 = vector.broadcast %mul3A_906 : i32 to vector<16xi32>
      %mul3A_908 = arith.muli %mul3A_907, %shift_right_arithmetic3A_2 : vector<16xi32>
      %add3A_909 = arith.addi %add3A_905, %mul3A_908 : vector<16xi32>
      %broadcast_in_dim3A = arith.constant 0.000000e+00 : f32
      %broadcast_in_dim3A_910 = vector.broadcast %broadcast_in_dim3A : f32 to vector<16xf32>
      %broadcast_in_dim3A_911 = arith.constant 0.000000e+00 : f32
      %broadcast_in_dim3A_912 = vector.broadcast %broadcast_in_dim3A_911 : f32 to vector<16xf32>
      %scan3A_913 = arith.constant 0 : i32
      %scan3A_914 = arith.constant 25 : i32
      %scan3A_915 = arith.addi %scan3A_913, %scan3A_914 : i32
      %scan3A_916 = arith.constant 1 : i32
      %scan3A_917:2 = scf.for %scan3A_926 = %scan3A_913 to %scan3A_915 step %scan3A_916 iter_args(%scan3A_927 = %broadcast_in_dim3A_910, %scan3A_928 = %broadcast_in_dim3A_912) -> (vector<16xf32>, vector<16xf32>)  : i32 {
        %add3A_929 = vector.broadcast %scan3A_926 : i32 to vector<16xi32>
        %add3A_930 = arith.addi %add3A_909, %add3A_929 : vector<16xi32>
        %gather3A = tpu.vector_load_idx %arg13[%add3A_930] : memref<25600xf32, #tpu.memory_space<vmem>>[vector<16xi32>], vector<16xf32>,
        %add3A_931 = arith.addf %scan3A_927, %gather3A : vector<16xf32>
        %add3A_932 = vector.broadcast %scan3A_926 : i32 to vector<16xi32>
        %add3A_933 = arith.addi %add3A_909, %add3A_932 : vector<16xi32>
        %add3A_934 = arith.constant 25 : i32
        %add3A_935 = vector.broadcast %add3A_934 : i32 to vector<16xi32>
        %add3A_936 = arith.addi %add3A_933, %add3A_935 : vector<16xi32>
        %gather3A_937 = tpu.vector_load_idx %arg13[%add3A_936] : memref<25600xf32, #tpu.memory_space<vmem>>[vector<16xi32>], vector<16xf32>,
        %add3A_938 = arith.addf %scan3A_928, %gather3A_937 : vector<16xf32>
        scf.yield %add3A_931, %add3A_938 : vector<16xf32>, vector<16xf32>
      }
      %scan3A_918 = arith.constant 25 : i32
      %add3A_919 = arith.addf %scan3A_917#0, %scan3A_917#1 : vector<16xf32>
      %mul3A_920 = arith.constant 2.000000e-02 : f32
      %mul3A_921 = vector.broadcast %mul3A_920 : f32 to vector<16xf32>
      %mul3A_922 = arith.mulf %add3A_919, %mul3A_921 : vector<16xf32>
      %mul3A_923 = arith.constant 16 : i32
      %mul3A_924 = arith.muli %scan3A_898, %mul3A_923 : i32
      %swap3A = arith.index_cast %mul3A_924 : i32 to index
      %swap3A_925 = tpu.vector_load %arg16[%swap3A] {strides = array<i32>} : memref<512xf32, #tpu.memory_space<vmem>>, vector<16xf32>,
      tpu.vector_store %arg16[%swap3A], %mul3A_922 {strides = array<i32>} : memref<512xf32, #tpu.memory_space<vmem>>, vector<16xf32>,
    }
    %scan3A_195 = arith.constant 32 : i32
    %mul3A_196 = arith.constant 512 : i32
    %mul3A_197 = arith.muli %add3A_173, %mul3A_196 : i32
    "tpu.region"() ({
      %run_scoped3A = tpu.sem_alloc : memref<!tpu.dma_semaphore, #tpu.memory_space<semaphore_mem>>
      %dma_start3A_898 = tpu.memref_slice %arg8[%mul3A_197] : memref<262144xf32, #tpu.memory_space<hbm>> -> memref<512xf32, #tpu.memory_space<hbm>>
      %dma_start3A_899 = tpu.memref_slice %arg8[%mul3A_197] : memref<262144xf32, #tpu.memory_space<hbm>> -> memref<512xf32, #tpu.memory_space<hbm>>
      tpu.enqueue_dma source(%arg16 : memref<512xf32, #tpu.memory_space<vmem>>) target(%dma_start3A_899 : memref<512xf32, #tpu.memory_space<hbm>>) target_semaphore(%run_scoped3A : memref<!tpu.dma_semaphore, #tpu.memory_space<semaphore_mem>>)
      %dma_wait3A_900 = tpu.memref_slice %arg8[%mul3A_197] : memref<262144xf32, #tpu.memory_space<hbm>> -> memref<512xf32, #tpu.memory_space<hbm>>
      %dma_wait3A_901 = tpu.memref_slice %arg8[%mul3A_197] : memref<262144xf32, #tpu.memory_space<hbm>> -> memref<512xf32, #tpu.memory_space<hbm>>
      tpu.wait_dma2 semaphore(%run_scoped3A : memref<!tpu.dma_semaphore, #tpu.memory_space<semaphore_mem>>) src(%arg16 : memref<512xf32, #tpu.memory_space<vmem>>) dst(%dma_wait3A_901 : memref<512xf32, #tpu.memory_space<hbm>>)
      tpu.yield
    }) : () -> ()
    %mul3A_198 = arith.constant 16 : i32
    %mul3A_199 = arith.muli %add3A, %mul3A_198 : i32
    %add3A_200 = arith.constant 4 : i32
    %add3A_201 = arith.addi %mul3A_199, %add3A_200 : i32
    %mul3A_202 = arith.constant 6400 : i32
    %mul3A_203 = arith.muli %add3A_201, %mul3A_202 : i32
    "tpu.region"() ({
      %run_scoped3A = tpu.sem_alloc : memref<!tpu.dma_semaphore, #tpu.memory_space<semaphore_mem>>
      %dma_start3A_898 = tpu.memref_slice %arg6[%mul3A_203] : memref<3276800xi32, #tpu.memory_space<hbm>> -> memref<6400xi32, #tpu.memory_space<hbm>>
      %dma_start3A_899 = tpu.memref_slice %arg6[%mul3A_203] : memref<3276800xi32, #tpu.memory_space<hbm>> -> memref<6400xi32, #tpu.memory_space<hbm>>
      tpu.enqueue_dma source(%dma_start3A_899 : memref<6400xi32, #tpu.memory_space<hbm>>) target(%arg9 : memref<6400xi32, #tpu.memory_space<vmem>>) target_semaphore(%run_scoped3A : memref<!tpu.dma_semaphore, #tpu.memory_space<semaphore_mem>>)
      %dma_wait3A_900 = tpu.memref_slice %arg6[%mul3A_203] : memref<3276800xi32, #tpu.memory_space<hbm>> -> memref<6400xi32, #tpu.memory_space<hbm>>
      %dma_wait3A_901 = tpu.memref_slice %arg6[%mul3A_203] : memref<3276800xi32, #tpu.memory_space<hbm>> -> memref<6400xi32, #tpu.memory_space<hbm>>
      tpu.wait_dma2 semaphore(%run_scoped3A : memref<!tpu.dma_semaphore, #tpu.memory_space<semaphore_mem>>) src(%dma_wait3A_901 : memref<6400xi32, #tpu.memory_space<hbm>>) dst(%arg9 : memref<6400xi32, #tpu.memory_space<vmem>>)
      tpu.yield
    }) : () -> ()
    %scan3A_204 = arith.constant 0 : i32
    %scan3A_205 = arith.constant 0 : i32
    %scan3A_206 = arith.constant 400 : i32
    %scan3A_207 = arith.addi %scan3A_205, %scan3A_206 : i32
    %scan3A_208 = arith.constant 1 : i32
    scf.for %scan3A_898 = %scan3A_205 to %scan3A_207 step %scan3A_208  : i32 {
      %mul3A_899 = arith.constant 16 : i32
      %mul3A_900 = arith.muli %scan3A_898, %mul3A_899 : i32
      %get3A = arith.index_cast %mul3A_900 : i32 to index
      %get3A_901 = tpu.vector_load %arg9[%get3A] {strides = array<i32>} : memref<6400xi32, #tpu.memory_space<vmem>>, vector<16xi32>,
      %mul3A_902 = arith.constant 16 : i32
      %mul3A_903 = arith.muli %scan3A_898, %mul3A_902 : i32
      %get3A_904 = arith.index_cast %mul3A_903 : i32 to index
      %get3A_905 = tpu.vector_load %arg15[%get3A_904] {strides = array<i32>} : memref<6400xi32, #tpu.memory_space<vmem>>, vector<16xi32>,
      %add3A_906 = arith.addi %get3A_901, %get3A_905 : vector<16xi32>
      %mul3A_907 = arith.constant 16 : i32
      %mul3A_908 = arith.muli %scan3A_898, %mul3A_907 : i32
      %swap3A = arith.index_cast %mul3A_908 : i32 to index
      %swap3A_909 = tpu.vector_load %arg11[%swap3A] {strides = array<i32>} : memref<6400xi32, #tpu.memory_space<vmem>>, vector<16xi32>,
      tpu.vector_store %arg11[%swap3A], %add3A_906 {strides = array<i32>} : memref<6400xi32, #tpu.memory_space<vmem>>, vector<16xi32>,
    }
    %scan3A_209 = arith.constant 400 : i32
    %dma_start3A_210 = arith.constant 0 : i32
    %dma_start3A_211 = tpu.memref_slice %arg13[%dma_start3A_210] : memref<25600xf32, #tpu.memory_space<vmem>> -> memref<6400xf32, #tpu.memory_space<vmem>>
    %dma_start3A_212 = arith.constant 0 : i32
    %dma_start3A_213 = tpu.memref_slice %arg2[%dma_start3A_212] : memref<400000xf32, #tpu.memory_space<hbm>> -> memref<400000xf32, #tpu.memory_space<hbm>>
    tpu.enqueue_indirect_dma source(%dma_start3A_213 : memref<400000xf32, #tpu.memory_space<hbm>>) target(%dma_start3A_211 : memref<6400xf32, #tpu.memory_space<vmem>>) offsets(%arg11 : memref<6400xi32, #tpu.memory_space<vmem>>) semaphore(%arg17 : memref<!tpu.dma_semaphore, #tpu.memory_space<semaphore_mem>>)
    %dma_start3A_214 = arith.constant 6400 : i32
    %dma_start3A_215 = tpu.memref_slice %arg13[%dma_start3A_214] : memref<25600xf32, #tpu.memory_space<vmem>> -> memref<6400xf32, #tpu.memory_space<vmem>>
    %dma_start3A_216 = arith.constant 0 : i32
    %dma_start3A_217 = tpu.memref_slice %arg3[%dma_start3A_216] : memref<400000xf32, #tpu.memory_space<hbm>> -> memref<400000xf32, #tpu.memory_space<hbm>>
    tpu.enqueue_indirect_dma source(%dma_start3A_217 : memref<400000xf32, #tpu.memory_space<hbm>>) target(%dma_start3A_215 : memref<6400xf32, #tpu.memory_space<vmem>>) offsets(%arg11 : memref<6400xi32, #tpu.memory_space<vmem>>) semaphore(%arg17 : memref<!tpu.dma_semaphore, #tpu.memory_space<semaphore_mem>>)
    %dma_start3A_218 = arith.constant 12800 : i32
    %dma_start3A_219 = tpu.memref_slice %arg13[%dma_start3A_218] : memref<25600xf32, #tpu.memory_space<vmem>> -> memref<6400xf32, #tpu.memory_space<vmem>>
    %dma_start3A_220 = arith.constant 0 : i32
    %dma_start3A_221 = tpu.memref_slice %arg4[%dma_start3A_220] : memref<400000xf32, #tpu.memory_space<hbm>> -> memref<400000xf32, #tpu.memory_space<hbm>>
    tpu.enqueue_indirect_dma source(%dma_start3A_221 : memref<400000xf32, #tpu.memory_space<hbm>>) target(%dma_start3A_219 : memref<6400xf32, #tpu.memory_space<vmem>>) offsets(%arg11 : memref<6400xi32, #tpu.memory_space<vmem>>) semaphore(%arg17 : memref<!tpu.dma_semaphore, #tpu.memory_space<semaphore_mem>>)
    %dma_start3A_222 = arith.constant 19200 : i32
    %dma_start3A_223 = tpu.memref_slice %arg13[%dma_start3A_222] : memref<25600xf32, #tpu.memory_space<vmem>> -> memref<6400xf32, #tpu.memory_space<vmem>>
    %dma_start3A_224 = arith.constant 0 : i32
    %dma_start3A_225 = tpu.memref_slice %arg5[%dma_start3A_224] : memref<400000xf32, #tpu.memory_space<hbm>> -> memref<400000xf32, #tpu.memory_space<hbm>>
    tpu.enqueue_indirect_dma source(%dma_start3A_225 : memref<400000xf32, #tpu.memory_space<hbm>>) target(%dma_start3A_223 : memref<6400xf32, #tpu.memory_space<vmem>>) offsets(%arg11 : memref<6400xi32, #tpu.memory_space<vmem>>) semaphore(%arg17 : memref<!tpu.dma_semaphore, #tpu.memory_space<semaphore_mem>>)
    %mul3A_226 = arith.constant 16 : i32
    %mul3A_227 = arith.muli %add3A, %mul3A_226 : i32
    %add3A_228 = arith.constant 3 : i32
    %add3A_229 = arith.addi %mul3A_227, %add3A_228 : i32
    %dma_wait3A_230 = arith.constant 0 : i32
    %dma_wait3A_231 = tpu.memref_slice %arg14[%dma_wait3A_230] : memref<25600xf32, #tpu.memory_space<vmem>> -> memref<6400xf32, #tpu.memory_space<vmem>>
    %dma_wait3A_232 = arith.constant 0 : i32
    %dma_wait3A_233 = tpu.memref_slice %arg2[%dma_wait3A_232] : memref<400000xf32, #tpu.memory_space<hbm>> -> memref<400000xf32, #tpu.memory_space<hbm>>
    tpu.wait_indirect_dma semaphore(%arg18 : memref<!tpu.dma_semaphore, #tpu.memory_space<semaphore_mem>>) src(%dma_wait3A_233 : memref<400000xf32, #tpu.memory_space<hbm>>) dst(%dma_wait3A_231 : memref<6400xf32, #tpu.memory_space<vmem>>)
    %dma_wait3A_234 = arith.constant 6400 : i32
    %dma_wait3A_235 = tpu.memref_slice %arg14[%dma_wait3A_234] : memref<25600xf32, #tpu.memory_space<vmem>> -> memref<6400xf32, #tpu.memory_space<vmem>>
    %dma_wait3A_236 = arith.constant 0 : i32
    %dma_wait3A_237 = tpu.memref_slice %arg3[%dma_wait3A_236] : memref<400000xf32, #tpu.memory_space<hbm>> -> memref<400000xf32, #tpu.memory_space<hbm>>
    tpu.wait_indirect_dma semaphore(%arg18 : memref<!tpu.dma_semaphore, #tpu.memory_space<semaphore_mem>>) src(%dma_wait3A_237 : memref<400000xf32, #tpu.memory_space<hbm>>) dst(%dma_wait3A_235 : memref<6400xf32, #tpu.memory_space<vmem>>)
    %dma_wait3A_238 = arith.constant 12800 : i32
    %dma_wait3A_239 = tpu.memref_slice %arg14[%dma_wait3A_238] : memref<25600xf32, #tpu.memory_space<vmem>> -> memref<6400xf32, #tpu.memory_space<vmem>>
    %dma_wait3A_240 = arith.constant 0 : i32
    %dma_wait3A_241 = tpu.memref_slice %arg4[%dma_wait3A_240] : memref<400000xf32, #tpu.memory_space<hbm>> -> memref<400000xf32, #tpu.memory_space<hbm>>
    tpu.wait_indirect_dma semaphore(%arg18 : memref<!tpu.dma_semaphore, #tpu.memory_space<semaphore_mem>>) src(%dma_wait3A_241 : memref<400000xf32, #tpu.memory_space<hbm>>) dst(%dma_wait3A_239 : memref<6400xf32, #tpu.memory_space<vmem>>)
    %dma_wait3A_242 = arith.constant 19200 : i32
    %dma_wait3A_243 = tpu.memref_slice %arg14[%dma_wait3A_242] : memref<25600xf32, #tpu.memory_space<vmem>> -> memref<6400xf32, #tpu.memory_space<vmem>>
    %dma_wait3A_244 = arith.constant 0 : i32
    %dma_wait3A_245 = tpu.memref_slice %arg5[%dma_wait3A_244] : memref<400000xf32, #tpu.memory_space<hbm>> -> memref<400000xf32, #tpu.memory_space<hbm>>
    tpu.wait_indirect_dma semaphore(%arg18 : memref<!tpu.dma_semaphore, #tpu.memory_space<semaphore_mem>>) src(%dma_wait3A_245 : memref<400000xf32, #tpu.memory_space<hbm>>) dst(%dma_wait3A_243 : memref<6400xf32, #tpu.memory_space<vmem>>)
    %scan3A_246 = arith.constant 0 : i32
    %scan3A_247 = arith.constant 0 : i32
    %scan3A_248 = arith.constant 32 : i32
    %scan3A_249 = arith.addi %scan3A_247, %scan3A_248 : i32
    %scan3A_250 = arith.constant 1 : i32
    scf.for %scan3A_898 = %scan3A_247 to %scan3A_249 step %scan3A_250  : i32 {
      %mul3A_899 = arith.constant 6400 : i32
      %mul3A_900 = vector.broadcast %mul3A_899 : i32 to vector<16xi32>
      %mul3A_901 = arith.muli %and3A_4, %mul3A_900 : vector<16xi32>
      %mul3A_902 = arith.constant 200 : i32
      %mul3A_903 = arith.muli %mul3A_902, %scan3A_898 : i32
      %add3A_904 = vector.broadcast %mul3A_903 : i32 to vector<16xi32>
      %add3A_905 = arith.addi %mul3A_901, %add3A_904 : vector<16xi32>
      %mul3A_906 = arith.constant 50 : i32
      %mul3A_907 = vector.broadcast %mul3A_906 : i32 to vector<16xi32>
      %mul3A_908 = arith.muli %mul3A_907, %shift_right_arithmetic3A_2 : vector<16xi32>
      %add3A_909 = arith.addi %add3A_905, %mul3A_908 : vector<16xi32>
      %broadcast_in_dim3A = arith.constant 0.000000e+00 : f32
      %broadcast_in_dim3A_910 = vector.broadcast %broadcast_in_dim3A : f32 to vector<16xf32>
      %broadcast_in_dim3A_911 = arith.constant 0.000000e+00 : f32
      %broadcast_in_dim3A_912 = vector.broadcast %broadcast_in_dim3A_911 : f32 to vector<16xf32>
      %scan3A_913 = arith.constant 0 : i32
      %scan3A_914 = arith.constant 25 : i32
      %scan3A_915 = arith.addi %scan3A_913, %scan3A_914 : i32
      %scan3A_916 = arith.constant 1 : i32
      %scan3A_917:2 = scf.for %scan3A_926 = %scan3A_913 to %scan3A_915 step %scan3A_916 iter_args(%scan3A_927 = %broadcast_in_dim3A_910, %scan3A_928 = %broadcast_in_dim3A_912) -> (vector<16xf32>, vector<16xf32>)  : i32 {
        %add3A_929 = vector.broadcast %scan3A_926 : i32 to vector<16xi32>
        %add3A_930 = arith.addi %add3A_909, %add3A_929 : vector<16xi32>
        %gather3A = tpu.vector_load_idx %arg14[%add3A_930] : memref<25600xf32, #tpu.memory_space<vmem>>[vector<16xi32>], vector<16xf32>,
        %add3A_931 = arith.addf %scan3A_927, %gather3A : vector<16xf32>
        %add3A_932 = vector.broadcast %scan3A_926 : i32 to vector<16xi32>
        %add3A_933 = arith.addi %add3A_909, %add3A_932 : vector<16xi32>
        %add3A_934 = arith.constant 25 : i32
        %add3A_935 = vector.broadcast %add3A_934 : i32 to vector<16xi32>
        %add3A_936 = arith.addi %add3A_933, %add3A_935 : vector<16xi32>
        %gather3A_937 = tpu.vector_load_idx %arg14[%add3A_936] : memref<25600xf32, #tpu.memory_space<vmem>>[vector<16xi32>], vector<16xf32>,
        %add3A_938 = arith.addf %scan3A_928, %gather3A_937 : vector<16xf32>
        scf.yield %add3A_931, %add3A_938 : vector<16xf32>, vector<16xf32>
      }
      %scan3A_918 = arith.constant 25 : i32
      %add3A_919 = arith.addf %scan3A_917#0, %scan3A_917#1 : vector<16xf32>
      %mul3A_920 = arith.constant 2.000000e-02 : f32
      %mul3A_921 = vector.broadcast %mul3A_920 : f32 to vector<16xf32>
      %mul3A_922 = arith.mulf %add3A_919, %mul3A_921 : vector<16xf32>
      %mul3A_923 = arith.constant 16 : i32
      %mul3A_924 = arith.muli %scan3A_898, %mul3A_923 : i32
      %swap3A = arith.index_cast %mul3A_924 : i32 to index
      %swap3A_925 = tpu.vector_load %arg16[%swap3A] {strides = array<i32>} : memref<512xf32, #tpu.memory_space<vmem>>, vector<16xf32>,
      tpu.vector_store %arg16[%swap3A], %mul3A_922 {strides = array<i32>} : memref<512xf32, #tpu.memory_space<vmem>>, vector<16xf32>,
    }
    %scan3A_251 = arith.constant 32 : i32
    %mul3A_252 = arith.constant 512 : i32
    %mul3A_253 = arith.muli %add3A_229, %mul3A_252 : i32
    "tpu.region"() ({
      %run_scoped3A = tpu.sem_alloc : memref<!tpu.dma_semaphore, #tpu.memory_space<semaphore_mem>>
      %dma_start3A_898 = tpu.memref_slice %arg8[%mul3A_253] : memref<262144xf32, #tpu.memory_space<hbm>> -> memref<512xf32, #tpu.memory_space<hbm>>
      %dma_start3A_899 = tpu.memref_slice %arg8[%mul3A_253] : memref<262144xf32, #tpu.memory_space<hbm>> -> memref<512xf32, #tpu.memory_space<hbm>>
      tpu.enqueue_dma source(%arg16 : memref<512xf32, #tpu.memory_space<vmem>>) target(%dma_start3A_899 : memref<512xf32, #tpu.memory_space<hbm>>) target_semaphore(%run_scoped3A : memref<!tpu.dma_semaphore, #tpu.memory_space<semaphore_mem>>)
      %dma_wait3A_900 = tpu.memref_slice %arg8[%mul3A_253] : memref<262144xf32, #tpu.memory_space<hbm>> -> memref<512xf32, #tpu.memory_space<hbm>>
      %dma_wait3A_901 = tpu.memref_slice %arg8[%mul3A_253] : memref<262144xf32, #tpu.memory_space<hbm>> -> memref<512xf32, #tpu.memory_space<hbm>>
      tpu.wait_dma2 semaphore(%run_scoped3A : memref<!tpu.dma_semaphore, #tpu.memory_space<semaphore_mem>>) src(%arg16 : memref<512xf32, #tpu.memory_space<vmem>>) dst(%dma_wait3A_901 : memref<512xf32, #tpu.memory_space<hbm>>)
      tpu.yield
    }) : () -> ()
    %mul3A_254 = arith.constant 16 : i32
    %mul3A_255 = arith.muli %add3A, %mul3A_254 : i32
    %add3A_256 = arith.constant 5 : i32
    %add3A_257 = arith.addi %mul3A_255, %add3A_256 : i32
    %mul3A_258 = arith.constant 6400 : i32
    %mul3A_259 = arith.muli %add3A_257, %mul3A_258 : i32
    "tpu.region"() ({
      %run_scoped3A = tpu.sem_alloc : memref<!tpu.dma_semaphore, #tpu.memory_space<semaphore_mem>>
      %dma_start3A_898 = tpu.memref_slice %arg6[%mul3A_259] : memref<3276800xi32, #tpu.memory_space<hbm>> -> memref<6400xi32, #tpu.memory_space<hbm>>
      %dma_start3A_899 = tpu.memref_slice %arg6[%mul3A_259] : memref<3276800xi32, #tpu.memory_space<hbm>> -> memref<6400xi32, #tpu.memory_space<hbm>>
      tpu.enqueue_dma source(%dma_start3A_899 : memref<6400xi32, #tpu.memory_space<hbm>>) target(%arg10 : memref<6400xi32, #tpu.memory_space<vmem>>) target_semaphore(%run_scoped3A : memref<!tpu.dma_semaphore, #tpu.memory_space<semaphore_mem>>)
      %dma_wait3A_900 = tpu.memref_slice %arg6[%mul3A_259] : memref<3276800xi32, #tpu.memory_space<hbm>> -> memref<6400xi32, #tpu.memory_space<hbm>>
      %dma_wait3A_901 = tpu.memref_slice %arg6[%mul3A_259] : memref<3276800xi32, #tpu.memory_space<hbm>> -> memref<6400xi32, #tpu.memory_space<hbm>>
      tpu.wait_dma2 semaphore(%run_scoped3A : memref<!tpu.dma_semaphore, #tpu.memory_space<semaphore_mem>>) src(%dma_wait3A_901 : memref<6400xi32, #tpu.memory_space<hbm>>) dst(%arg10 : memref<6400xi32, #tpu.memory_space<vmem>>)
      tpu.yield
    }) : () -> ()
    %scan3A_260 = arith.constant 0 : i32
    %scan3A_261 = arith.constant 0 : i32
    %scan3A_262 = arith.constant 400 : i32
    %scan3A_263 = arith.addi %scan3A_261, %scan3A_262 : i32
    %scan3A_264 = arith.constant 1 : i32
    scf.for %scan3A_898 = %scan3A_261 to %scan3A_263 step %scan3A_264  : i32 {
      %mul3A_899 = arith.constant 16 : i32
      %mul3A_900 = arith.muli %scan3A_898, %mul3A_899 : i32
      %get3A = arith.index_cast %mul3A_900 : i32 to index
      %get3A_901 = tpu.vector_load %arg10[%get3A] {strides = array<i32>} : memref<6400xi32, #tpu.memory_space<vmem>>, vector<16xi32>,
      %mul3A_902 = arith.constant 16 : i32
      %mul3A_903 = arith.muli %scan3A_898, %mul3A_902 : i32
      %get3A_904 = arith.index_cast %mul3A_903 : i32 to index
      %get3A_905 = tpu.vector_load %arg15[%get3A_904] {strides = array<i32>} : memref<6400xi32, #tpu.memory_space<vmem>>, vector<16xi32>,
      %add3A_906 = arith.addi %get3A_901, %get3A_905 : vector<16xi32>
      %mul3A_907 = arith.constant 16 : i32
      %mul3A_908 = arith.muli %scan3A_898, %mul3A_907 : i32
      %swap3A = arith.index_cast %mul3A_908 : i32 to index
      %swap3A_909 = tpu.vector_load %arg12[%swap3A] {strides = array<i32>} : memref<6400xi32, #tpu.memory_space<vmem>>, vector<16xi32>,
      tpu.vector_store %arg12[%swap3A], %add3A_906 {strides = array<i32>} : memref<6400xi32, #tpu.memory_space<vmem>>, vector<16xi32>,
    }
    %scan3A_265 = arith.constant 400 : i32
    %dma_start3A_266 = arith.constant 0 : i32
    %dma_start3A_267 = tpu.memref_slice %arg14[%dma_start3A_266] : memref<25600xf32, #tpu.memory_space<vmem>> -> memref<6400xf32, #tpu.memory_space<vmem>>
    %dma_start3A_268 = arith.constant 0 : i32
    %dma_start3A_269 = tpu.memref_slice %arg2[%dma_start3A_268] : memref<400000xf32, #tpu.memory_space<hbm>> -> memref<400000xf32, #tpu.memory_space<hbm>>
    tpu.enqueue_indirect_dma source(%dma_start3A_269 : memref<400000xf32, #tpu.memory_space<hbm>>) target(%dma_start3A_267 : memref<6400xf32, #tpu.memory_space<vmem>>) offsets(%arg12 : memref<6400xi32, #tpu.memory_space<vmem>>) semaphore(%arg18 : memref<!tpu.dma_semaphore, #tpu.memory_space<semaphore_mem>>)
    %dma_start3A_270 = arith.constant 6400 : i32
    %dma_start3A_271 = tpu.memref_slice %arg14[%dma_start3A_270] : memref<25600xf32, #tpu.memory_space<vmem>> -> memref<6400xf32, #tpu.memory_space<vmem>>
    %dma_start3A_272 = arith.constant 0 : i32
    %dma_start3A_273 = tpu.memref_slice %arg3[%dma_start3A_272] : memref<400000xf32, #tpu.memory_space<hbm>> -> memref<400000xf32, #tpu.memory_space<hbm>>
    tpu.enqueue_indirect_dma source(%dma_start3A_273 : memref<400000xf32, #tpu.memory_space<hbm>>) target(%dma_start3A_271 : memref<6400xf32, #tpu.memory_space<vmem>>) offsets(%arg12 : memref<6400xi32, #tpu.memory_space<vmem>>) semaphore(%arg18 : memref<!tpu.dma_semaphore, #tpu.memory_space<semaphore_mem>>)
    %dma_start3A_274 = arith.constant 12800 : i32
    %dma_start3A_275 = tpu.memref_slice %arg14[%dma_start3A_274] : memref<25600xf32, #tpu.memory_space<vmem>> -> memref<6400xf32, #tpu.memory_space<vmem>>
    %dma_start3A_276 = arith.constant 0 : i32
    %dma_start3A_277 = tpu.memref_slice %arg4[%dma_start3A_276] : memref<400000xf32, #tpu.memory_space<hbm>> -> memref<400000xf32, #tpu.memory_space<hbm>>
    tpu.enqueue_indirect_dma source(%dma_start3A_277 : memref<400000xf32, #tpu.memory_space<hbm>>) target(%dma_start3A_275 : memref<6400xf32, #tpu.memory_space<vmem>>) offsets(%arg12 : memref<6400xi32, #tpu.memory_space<vmem>>) semaphore(%arg18 : memref<!tpu.dma_semaphore, #tpu.memory_space<semaphore_mem>>)
    %dma_start3A_278 = arith.constant 19200 : i32
    %dma_start3A_279 = tpu.memref_slice %arg14[%dma_start3A_278] : memref<25600xf32, #tpu.memory_space<vmem>> -> memref<6400xf32, #tpu.memory_space<vmem>>
    %dma_start3A_280 = arith.constant 0 : i32
    %dma_start3A_281 = tpu.memref_slice %arg5[%dma_start3A_280] : memref<400000xf32, #tpu.memory_space<hbm>> -> memref<400000xf32, #tpu.memory_space<hbm>>
    tpu.enqueue_indirect_dma source(%dma_start3A_281 : memref<400000xf32, #tpu.memory_space<hbm>>) target(%dma_start3A_279 : memref<6400xf32, #tpu.memory_space<vmem>>) offsets(%arg12 : memref<6400xi32, #tpu.memory_space<vmem>>) semaphore(%arg18 : memref<!tpu.dma_semaphore, #tpu.memory_space<semaphore_mem>>)
    %mul3A_282 = arith.constant 16 : i32
    %mul3A_283 = arith.muli %add3A, %mul3A_282 : i32
    %add3A_284 = arith.constant 4 : i32
    %add3A_285 = arith.addi %mul3A_283, %add3A_284 : i32
    %dma_wait3A_286 = arith.constant 0 : i32
    %dma_wait3A_287 = tpu.memref_slice %arg13[%dma_wait3A_286] : memref<25600xf32, #tpu.memory_space<vmem>> -> memref<6400xf32, #tpu.memory_space<vmem>>
    %dma_wait3A_288 = arith.constant 0 : i32
    %dma_wait3A_289 = tpu.memref_slice %arg2[%dma_wait3A_288] : memref<400000xf32, #tpu.memory_space<hbm>> -> memref<400000xf32, #tpu.memory_space<hbm>>
    tpu.wait_indirect_dma semaphore(%arg17 : memref<!tpu.dma_semaphore, #tpu.memory_space<semaphore_mem>>) src(%dma_wait3A_289 : memref<400000xf32, #tpu.memory_space<hbm>>) dst(%dma_wait3A_287 : memref<6400xf32, #tpu.memory_space<vmem>>)
    %dma_wait3A_290 = arith.constant 6400 : i32
    %dma_wait3A_291 = tpu.memref_slice %arg13[%dma_wait3A_290] : memref<25600xf32, #tpu.memory_space<vmem>> -> memref<6400xf32, #tpu.memory_space<vmem>>
    %dma_wait3A_292 = arith.constant 0 : i32
    %dma_wait3A_293 = tpu.memref_slice %arg3[%dma_wait3A_292] : memref<400000xf32, #tpu.memory_space<hbm>> -> memref<400000xf32, #tpu.memory_space<hbm>>
    tpu.wait_indirect_dma semaphore(%arg17 : memref<!tpu.dma_semaphore, #tpu.memory_space<semaphore_mem>>) src(%dma_wait3A_293 : memref<400000xf32, #tpu.memory_space<hbm>>) dst(%dma_wait3A_291 : memref<6400xf32, #tpu.memory_space<vmem>>)
    %dma_wait3A_294 = arith.constant 12800 : i32
    %dma_wait3A_295 = tpu.memref_slice %arg13[%dma_wait3A_294] : memref<25600xf32, #tpu.memory_space<vmem>> -> memref<6400xf32, #tpu.memory_space<vmem>>
    %dma_wait3A_296 = arith.constant 0 : i32
    %dma_wait3A_297 = tpu.memref_slice %arg4[%dma_wait3A_296] : memref<400000xf32, #tpu.memory_space<hbm>> -> memref<400000xf32, #tpu.memory_space<hbm>>
    tpu.wait_indirect_dma semaphore(%arg17 : memref<!tpu.dma_semaphore, #tpu.memory_space<semaphore_mem>>) src(%dma_wait3A_297 : memref<400000xf32, #tpu.memory_space<hbm>>) dst(%dma_wait3A_295 : memref<6400xf32, #tpu.memory_space<vmem>>)
    %dma_wait3A_298 = arith.constant 19200 : i32
    %dma_wait3A_299 = tpu.memref_slice %arg13[%dma_wait3A_298] : memref<25600xf32, #tpu.memory_space<vmem>> -> memref<6400xf32, #tpu.memory_space<vmem>>
    %dma_wait3A_300 = arith.constant 0 : i32
    %dma_wait3A_301 = tpu.memref_slice %arg5[%dma_wait3A_300] : memref<400000xf32, #tpu.memory_space<hbm>> -> memref<400000xf32, #tpu.memory_space<hbm>>
    tpu.wait_indirect_dma semaphore(%arg17 : memref<!tpu.dma_semaphore, #tpu.memory_space<semaphore_mem>>) src(%dma_wait3A_301 : memref<400000xf32, #tpu.memory_space<hbm>>) dst(%dma_wait3A_299 : memref<6400xf32, #tpu.memory_space<vmem>>)
    %scan3A_302 = arith.constant 0 : i32
    %scan3A_303 = arith.constant 0 : i32
    %scan3A_304 = arith.constant 32 : i32
    %scan3A_305 = arith.addi %scan3A_303, %scan3A_304 : i32
    %scan3A_306 = arith.constant 1 : i32
    scf.for %scan3A_898 = %scan3A_303 to %scan3A_305 step %scan3A_306  : i32 {
      %mul3A_899 = arith.constant 6400 : i32
      %mul3A_900 = vector.broadcast %mul3A_899 : i32 to vector<16xi32>
      %mul3A_901 = arith.muli %and3A_4, %mul3A_900 : vector<16xi32>
      %mul3A_902 = arith.constant 200 : i32
      %mul3A_903 = arith.muli %mul3A_902, %scan3A_898 : i32
      %add3A_904 = vector.broadcast %mul3A_903 : i32 to vector<16xi32>
      %add3A_905 = arith.addi %mul3A_901, %add3A_904 : vector<16xi32>
      %mul3A_906 = arith.constant 50 : i32
      %mul3A_907 = vector.broadcast %mul3A_906 : i32 to vector<16xi32>
      %mul3A_908 = arith.muli %mul3A_907, %shift_right_arithmetic3A_2 : vector<16xi32>
      %add3A_909 = arith.addi %add3A_905, %mul3A_908 : vector<16xi32>
      %broadcast_in_dim3A = arith.constant 0.000000e+00 : f32
      %broadcast_in_dim3A_910 = vector.broadcast %broadcast_in_dim3A : f32 to vector<16xf32>
      %broadcast_in_dim3A_911 = arith.constant 0.000000e+00 : f32
      %broadcast_in_dim3A_912 = vector.broadcast %broadcast_in_dim3A_911 : f32 to vector<16xf32>
      %scan3A_913 = arith.constant 0 : i32
      %scan3A_914 = arith.constant 25 : i32
      %scan3A_915 = arith.addi %scan3A_913, %scan3A_914 : i32
      %scan3A_916 = arith.constant 1 : i32
      %scan3A_917:2 = scf.for %scan3A_926 = %scan3A_913 to %scan3A_915 step %scan3A_916 iter_args(%scan3A_927 = %broadcast_in_dim3A_910, %scan3A_928 = %broadcast_in_dim3A_912) -> (vector<16xf32>, vector<16xf32>)  : i32 {
        %add3A_929 = vector.broadcast %scan3A_926 : i32 to vector<16xi32>
        %add3A_930 = arith.addi %add3A_909, %add3A_929 : vector<16xi32>
        %gather3A = tpu.vector_load_idx %arg13[%add3A_930] : memref<25600xf32, #tpu.memory_space<vmem>>[vector<16xi32>], vector<16xf32>,
        %add3A_931 = arith.addf %scan3A_927, %gather3A : vector<16xf32>
        %add3A_932 = vector.broadcast %scan3A_926 : i32 to vector<16xi32>
        %add3A_933 = arith.addi %add3A_909, %add3A_932 : vector<16xi32>
        %add3A_934 = arith.constant 25 : i32
        %add3A_935 = vector.broadcast %add3A_934 : i32 to vector<16xi32>
        %add3A_936 = arith.addi %add3A_933, %add3A_935 : vector<16xi32>
        %gather3A_937 = tpu.vector_load_idx %arg13[%add3A_936] : memref<25600xf32, #tpu.memory_space<vmem>>[vector<16xi32>], vector<16xf32>,
        %add3A_938 = arith.addf %scan3A_928, %gather3A_937 : vector<16xf32>
        scf.yield %add3A_931, %add3A_938 : vector<16xf32>, vector<16xf32>
      }
      %scan3A_918 = arith.constant 25 : i32
      %add3A_919 = arith.addf %scan3A_917#0, %scan3A_917#1 : vector<16xf32>
      %mul3A_920 = arith.constant 2.000000e-02 : f32
      %mul3A_921 = vector.broadcast %mul3A_920 : f32 to vector<16xf32>
      %mul3A_922 = arith.mulf %add3A_919, %mul3A_921 : vector<16xf32>
      %mul3A_923 = arith.constant 16 : i32
      %mul3A_924 = arith.muli %scan3A_898, %mul3A_923 : i32
      %swap3A = arith.index_cast %mul3A_924 : i32 to index
      %swap3A_925 = tpu.vector_load %arg16[%swap3A] {strides = array<i32>} : memref<512xf32, #tpu.memory_space<vmem>>, vector<16xf32>,
      tpu.vector_store %arg16[%swap3A], %mul3A_922 {strides = array<i32>} : memref<512xf32, #tpu.memory_space<vmem>>, vector<16xf32>,
    }
    %scan3A_307 = arith.constant 32 : i32
    %mul3A_308 = arith.constant 512 : i32
    %mul3A_309 = arith.muli %add3A_285, %mul3A_308 : i32
    "tpu.region"() ({
      %run_scoped3A = tpu.sem_alloc : memref<!tpu.dma_semaphore, #tpu.memory_space<semaphore_mem>>
      %dma_start3A_898 = tpu.memref_slice %arg8[%mul3A_309] : memref<262144xf32, #tpu.memory_space<hbm>> -> memref<512xf32, #tpu.memory_space<hbm>>
      %dma_start3A_899 = tpu.memref_slice %arg8[%mul3A_309] : memref<262144xf32, #tpu.memory_space<hbm>> -> memref<512xf32, #tpu.memory_space<hbm>>
      tpu.enqueue_dma source(%arg16 : memref<512xf32, #tpu.memory_space<vmem>>) target(%dma_start3A_899 : memref<512xf32, #tpu.memory_space<hbm>>) target_semaphore(%run_scoped3A : memref<!tpu.dma_semaphore, #tpu.memory_space<semaphore_mem>>)
      %dma_wait3A_900 = tpu.memref_slice %arg8[%mul3A_309] : memref<262144xf32, #tpu.memory_space<hbm>> -> memref<512xf32, #tpu.memory_space<hbm>>
      %dma_wait3A_901 = tpu.memref_slice %arg8[%mul3A_309] : memref<262144xf32, #tpu.memory_space<hbm>> -> memref<512xf32, #tpu.memory_space<hbm>>
      tpu.wait_dma2 semaphore(%run_scoped3A : memref<!tpu.dma_semaphore, #tpu.memory_space<semaphore_mem>>) src(%arg16 : memref<512xf32, #tpu.memory_space<vmem>>) dst(%dma_wait3A_901 : memref<512xf32, #tpu.memory_space<hbm>>)
      tpu.yield
    }) : () -> ()
    %mul3A_310 = arith.constant 16 : i32
    %mul3A_311 = arith.muli %add3A, %mul3A_310 : i32
    %add3A_312 = arith.constant 6 : i32
    %add3A_313 = arith.addi %mul3A_311, %add3A_312 : i32
    %mul3A_314 = arith.constant 6400 : i32
    %mul3A_315 = arith.muli %add3A_313, %mul3A_314 : i32
    "tpu.region"() ({
      %run_scoped3A = tpu.sem_alloc : memref<!tpu.dma_semaphore, #tpu.memory_space<semaphore_mem>>
      %dma_start3A_898 = tpu.memref_slice %arg6[%mul3A_315] : memref<3276800xi32, #tpu.memory_space<hbm>> -> memref<6400xi32, #tpu.memory_space<hbm>>
      %dma_start3A_899 = tpu.memref_slice %arg6[%mul3A_315] : memref<3276800xi32, #tpu.memory_space<hbm>> -> memref<6400xi32, #tpu.memory_space<hbm>>
      tpu.enqueue_dma source(%dma_start3A_899 : memref<6400xi32, #tpu.memory_space<hbm>>) target(%arg9 : memref<6400xi32, #tpu.memory_space<vmem>>) target_semaphore(%run_scoped3A : memref<!tpu.dma_semaphore, #tpu.memory_space<semaphore_mem>>)
      %dma_wait3A_900 = tpu.memref_slice %arg6[%mul3A_315] : memref<3276800xi32, #tpu.memory_space<hbm>> -> memref<6400xi32, #tpu.memory_space<hbm>>
      %dma_wait3A_901 = tpu.memref_slice %arg6[%mul3A_315] : memref<3276800xi32, #tpu.memory_space<hbm>> -> memref<6400xi32, #tpu.memory_space<hbm>>
      tpu.wait_dma2 semaphore(%run_scoped3A : memref<!tpu.dma_semaphore, #tpu.memory_space<semaphore_mem>>) src(%dma_wait3A_901 : memref<6400xi32, #tpu.memory_space<hbm>>) dst(%arg9 : memref<6400xi32, #tpu.memory_space<vmem>>)
      tpu.yield
    }) : () -> ()
    %scan3A_316 = arith.constant 0 : i32
    %scan3A_317 = arith.constant 0 : i32
    %scan3A_318 = arith.constant 400 : i32
    %scan3A_319 = arith.addi %scan3A_317, %scan3A_318 : i32
    %scan3A_320 = arith.constant 1 : i32
    scf.for %scan3A_898 = %scan3A_317 to %scan3A_319 step %scan3A_320  : i32 {
      %mul3A_899 = arith.constant 16 : i32
      %mul3A_900 = arith.muli %scan3A_898, %mul3A_899 : i32
      %get3A = arith.index_cast %mul3A_900 : i32 to index
      %get3A_901 = tpu.vector_load %arg9[%get3A] {strides = array<i32>} : memref<6400xi32, #tpu.memory_space<vmem>>, vector<16xi32>,
      %mul3A_902 = arith.constant 16 : i32
      %mul3A_903 = arith.muli %scan3A_898, %mul3A_902 : i32
      %get3A_904 = arith.index_cast %mul3A_903 : i32 to index
      %get3A_905 = tpu.vector_load %arg15[%get3A_904] {strides = array<i32>} : memref<6400xi32, #tpu.memory_space<vmem>>, vector<16xi32>,
      %add3A_906 = arith.addi %get3A_901, %get3A_905 : vector<16xi32>
      %mul3A_907 = arith.constant 16 : i32
      %mul3A_908 = arith.muli %scan3A_898, %mul3A_907 : i32
      %swap3A = arith.index_cast %mul3A_908 : i32 to index
      %swap3A_909 = tpu.vector_load %arg11[%swap3A] {strides = array<i32>} : memref<6400xi32, #tpu.memory_space<vmem>>, vector<16xi32>,
      tpu.vector_store %arg11[%swap3A], %add3A_906 {strides = array<i32>} : memref<6400xi32, #tpu.memory_space<vmem>>, vector<16xi32>,
    }
    %scan3A_321 = arith.constant 400 : i32
    %dma_start3A_322 = arith.constant 0 : i32
    %dma_start3A_323 = tpu.memref_slice %arg13[%dma_start3A_322] : memref<25600xf32, #tpu.memory_space<vmem>> -> memref<6400xf32, #tpu.memory_space<vmem>>
    %dma_start3A_324 = arith.constant 0 : i32
    %dma_start3A_325 = tpu.memref_slice %arg2[%dma_start3A_324] : memref<400000xf32, #tpu.memory_space<hbm>> -> memref<400000xf32, #tpu.memory_space<hbm>>
    tpu.enqueue_indirect_dma source(%dma_start3A_325 : memref<400000xf32, #tpu.memory_space<hbm>>) target(%dma_start3A_323 : memref<6400xf32, #tpu.memory_space<vmem>>) offsets(%arg11 : memref<6400xi32, #tpu.memory_space<vmem>>) semaphore(%arg17 : memref<!tpu.dma_semaphore, #tpu.memory_space<semaphore_mem>>)
    %dma_start3A_326 = arith.constant 6400 : i32
    %dma_start3A_327 = tpu.memref_slice %arg13[%dma_start3A_326] : memref<25600xf32, #tpu.memory_space<vmem>> -> memref<6400xf32, #tpu.memory_space<vmem>>
    %dma_start3A_328 = arith.constant 0 : i32
    %dma_start3A_329 = tpu.memref_slice %arg3[%dma_start3A_328] : memref<400000xf32, #tpu.memory_space<hbm>> -> memref<400000xf32, #tpu.memory_space<hbm>>
    tpu.enqueue_indirect_dma source(%dma_start3A_329 : memref<400000xf32, #tpu.memory_space<hbm>>) target(%dma_start3A_327 : memref<6400xf32, #tpu.memory_space<vmem>>) offsets(%arg11 : memref<6400xi32, #tpu.memory_space<vmem>>) semaphore(%arg17 : memref<!tpu.dma_semaphore, #tpu.memory_space<semaphore_mem>>)
    %dma_start3A_330 = arith.constant 12800 : i32
    %dma_start3A_331 = tpu.memref_slice %arg13[%dma_start3A_330] : memref<25600xf32, #tpu.memory_space<vmem>> -> memref<6400xf32, #tpu.memory_space<vmem>>
    %dma_start3A_332 = arith.constant 0 : i32
    %dma_start3A_333 = tpu.memref_slice %arg4[%dma_start3A_332] : memref<400000xf32, #tpu.memory_space<hbm>> -> memref<400000xf32, #tpu.memory_space<hbm>>
    tpu.enqueue_indirect_dma source(%dma_start3A_333 : memref<400000xf32, #tpu.memory_space<hbm>>) target(%dma_start3A_331 : memref<6400xf32, #tpu.memory_space<vmem>>) offsets(%arg11 : memref<6400xi32, #tpu.memory_space<vmem>>) semaphore(%arg17 : memref<!tpu.dma_semaphore, #tpu.memory_space<semaphore_mem>>)
    %dma_start3A_334 = arith.constant 19200 : i32
    %dma_start3A_335 = tpu.memref_slice %arg13[%dma_start3A_334] : memref<25600xf32, #tpu.memory_space<vmem>> -> memref<6400xf32, #tpu.memory_space<vmem>>
    %dma_start3A_336 = arith.constant 0 : i32
    %dma_start3A_337 = tpu.memref_slice %arg5[%dma_start3A_336] : memref<400000xf32, #tpu.memory_space<hbm>> -> memref<400000xf32, #tpu.memory_space<hbm>>
    tpu.enqueue_indirect_dma source(%dma_start3A_337 : memref<400000xf32, #tpu.memory_space<hbm>>) target(%dma_start3A_335 : memref<6400xf32, #tpu.memory_space<vmem>>) offsets(%arg11 : memref<6400xi32, #tpu.memory_space<vmem>>) semaphore(%arg17 : memref<!tpu.dma_semaphore, #tpu.memory_space<semaphore_mem>>)
    %mul3A_338 = arith.constant 16 : i32
    %mul3A_339 = arith.muli %add3A, %mul3A_338 : i32
    %add3A_340 = arith.constant 5 : i32
    %add3A_341 = arith.addi %mul3A_339, %add3A_340 : i32
    %dma_wait3A_342 = arith.constant 0 : i32
    %dma_wait3A_343 = tpu.memref_slice %arg14[%dma_wait3A_342] : memref<25600xf32, #tpu.memory_space<vmem>> -> memref<6400xf32, #tpu.memory_space<vmem>>
    %dma_wait3A_344 = arith.constant 0 : i32
    %dma_wait3A_345 = tpu.memref_slice %arg2[%dma_wait3A_344] : memref<400000xf32, #tpu.memory_space<hbm>> -> memref<400000xf32, #tpu.memory_space<hbm>>
    tpu.wait_indirect_dma semaphore(%arg18 : memref<!tpu.dma_semaphore, #tpu.memory_space<semaphore_mem>>) src(%dma_wait3A_345 : memref<400000xf32, #tpu.memory_space<hbm>>) dst(%dma_wait3A_343 : memref<6400xf32, #tpu.memory_space<vmem>>)
    %dma_wait3A_346 = arith.constant 6400 : i32
    %dma_wait3A_347 = tpu.memref_slice %arg14[%dma_wait3A_346] : memref<25600xf32, #tpu.memory_space<vmem>> -> memref<6400xf32, #tpu.memory_space<vmem>>
    %dma_wait3A_348 = arith.constant 0 : i32
    %dma_wait3A_349 = tpu.memref_slice %arg3[%dma_wait3A_348] : memref<400000xf32, #tpu.memory_space<hbm>> -> memref<400000xf32, #tpu.memory_space<hbm>>
    tpu.wait_indirect_dma semaphore(%arg18 : memref<!tpu.dma_semaphore, #tpu.memory_space<semaphore_mem>>) src(%dma_wait3A_349 : memref<400000xf32, #tpu.memory_space<hbm>>) dst(%dma_wait3A_347 : memref<6400xf32, #tpu.memory_space<vmem>>)
    %dma_wait3A_350 = arith.constant 12800 : i32
    %dma_wait3A_351 = tpu.memref_slice %arg14[%dma_wait3A_350] : memref<25600xf32, #tpu.memory_space<vmem>> -> memref<6400xf32, #tpu.memory_space<vmem>>
    %dma_wait3A_352 = arith.constant 0 : i32
    %dma_wait3A_353 = tpu.memref_slice %arg4[%dma_wait3A_352] : memref<400000xf32, #tpu.memory_space<hbm>> -> memref<400000xf32, #tpu.memory_space<hbm>>
    tpu.wait_indirect_dma semaphore(%arg18 : memref<!tpu.dma_semaphore, #tpu.memory_space<semaphore_mem>>) src(%dma_wait3A_353 : memref<400000xf32, #tpu.memory_space<hbm>>) dst(%dma_wait3A_351 : memref<6400xf32, #tpu.memory_space<vmem>>)
    %dma_wait3A_354 = arith.constant 19200 : i32
    %dma_wait3A_355 = tpu.memref_slice %arg14[%dma_wait3A_354] : memref<25600xf32, #tpu.memory_space<vmem>> -> memref<6400xf32, #tpu.memory_space<vmem>>
    %dma_wait3A_356 = arith.constant 0 : i32
    %dma_wait3A_357 = tpu.memref_slice %arg5[%dma_wait3A_356] : memref<400000xf32, #tpu.memory_space<hbm>> -> memref<400000xf32, #tpu.memory_space<hbm>>
    tpu.wait_indirect_dma semaphore(%arg18 : memref<!tpu.dma_semaphore, #tpu.memory_space<semaphore_mem>>) src(%dma_wait3A_357 : memref<400000xf32, #tpu.memory_space<hbm>>) dst(%dma_wait3A_355 : memref<6400xf32, #tpu.memory_space<vmem>>)
    %scan3A_358 = arith.constant 0 : i32
    %scan3A_359 = arith.constant 0 : i32
    %scan3A_360 = arith.constant 32 : i32
    %scan3A_361 = arith.addi %scan3A_359, %scan3A_360 : i32
    %scan3A_362 = arith.constant 1 : i32
    scf.for %scan3A_898 = %scan3A_359 to %scan3A_361 step %scan3A_362  : i32 {
      %mul3A_899 = arith.constant 6400 : i32
      %mul3A_900 = vector.broadcast %mul3A_899 : i32 to vector<16xi32>
      %mul3A_901 = arith.muli %and3A_4, %mul3A_900 : vector<16xi32>
      %mul3A_902 = arith.constant 200 : i32
      %mul3A_903 = arith.muli %mul3A_902, %scan3A_898 : i32
      %add3A_904 = vector.broadcast %mul3A_903 : i32 to vector<16xi32>
      %add3A_905 = arith.addi %mul3A_901, %add3A_904 : vector<16xi32>
      %mul3A_906 = arith.constant 50 : i32
      %mul3A_907 = vector.broadcast %mul3A_906 : i32 to vector<16xi32>
      %mul3A_908 = arith.muli %mul3A_907, %shift_right_arithmetic3A_2 : vector<16xi32>
      %add3A_909 = arith.addi %add3A_905, %mul3A_908 : vector<16xi32>
      %broadcast_in_dim3A = arith.constant 0.000000e+00 : f32
      %broadcast_in_dim3A_910 = vector.broadcast %broadcast_in_dim3A : f32 to vector<16xf32>
      %broadcast_in_dim3A_911 = arith.constant 0.000000e+00 : f32
      %broadcast_in_dim3A_912 = vector.broadcast %broadcast_in_dim3A_911 : f32 to vector<16xf32>
      %scan3A_913 = arith.constant 0 : i32
      %scan3A_914 = arith.constant 25 : i32
      %scan3A_915 = arith.addi %scan3A_913, %scan3A_914 : i32
      %scan3A_916 = arith.constant 1 : i32
      %scan3A_917:2 = scf.for %scan3A_926 = %scan3A_913 to %scan3A_915 step %scan3A_916 iter_args(%scan3A_927 = %broadcast_in_dim3A_910, %scan3A_928 = %broadcast_in_dim3A_912) -> (vector<16xf32>, vector<16xf32>)  : i32 {
        %add3A_929 = vector.broadcast %scan3A_926 : i32 to vector<16xi32>
        %add3A_930 = arith.addi %add3A_909, %add3A_929 : vector<16xi32>
        %gather3A = tpu.vector_load_idx %arg14[%add3A_930] : memref<25600xf32, #tpu.memory_space<vmem>>[vector<16xi32>], vector<16xf32>,
        %add3A_931 = arith.addf %scan3A_927, %gather3A : vector<16xf32>
        %add3A_932 = vector.broadcast %scan3A_926 : i32 to vector<16xi32>
        %add3A_933 = arith.addi %add3A_909, %add3A_932 : vector<16xi32>
        %add3A_934 = arith.constant 25 : i32
        %add3A_935 = vector.broadcast %add3A_934 : i32 to vector<16xi32>
        %add3A_936 = arith.addi %add3A_933, %add3A_935 : vector<16xi32>
        %gather3A_937 = tpu.vector_load_idx %arg14[%add3A_936] : memref<25600xf32, #tpu.memory_space<vmem>>[vector<16xi32>], vector<16xf32>,
        %add3A_938 = arith.addf %scan3A_928, %gather3A_937 : vector<16xf32>
        scf.yield %add3A_931, %add3A_938 : vector<16xf32>, vector<16xf32>
      }
      %scan3A_918 = arith.constant 25 : i32
      %add3A_919 = arith.addf %scan3A_917#0, %scan3A_917#1 : vector<16xf32>
      %mul3A_920 = arith.constant 2.000000e-02 : f32
      %mul3A_921 = vector.broadcast %mul3A_920 : f32 to vector<16xf32>
      %mul3A_922 = arith.mulf %add3A_919, %mul3A_921 : vector<16xf32>
      %mul3A_923 = arith.constant 16 : i32
      %mul3A_924 = arith.muli %scan3A_898, %mul3A_923 : i32
      %swap3A = arith.index_cast %mul3A_924 : i32 to index
      %swap3A_925 = tpu.vector_load %arg16[%swap3A] {strides = array<i32>} : memref<512xf32, #tpu.memory_space<vmem>>, vector<16xf32>,
      tpu.vector_store %arg16[%swap3A], %mul3A_922 {strides = array<i32>} : memref<512xf32, #tpu.memory_space<vmem>>, vector<16xf32>,
    }
    %scan3A_363 = arith.constant 32 : i32
    %mul3A_364 = arith.constant 512 : i32
    %mul3A_365 = arith.muli %add3A_341, %mul3A_364 : i32
    "tpu.region"() ({
      %run_scoped3A = tpu.sem_alloc : memref<!tpu.dma_semaphore, #tpu.memory_space<semaphore_mem>>
      %dma_start3A_898 = tpu.memref_slice %arg8[%mul3A_365] : memref<262144xf32, #tpu.memory_space<hbm>> -> memref<512xf32, #tpu.memory_space<hbm>>
      %dma_start3A_899 = tpu.memref_slice %arg8[%mul3A_365] : memref<262144xf32, #tpu.memory_space<hbm>> -> memref<512xf32, #tpu.memory_space<hbm>>
      tpu.enqueue_dma source(%arg16 : memref<512xf32, #tpu.memory_space<vmem>>) target(%dma_start3A_899 : memref<512xf32, #tpu.memory_space<hbm>>) target_semaphore(%run_scoped3A : memref<!tpu.dma_semaphore, #tpu.memory_space<semaphore_mem>>)
      %dma_wait3A_900 = tpu.memref_slice %arg8[%mul3A_365] : memref<262144xf32, #tpu.memory_space<hbm>> -> memref<512xf32, #tpu.memory_space<hbm>>
      %dma_wait3A_901 = tpu.memref_slice %arg8[%mul3A_365] : memref<262144xf32, #tpu.memory_space<hbm>> -> memref<512xf32, #tpu.memory_space<hbm>>
      tpu.wait_dma2 semaphore(%run_scoped3A : memref<!tpu.dma_semaphore, #tpu.memory_space<semaphore_mem>>) src(%arg16 : memref<512xf32, #tpu.memory_space<vmem>>) dst(%dma_wait3A_901 : memref<512xf32, #tpu.memory_space<hbm>>)
      tpu.yield
    }) : () -> ()
    %mul3A_366 = arith.constant 16 : i32
    %mul3A_367 = arith.muli %add3A, %mul3A_366 : i32
    %add3A_368 = arith.constant 7 : i32
    %add3A_369 = arith.addi %mul3A_367, %add3A_368 : i32
    %mul3A_370 = arith.constant 6400 : i32
    %mul3A_371 = arith.muli %add3A_369, %mul3A_370 : i32
    "tpu.region"() ({
      %run_scoped3A = tpu.sem_alloc : memref<!tpu.dma_semaphore, #tpu.memory_space<semaphore_mem>>
      %dma_start3A_898 = tpu.memref_slice %arg6[%mul3A_371] : memref<3276800xi32, #tpu.memory_space<hbm>> -> memref<6400xi32, #tpu.memory_space<hbm>>
      %dma_start3A_899 = tpu.memref_slice %arg6[%mul3A_371] : memref<3276800xi32, #tpu.memory_space<hbm>> -> memref<6400xi32, #tpu.memory_space<hbm>>
      tpu.enqueue_dma source(%dma_start3A_899 : memref<6400xi32, #tpu.memory_space<hbm>>) target(%arg10 : memref<6400xi32, #tpu.memory_space<vmem>>) target_semaphore(%run_scoped3A : memref<!tpu.dma_semaphore, #tpu.memory_space<semaphore_mem>>)
      %dma_wait3A_900 = tpu.memref_slice %arg6[%mul3A_371] : memref<3276800xi32, #tpu.memory_space<hbm>> -> memref<6400xi32, #tpu.memory_space<hbm>>
      %dma_wait3A_901 = tpu.memref_slice %arg6[%mul3A_371] : memref<3276800xi32, #tpu.memory_space<hbm>> -> memref<6400xi32, #tpu.memory_space<hbm>>
      tpu.wait_dma2 semaphore(%run_scoped3A : memref<!tpu.dma_semaphore, #tpu.memory_space<semaphore_mem>>) src(%dma_wait3A_901 : memref<6400xi32, #tpu.memory_space<hbm>>) dst(%arg10 : memref<6400xi32, #tpu.memory_space<vmem>>)
      tpu.yield
    }) : () -> ()
    %scan3A_372 = arith.constant 0 : i32
    %scan3A_373 = arith.constant 0 : i32
    %scan3A_374 = arith.constant 400 : i32
    %scan3A_375 = arith.addi %scan3A_373, %scan3A_374 : i32
    %scan3A_376 = arith.constant 1 : i32
    scf.for %scan3A_898 = %scan3A_373 to %scan3A_375 step %scan3A_376  : i32 {
      %mul3A_899 = arith.constant 16 : i32
      %mul3A_900 = arith.muli %scan3A_898, %mul3A_899 : i32
      %get3A = arith.index_cast %mul3A_900 : i32 to index
      %get3A_901 = tpu.vector_load %arg10[%get3A] {strides = array<i32>} : memref<6400xi32, #tpu.memory_space<vmem>>, vector<16xi32>,
      %mul3A_902 = arith.constant 16 : i32
      %mul3A_903 = arith.muli %scan3A_898, %mul3A_902 : i32
      %get3A_904 = arith.index_cast %mul3A_903 : i32 to index
      %get3A_905 = tpu.vector_load %arg15[%get3A_904] {strides = array<i32>} : memref<6400xi32, #tpu.memory_space<vmem>>, vector<16xi32>,
      %add3A_906 = arith.addi %get3A_901, %get3A_905 : vector<16xi32>
      %mul3A_907 = arith.constant 16 : i32
      %mul3A_908 = arith.muli %scan3A_898, %mul3A_907 : i32
      %swap3A = arith.index_cast %mul3A_908 : i32 to index
      %swap3A_909 = tpu.vector_load %arg12[%swap3A] {strides = array<i32>} : memref<6400xi32, #tpu.memory_space<vmem>>, vector<16xi32>,
      tpu.vector_store %arg12[%swap3A], %add3A_906 {strides = array<i32>} : memref<6400xi32, #tpu.memory_space<vmem>>, vector<16xi32>,
    }
    %scan3A_377 = arith.constant 400 : i32
    %dma_start3A_378 = arith.constant 0 : i32
    %dma_start3A_379 = tpu.memref_slice %arg14[%dma_start3A_378] : memref<25600xf32, #tpu.memory_space<vmem>> -> memref<6400xf32, #tpu.memory_space<vmem>>
    %dma_start3A_380 = arith.constant 0 : i32
    %dma_start3A_381 = tpu.memref_slice %arg2[%dma_start3A_380] : memref<400000xf32, #tpu.memory_space<hbm>> -> memref<400000xf32, #tpu.memory_space<hbm>>
    tpu.enqueue_indirect_dma source(%dma_start3A_381 : memref<400000xf32, #tpu.memory_space<hbm>>) target(%dma_start3A_379 : memref<6400xf32, #tpu.memory_space<vmem>>) offsets(%arg12 : memref<6400xi32, #tpu.memory_space<vmem>>) semaphore(%arg18 : memref<!tpu.dma_semaphore, #tpu.memory_space<semaphore_mem>>)
    %dma_start3A_382 = arith.constant 6400 : i32
    %dma_start3A_383 = tpu.memref_slice %arg14[%dma_start3A_382] : memref<25600xf32, #tpu.memory_space<vmem>> -> memref<6400xf32, #tpu.memory_space<vmem>>
    %dma_start3A_384 = arith.constant 0 : i32
    %dma_start3A_385 = tpu.memref_slice %arg3[%dma_start3A_384] : memref<400000xf32, #tpu.memory_space<hbm>> -> memref<400000xf32, #tpu.memory_space<hbm>>
    tpu.enqueue_indirect_dma source(%dma_start3A_385 : memref<400000xf32, #tpu.memory_space<hbm>>) target(%dma_start3A_383 : memref<6400xf32, #tpu.memory_space<vmem>>) offsets(%arg12 : memref<6400xi32, #tpu.memory_space<vmem>>) semaphore(%arg18 : memref<!tpu.dma_semaphore, #tpu.memory_space<semaphore_mem>>)
    %dma_start3A_386 = arith.constant 12800 : i32
    %dma_start3A_387 = tpu.memref_slice %arg14[%dma_start3A_386] : memref<25600xf32, #tpu.memory_space<vmem>> -> memref<6400xf32, #tpu.memory_space<vmem>>
    %dma_start3A_388 = arith.constant 0 : i32
    %dma_start3A_389 = tpu.memref_slice %arg4[%dma_start3A_388] : memref<400000xf32, #tpu.memory_space<hbm>> -> memref<400000xf32, #tpu.memory_space<hbm>>
    tpu.enqueue_indirect_dma source(%dma_start3A_389 : memref<400000xf32, #tpu.memory_space<hbm>>) target(%dma_start3A_387 : memref<6400xf32, #tpu.memory_space<vmem>>) offsets(%arg12 : memref<6400xi32, #tpu.memory_space<vmem>>) semaphore(%arg18 : memref<!tpu.dma_semaphore, #tpu.memory_space<semaphore_mem>>)
    %dma_start3A_390 = arith.constant 19200 : i32
    %dma_start3A_391 = tpu.memref_slice %arg14[%dma_start3A_390] : memref<25600xf32, #tpu.memory_space<vmem>> -> memref<6400xf32, #tpu.memory_space<vmem>>
    %dma_start3A_392 = arith.constant 0 : i32
    %dma_start3A_393 = tpu.memref_slice %arg5[%dma_start3A_392] : memref<400000xf32, #tpu.memory_space<hbm>> -> memref<400000xf32, #tpu.memory_space<hbm>>
    tpu.enqueue_indirect_dma source(%dma_start3A_393 : memref<400000xf32, #tpu.memory_space<hbm>>) target(%dma_start3A_391 : memref<6400xf32, #tpu.memory_space<vmem>>) offsets(%arg12 : memref<6400xi32, #tpu.memory_space<vmem>>) semaphore(%arg18 : memref<!tpu.dma_semaphore, #tpu.memory_space<semaphore_mem>>)
    %mul3A_394 = arith.constant 16 : i32
    %mul3A_395 = arith.muli %add3A, %mul3A_394 : i32
    %add3A_396 = arith.constant 6 : i32
    %add3A_397 = arith.addi %mul3A_395, %add3A_396 : i32
    %dma_wait3A_398 = arith.constant 0 : i32
    %dma_wait3A_399 = tpu.memref_slice %arg13[%dma_wait3A_398] : memref<25600xf32, #tpu.memory_space<vmem>> -> memref<6400xf32, #tpu.memory_space<vmem>>
    %dma_wait3A_400 = arith.constant 0 : i32
    %dma_wait3A_401 = tpu.memref_slice %arg2[%dma_wait3A_400] : memref<400000xf32, #tpu.memory_space<hbm>> -> memref<400000xf32, #tpu.memory_space<hbm>>
    tpu.wait_indirect_dma semaphore(%arg17 : memref<!tpu.dma_semaphore, #tpu.memory_space<semaphore_mem>>) src(%dma_wait3A_401 : memref<400000xf32, #tpu.memory_space<hbm>>) dst(%dma_wait3A_399 : memref<6400xf32, #tpu.memory_space<vmem>>)
    %dma_wait3A_402 = arith.constant 6400 : i32
    %dma_wait3A_403 = tpu.memref_slice %arg13[%dma_wait3A_402] : memref<25600xf32, #tpu.memory_space<vmem>> -> memref<6400xf32, #tpu.memory_space<vmem>>
    %dma_wait3A_404 = arith.constant 0 : i32
    %dma_wait3A_405 = tpu.memref_slice %arg3[%dma_wait3A_404] : memref<400000xf32, #tpu.memory_space<hbm>> -> memref<400000xf32, #tpu.memory_space<hbm>>
    tpu.wait_indirect_dma semaphore(%arg17 : memref<!tpu.dma_semaphore, #tpu.memory_space<semaphore_mem>>) src(%dma_wait3A_405 : memref<400000xf32, #tpu.memory_space<hbm>>) dst(%dma_wait3A_403 : memref<6400xf32, #tpu.memory_space<vmem>>)
    %dma_wait3A_406 = arith.constant 12800 : i32
    %dma_wait3A_407 = tpu.memref_slice %arg13[%dma_wait3A_406] : memref<25600xf32, #tpu.memory_space<vmem>> -> memref<6400xf32, #tpu.memory_space<vmem>>
    %dma_wait3A_408 = arith.constant 0 : i32
    %dma_wait3A_409 = tpu.memref_slice %arg4[%dma_wait3A_408] : memref<400000xf32, #tpu.memory_space<hbm>> -> memref<400000xf32, #tpu.memory_space<hbm>>
    tpu.wait_indirect_dma semaphore(%arg17 : memref<!tpu.dma_semaphore, #tpu.memory_space<semaphore_mem>>) src(%dma_wait3A_409 : memref<400000xf32, #tpu.memory_space<hbm>>) dst(%dma_wait3A_407 : memref<6400xf32, #tpu.memory_space<vmem>>)
    %dma_wait3A_410 = arith.constant 19200 : i32
    %dma_wait3A_411 = tpu.memref_slice %arg13[%dma_wait3A_410] : memref<25600xf32, #tpu.memory_space<vmem>> -> memref<6400xf32, #tpu.memory_space<vmem>>
    %dma_wait3A_412 = arith.constant 0 : i32
    %dma_wait3A_413 = tpu.memref_slice %arg5[%dma_wait3A_412] : memref<400000xf32, #tpu.memory_space<hbm>> -> memref<400000xf32, #tpu.memory_space<hbm>>
    tpu.wait_indirect_dma semaphore(%arg17 : memref<!tpu.dma_semaphore, #tpu.memory_space<semaphore_mem>>) src(%dma_wait3A_413 : memref<400000xf32, #tpu.memory_space<hbm>>) dst(%dma_wait3A_411 : memref<6400xf32, #tpu.memory_space<vmem>>)
    %scan3A_414 = arith.constant 0 : i32
    %scan3A_415 = arith.constant 0 : i32
    %scan3A_416 = arith.constant 32 : i32
    %scan3A_417 = arith.addi %scan3A_415, %scan3A_416 : i32
    %scan3A_418 = arith.constant 1 : i32
    scf.for %scan3A_898 = %scan3A_415 to %scan3A_417 step %scan3A_418  : i32 {
      %mul3A_899 = arith.constant 6400 : i32
      %mul3A_900 = vector.broadcast %mul3A_899 : i32 to vector<16xi32>
      %mul3A_901 = arith.muli %and3A_4, %mul3A_900 : vector<16xi32>
      %mul3A_902 = arith.constant 200 : i32
      %mul3A_903 = arith.muli %mul3A_902, %scan3A_898 : i32
      %add3A_904 = vector.broadcast %mul3A_903 : i32 to vector<16xi32>
      %add3A_905 = arith.addi %mul3A_901, %add3A_904 : vector<16xi32>
      %mul3A_906 = arith.constant 50 : i32
      %mul3A_907 = vector.broadcast %mul3A_906 : i32 to vector<16xi32>
      %mul3A_908 = arith.muli %mul3A_907, %shift_right_arithmetic3A_2 : vector<16xi32>
      %add3A_909 = arith.addi %add3A_905, %mul3A_908 : vector<16xi32>
      %broadcast_in_dim3A = arith.constant 0.000000e+00 : f32
      %broadcast_in_dim3A_910 = vector.broadcast %broadcast_in_dim3A : f32 to vector<16xf32>
      %broadcast_in_dim3A_911 = arith.constant 0.000000e+00 : f32
      %broadcast_in_dim3A_912 = vector.broadcast %broadcast_in_dim3A_911 : f32 to vector<16xf32>
      %scan3A_913 = arith.constant 0 : i32
      %scan3A_914 = arith.constant 25 : i32
      %scan3A_915 = arith.addi %scan3A_913, %scan3A_914 : i32
      %scan3A_916 = arith.constant 1 : i32
      %scan3A_917:2 = scf.for %scan3A_926 = %scan3A_913 to %scan3A_915 step %scan3A_916 iter_args(%scan3A_927 = %broadcast_in_dim3A_910, %scan3A_928 = %broadcast_in_dim3A_912) -> (vector<16xf32>, vector<16xf32>)  : i32 {
        %add3A_929 = vector.broadcast %scan3A_926 : i32 to vector<16xi32>
        %add3A_930 = arith.addi %add3A_909, %add3A_929 : vector<16xi32>
        %gather3A = tpu.vector_load_idx %arg13[%add3A_930] : memref<25600xf32, #tpu.memory_space<vmem>>[vector<16xi32>], vector<16xf32>,
        %add3A_931 = arith.addf %scan3A_927, %gather3A : vector<16xf32>
        %add3A_932 = vector.broadcast %scan3A_926 : i32 to vector<16xi32>
        %add3A_933 = arith.addi %add3A_909, %add3A_932 : vector<16xi32>
        %add3A_934 = arith.constant 25 : i32
        %add3A_935 = vector.broadcast %add3A_934 : i32 to vector<16xi32>
        %add3A_936 = arith.addi %add3A_933, %add3A_935 : vector<16xi32>
        %gather3A_937 = tpu.vector_load_idx %arg13[%add3A_936] : memref<25600xf32, #tpu.memory_space<vmem>>[vector<16xi32>], vector<16xf32>,
        %add3A_938 = arith.addf %scan3A_928, %gather3A_937 : vector<16xf32>
        scf.yield %add3A_931, %add3A_938 : vector<16xf32>, vector<16xf32>
      }
      %scan3A_918 = arith.constant 25 : i32
      %add3A_919 = arith.addf %scan3A_917#0, %scan3A_917#1 : vector<16xf32>
      %mul3A_920 = arith.constant 2.000000e-02 : f32
      %mul3A_921 = vector.broadcast %mul3A_920 : f32 to vector<16xf32>
      %mul3A_922 = arith.mulf %add3A_919, %mul3A_921 : vector<16xf32>
      %mul3A_923 = arith.constant 16 : i32
      %mul3A_924 = arith.muli %scan3A_898, %mul3A_923 : i32
      %swap3A = arith.index_cast %mul3A_924 : i32 to index
      %swap3A_925 = tpu.vector_load %arg16[%swap3A] {strides = array<i32>} : memref<512xf32, #tpu.memory_space<vmem>>, vector<16xf32>,
      tpu.vector_store %arg16[%swap3A], %mul3A_922 {strides = array<i32>} : memref<512xf32, #tpu.memory_space<vmem>>, vector<16xf32>,
    }
    %scan3A_419 = arith.constant 32 : i32
    %mul3A_420 = arith.constant 512 : i32
    %mul3A_421 = arith.muli %add3A_397, %mul3A_420 : i32
    "tpu.region"() ({
      %run_scoped3A = tpu.sem_alloc : memref<!tpu.dma_semaphore, #tpu.memory_space<semaphore_mem>>
      %dma_start3A_898 = tpu.memref_slice %arg8[%mul3A_421] : memref<262144xf32, #tpu.memory_space<hbm>> -> memref<512xf32, #tpu.memory_space<hbm>>
      %dma_start3A_899 = tpu.memref_slice %arg8[%mul3A_421] : memref<262144xf32, #tpu.memory_space<hbm>> -> memref<512xf32, #tpu.memory_space<hbm>>
      tpu.enqueue_dma source(%arg16 : memref<512xf32, #tpu.memory_space<vmem>>) target(%dma_start3A_899 : memref<512xf32, #tpu.memory_space<hbm>>) target_semaphore(%run_scoped3A : memref<!tpu.dma_semaphore, #tpu.memory_space<semaphore_mem>>)
      %dma_wait3A_900 = tpu.memref_slice %arg8[%mul3A_421] : memref<262144xf32, #tpu.memory_space<hbm>> -> memref<512xf32, #tpu.memory_space<hbm>>
      %dma_wait3A_901 = tpu.memref_slice %arg8[%mul3A_421] : memref<262144xf32, #tpu.memory_space<hbm>> -> memref<512xf32, #tpu.memory_space<hbm>>
      tpu.wait_dma2 semaphore(%run_scoped3A : memref<!tpu.dma_semaphore, #tpu.memory_space<semaphore_mem>>) src(%arg16 : memref<512xf32, #tpu.memory_space<vmem>>) dst(%dma_wait3A_901 : memref<512xf32, #tpu.memory_space<hbm>>)
      tpu.yield
    }) : () -> ()
    %mul3A_422 = arith.constant 16 : i32
    %mul3A_423 = arith.muli %add3A, %mul3A_422 : i32
    %add3A_424 = arith.constant 8 : i32
    %add3A_425 = arith.addi %mul3A_423, %add3A_424 : i32
    %mul3A_426 = arith.constant 6400 : i32
    %mul3A_427 = arith.muli %add3A_425, %mul3A_426 : i32
    "tpu.region"() ({
      %run_scoped3A = tpu.sem_alloc : memref<!tpu.dma_semaphore, #tpu.memory_space<semaphore_mem>>
      %dma_start3A_898 = tpu.memref_slice %arg6[%mul3A_427] : memref<3276800xi32, #tpu.memory_space<hbm>> -> memref<6400xi32, #tpu.memory_space<hbm>>
      %dma_start3A_899 = tpu.memref_slice %arg6[%mul3A_427] : memref<3276800xi32, #tpu.memory_space<hbm>> -> memref<6400xi32, #tpu.memory_space<hbm>>
      tpu.enqueue_dma source(%dma_start3A_899 : memref<6400xi32, #tpu.memory_space<hbm>>) target(%arg9 : memref<6400xi32, #tpu.memory_space<vmem>>) target_semaphore(%run_scoped3A : memref<!tpu.dma_semaphore, #tpu.memory_space<semaphore_mem>>)
      %dma_wait3A_900 = tpu.memref_slice %arg6[%mul3A_427] : memref<3276800xi32, #tpu.memory_space<hbm>> -> memref<6400xi32, #tpu.memory_space<hbm>>
      %dma_wait3A_901 = tpu.memref_slice %arg6[%mul3A_427] : memref<3276800xi32, #tpu.memory_space<hbm>> -> memref<6400xi32, #tpu.memory_space<hbm>>
      tpu.wait_dma2 semaphore(%run_scoped3A : memref<!tpu.dma_semaphore, #tpu.memory_space<semaphore_mem>>) src(%dma_wait3A_901 : memref<6400xi32, #tpu.memory_space<hbm>>) dst(%arg9 : memref<6400xi32, #tpu.memory_space<vmem>>)
      tpu.yield
    }) : () -> ()
    %scan3A_428 = arith.constant 0 : i32
    %scan3A_429 = arith.constant 0 : i32
    %scan3A_430 = arith.constant 400 : i32
    %scan3A_431 = arith.addi %scan3A_429, %scan3A_430 : i32
    %scan3A_432 = arith.constant 1 : i32
    scf.for %scan3A_898 = %scan3A_429 to %scan3A_431 step %scan3A_432  : i32 {
      %mul3A_899 = arith.constant 16 : i32
      %mul3A_900 = arith.muli %scan3A_898, %mul3A_899 : i32
      %get3A = arith.index_cast %mul3A_900 : i32 to index
      %get3A_901 = tpu.vector_load %arg9[%get3A] {strides = array<i32>} : memref<6400xi32, #tpu.memory_space<vmem>>, vector<16xi32>,
      %mul3A_902 = arith.constant 16 : i32
      %mul3A_903 = arith.muli %scan3A_898, %mul3A_902 : i32
      %get3A_904 = arith.index_cast %mul3A_903 : i32 to index
      %get3A_905 = tpu.vector_load %arg15[%get3A_904] {strides = array<i32>} : memref<6400xi32, #tpu.memory_space<vmem>>, vector<16xi32>,
      %add3A_906 = arith.addi %get3A_901, %get3A_905 : vector<16xi32>
      %mul3A_907 = arith.constant 16 : i32
      %mul3A_908 = arith.muli %scan3A_898, %mul3A_907 : i32
      %swap3A = arith.index_cast %mul3A_908 : i32 to index
      %swap3A_909 = tpu.vector_load %arg11[%swap3A] {strides = array<i32>} : memref<6400xi32, #tpu.memory_space<vmem>>, vector<16xi32>,
      tpu.vector_store %arg11[%swap3A], %add3A_906 {strides = array<i32>} : memref<6400xi32, #tpu.memory_space<vmem>>, vector<16xi32>,
    }
    %scan3A_433 = arith.constant 400 : i32
    %dma_start3A_434 = arith.constant 0 : i32
    %dma_start3A_435 = tpu.memref_slice %arg13[%dma_start3A_434] : memref<25600xf32, #tpu.memory_space<vmem>> -> memref<6400xf32, #tpu.memory_space<vmem>>
    %dma_start3A_436 = arith.constant 0 : i32
    %dma_start3A_437 = tpu.memref_slice %arg2[%dma_start3A_436] : memref<400000xf32, #tpu.memory_space<hbm>> -> memref<400000xf32, #tpu.memory_space<hbm>>
    tpu.enqueue_indirect_dma source(%dma_start3A_437 : memref<400000xf32, #tpu.memory_space<hbm>>) target(%dma_start3A_435 : memref<6400xf32, #tpu.memory_space<vmem>>) offsets(%arg11 : memref<6400xi32, #tpu.memory_space<vmem>>) semaphore(%arg17 : memref<!tpu.dma_semaphore, #tpu.memory_space<semaphore_mem>>)
    %dma_start3A_438 = arith.constant 6400 : i32
    %dma_start3A_439 = tpu.memref_slice %arg13[%dma_start3A_438] : memref<25600xf32, #tpu.memory_space<vmem>> -> memref<6400xf32, #tpu.memory_space<vmem>>
    %dma_start3A_440 = arith.constant 0 : i32
    %dma_start3A_441 = tpu.memref_slice %arg3[%dma_start3A_440] : memref<400000xf32, #tpu.memory_space<hbm>> -> memref<400000xf32, #tpu.memory_space<hbm>>
    tpu.enqueue_indirect_dma source(%dma_start3A_441 : memref<400000xf32, #tpu.memory_space<hbm>>) target(%dma_start3A_439 : memref<6400xf32, #tpu.memory_space<vmem>>) offsets(%arg11 : memref<6400xi32, #tpu.memory_space<vmem>>) semaphore(%arg17 : memref<!tpu.dma_semaphore, #tpu.memory_space<semaphore_mem>>)
    %dma_start3A_442 = arith.constant 12800 : i32
    %dma_start3A_443 = tpu.memref_slice %arg13[%dma_start3A_442] : memref<25600xf32, #tpu.memory_space<vmem>> -> memref<6400xf32, #tpu.memory_space<vmem>>
    %dma_start3A_444 = arith.constant 0 : i32
    %dma_start3A_445 = tpu.memref_slice %arg4[%dma_start3A_444] : memref<400000xf32, #tpu.memory_space<hbm>> -> memref<400000xf32, #tpu.memory_space<hbm>>
    tpu.enqueue_indirect_dma source(%dma_start3A_445 : memref<400000xf32, #tpu.memory_space<hbm>>) target(%dma_start3A_443 : memref<6400xf32, #tpu.memory_space<vmem>>) offsets(%arg11 : memref<6400xi32, #tpu.memory_space<vmem>>) semaphore(%arg17 : memref<!tpu.dma_semaphore, #tpu.memory_space<semaphore_mem>>)
    %dma_start3A_446 = arith.constant 19200 : i32
    %dma_start3A_447 = tpu.memref_slice %arg13[%dma_start3A_446] : memref<25600xf32, #tpu.memory_space<vmem>> -> memref<6400xf32, #tpu.memory_space<vmem>>
    %dma_start3A_448 = arith.constant 0 : i32
    %dma_start3A_449 = tpu.memref_slice %arg5[%dma_start3A_448] : memref<400000xf32, #tpu.memory_space<hbm>> -> memref<400000xf32, #tpu.memory_space<hbm>>
    tpu.enqueue_indirect_dma source(%dma_start3A_449 : memref<400000xf32, #tpu.memory_space<hbm>>) target(%dma_start3A_447 : memref<6400xf32, #tpu.memory_space<vmem>>) offsets(%arg11 : memref<6400xi32, #tpu.memory_space<vmem>>) semaphore(%arg17 : memref<!tpu.dma_semaphore, #tpu.memory_space<semaphore_mem>>)
    %mul3A_450 = arith.constant 16 : i32
    %mul3A_451 = arith.muli %add3A, %mul3A_450 : i32
    %add3A_452 = arith.constant 7 : i32
    %add3A_453 = arith.addi %mul3A_451, %add3A_452 : i32
    %dma_wait3A_454 = arith.constant 0 : i32
    %dma_wait3A_455 = tpu.memref_slice %arg14[%dma_wait3A_454] : memref<25600xf32, #tpu.memory_space<vmem>> -> memref<6400xf32, #tpu.memory_space<vmem>>
    %dma_wait3A_456 = arith.constant 0 : i32
    %dma_wait3A_457 = tpu.memref_slice %arg2[%dma_wait3A_456] : memref<400000xf32, #tpu.memory_space<hbm>> -> memref<400000xf32, #tpu.memory_space<hbm>>
    tpu.wait_indirect_dma semaphore(%arg18 : memref<!tpu.dma_semaphore, #tpu.memory_space<semaphore_mem>>) src(%dma_wait3A_457 : memref<400000xf32, #tpu.memory_space<hbm>>) dst(%dma_wait3A_455 : memref<6400xf32, #tpu.memory_space<vmem>>)
    %dma_wait3A_458 = arith.constant 6400 : i32
    %dma_wait3A_459 = tpu.memref_slice %arg14[%dma_wait3A_458] : memref<25600xf32, #tpu.memory_space<vmem>> -> memref<6400xf32, #tpu.memory_space<vmem>>
    %dma_wait3A_460 = arith.constant 0 : i32
    %dma_wait3A_461 = tpu.memref_slice %arg3[%dma_wait3A_460] : memref<400000xf32, #tpu.memory_space<hbm>> -> memref<400000xf32, #tpu.memory_space<hbm>>
    tpu.wait_indirect_dma semaphore(%arg18 : memref<!tpu.dma_semaphore, #tpu.memory_space<semaphore_mem>>) src(%dma_wait3A_461 : memref<400000xf32, #tpu.memory_space<hbm>>) dst(%dma_wait3A_459 : memref<6400xf32, #tpu.memory_space<vmem>>)
    %dma_wait3A_462 = arith.constant 12800 : i32
    %dma_wait3A_463 = tpu.memref_slice %arg14[%dma_wait3A_462] : memref<25600xf32, #tpu.memory_space<vmem>> -> memref<6400xf32, #tpu.memory_space<vmem>>
    %dma_wait3A_464 = arith.constant 0 : i32
    %dma_wait3A_465 = tpu.memref_slice %arg4[%dma_wait3A_464] : memref<400000xf32, #tpu.memory_space<hbm>> -> memref<400000xf32, #tpu.memory_space<hbm>>
    tpu.wait_indirect_dma semaphore(%arg18 : memref<!tpu.dma_semaphore, #tpu.memory_space<semaphore_mem>>) src(%dma_wait3A_465 : memref<400000xf32, #tpu.memory_space<hbm>>) dst(%dma_wait3A_463 : memref<6400xf32, #tpu.memory_space<vmem>>)
    %dma_wait3A_466 = arith.constant 19200 : i32
    %dma_wait3A_467 = tpu.memref_slice %arg14[%dma_wait3A_466] : memref<25600xf32, #tpu.memory_space<vmem>> -> memref<6400xf32, #tpu.memory_space<vmem>>
    %dma_wait3A_468 = arith.constant 0 : i32
    %dma_wait3A_469 = tpu.memref_slice %arg5[%dma_wait3A_468] : memref<400000xf32, #tpu.memory_space<hbm>> -> memref<400000xf32, #tpu.memory_space<hbm>>
    tpu.wait_indirect_dma semaphore(%arg18 : memref<!tpu.dma_semaphore, #tpu.memory_space<semaphore_mem>>) src(%dma_wait3A_469 : memref<400000xf32, #tpu.memory_space<hbm>>) dst(%dma_wait3A_467 : memref<6400xf32, #tpu.memory_space<vmem>>)
    %scan3A_470 = arith.constant 0 : i32
    %scan3A_471 = arith.constant 0 : i32
    %scan3A_472 = arith.constant 32 : i32
    %scan3A_473 = arith.addi %scan3A_471, %scan3A_472 : i32
    %scan3A_474 = arith.constant 1 : i32
    scf.for %scan3A_898 = %scan3A_471 to %scan3A_473 step %scan3A_474  : i32 {
      %mul3A_899 = arith.constant 6400 : i32
      %mul3A_900 = vector.broadcast %mul3A_899 : i32 to vector<16xi32>
      %mul3A_901 = arith.muli %and3A_4, %mul3A_900 : vector<16xi32>
      %mul3A_902 = arith.constant 200 : i32
      %mul3A_903 = arith.muli %mul3A_902, %scan3A_898 : i32
      %add3A_904 = vector.broadcast %mul3A_903 : i32 to vector<16xi32>
      %add3A_905 = arith.addi %mul3A_901, %add3A_904 : vector<16xi32>
      %mul3A_906 = arith.constant 50 : i32
      %mul3A_907 = vector.broadcast %mul3A_906 : i32 to vector<16xi32>
      %mul3A_908 = arith.muli %mul3A_907, %shift_right_arithmetic3A_2 : vector<16xi32>
      %add3A_909 = arith.addi %add3A_905, %mul3A_908 : vector<16xi32>
      %broadcast_in_dim3A = arith.constant 0.000000e+00 : f32
      %broadcast_in_dim3A_910 = vector.broadcast %broadcast_in_dim3A : f32 to vector<16xf32>
      %broadcast_in_dim3A_911 = arith.constant 0.000000e+00 : f32
      %broadcast_in_dim3A_912 = vector.broadcast %broadcast_in_dim3A_911 : f32 to vector<16xf32>
      %scan3A_913 = arith.constant 0 : i32
      %scan3A_914 = arith.constant 25 : i32
      %scan3A_915 = arith.addi %scan3A_913, %scan3A_914 : i32
      %scan3A_916 = arith.constant 1 : i32
      %scan3A_917:2 = scf.for %scan3A_926 = %scan3A_913 to %scan3A_915 step %scan3A_916 iter_args(%scan3A_927 = %broadcast_in_dim3A_910, %scan3A_928 = %broadcast_in_dim3A_912) -> (vector<16xf32>, vector<16xf32>)  : i32 {
        %add3A_929 = vector.broadcast %scan3A_926 : i32 to vector<16xi32>
        %add3A_930 = arith.addi %add3A_909, %add3A_929 : vector<16xi32>
        %gather3A = tpu.vector_load_idx %arg14[%add3A_930] : memref<25600xf32, #tpu.memory_space<vmem>>[vector<16xi32>], vector<16xf32>,
        %add3A_931 = arith.addf %scan3A_927, %gather3A : vector<16xf32>
        %add3A_932 = vector.broadcast %scan3A_926 : i32 to vector<16xi32>
        %add3A_933 = arith.addi %add3A_909, %add3A_932 : vector<16xi32>
        %add3A_934 = arith.constant 25 : i32
        %add3A_935 = vector.broadcast %add3A_934 : i32 to vector<16xi32>
        %add3A_936 = arith.addi %add3A_933, %add3A_935 : vector<16xi32>
        %gather3A_937 = tpu.vector_load_idx %arg14[%add3A_936] : memref<25600xf32, #tpu.memory_space<vmem>>[vector<16xi32>], vector<16xf32>,
        %add3A_938 = arith.addf %scan3A_928, %gather3A_937 : vector<16xf32>
        scf.yield %add3A_931, %add3A_938 : vector<16xf32>, vector<16xf32>
      }
      %scan3A_918 = arith.constant 25 : i32
      %add3A_919 = arith.addf %scan3A_917#0, %scan3A_917#1 : vector<16xf32>
      %mul3A_920 = arith.constant 2.000000e-02 : f32
      %mul3A_921 = vector.broadcast %mul3A_920 : f32 to vector<16xf32>
      %mul3A_922 = arith.mulf %add3A_919, %mul3A_921 : vector<16xf32>
      %mul3A_923 = arith.constant 16 : i32
      %mul3A_924 = arith.muli %scan3A_898, %mul3A_923 : i32
      %swap3A = arith.index_cast %mul3A_924 : i32 to index
      %swap3A_925 = tpu.vector_load %arg16[%swap3A] {strides = array<i32>} : memref<512xf32, #tpu.memory_space<vmem>>, vector<16xf32>,
      tpu.vector_store %arg16[%swap3A], %mul3A_922 {strides = array<i32>} : memref<512xf32, #tpu.memory_space<vmem>>, vector<16xf32>,
    }
    %scan3A_475 = arith.constant 32 : i32
    %mul3A_476 = arith.constant 512 : i32
    %mul3A_477 = arith.muli %add3A_453, %mul3A_476 : i32
    "tpu.region"() ({
      %run_scoped3A = tpu.sem_alloc : memref<!tpu.dma_semaphore, #tpu.memory_space<semaphore_mem>>
      %dma_start3A_898 = tpu.memref_slice %arg8[%mul3A_477] : memref<262144xf32, #tpu.memory_space<hbm>> -> memref<512xf32, #tpu.memory_space<hbm>>
      %dma_start3A_899 = tpu.memref_slice %arg8[%mul3A_477] : memref<262144xf32, #tpu.memory_space<hbm>> -> memref<512xf32, #tpu.memory_space<hbm>>
      tpu.enqueue_dma source(%arg16 : memref<512xf32, #tpu.memory_space<vmem>>) target(%dma_start3A_899 : memref<512xf32, #tpu.memory_space<hbm>>) target_semaphore(%run_scoped3A : memref<!tpu.dma_semaphore, #tpu.memory_space<semaphore_mem>>)
      %dma_wait3A_900 = tpu.memref_slice %arg8[%mul3A_477] : memref<262144xf32, #tpu.memory_space<hbm>> -> memref<512xf32, #tpu.memory_space<hbm>>
      %dma_wait3A_901 = tpu.memref_slice %arg8[%mul3A_477] : memref<262144xf32, #tpu.memory_space<hbm>> -> memref<512xf32, #tpu.memory_space<hbm>>
      tpu.wait_dma2 semaphore(%run_scoped3A : memref<!tpu.dma_semaphore, #tpu.memory_space<semaphore_mem>>) src(%arg16 : memref<512xf32, #tpu.memory_space<vmem>>) dst(%dma_wait3A_901 : memref<512xf32, #tpu.memory_space<hbm>>)
      tpu.yield
    }) : () -> ()
    %mul3A_478 = arith.constant 16 : i32
    %mul3A_479 = arith.muli %add3A, %mul3A_478 : i32
    %add3A_480 = arith.constant 9 : i32
    %add3A_481 = arith.addi %mul3A_479, %add3A_480 : i32
    %mul3A_482 = arith.constant 6400 : i32
    %mul3A_483 = arith.muli %add3A_481, %mul3A_482 : i32
    "tpu.region"() ({
      %run_scoped3A = tpu.sem_alloc : memref<!tpu.dma_semaphore, #tpu.memory_space<semaphore_mem>>
      %dma_start3A_898 = tpu.memref_slice %arg6[%mul3A_483] : memref<3276800xi32, #tpu.memory_space<hbm>> -> memref<6400xi32, #tpu.memory_space<hbm>>
      %dma_start3A_899 = tpu.memref_slice %arg6[%mul3A_483] : memref<3276800xi32, #tpu.memory_space<hbm>> -> memref<6400xi32, #tpu.memory_space<hbm>>
      tpu.enqueue_dma source(%dma_start3A_899 : memref<6400xi32, #tpu.memory_space<hbm>>) target(%arg10 : memref<6400xi32, #tpu.memory_space<vmem>>) target_semaphore(%run_scoped3A : memref<!tpu.dma_semaphore, #tpu.memory_space<semaphore_mem>>)
      %dma_wait3A_900 = tpu.memref_slice %arg6[%mul3A_483] : memref<3276800xi32, #tpu.memory_space<hbm>> -> memref<6400xi32, #tpu.memory_space<hbm>>
      %dma_wait3A_901 = tpu.memref_slice %arg6[%mul3A_483] : memref<3276800xi32, #tpu.memory_space<hbm>> -> memref<6400xi32, #tpu.memory_space<hbm>>
      tpu.wait_dma2 semaphore(%run_scoped3A : memref<!tpu.dma_semaphore, #tpu.memory_space<semaphore_mem>>) src(%dma_wait3A_901 : memref<6400xi32, #tpu.memory_space<hbm>>) dst(%arg10 : memref<6400xi32, #tpu.memory_space<vmem>>)
      tpu.yield
    }) : () -> ()
    %scan3A_484 = arith.constant 0 : i32
    %scan3A_485 = arith.constant 0 : i32
    %scan3A_486 = arith.constant 400 : i32
    %scan3A_487 = arith.addi %scan3A_485, %scan3A_486 : i32
    %scan3A_488 = arith.constant 1 : i32
    scf.for %scan3A_898 = %scan3A_485 to %scan3A_487 step %scan3A_488  : i32 {
      %mul3A_899 = arith.constant 16 : i32
      %mul3A_900 = arith.muli %scan3A_898, %mul3A_899 : i32
      %get3A = arith.index_cast %mul3A_900 : i32 to index
      %get3A_901 = tpu.vector_load %arg10[%get3A] {strides = array<i32>} : memref<6400xi32, #tpu.memory_space<vmem>>, vector<16xi32>,
      %mul3A_902 = arith.constant 16 : i32
      %mul3A_903 = arith.muli %scan3A_898, %mul3A_902 : i32
      %get3A_904 = arith.index_cast %mul3A_903 : i32 to index
      %get3A_905 = tpu.vector_load %arg15[%get3A_904] {strides = array<i32>} : memref<6400xi32, #tpu.memory_space<vmem>>, vector<16xi32>,
      %add3A_906 = arith.addi %get3A_901, %get3A_905 : vector<16xi32>
      %mul3A_907 = arith.constant 16 : i32
      %mul3A_908 = arith.muli %scan3A_898, %mul3A_907 : i32
      %swap3A = arith.index_cast %mul3A_908 : i32 to index
      %swap3A_909 = tpu.vector_load %arg12[%swap3A] {strides = array<i32>} : memref<6400xi32, #tpu.memory_space<vmem>>, vector<16xi32>,
      tpu.vector_store %arg12[%swap3A], %add3A_906 {strides = array<i32>} : memref<6400xi32, #tpu.memory_space<vmem>>, vector<16xi32>,
    }
    %scan3A_489 = arith.constant 400 : i32
    %dma_start3A_490 = arith.constant 0 : i32
    %dma_start3A_491 = tpu.memref_slice %arg14[%dma_start3A_490] : memref<25600xf32, #tpu.memory_space<vmem>> -> memref<6400xf32, #tpu.memory_space<vmem>>
    %dma_start3A_492 = arith.constant 0 : i32
    %dma_start3A_493 = tpu.memref_slice %arg2[%dma_start3A_492] : memref<400000xf32, #tpu.memory_space<hbm>> -> memref<400000xf32, #tpu.memory_space<hbm>>
    tpu.enqueue_indirect_dma source(%dma_start3A_493 : memref<400000xf32, #tpu.memory_space<hbm>>) target(%dma_start3A_491 : memref<6400xf32, #tpu.memory_space<vmem>>) offsets(%arg12 : memref<6400xi32, #tpu.memory_space<vmem>>) semaphore(%arg18 : memref<!tpu.dma_semaphore, #tpu.memory_space<semaphore_mem>>)
    %dma_start3A_494 = arith.constant 6400 : i32
    %dma_start3A_495 = tpu.memref_slice %arg14[%dma_start3A_494] : memref<25600xf32, #tpu.memory_space<vmem>> -> memref<6400xf32, #tpu.memory_space<vmem>>
    %dma_start3A_496 = arith.constant 0 : i32
    %dma_start3A_497 = tpu.memref_slice %arg3[%dma_start3A_496] : memref<400000xf32, #tpu.memory_space<hbm>> -> memref<400000xf32, #tpu.memory_space<hbm>>
    tpu.enqueue_indirect_dma source(%dma_start3A_497 : memref<400000xf32, #tpu.memory_space<hbm>>) target(%dma_start3A_495 : memref<6400xf32, #tpu.memory_space<vmem>>) offsets(%arg12 : memref<6400xi32, #tpu.memory_space<vmem>>) semaphore(%arg18 : memref<!tpu.dma_semaphore, #tpu.memory_space<semaphore_mem>>)
    %dma_start3A_498 = arith.constant 12800 : i32
    %dma_start3A_499 = tpu.memref_slice %arg14[%dma_start3A_498] : memref<25600xf32, #tpu.memory_space<vmem>> -> memref<6400xf32, #tpu.memory_space<vmem>>
    %dma_start3A_500 = arith.constant 0 : i32
    %dma_start3A_501 = tpu.memref_slice %arg4[%dma_start3A_500] : memref<400000xf32, #tpu.memory_space<hbm>> -> memref<400000xf32, #tpu.memory_space<hbm>>
    tpu.enqueue_indirect_dma source(%dma_start3A_501 : memref<400000xf32, #tpu.memory_space<hbm>>) target(%dma_start3A_499 : memref<6400xf32, #tpu.memory_space<vmem>>) offsets(%arg12 : memref<6400xi32, #tpu.memory_space<vmem>>) semaphore(%arg18 : memref<!tpu.dma_semaphore, #tpu.memory_space<semaphore_mem>>)
    %dma_start3A_502 = arith.constant 19200 : i32
    %dma_start3A_503 = tpu.memref_slice %arg14[%dma_start3A_502] : memref<25600xf32, #tpu.memory_space<vmem>> -> memref<6400xf32, #tpu.memory_space<vmem>>
    %dma_start3A_504 = arith.constant 0 : i32
    %dma_start3A_505 = tpu.memref_slice %arg5[%dma_start3A_504] : memref<400000xf32, #tpu.memory_space<hbm>> -> memref<400000xf32, #tpu.memory_space<hbm>>
    tpu.enqueue_indirect_dma source(%dma_start3A_505 : memref<400000xf32, #tpu.memory_space<hbm>>) target(%dma_start3A_503 : memref<6400xf32, #tpu.memory_space<vmem>>) offsets(%arg12 : memref<6400xi32, #tpu.memory_space<vmem>>) semaphore(%arg18 : memref<!tpu.dma_semaphore, #tpu.memory_space<semaphore_mem>>)
    %mul3A_506 = arith.constant 16 : i32
    %mul3A_507 = arith.muli %add3A, %mul3A_506 : i32
    %add3A_508 = arith.constant 8 : i32
    %add3A_509 = arith.addi %mul3A_507, %add3A_508 : i32
    %dma_wait3A_510 = arith.constant 0 : i32
    %dma_wait3A_511 = tpu.memref_slice %arg13[%dma_wait3A_510] : memref<25600xf32, #tpu.memory_space<vmem>> -> memref<6400xf32, #tpu.memory_space<vmem>>
    %dma_wait3A_512 = arith.constant 0 : i32
    %dma_wait3A_513 = tpu.memref_slice %arg2[%dma_wait3A_512] : memref<400000xf32, #tpu.memory_space<hbm>> -> memref<400000xf32, #tpu.memory_space<hbm>>
    tpu.wait_indirect_dma semaphore(%arg17 : memref<!tpu.dma_semaphore, #tpu.memory_space<semaphore_mem>>) src(%dma_wait3A_513 : memref<400000xf32, #tpu.memory_space<hbm>>) dst(%dma_wait3A_511 : memref<6400xf32, #tpu.memory_space<vmem>>)
    %dma_wait3A_514 = arith.constant 6400 : i32
    %dma_wait3A_515 = tpu.memref_slice %arg13[%dma_wait3A_514] : memref<25600xf32, #tpu.memory_space<vmem>> -> memref<6400xf32, #tpu.memory_space<vmem>>
    %dma_wait3A_516 = arith.constant 0 : i32
    %dma_wait3A_517 = tpu.memref_slice %arg3[%dma_wait3A_516] : memref<400000xf32, #tpu.memory_space<hbm>> -> memref<400000xf32, #tpu.memory_space<hbm>>
    tpu.wait_indirect_dma semaphore(%arg17 : memref<!tpu.dma_semaphore, #tpu.memory_space<semaphore_mem>>) src(%dma_wait3A_517 : memref<400000xf32, #tpu.memory_space<hbm>>) dst(%dma_wait3A_515 : memref<6400xf32, #tpu.memory_space<vmem>>)
    %dma_wait3A_518 = arith.constant 12800 : i32
    %dma_wait3A_519 = tpu.memref_slice %arg13[%dma_wait3A_518] : memref<25600xf32, #tpu.memory_space<vmem>> -> memref<6400xf32, #tpu.memory_space<vmem>>
    %dma_wait3A_520 = arith.constant 0 : i32
    %dma_wait3A_521 = tpu.memref_slice %arg4[%dma_wait3A_520] : memref<400000xf32, #tpu.memory_space<hbm>> -> memref<400000xf32, #tpu.memory_space<hbm>>
    tpu.wait_indirect_dma semaphore(%arg17 : memref<!tpu.dma_semaphore, #tpu.memory_space<semaphore_mem>>) src(%dma_wait3A_521 : memref<400000xf32, #tpu.memory_space<hbm>>) dst(%dma_wait3A_519 : memref<6400xf32, #tpu.memory_space<vmem>>)
    %dma_wait3A_522 = arith.constant 19200 : i32
    %dma_wait3A_523 = tpu.memref_slice %arg13[%dma_wait3A_522] : memref<25600xf32, #tpu.memory_space<vmem>> -> memref<6400xf32, #tpu.memory_space<vmem>>
    %dma_wait3A_524 = arith.constant 0 : i32
    %dma_wait3A_525 = tpu.memref_slice %arg5[%dma_wait3A_524] : memref<400000xf32, #tpu.memory_space<hbm>> -> memref<400000xf32, #tpu.memory_space<hbm>>
    tpu.wait_indirect_dma semaphore(%arg17 : memref<!tpu.dma_semaphore, #tpu.memory_space<semaphore_mem>>) src(%dma_wait3A_525 : memref<400000xf32, #tpu.memory_space<hbm>>) dst(%dma_wait3A_523 : memref<6400xf32, #tpu.memory_space<vmem>>)
    %scan3A_526 = arith.constant 0 : i32
    %scan3A_527 = arith.constant 0 : i32
    %scan3A_528 = arith.constant 32 : i32
    %scan3A_529 = arith.addi %scan3A_527, %scan3A_528 : i32
    %scan3A_530 = arith.constant 1 : i32
    scf.for %scan3A_898 = %scan3A_527 to %scan3A_529 step %scan3A_530  : i32 {
      %mul3A_899 = arith.constant 6400 : i32
      %mul3A_900 = vector.broadcast %mul3A_899 : i32 to vector<16xi32>
      %mul3A_901 = arith.muli %and3A_4, %mul3A_900 : vector<16xi32>
      %mul3A_902 = arith.constant 200 : i32
      %mul3A_903 = arith.muli %mul3A_902, %scan3A_898 : i32
      %add3A_904 = vector.broadcast %mul3A_903 : i32 to vector<16xi32>
      %add3A_905 = arith.addi %mul3A_901, %add3A_904 : vector<16xi32>
      %mul3A_906 = arith.constant 50 : i32
      %mul3A_907 = vector.broadcast %mul3A_906 : i32 to vector<16xi32>
      %mul3A_908 = arith.muli %mul3A_907, %shift_right_arithmetic3A_2 : vector<16xi32>
      %add3A_909 = arith.addi %add3A_905, %mul3A_908 : vector<16xi32>
      %broadcast_in_dim3A = arith.constant 0.000000e+00 : f32
      %broadcast_in_dim3A_910 = vector.broadcast %broadcast_in_dim3A : f32 to vector<16xf32>
      %broadcast_in_dim3A_911 = arith.constant 0.000000e+00 : f32
      %broadcast_in_dim3A_912 = vector.broadcast %broadcast_in_dim3A_911 : f32 to vector<16xf32>
      %scan3A_913 = arith.constant 0 : i32
      %scan3A_914 = arith.constant 25 : i32
      %scan3A_915 = arith.addi %scan3A_913, %scan3A_914 : i32
      %scan3A_916 = arith.constant 1 : i32
      %scan3A_917:2 = scf.for %scan3A_926 = %scan3A_913 to %scan3A_915 step %scan3A_916 iter_args(%scan3A_927 = %broadcast_in_dim3A_910, %scan3A_928 = %broadcast_in_dim3A_912) -> (vector<16xf32>, vector<16xf32>)  : i32 {
        %add3A_929 = vector.broadcast %scan3A_926 : i32 to vector<16xi32>
        %add3A_930 = arith.addi %add3A_909, %add3A_929 : vector<16xi32>
        %gather3A = tpu.vector_load_idx %arg13[%add3A_930] : memref<25600xf32, #tpu.memory_space<vmem>>[vector<16xi32>], vector<16xf32>,
        %add3A_931 = arith.addf %scan3A_927, %gather3A : vector<16xf32>
        %add3A_932 = vector.broadcast %scan3A_926 : i32 to vector<16xi32>
        %add3A_933 = arith.addi %add3A_909, %add3A_932 : vector<16xi32>
        %add3A_934 = arith.constant 25 : i32
        %add3A_935 = vector.broadcast %add3A_934 : i32 to vector<16xi32>
        %add3A_936 = arith.addi %add3A_933, %add3A_935 : vector<16xi32>
        %gather3A_937 = tpu.vector_load_idx %arg13[%add3A_936] : memref<25600xf32, #tpu.memory_space<vmem>>[vector<16xi32>], vector<16xf32>,
        %add3A_938 = arith.addf %scan3A_928, %gather3A_937 : vector<16xf32>
        scf.yield %add3A_931, %add3A_938 : vector<16xf32>, vector<16xf32>
      }
      %scan3A_918 = arith.constant 25 : i32
      %add3A_919 = arith.addf %scan3A_917#0, %scan3A_917#1 : vector<16xf32>
      %mul3A_920 = arith.constant 2.000000e-02 : f32
      %mul3A_921 = vector.broadcast %mul3A_920 : f32 to vector<16xf32>
      %mul3A_922 = arith.mulf %add3A_919, %mul3A_921 : vector<16xf32>
      %mul3A_923 = arith.constant 16 : i32
      %mul3A_924 = arith.muli %scan3A_898, %mul3A_923 : i32
      %swap3A = arith.index_cast %mul3A_924 : i32 to index
      %swap3A_925 = tpu.vector_load %arg16[%swap3A] {strides = array<i32>} : memref<512xf32, #tpu.memory_space<vmem>>, vector<16xf32>,
      tpu.vector_store %arg16[%swap3A], %mul3A_922 {strides = array<i32>} : memref<512xf32, #tpu.memory_space<vmem>>, vector<16xf32>,
    }
    %scan3A_531 = arith.constant 32 : i32
    %mul3A_532 = arith.constant 512 : i32
    %mul3A_533 = arith.muli %add3A_509, %mul3A_532 : i32
    "tpu.region"() ({
      %run_scoped3A = tpu.sem_alloc : memref<!tpu.dma_semaphore, #tpu.memory_space<semaphore_mem>>
      %dma_start3A_898 = tpu.memref_slice %arg8[%mul3A_533] : memref<262144xf32, #tpu.memory_space<hbm>> -> memref<512xf32, #tpu.memory_space<hbm>>
      %dma_start3A_899 = tpu.memref_slice %arg8[%mul3A_533] : memref<262144xf32, #tpu.memory_space<hbm>> -> memref<512xf32, #tpu.memory_space<hbm>>
      tpu.enqueue_dma source(%arg16 : memref<512xf32, #tpu.memory_space<vmem>>) target(%dma_start3A_899 : memref<512xf32, #tpu.memory_space<hbm>>) target_semaphore(%run_scoped3A : memref<!tpu.dma_semaphore, #tpu.memory_space<semaphore_mem>>)
      %dma_wait3A_900 = tpu.memref_slice %arg8[%mul3A_533] : memref<262144xf32, #tpu.memory_space<hbm>> -> memref<512xf32, #tpu.memory_space<hbm>>
      %dma_wait3A_901 = tpu.memref_slice %arg8[%mul3A_533] : memref<262144xf32, #tpu.memory_space<hbm>> -> memref<512xf32, #tpu.memory_space<hbm>>
      tpu.wait_dma2 semaphore(%run_scoped3A : memref<!tpu.dma_semaphore, #tpu.memory_space<semaphore_mem>>) src(%arg16 : memref<512xf32, #tpu.memory_space<vmem>>) dst(%dma_wait3A_901 : memref<512xf32, #tpu.memory_space<hbm>>)
      tpu.yield
    }) : () -> ()
    %mul3A_534 = arith.constant 16 : i32
    %mul3A_535 = arith.muli %add3A, %mul3A_534 : i32
    %add3A_536 = arith.constant 10 : i32
    %add3A_537 = arith.addi %mul3A_535, %add3A_536 : i32
    %mul3A_538 = arith.constant 6400 : i32
    %mul3A_539 = arith.muli %add3A_537, %mul3A_538 : i32
    "tpu.region"() ({
      %run_scoped3A = tpu.sem_alloc : memref<!tpu.dma_semaphore, #tpu.memory_space<semaphore_mem>>
      %dma_start3A_898 = tpu.memref_slice %arg6[%mul3A_539] : memref<3276800xi32, #tpu.memory_space<hbm>> -> memref<6400xi32, #tpu.memory_space<hbm>>
      %dma_start3A_899 = tpu.memref_slice %arg6[%mul3A_539] : memref<3276800xi32, #tpu.memory_space<hbm>> -> memref<6400xi32, #tpu.memory_space<hbm>>
      tpu.enqueue_dma source(%dma_start3A_899 : memref<6400xi32, #tpu.memory_space<hbm>>) target(%arg9 : memref<6400xi32, #tpu.memory_space<vmem>>) target_semaphore(%run_scoped3A : memref<!tpu.dma_semaphore, #tpu.memory_space<semaphore_mem>>)
      %dma_wait3A_900 = tpu.memref_slice %arg6[%mul3A_539] : memref<3276800xi32, #tpu.memory_space<hbm>> -> memref<6400xi32, #tpu.memory_space<hbm>>
      %dma_wait3A_901 = tpu.memref_slice %arg6[%mul3A_539] : memref<3276800xi32, #tpu.memory_space<hbm>> -> memref<6400xi32, #tpu.memory_space<hbm>>
      tpu.wait_dma2 semaphore(%run_scoped3A : memref<!tpu.dma_semaphore, #tpu.memory_space<semaphore_mem>>) src(%dma_wait3A_901 : memref<6400xi32, #tpu.memory_space<hbm>>) dst(%arg9 : memref<6400xi32, #tpu.memory_space<vmem>>)
      tpu.yield
    }) : () -> ()
    %scan3A_540 = arith.constant 0 : i32
    %scan3A_541 = arith.constant 0 : i32
    %scan3A_542 = arith.constant 400 : i32
    %scan3A_543 = arith.addi %scan3A_541, %scan3A_542 : i32
    %scan3A_544 = arith.constant 1 : i32
    scf.for %scan3A_898 = %scan3A_541 to %scan3A_543 step %scan3A_544  : i32 {
      %mul3A_899 = arith.constant 16 : i32
      %mul3A_900 = arith.muli %scan3A_898, %mul3A_899 : i32
      %get3A = arith.index_cast %mul3A_900 : i32 to index
      %get3A_901 = tpu.vector_load %arg9[%get3A] {strides = array<i32>} : memref<6400xi32, #tpu.memory_space<vmem>>, vector<16xi32>,
      %mul3A_902 = arith.constant 16 : i32
      %mul3A_903 = arith.muli %scan3A_898, %mul3A_902 : i32
      %get3A_904 = arith.index_cast %mul3A_903 : i32 to index
      %get3A_905 = tpu.vector_load %arg15[%get3A_904] {strides = array<i32>} : memref<6400xi32, #tpu.memory_space<vmem>>, vector<16xi32>,
      %add3A_906 = arith.addi %get3A_901, %get3A_905 : vector<16xi32>
      %mul3A_907 = arith.constant 16 : i32
      %mul3A_908 = arith.muli %scan3A_898, %mul3A_907 : i32
      %swap3A = arith.index_cast %mul3A_908 : i32 to index
      %swap3A_909 = tpu.vector_load %arg11[%swap3A] {strides = array<i32>} : memref<6400xi32, #tpu.memory_space<vmem>>, vector<16xi32>,
      tpu.vector_store %arg11[%swap3A], %add3A_906 {strides = array<i32>} : memref<6400xi32, #tpu.memory_space<vmem>>, vector<16xi32>,
    }
    %scan3A_545 = arith.constant 400 : i32
    %dma_start3A_546 = arith.constant 0 : i32
    %dma_start3A_547 = tpu.memref_slice %arg13[%dma_start3A_546] : memref<25600xf32, #tpu.memory_space<vmem>> -> memref<6400xf32, #tpu.memory_space<vmem>>
    %dma_start3A_548 = arith.constant 0 : i32
    %dma_start3A_549 = tpu.memref_slice %arg2[%dma_start3A_548] : memref<400000xf32, #tpu.memory_space<hbm>> -> memref<400000xf32, #tpu.memory_space<hbm>>
    tpu.enqueue_indirect_dma source(%dma_start3A_549 : memref<400000xf32, #tpu.memory_space<hbm>>) target(%dma_start3A_547 : memref<6400xf32, #tpu.memory_space<vmem>>) offsets(%arg11 : memref<6400xi32, #tpu.memory_space<vmem>>) semaphore(%arg17 : memref<!tpu.dma_semaphore, #tpu.memory_space<semaphore_mem>>)
    %dma_start3A_550 = arith.constant 6400 : i32
    %dma_start3A_551 = tpu.memref_slice %arg13[%dma_start3A_550] : memref<25600xf32, #tpu.memory_space<vmem>> -> memref<6400xf32, #tpu.memory_space<vmem>>
    %dma_start3A_552 = arith.constant 0 : i32
    %dma_start3A_553 = tpu.memref_slice %arg3[%dma_start3A_552] : memref<400000xf32, #tpu.memory_space<hbm>> -> memref<400000xf32, #tpu.memory_space<hbm>>
    tpu.enqueue_indirect_dma source(%dma_start3A_553 : memref<400000xf32, #tpu.memory_space<hbm>>) target(%dma_start3A_551 : memref<6400xf32, #tpu.memory_space<vmem>>) offsets(%arg11 : memref<6400xi32, #tpu.memory_space<vmem>>) semaphore(%arg17 : memref<!tpu.dma_semaphore, #tpu.memory_space<semaphore_mem>>)
    %dma_start3A_554 = arith.constant 12800 : i32
    %dma_start3A_555 = tpu.memref_slice %arg13[%dma_start3A_554] : memref<25600xf32, #tpu.memory_space<vmem>> -> memref<6400xf32, #tpu.memory_space<vmem>>
    %dma_start3A_556 = arith.constant 0 : i32
    %dma_start3A_557 = tpu.memref_slice %arg4[%dma_start3A_556] : memref<400000xf32, #tpu.memory_space<hbm>> -> memref<400000xf32, #tpu.memory_space<hbm>>
    tpu.enqueue_indirect_dma source(%dma_start3A_557 : memref<400000xf32, #tpu.memory_space<hbm>>) target(%dma_start3A_555 : memref<6400xf32, #tpu.memory_space<vmem>>) offsets(%arg11 : memref<6400xi32, #tpu.memory_space<vmem>>) semaphore(%arg17 : memref<!tpu.dma_semaphore, #tpu.memory_space<semaphore_mem>>)
    %dma_start3A_558 = arith.constant 19200 : i32
    %dma_start3A_559 = tpu.memref_slice %arg13[%dma_start3A_558] : memref<25600xf32, #tpu.memory_space<vmem>> -> memref<6400xf32, #tpu.memory_space<vmem>>
    %dma_start3A_560 = arith.constant 0 : i32
    %dma_start3A_561 = tpu.memref_slice %arg5[%dma_start3A_560] : memref<400000xf32, #tpu.memory_space<hbm>> -> memref<400000xf32, #tpu.memory_space<hbm>>
    tpu.enqueue_indirect_dma source(%dma_start3A_561 : memref<400000xf32, #tpu.memory_space<hbm>>) target(%dma_start3A_559 : memref<6400xf32, #tpu.memory_space<vmem>>) offsets(%arg11 : memref<6400xi32, #tpu.memory_space<vmem>>) semaphore(%arg17 : memref<!tpu.dma_semaphore, #tpu.memory_space<semaphore_mem>>)
    %mul3A_562 = arith.constant 16 : i32
    %mul3A_563 = arith.muli %add3A, %mul3A_562 : i32
    %add3A_564 = arith.constant 9 : i32
    %add3A_565 = arith.addi %mul3A_563, %add3A_564 : i32
    %dma_wait3A_566 = arith.constant 0 : i32
    %dma_wait3A_567 = tpu.memref_slice %arg14[%dma_wait3A_566] : memref<25600xf32, #tpu.memory_space<vmem>> -> memref<6400xf32, #tpu.memory_space<vmem>>
    %dma_wait3A_568 = arith.constant 0 : i32
    %dma_wait3A_569 = tpu.memref_slice %arg2[%dma_wait3A_568] : memref<400000xf32, #tpu.memory_space<hbm>> -> memref<400000xf32, #tpu.memory_space<hbm>>
    tpu.wait_indirect_dma semaphore(%arg18 : memref<!tpu.dma_semaphore, #tpu.memory_space<semaphore_mem>>) src(%dma_wait3A_569 : memref<400000xf32, #tpu.memory_space<hbm>>) dst(%dma_wait3A_567 : memref<6400xf32, #tpu.memory_space<vmem>>)
    %dma_wait3A_570 = arith.constant 6400 : i32
    %dma_wait3A_571 = tpu.memref_slice %arg14[%dma_wait3A_570] : memref<25600xf32, #tpu.memory_space<vmem>> -> memref<6400xf32, #tpu.memory_space<vmem>>
    %dma_wait3A_572 = arith.constant 0 : i32
    %dma_wait3A_573 = tpu.memref_slice %arg3[%dma_wait3A_572] : memref<400000xf32, #tpu.memory_space<hbm>> -> memref<400000xf32, #tpu.memory_space<hbm>>
    tpu.wait_indirect_dma semaphore(%arg18 : memref<!tpu.dma_semaphore, #tpu.memory_space<semaphore_mem>>) src(%dma_wait3A_573 : memref<400000xf32, #tpu.memory_space<hbm>>) dst(%dma_wait3A_571 : memref<6400xf32, #tpu.memory_space<vmem>>)
    %dma_wait3A_574 = arith.constant 12800 : i32
    %dma_wait3A_575 = tpu.memref_slice %arg14[%dma_wait3A_574] : memref<25600xf32, #tpu.memory_space<vmem>> -> memref<6400xf32, #tpu.memory_space<vmem>>
    %dma_wait3A_576 = arith.constant 0 : i32
    %dma_wait3A_577 = tpu.memref_slice %arg4[%dma_wait3A_576] : memref<400000xf32, #tpu.memory_space<hbm>> -> memref<400000xf32, #tpu.memory_space<hbm>>
    tpu.wait_indirect_dma semaphore(%arg18 : memref<!tpu.dma_semaphore, #tpu.memory_space<semaphore_mem>>) src(%dma_wait3A_577 : memref<400000xf32, #tpu.memory_space<hbm>>) dst(%dma_wait3A_575 : memref<6400xf32, #tpu.memory_space<vmem>>)
    %dma_wait3A_578 = arith.constant 19200 : i32
    %dma_wait3A_579 = tpu.memref_slice %arg14[%dma_wait3A_578] : memref<25600xf32, #tpu.memory_space<vmem>> -> memref<6400xf32, #tpu.memory_space<vmem>>
    %dma_wait3A_580 = arith.constant 0 : i32
    %dma_wait3A_581 = tpu.memref_slice %arg5[%dma_wait3A_580] : memref<400000xf32, #tpu.memory_space<hbm>> -> memref<400000xf32, #tpu.memory_space<hbm>>
    tpu.wait_indirect_dma semaphore(%arg18 : memref<!tpu.dma_semaphore, #tpu.memory_space<semaphore_mem>>) src(%dma_wait3A_581 : memref<400000xf32, #tpu.memory_space<hbm>>) dst(%dma_wait3A_579 : memref<6400xf32, #tpu.memory_space<vmem>>)
    %scan3A_582 = arith.constant 0 : i32
    %scan3A_583 = arith.constant 0 : i32
    %scan3A_584 = arith.constant 32 : i32
    %scan3A_585 = arith.addi %scan3A_583, %scan3A_584 : i32
    %scan3A_586 = arith.constant 1 : i32
    scf.for %scan3A_898 = %scan3A_583 to %scan3A_585 step %scan3A_586  : i32 {
      %mul3A_899 = arith.constant 6400 : i32
      %mul3A_900 = vector.broadcast %mul3A_899 : i32 to vector<16xi32>
      %mul3A_901 = arith.muli %and3A_4, %mul3A_900 : vector<16xi32>
      %mul3A_902 = arith.constant 200 : i32
      %mul3A_903 = arith.muli %mul3A_902, %scan3A_898 : i32
      %add3A_904 = vector.broadcast %mul3A_903 : i32 to vector<16xi32>
      %add3A_905 = arith.addi %mul3A_901, %add3A_904 : vector<16xi32>
      %mul3A_906 = arith.constant 50 : i32
      %mul3A_907 = vector.broadcast %mul3A_906 : i32 to vector<16xi32>
      %mul3A_908 = arith.muli %mul3A_907, %shift_right_arithmetic3A_2 : vector<16xi32>
      %add3A_909 = arith.addi %add3A_905, %mul3A_908 : vector<16xi32>
      %broadcast_in_dim3A = arith.constant 0.000000e+00 : f32
      %broadcast_in_dim3A_910 = vector.broadcast %broadcast_in_dim3A : f32 to vector<16xf32>
      %broadcast_in_dim3A_911 = arith.constant 0.000000e+00 : f32
      %broadcast_in_dim3A_912 = vector.broadcast %broadcast_in_dim3A_911 : f32 to vector<16xf32>
      %scan3A_913 = arith.constant 0 : i32
      %scan3A_914 = arith.constant 25 : i32
      %scan3A_915 = arith.addi %scan3A_913, %scan3A_914 : i32
      %scan3A_916 = arith.constant 1 : i32
      %scan3A_917:2 = scf.for %scan3A_926 = %scan3A_913 to %scan3A_915 step %scan3A_916 iter_args(%scan3A_927 = %broadcast_in_dim3A_910, %scan3A_928 = %broadcast_in_dim3A_912) -> (vector<16xf32>, vector<16xf32>)  : i32 {
        %add3A_929 = vector.broadcast %scan3A_926 : i32 to vector<16xi32>
        %add3A_930 = arith.addi %add3A_909, %add3A_929 : vector<16xi32>
        %gather3A = tpu.vector_load_idx %arg14[%add3A_930] : memref<25600xf32, #tpu.memory_space<vmem>>[vector<16xi32>], vector<16xf32>,
        %add3A_931 = arith.addf %scan3A_927, %gather3A : vector<16xf32>
        %add3A_932 = vector.broadcast %scan3A_926 : i32 to vector<16xi32>
        %add3A_933 = arith.addi %add3A_909, %add3A_932 : vector<16xi32>
        %add3A_934 = arith.constant 25 : i32
        %add3A_935 = vector.broadcast %add3A_934 : i32 to vector<16xi32>
        %add3A_936 = arith.addi %add3A_933, %add3A_935 : vector<16xi32>
        %gather3A_937 = tpu.vector_load_idx %arg14[%add3A_936] : memref<25600xf32, #tpu.memory_space<vmem>>[vector<16xi32>], vector<16xf32>,
        %add3A_938 = arith.addf %scan3A_928, %gather3A_937 : vector<16xf32>
        scf.yield %add3A_931, %add3A_938 : vector<16xf32>, vector<16xf32>
      }
      %scan3A_918 = arith.constant 25 : i32
      %add3A_919 = arith.addf %scan3A_917#0, %scan3A_917#1 : vector<16xf32>
      %mul3A_920 = arith.constant 2.000000e-02 : f32
      %mul3A_921 = vector.broadcast %mul3A_920 : f32 to vector<16xf32>
      %mul3A_922 = arith.mulf %add3A_919, %mul3A_921 : vector<16xf32>
      %mul3A_923 = arith.constant 16 : i32
      %mul3A_924 = arith.muli %scan3A_898, %mul3A_923 : i32
      %swap3A = arith.index_cast %mul3A_924 : i32 to index
      %swap3A_925 = tpu.vector_load %arg16[%swap3A] {strides = array<i32>} : memref<512xf32, #tpu.memory_space<vmem>>, vector<16xf32>,
      tpu.vector_store %arg16[%swap3A], %mul3A_922 {strides = array<i32>} : memref<512xf32, #tpu.memory_space<vmem>>, vector<16xf32>,
    }
    %scan3A_587 = arith.constant 32 : i32
    %mul3A_588 = arith.constant 512 : i32
    %mul3A_589 = arith.muli %add3A_565, %mul3A_588 : i32
    "tpu.region"() ({
      %run_scoped3A = tpu.sem_alloc : memref<!tpu.dma_semaphore, #tpu.memory_space<semaphore_mem>>
      %dma_start3A_898 = tpu.memref_slice %arg8[%mul3A_589] : memref<262144xf32, #tpu.memory_space<hbm>> -> memref<512xf32, #tpu.memory_space<hbm>>
      %dma_start3A_899 = tpu.memref_slice %arg8[%mul3A_589] : memref<262144xf32, #tpu.memory_space<hbm>> -> memref<512xf32, #tpu.memory_space<hbm>>
      tpu.enqueue_dma source(%arg16 : memref<512xf32, #tpu.memory_space<vmem>>) target(%dma_start3A_899 : memref<512xf32, #tpu.memory_space<hbm>>) target_semaphore(%run_scoped3A : memref<!tpu.dma_semaphore, #tpu.memory_space<semaphore_mem>>)
      %dma_wait3A_900 = tpu.memref_slice %arg8[%mul3A_589] : memref<262144xf32, #tpu.memory_space<hbm>> -> memref<512xf32, #tpu.memory_space<hbm>>
      %dma_wait3A_901 = tpu.memref_slice %arg8[%mul3A_589] : memref<262144xf32, #tpu.memory_space<hbm>> -> memref<512xf32, #tpu.memory_space<hbm>>
      tpu.wait_dma2 semaphore(%run_scoped3A : memref<!tpu.dma_semaphore, #tpu.memory_space<semaphore_mem>>) src(%arg16 : memref<512xf32, #tpu.memory_space<vmem>>) dst(%dma_wait3A_901 : memref<512xf32, #tpu.memory_space<hbm>>)
      tpu.yield
    }) : () -> ()
    %mul3A_590 = arith.constant 16 : i32
    %mul3A_591 = arith.muli %add3A, %mul3A_590 : i32
    %add3A_592 = arith.constant 11 : i32
    %add3A_593 = arith.addi %mul3A_591, %add3A_592 : i32
    %mul3A_594 = arith.constant 6400 : i32
    %mul3A_595 = arith.muli %add3A_593, %mul3A_594 : i32
    "tpu.region"() ({
      %run_scoped3A = tpu.sem_alloc : memref<!tpu.dma_semaphore, #tpu.memory_space<semaphore_mem>>
      %dma_start3A_898 = tpu.memref_slice %arg6[%mul3A_595] : memref<3276800xi32, #tpu.memory_space<hbm>> -> memref<6400xi32, #tpu.memory_space<hbm>>
      %dma_start3A_899 = tpu.memref_slice %arg6[%mul3A_595] : memref<3276800xi32, #tpu.memory_space<hbm>> -> memref<6400xi32, #tpu.memory_space<hbm>>
      tpu.enqueue_dma source(%dma_start3A_899 : memref<6400xi32, #tpu.memory_space<hbm>>) target(%arg10 : memref<6400xi32, #tpu.memory_space<vmem>>) target_semaphore(%run_scoped3A : memref<!tpu.dma_semaphore, #tpu.memory_space<semaphore_mem>>)
      %dma_wait3A_900 = tpu.memref_slice %arg6[%mul3A_595] : memref<3276800xi32, #tpu.memory_space<hbm>> -> memref<6400xi32, #tpu.memory_space<hbm>>
      %dma_wait3A_901 = tpu.memref_slice %arg6[%mul3A_595] : memref<3276800xi32, #tpu.memory_space<hbm>> -> memref<6400xi32, #tpu.memory_space<hbm>>
      tpu.wait_dma2 semaphore(%run_scoped3A : memref<!tpu.dma_semaphore, #tpu.memory_space<semaphore_mem>>) src(%dma_wait3A_901 : memref<6400xi32, #tpu.memory_space<hbm>>) dst(%arg10 : memref<6400xi32, #tpu.memory_space<vmem>>)
      tpu.yield
    }) : () -> ()
    %scan3A_596 = arith.constant 0 : i32
    %scan3A_597 = arith.constant 0 : i32
    %scan3A_598 = arith.constant 400 : i32
    %scan3A_599 = arith.addi %scan3A_597, %scan3A_598 : i32
    %scan3A_600 = arith.constant 1 : i32
    scf.for %scan3A_898 = %scan3A_597 to %scan3A_599 step %scan3A_600  : i32 {
      %mul3A_899 = arith.constant 16 : i32
      %mul3A_900 = arith.muli %scan3A_898, %mul3A_899 : i32
      %get3A = arith.index_cast %mul3A_900 : i32 to index
      %get3A_901 = tpu.vector_load %arg10[%get3A] {strides = array<i32>} : memref<6400xi32, #tpu.memory_space<vmem>>, vector<16xi32>,
      %mul3A_902 = arith.constant 16 : i32
      %mul3A_903 = arith.muli %scan3A_898, %mul3A_902 : i32
      %get3A_904 = arith.index_cast %mul3A_903 : i32 to index
      %get3A_905 = tpu.vector_load %arg15[%get3A_904] {strides = array<i32>} : memref<6400xi32, #tpu.memory_space<vmem>>, vector<16xi32>,
      %add3A_906 = arith.addi %get3A_901, %get3A_905 : vector<16xi32>
      %mul3A_907 = arith.constant 16 : i32
      %mul3A_908 = arith.muli %scan3A_898, %mul3A_907 : i32
      %swap3A = arith.index_cast %mul3A_908 : i32 to index
      %swap3A_909 = tpu.vector_load %arg12[%swap3A] {strides = array<i32>} : memref<6400xi32, #tpu.memory_space<vmem>>, vector<16xi32>,
      tpu.vector_store %arg12[%swap3A], %add3A_906 {strides = array<i32>} : memref<6400xi32, #tpu.memory_space<vmem>>, vector<16xi32>,
    }
    %scan3A_601 = arith.constant 400 : i32
    %dma_start3A_602 = arith.constant 0 : i32
    %dma_start3A_603 = tpu.memref_slice %arg14[%dma_start3A_602] : memref<25600xf32, #tpu.memory_space<vmem>> -> memref<6400xf32, #tpu.memory_space<vmem>>
    %dma_start3A_604 = arith.constant 0 : i32
    %dma_start3A_605 = tpu.memref_slice %arg2[%dma_start3A_604] : memref<400000xf32, #tpu.memory_space<hbm>> -> memref<400000xf32, #tpu.memory_space<hbm>>
    tpu.enqueue_indirect_dma source(%dma_start3A_605 : memref<400000xf32, #tpu.memory_space<hbm>>) target(%dma_start3A_603 : memref<6400xf32, #tpu.memory_space<vmem>>) offsets(%arg12 : memref<6400xi32, #tpu.memory_space<vmem>>) semaphore(%arg18 : memref<!tpu.dma_semaphore, #tpu.memory_space<semaphore_mem>>)
    %dma_start3A_606 = arith.constant 6400 : i32
    %dma_start3A_607 = tpu.memref_slice %arg14[%dma_start3A_606] : memref<25600xf32, #tpu.memory_space<vmem>> -> memref<6400xf32, #tpu.memory_space<vmem>>
    %dma_start3A_608 = arith.constant 0 : i32
    %dma_start3A_609 = tpu.memref_slice %arg3[%dma_start3A_608] : memref<400000xf32, #tpu.memory_space<hbm>> -> memref<400000xf32, #tpu.memory_space<hbm>>
    tpu.enqueue_indirect_dma source(%dma_start3A_609 : memref<400000xf32, #tpu.memory_space<hbm>>) target(%dma_start3A_607 : memref<6400xf32, #tpu.memory_space<vmem>>) offsets(%arg12 : memref<6400xi32, #tpu.memory_space<vmem>>) semaphore(%arg18 : memref<!tpu.dma_semaphore, #tpu.memory_space<semaphore_mem>>)
    %dma_start3A_610 = arith.constant 12800 : i32
    %dma_start3A_611 = tpu.memref_slice %arg14[%dma_start3A_610] : memref<25600xf32, #tpu.memory_space<vmem>> -> memref<6400xf32, #tpu.memory_space<vmem>>
    %dma_start3A_612 = arith.constant 0 : i32
    %dma_start3A_613 = tpu.memref_slice %arg4[%dma_start3A_612] : memref<400000xf32, #tpu.memory_space<hbm>> -> memref<400000xf32, #tpu.memory_space<hbm>>
    tpu.enqueue_indirect_dma source(%dma_start3A_613 : memref<400000xf32, #tpu.memory_space<hbm>>) target(%dma_start3A_611 : memref<6400xf32, #tpu.memory_space<vmem>>) offsets(%arg12 : memref<6400xi32, #tpu.memory_space<vmem>>) semaphore(%arg18 : memref<!tpu.dma_semaphore, #tpu.memory_space<semaphore_mem>>)
    %dma_start3A_614 = arith.constant 19200 : i32
    %dma_start3A_615 = tpu.memref_slice %arg14[%dma_start3A_614] : memref<25600xf32, #tpu.memory_space<vmem>> -> memref<6400xf32, #tpu.memory_space<vmem>>
    %dma_start3A_616 = arith.constant 0 : i32
    %dma_start3A_617 = tpu.memref_slice %arg5[%dma_start3A_616] : memref<400000xf32, #tpu.memory_space<hbm>> -> memref<400000xf32, #tpu.memory_space<hbm>>
    tpu.enqueue_indirect_dma source(%dma_start3A_617 : memref<400000xf32, #tpu.memory_space<hbm>>) target(%dma_start3A_615 : memref<6400xf32, #tpu.memory_space<vmem>>) offsets(%arg12 : memref<6400xi32, #tpu.memory_space<vmem>>) semaphore(%arg18 : memref<!tpu.dma_semaphore, #tpu.memory_space<semaphore_mem>>)
    %mul3A_618 = arith.constant 16 : i32
    %mul3A_619 = arith.muli %add3A, %mul3A_618 : i32
    %add3A_620 = arith.constant 10 : i32
    %add3A_621 = arith.addi %mul3A_619, %add3A_620 : i32
    %dma_wait3A_622 = arith.constant 0 : i32
    %dma_wait3A_623 = tpu.memref_slice %arg13[%dma_wait3A_622] : memref<25600xf32, #tpu.memory_space<vmem>> -> memref<6400xf32, #tpu.memory_space<vmem>>
    %dma_wait3A_624 = arith.constant 0 : i32
    %dma_wait3A_625 = tpu.memref_slice %arg2[%dma_wait3A_624] : memref<400000xf32, #tpu.memory_space<hbm>> -> memref<400000xf32, #tpu.memory_space<hbm>>
    tpu.wait_indirect_dma semaphore(%arg17 : memref<!tpu.dma_semaphore, #tpu.memory_space<semaphore_mem>>) src(%dma_wait3A_625 : memref<400000xf32, #tpu.memory_space<hbm>>) dst(%dma_wait3A_623 : memref<6400xf32, #tpu.memory_space<vmem>>)
    %dma_wait3A_626 = arith.constant 6400 : i32
    %dma_wait3A_627 = tpu.memref_slice %arg13[%dma_wait3A_626] : memref<25600xf32, #tpu.memory_space<vmem>> -> memref<6400xf32, #tpu.memory_space<vmem>>
    %dma_wait3A_628 = arith.constant 0 : i32
    %dma_wait3A_629 = tpu.memref_slice %arg3[%dma_wait3A_628] : memref<400000xf32, #tpu.memory_space<hbm>> -> memref<400000xf32, #tpu.memory_space<hbm>>
    tpu.wait_indirect_dma semaphore(%arg17 : memref<!tpu.dma_semaphore, #tpu.memory_space<semaphore_mem>>) src(%dma_wait3A_629 : memref<400000xf32, #tpu.memory_space<hbm>>) dst(%dma_wait3A_627 : memref<6400xf32, #tpu.memory_space<vmem>>)
    %dma_wait3A_630 = arith.constant 12800 : i32
    %dma_wait3A_631 = tpu.memref_slice %arg13[%dma_wait3A_630] : memref<25600xf32, #tpu.memory_space<vmem>> -> memref<6400xf32, #tpu.memory_space<vmem>>
    %dma_wait3A_632 = arith.constant 0 : i32
    %dma_wait3A_633 = tpu.memref_slice %arg4[%dma_wait3A_632] : memref<400000xf32, #tpu.memory_space<hbm>> -> memref<400000xf32, #tpu.memory_space<hbm>>
    tpu.wait_indirect_dma semaphore(%arg17 : memref<!tpu.dma_semaphore, #tpu.memory_space<semaphore_mem>>) src(%dma_wait3A_633 : memref<400000xf32, #tpu.memory_space<hbm>>) dst(%dma_wait3A_631 : memref<6400xf32, #tpu.memory_space<vmem>>)
    %dma_wait3A_634 = arith.constant 19200 : i32
    %dma_wait3A_635 = tpu.memref_slice %arg13[%dma_wait3A_634] : memref<25600xf32, #tpu.memory_space<vmem>> -> memref<6400xf32, #tpu.memory_space<vmem>>
    %dma_wait3A_636 = arith.constant 0 : i32
    %dma_wait3A_637 = tpu.memref_slice %arg5[%dma_wait3A_636] : memref<400000xf32, #tpu.memory_space<hbm>> -> memref<400000xf32, #tpu.memory_space<hbm>>
    tpu.wait_indirect_dma semaphore(%arg17 : memref<!tpu.dma_semaphore, #tpu.memory_space<semaphore_mem>>) src(%dma_wait3A_637 : memref<400000xf32, #tpu.memory_space<hbm>>) dst(%dma_wait3A_635 : memref<6400xf32, #tpu.memory_space<vmem>>)
    %scan3A_638 = arith.constant 0 : i32
    %scan3A_639 = arith.constant 0 : i32
    %scan3A_640 = arith.constant 32 : i32
    %scan3A_641 = arith.addi %scan3A_639, %scan3A_640 : i32
    %scan3A_642 = arith.constant 1 : i32
    scf.for %scan3A_898 = %scan3A_639 to %scan3A_641 step %scan3A_642  : i32 {
      %mul3A_899 = arith.constant 6400 : i32
      %mul3A_900 = vector.broadcast %mul3A_899 : i32 to vector<16xi32>
      %mul3A_901 = arith.muli %and3A_4, %mul3A_900 : vector<16xi32>
      %mul3A_902 = arith.constant 200 : i32
      %mul3A_903 = arith.muli %mul3A_902, %scan3A_898 : i32
      %add3A_904 = vector.broadcast %mul3A_903 : i32 to vector<16xi32>
      %add3A_905 = arith.addi %mul3A_901, %add3A_904 : vector<16xi32>
      %mul3A_906 = arith.constant 50 : i32
      %mul3A_907 = vector.broadcast %mul3A_906 : i32 to vector<16xi32>
      %mul3A_908 = arith.muli %mul3A_907, %shift_right_arithmetic3A_2 : vector<16xi32>
      %add3A_909 = arith.addi %add3A_905, %mul3A_908 : vector<16xi32>
      %broadcast_in_dim3A = arith.constant 0.000000e+00 : f32
      %broadcast_in_dim3A_910 = vector.broadcast %broadcast_in_dim3A : f32 to vector<16xf32>
      %broadcast_in_dim3A_911 = arith.constant 0.000000e+00 : f32
      %broadcast_in_dim3A_912 = vector.broadcast %broadcast_in_dim3A_911 : f32 to vector<16xf32>
      %scan3A_913 = arith.constant 0 : i32
      %scan3A_914 = arith.constant 25 : i32
      %scan3A_915 = arith.addi %scan3A_913, %scan3A_914 : i32
      %scan3A_916 = arith.constant 1 : i32
      %scan3A_917:2 = scf.for %scan3A_926 = %scan3A_913 to %scan3A_915 step %scan3A_916 iter_args(%scan3A_927 = %broadcast_in_dim3A_910, %scan3A_928 = %broadcast_in_dim3A_912) -> (vector<16xf32>, vector<16xf32>)  : i32 {
        %add3A_929 = vector.broadcast %scan3A_926 : i32 to vector<16xi32>
        %add3A_930 = arith.addi %add3A_909, %add3A_929 : vector<16xi32>
        %gather3A = tpu.vector_load_idx %arg13[%add3A_930] : memref<25600xf32, #tpu.memory_space<vmem>>[vector<16xi32>], vector<16xf32>,
        %add3A_931 = arith.addf %scan3A_927, %gather3A : vector<16xf32>
        %add3A_932 = vector.broadcast %scan3A_926 : i32 to vector<16xi32>
        %add3A_933 = arith.addi %add3A_909, %add3A_932 : vector<16xi32>
        %add3A_934 = arith.constant 25 : i32
        %add3A_935 = vector.broadcast %add3A_934 : i32 to vector<16xi32>
        %add3A_936 = arith.addi %add3A_933, %add3A_935 : vector<16xi32>
        %gather3A_937 = tpu.vector_load_idx %arg13[%add3A_936] : memref<25600xf32, #tpu.memory_space<vmem>>[vector<16xi32>], vector<16xf32>,
        %add3A_938 = arith.addf %scan3A_928, %gather3A_937 : vector<16xf32>
        scf.yield %add3A_931, %add3A_938 : vector<16xf32>, vector<16xf32>
      }
      %scan3A_918 = arith.constant 25 : i32
      %add3A_919 = arith.addf %scan3A_917#0, %scan3A_917#1 : vector<16xf32>
      %mul3A_920 = arith.constant 2.000000e-02 : f32
      %mul3A_921 = vector.broadcast %mul3A_920 : f32 to vector<16xf32>
      %mul3A_922 = arith.mulf %add3A_919, %mul3A_921 : vector<16xf32>
      %mul3A_923 = arith.constant 16 : i32
      %mul3A_924 = arith.muli %scan3A_898, %mul3A_923 : i32
      %swap3A = arith.index_cast %mul3A_924 : i32 to index
      %swap3A_925 = tpu.vector_load %arg16[%swap3A] {strides = array<i32>} : memref<512xf32, #tpu.memory_space<vmem>>, vector<16xf32>,
      tpu.vector_store %arg16[%swap3A], %mul3A_922 {strides = array<i32>} : memref<512xf32, #tpu.memory_space<vmem>>, vector<16xf32>,
    }
    %scan3A_643 = arith.constant 32 : i32
    %mul3A_644 = arith.constant 512 : i32
    %mul3A_645 = arith.muli %add3A_621, %mul3A_644 : i32
    "tpu.region"() ({
      %run_scoped3A = tpu.sem_alloc : memref<!tpu.dma_semaphore, #tpu.memory_space<semaphore_mem>>
      %dma_start3A_898 = tpu.memref_slice %arg8[%mul3A_645] : memref<262144xf32, #tpu.memory_space<hbm>> -> memref<512xf32, #tpu.memory_space<hbm>>
      %dma_start3A_899 = tpu.memref_slice %arg8[%mul3A_645] : memref<262144xf32, #tpu.memory_space<hbm>> -> memref<512xf32, #tpu.memory_space<hbm>>
      tpu.enqueue_dma source(%arg16 : memref<512xf32, #tpu.memory_space<vmem>>) target(%dma_start3A_899 : memref<512xf32, #tpu.memory_space<hbm>>) target_semaphore(%run_scoped3A : memref<!tpu.dma_semaphore, #tpu.memory_space<semaphore_mem>>)
      %dma_wait3A_900 = tpu.memref_slice %arg8[%mul3A_645] : memref<262144xf32, #tpu.memory_space<hbm>> -> memref<512xf32, #tpu.memory_space<hbm>>
      %dma_wait3A_901 = tpu.memref_slice %arg8[%mul3A_645] : memref<262144xf32, #tpu.memory_space<hbm>> -> memref<512xf32, #tpu.memory_space<hbm>>
      tpu.wait_dma2 semaphore(%run_scoped3A : memref<!tpu.dma_semaphore, #tpu.memory_space<semaphore_mem>>) src(%arg16 : memref<512xf32, #tpu.memory_space<vmem>>) dst(%dma_wait3A_901 : memref<512xf32, #tpu.memory_space<hbm>>)
      tpu.yield
    }) : () -> ()
    %mul3A_646 = arith.constant 16 : i32
    %mul3A_647 = arith.muli %add3A, %mul3A_646 : i32
    %add3A_648 = arith.constant 12 : i32
    %add3A_649 = arith.addi %mul3A_647, %add3A_648 : i32
    %mul3A_650 = arith.constant 6400 : i32
    %mul3A_651 = arith.muli %add3A_649, %mul3A_650 : i32
    "tpu.region"() ({
      %run_scoped3A = tpu.sem_alloc : memref<!tpu.dma_semaphore, #tpu.memory_space<semaphore_mem>>
      %dma_start3A_898 = tpu.memref_slice %arg6[%mul3A_651] : memref<3276800xi32, #tpu.memory_space<hbm>> -> memref<6400xi32, #tpu.memory_space<hbm>>
      %dma_start3A_899 = tpu.memref_slice %arg6[%mul3A_651] : memref<3276800xi32, #tpu.memory_space<hbm>> -> memref<6400xi32, #tpu.memory_space<hbm>>
      tpu.enqueue_dma source(%dma_start3A_899 : memref<6400xi32, #tpu.memory_space<hbm>>) target(%arg9 : memref<6400xi32, #tpu.memory_space<vmem>>) target_semaphore(%run_scoped3A : memref<!tpu.dma_semaphore, #tpu.memory_space<semaphore_mem>>)
      %dma_wait3A_900 = tpu.memref_slice %arg6[%mul3A_651] : memref<3276800xi32, #tpu.memory_space<hbm>> -> memref<6400xi32, #tpu.memory_space<hbm>>
      %dma_wait3A_901 = tpu.memref_slice %arg6[%mul3A_651] : memref<3276800xi32, #tpu.memory_space<hbm>> -> memref<6400xi32, #tpu.memory_space<hbm>>
      tpu.wait_dma2 semaphore(%run_scoped3A : memref<!tpu.dma_semaphore, #tpu.memory_space<semaphore_mem>>) src(%dma_wait3A_901 : memref<6400xi32, #tpu.memory_space<hbm>>) dst(%arg9 : memref<6400xi32, #tpu.memory_space<vmem>>)
      tpu.yield
    }) : () -> ()
    %scan3A_652 = arith.constant 0 : i32
    %scan3A_653 = arith.constant 0 : i32
    %scan3A_654 = arith.constant 400 : i32
    %scan3A_655 = arith.addi %scan3A_653, %scan3A_654 : i32
    %scan3A_656 = arith.constant 1 : i32
    scf.for %scan3A_898 = %scan3A_653 to %scan3A_655 step %scan3A_656  : i32 {
      %mul3A_899 = arith.constant 16 : i32
      %mul3A_900 = arith.muli %scan3A_898, %mul3A_899 : i32
      %get3A = arith.index_cast %mul3A_900 : i32 to index
      %get3A_901 = tpu.vector_load %arg9[%get3A] {strides = array<i32>} : memref<6400xi32, #tpu.memory_space<vmem>>, vector<16xi32>,
      %mul3A_902 = arith.constant 16 : i32
      %mul3A_903 = arith.muli %scan3A_898, %mul3A_902 : i32
      %get3A_904 = arith.index_cast %mul3A_903 : i32 to index
      %get3A_905 = tpu.vector_load %arg15[%get3A_904] {strides = array<i32>} : memref<6400xi32, #tpu.memory_space<vmem>>, vector<16xi32>,
      %add3A_906 = arith.addi %get3A_901, %get3A_905 : vector<16xi32>
      %mul3A_907 = arith.constant 16 : i32
      %mul3A_908 = arith.muli %scan3A_898, %mul3A_907 : i32
      %swap3A = arith.index_cast %mul3A_908 : i32 to index
      %swap3A_909 = tpu.vector_load %arg11[%swap3A] {strides = array<i32>} : memref<6400xi32, #tpu.memory_space<vmem>>, vector<16xi32>,
      tpu.vector_store %arg11[%swap3A], %add3A_906 {strides = array<i32>} : memref<6400xi32, #tpu.memory_space<vmem>>, vector<16xi32>,
    }
    %scan3A_657 = arith.constant 400 : i32
    %dma_start3A_658 = arith.constant 0 : i32
    %dma_start3A_659 = tpu.memref_slice %arg13[%dma_start3A_658] : memref<25600xf32, #tpu.memory_space<vmem>> -> memref<6400xf32, #tpu.memory_space<vmem>>
    %dma_start3A_660 = arith.constant 0 : i32
    %dma_start3A_661 = tpu.memref_slice %arg2[%dma_start3A_660] : memref<400000xf32, #tpu.memory_space<hbm>> -> memref<400000xf32, #tpu.memory_space<hbm>>
    tpu.enqueue_indirect_dma source(%dma_start3A_661 : memref<400000xf32, #tpu.memory_space<hbm>>) target(%dma_start3A_659 : memref<6400xf32, #tpu.memory_space<vmem>>) offsets(%arg11 : memref<6400xi32, #tpu.memory_space<vmem>>) semaphore(%arg17 : memref<!tpu.dma_semaphore, #tpu.memory_space<semaphore_mem>>)
    %dma_start3A_662 = arith.constant 6400 : i32
    %dma_start3A_663 = tpu.memref_slice %arg13[%dma_start3A_662] : memref<25600xf32, #tpu.memory_space<vmem>> -> memref<6400xf32, #tpu.memory_space<vmem>>
    %dma_start3A_664 = arith.constant 0 : i32
    %dma_start3A_665 = tpu.memref_slice %arg3[%dma_start3A_664] : memref<400000xf32, #tpu.memory_space<hbm>> -> memref<400000xf32, #tpu.memory_space<hbm>>
    tpu.enqueue_indirect_dma source(%dma_start3A_665 : memref<400000xf32, #tpu.memory_space<hbm>>) target(%dma_start3A_663 : memref<6400xf32, #tpu.memory_space<vmem>>) offsets(%arg11 : memref<6400xi32, #tpu.memory_space<vmem>>) semaphore(%arg17 : memref<!tpu.dma_semaphore, #tpu.memory_space<semaphore_mem>>)
    %dma_start3A_666 = arith.constant 12800 : i32
    %dma_start3A_667 = tpu.memref_slice %arg13[%dma_start3A_666] : memref<25600xf32, #tpu.memory_space<vmem>> -> memref<6400xf32, #tpu.memory_space<vmem>>
    %dma_start3A_668 = arith.constant 0 : i32
    %dma_start3A_669 = tpu.memref_slice %arg4[%dma_start3A_668] : memref<400000xf32, #tpu.memory_space<hbm>> -> memref<400000xf32, #tpu.memory_space<hbm>>
    tpu.enqueue_indirect_dma source(%dma_start3A_669 : memref<400000xf32, #tpu.memory_space<hbm>>) target(%dma_start3A_667 : memref<6400xf32, #tpu.memory_space<vmem>>) offsets(%arg11 : memref<6400xi32, #tpu.memory_space<vmem>>) semaphore(%arg17 : memref<!tpu.dma_semaphore, #tpu.memory_space<semaphore_mem>>)
    %dma_start3A_670 = arith.constant 19200 : i32
    %dma_start3A_671 = tpu.memref_slice %arg13[%dma_start3A_670] : memref<25600xf32, #tpu.memory_space<vmem>> -> memref<6400xf32, #tpu.memory_space<vmem>>
    %dma_start3A_672 = arith.constant 0 : i32
    %dma_start3A_673 = tpu.memref_slice %arg5[%dma_start3A_672] : memref<400000xf32, #tpu.memory_space<hbm>> -> memref<400000xf32, #tpu.memory_space<hbm>>
    tpu.enqueue_indirect_dma source(%dma_start3A_673 : memref<400000xf32, #tpu.memory_space<hbm>>) target(%dma_start3A_671 : memref<6400xf32, #tpu.memory_space<vmem>>) offsets(%arg11 : memref<6400xi32, #tpu.memory_space<vmem>>) semaphore(%arg17 : memref<!tpu.dma_semaphore, #tpu.memory_space<semaphore_mem>>)
    %mul3A_674 = arith.constant 16 : i32
    %mul3A_675 = arith.muli %add3A, %mul3A_674 : i32
    %add3A_676 = arith.constant 11 : i32
    %add3A_677 = arith.addi %mul3A_675, %add3A_676 : i32
    %dma_wait3A_678 = arith.constant 0 : i32
    %dma_wait3A_679 = tpu.memref_slice %arg14[%dma_wait3A_678] : memref<25600xf32, #tpu.memory_space<vmem>> -> memref<6400xf32, #tpu.memory_space<vmem>>
    %dma_wait3A_680 = arith.constant 0 : i32
    %dma_wait3A_681 = tpu.memref_slice %arg2[%dma_wait3A_680] : memref<400000xf32, #tpu.memory_space<hbm>> -> memref<400000xf32, #tpu.memory_space<hbm>>
    tpu.wait_indirect_dma semaphore(%arg18 : memref<!tpu.dma_semaphore, #tpu.memory_space<semaphore_mem>>) src(%dma_wait3A_681 : memref<400000xf32, #tpu.memory_space<hbm>>) dst(%dma_wait3A_679 : memref<6400xf32, #tpu.memory_space<vmem>>)
    %dma_wait3A_682 = arith.constant 6400 : i32
    %dma_wait3A_683 = tpu.memref_slice %arg14[%dma_wait3A_682] : memref<25600xf32, #tpu.memory_space<vmem>> -> memref<6400xf32, #tpu.memory_space<vmem>>
    %dma_wait3A_684 = arith.constant 0 : i32
    %dma_wait3A_685 = tpu.memref_slice %arg3[%dma_wait3A_684] : memref<400000xf32, #tpu.memory_space<hbm>> -> memref<400000xf32, #tpu.memory_space<hbm>>
    tpu.wait_indirect_dma semaphore(%arg18 : memref<!tpu.dma_semaphore, #tpu.memory_space<semaphore_mem>>) src(%dma_wait3A_685 : memref<400000xf32, #tpu.memory_space<hbm>>) dst(%dma_wait3A_683 : memref<6400xf32, #tpu.memory_space<vmem>>)
    %dma_wait3A_686 = arith.constant 12800 : i32
    %dma_wait3A_687 = tpu.memref_slice %arg14[%dma_wait3A_686] : memref<25600xf32, #tpu.memory_space<vmem>> -> memref<6400xf32, #tpu.memory_space<vmem>>
    %dma_wait3A_688 = arith.constant 0 : i32
    %dma_wait3A_689 = tpu.memref_slice %arg4[%dma_wait3A_688] : memref<400000xf32, #tpu.memory_space<hbm>> -> memref<400000xf32, #tpu.memory_space<hbm>>
    tpu.wait_indirect_dma semaphore(%arg18 : memref<!tpu.dma_semaphore, #tpu.memory_space<semaphore_mem>>) src(%dma_wait3A_689 : memref<400000xf32, #tpu.memory_space<hbm>>) dst(%dma_wait3A_687 : memref<6400xf32, #tpu.memory_space<vmem>>)
    %dma_wait3A_690 = arith.constant 19200 : i32
    %dma_wait3A_691 = tpu.memref_slice %arg14[%dma_wait3A_690] : memref<25600xf32, #tpu.memory_space<vmem>> -> memref<6400xf32, #tpu.memory_space<vmem>>
    %dma_wait3A_692 = arith.constant 0 : i32
    %dma_wait3A_693 = tpu.memref_slice %arg5[%dma_wait3A_692] : memref<400000xf32, #tpu.memory_space<hbm>> -> memref<400000xf32, #tpu.memory_space<hbm>>
    tpu.wait_indirect_dma semaphore(%arg18 : memref<!tpu.dma_semaphore, #tpu.memory_space<semaphore_mem>>) src(%dma_wait3A_693 : memref<400000xf32, #tpu.memory_space<hbm>>) dst(%dma_wait3A_691 : memref<6400xf32, #tpu.memory_space<vmem>>)
    %scan3A_694 = arith.constant 0 : i32
    %scan3A_695 = arith.constant 0 : i32
    %scan3A_696 = arith.constant 32 : i32
    %scan3A_697 = arith.addi %scan3A_695, %scan3A_696 : i32
    %scan3A_698 = arith.constant 1 : i32
    scf.for %scan3A_898 = %scan3A_695 to %scan3A_697 step %scan3A_698  : i32 {
      %mul3A_899 = arith.constant 6400 : i32
      %mul3A_900 = vector.broadcast %mul3A_899 : i32 to vector<16xi32>
      %mul3A_901 = arith.muli %and3A_4, %mul3A_900 : vector<16xi32>
      %mul3A_902 = arith.constant 200 : i32
      %mul3A_903 = arith.muli %mul3A_902, %scan3A_898 : i32
      %add3A_904 = vector.broadcast %mul3A_903 : i32 to vector<16xi32>
      %add3A_905 = arith.addi %mul3A_901, %add3A_904 : vector<16xi32>
      %mul3A_906 = arith.constant 50 : i32
      %mul3A_907 = vector.broadcast %mul3A_906 : i32 to vector<16xi32>
      %mul3A_908 = arith.muli %mul3A_907, %shift_right_arithmetic3A_2 : vector<16xi32>
      %add3A_909 = arith.addi %add3A_905, %mul3A_908 : vector<16xi32>
      %broadcast_in_dim3A = arith.constant 0.000000e+00 : f32
      %broadcast_in_dim3A_910 = vector.broadcast %broadcast_in_dim3A : f32 to vector<16xf32>
      %broadcast_in_dim3A_911 = arith.constant 0.000000e+00 : f32
      %broadcast_in_dim3A_912 = vector.broadcast %broadcast_in_dim3A_911 : f32 to vector<16xf32>
      %scan3A_913 = arith.constant 0 : i32
      %scan3A_914 = arith.constant 25 : i32
      %scan3A_915 = arith.addi %scan3A_913, %scan3A_914 : i32
      %scan3A_916 = arith.constant 1 : i32
      %scan3A_917:2 = scf.for %scan3A_926 = %scan3A_913 to %scan3A_915 step %scan3A_916 iter_args(%scan3A_927 = %broadcast_in_dim3A_910, %scan3A_928 = %broadcast_in_dim3A_912) -> (vector<16xf32>, vector<16xf32>)  : i32 {
        %add3A_929 = vector.broadcast %scan3A_926 : i32 to vector<16xi32>
        %add3A_930 = arith.addi %add3A_909, %add3A_929 : vector<16xi32>
        %gather3A = tpu.vector_load_idx %arg14[%add3A_930] : memref<25600xf32, #tpu.memory_space<vmem>>[vector<16xi32>], vector<16xf32>,
        %add3A_931 = arith.addf %scan3A_927, %gather3A : vector<16xf32>
        %add3A_932 = vector.broadcast %scan3A_926 : i32 to vector<16xi32>
        %add3A_933 = arith.addi %add3A_909, %add3A_932 : vector<16xi32>
        %add3A_934 = arith.constant 25 : i32
        %add3A_935 = vector.broadcast %add3A_934 : i32 to vector<16xi32>
        %add3A_936 = arith.addi %add3A_933, %add3A_935 : vector<16xi32>
        %gather3A_937 = tpu.vector_load_idx %arg14[%add3A_936] : memref<25600xf32, #tpu.memory_space<vmem>>[vector<16xi32>], vector<16xf32>,
        %add3A_938 = arith.addf %scan3A_928, %gather3A_937 : vector<16xf32>
        scf.yield %add3A_931, %add3A_938 : vector<16xf32>, vector<16xf32>
      }
      %scan3A_918 = arith.constant 25 : i32
      %add3A_919 = arith.addf %scan3A_917#0, %scan3A_917#1 : vector<16xf32>
      %mul3A_920 = arith.constant 2.000000e-02 : f32
      %mul3A_921 = vector.broadcast %mul3A_920 : f32 to vector<16xf32>
      %mul3A_922 = arith.mulf %add3A_919, %mul3A_921 : vector<16xf32>
      %mul3A_923 = arith.constant 16 : i32
      %mul3A_924 = arith.muli %scan3A_898, %mul3A_923 : i32
      %swap3A = arith.index_cast %mul3A_924 : i32 to index
      %swap3A_925 = tpu.vector_load %arg16[%swap3A] {strides = array<i32>} : memref<512xf32, #tpu.memory_space<vmem>>, vector<16xf32>,
      tpu.vector_store %arg16[%swap3A], %mul3A_922 {strides = array<i32>} : memref<512xf32, #tpu.memory_space<vmem>>, vector<16xf32>,
    }
    %scan3A_699 = arith.constant 32 : i32
    %mul3A_700 = arith.constant 512 : i32
    %mul3A_701 = arith.muli %add3A_677, %mul3A_700 : i32
    "tpu.region"() ({
      %run_scoped3A = tpu.sem_alloc : memref<!tpu.dma_semaphore, #tpu.memory_space<semaphore_mem>>
      %dma_start3A_898 = tpu.memref_slice %arg8[%mul3A_701] : memref<262144xf32, #tpu.memory_space<hbm>> -> memref<512xf32, #tpu.memory_space<hbm>>
      %dma_start3A_899 = tpu.memref_slice %arg8[%mul3A_701] : memref<262144xf32, #tpu.memory_space<hbm>> -> memref<512xf32, #tpu.memory_space<hbm>>
      tpu.enqueue_dma source(%arg16 : memref<512xf32, #tpu.memory_space<vmem>>) target(%dma_start3A_899 : memref<512xf32, #tpu.memory_space<hbm>>) target_semaphore(%run_scoped3A : memref<!tpu.dma_semaphore, #tpu.memory_space<semaphore_mem>>)
      %dma_wait3A_900 = tpu.memref_slice %arg8[%mul3A_701] : memref<262144xf32, #tpu.memory_space<hbm>> -> memref<512xf32, #tpu.memory_space<hbm>>
      %dma_wait3A_901 = tpu.memref_slice %arg8[%mul3A_701] : memref<262144xf32, #tpu.memory_space<hbm>> -> memref<512xf32, #tpu.memory_space<hbm>>
      tpu.wait_dma2 semaphore(%run_scoped3A : memref<!tpu.dma_semaphore, #tpu.memory_space<semaphore_mem>>) src(%arg16 : memref<512xf32, #tpu.memory_space<vmem>>) dst(%dma_wait3A_901 : memref<512xf32, #tpu.memory_space<hbm>>)
      tpu.yield
    }) : () -> ()
    %mul3A_702 = arith.constant 16 : i32
    %mul3A_703 = arith.muli %add3A, %mul3A_702 : i32
    %add3A_704 = arith.constant 13 : i32
    %add3A_705 = arith.addi %mul3A_703, %add3A_704 : i32
    %mul3A_706 = arith.constant 6400 : i32
    %mul3A_707 = arith.muli %add3A_705, %mul3A_706 : i32
    "tpu.region"() ({
      %run_scoped3A = tpu.sem_alloc : memref<!tpu.dma_semaphore, #tpu.memory_space<semaphore_mem>>
      %dma_start3A_898 = tpu.memref_slice %arg6[%mul3A_707] : memref<3276800xi32, #tpu.memory_space<hbm>> -> memref<6400xi32, #tpu.memory_space<hbm>>
      %dma_start3A_899 = tpu.memref_slice %arg6[%mul3A_707] : memref<3276800xi32, #tpu.memory_space<hbm>> -> memref<6400xi32, #tpu.memory_space<hbm>>
      tpu.enqueue_dma source(%dma_start3A_899 : memref<6400xi32, #tpu.memory_space<hbm>>) target(%arg10 : memref<6400xi32, #tpu.memory_space<vmem>>) target_semaphore(%run_scoped3A : memref<!tpu.dma_semaphore, #tpu.memory_space<semaphore_mem>>)
      %dma_wait3A_900 = tpu.memref_slice %arg6[%mul3A_707] : memref<3276800xi32, #tpu.memory_space<hbm>> -> memref<6400xi32, #tpu.memory_space<hbm>>
      %dma_wait3A_901 = tpu.memref_slice %arg6[%mul3A_707] : memref<3276800xi32, #tpu.memory_space<hbm>> -> memref<6400xi32, #tpu.memory_space<hbm>>
      tpu.wait_dma2 semaphore(%run_scoped3A : memref<!tpu.dma_semaphore, #tpu.memory_space<semaphore_mem>>) src(%dma_wait3A_901 : memref<6400xi32, #tpu.memory_space<hbm>>) dst(%arg10 : memref<6400xi32, #tpu.memory_space<vmem>>)
      tpu.yield
    }) : () -> ()
    %scan3A_708 = arith.constant 0 : i32
    %scan3A_709 = arith.constant 0 : i32
    %scan3A_710 = arith.constant 400 : i32
    %scan3A_711 = arith.addi %scan3A_709, %scan3A_710 : i32
    %scan3A_712 = arith.constant 1 : i32
    scf.for %scan3A_898 = %scan3A_709 to %scan3A_711 step %scan3A_712  : i32 {
      %mul3A_899 = arith.constant 16 : i32
      %mul3A_900 = arith.muli %scan3A_898, %mul3A_899 : i32
      %get3A = arith.index_cast %mul3A_900 : i32 to index
      %get3A_901 = tpu.vector_load %arg10[%get3A] {strides = array<i32>} : memref<6400xi32, #tpu.memory_space<vmem>>, vector<16xi32>,
      %mul3A_902 = arith.constant 16 : i32
      %mul3A_903 = arith.muli %scan3A_898, %mul3A_902 : i32
      %get3A_904 = arith.index_cast %mul3A_903 : i32 to index
      %get3A_905 = tpu.vector_load %arg15[%get3A_904] {strides = array<i32>} : memref<6400xi32, #tpu.memory_space<vmem>>, vector<16xi32>,
      %add3A_906 = arith.addi %get3A_901, %get3A_905 : vector<16xi32>
      %mul3A_907 = arith.constant 16 : i32
      %mul3A_908 = arith.muli %scan3A_898, %mul3A_907 : i32
      %swap3A = arith.index_cast %mul3A_908 : i32 to index
      %swap3A_909 = tpu.vector_load %arg12[%swap3A] {strides = array<i32>} : memref<6400xi32, #tpu.memory_space<vmem>>, vector<16xi32>,
      tpu.vector_store %arg12[%swap3A], %add3A_906 {strides = array<i32>} : memref<6400xi32, #tpu.memory_space<vmem>>, vector<16xi32>,
    }
    %scan3A_713 = arith.constant 400 : i32
    %dma_start3A_714 = arith.constant 0 : i32
    %dma_start3A_715 = tpu.memref_slice %arg14[%dma_start3A_714] : memref<25600xf32, #tpu.memory_space<vmem>> -> memref<6400xf32, #tpu.memory_space<vmem>>
    %dma_start3A_716 = arith.constant 0 : i32
    %dma_start3A_717 = tpu.memref_slice %arg2[%dma_start3A_716] : memref<400000xf32, #tpu.memory_space<hbm>> -> memref<400000xf32, #tpu.memory_space<hbm>>
    tpu.enqueue_indirect_dma source(%dma_start3A_717 : memref<400000xf32, #tpu.memory_space<hbm>>) target(%dma_start3A_715 : memref<6400xf32, #tpu.memory_space<vmem>>) offsets(%arg12 : memref<6400xi32, #tpu.memory_space<vmem>>) semaphore(%arg18 : memref<!tpu.dma_semaphore, #tpu.memory_space<semaphore_mem>>)
    %dma_start3A_718 = arith.constant 6400 : i32
    %dma_start3A_719 = tpu.memref_slice %arg14[%dma_start3A_718] : memref<25600xf32, #tpu.memory_space<vmem>> -> memref<6400xf32, #tpu.memory_space<vmem>>
    %dma_start3A_720 = arith.constant 0 : i32
    %dma_start3A_721 = tpu.memref_slice %arg3[%dma_start3A_720] : memref<400000xf32, #tpu.memory_space<hbm>> -> memref<400000xf32, #tpu.memory_space<hbm>>
    tpu.enqueue_indirect_dma source(%dma_start3A_721 : memref<400000xf32, #tpu.memory_space<hbm>>) target(%dma_start3A_719 : memref<6400xf32, #tpu.memory_space<vmem>>) offsets(%arg12 : memref<6400xi32, #tpu.memory_space<vmem>>) semaphore(%arg18 : memref<!tpu.dma_semaphore, #tpu.memory_space<semaphore_mem>>)
    %dma_start3A_722 = arith.constant 12800 : i32
    %dma_start3A_723 = tpu.memref_slice %arg14[%dma_start3A_722] : memref<25600xf32, #tpu.memory_space<vmem>> -> memref<6400xf32, #tpu.memory_space<vmem>>
    %dma_start3A_724 = arith.constant 0 : i32
    %dma_start3A_725 = tpu.memref_slice %arg4[%dma_start3A_724] : memref<400000xf32, #tpu.memory_space<hbm>> -> memref<400000xf32, #tpu.memory_space<hbm>>
    tpu.enqueue_indirect_dma source(%dma_start3A_725 : memref<400000xf32, #tpu.memory_space<hbm>>) target(%dma_start3A_723 : memref<6400xf32, #tpu.memory_space<vmem>>) offsets(%arg12 : memref<6400xi32, #tpu.memory_space<vmem>>) semaphore(%arg18 : memref<!tpu.dma_semaphore, #tpu.memory_space<semaphore_mem>>)
    %dma_start3A_726 = arith.constant 19200 : i32
    %dma_start3A_727 = tpu.memref_slice %arg14[%dma_start3A_726] : memref<25600xf32, #tpu.memory_space<vmem>> -> memref<6400xf32, #tpu.memory_space<vmem>>
    %dma_start3A_728 = arith.constant 0 : i32
    %dma_start3A_729 = tpu.memref_slice %arg5[%dma_start3A_728] : memref<400000xf32, #tpu.memory_space<hbm>> -> memref<400000xf32, #tpu.memory_space<hbm>>
    tpu.enqueue_indirect_dma source(%dma_start3A_729 : memref<400000xf32, #tpu.memory_space<hbm>>) target(%dma_start3A_727 : memref<6400xf32, #tpu.memory_space<vmem>>) offsets(%arg12 : memref<6400xi32, #tpu.memory_space<vmem>>) semaphore(%arg18 : memref<!tpu.dma_semaphore, #tpu.memory_space<semaphore_mem>>)
    %mul3A_730 = arith.constant 16 : i32
    %mul3A_731 = arith.muli %add3A, %mul3A_730 : i32
    %add3A_732 = arith.constant 12 : i32
    %add3A_733 = arith.addi %mul3A_731, %add3A_732 : i32
    %dma_wait3A_734 = arith.constant 0 : i32
    %dma_wait3A_735 = tpu.memref_slice %arg13[%dma_wait3A_734] : memref<25600xf32, #tpu.memory_space<vmem>> -> memref<6400xf32, #tpu.memory_space<vmem>>
    %dma_wait3A_736 = arith.constant 0 : i32
    %dma_wait3A_737 = tpu.memref_slice %arg2[%dma_wait3A_736] : memref<400000xf32, #tpu.memory_space<hbm>> -> memref<400000xf32, #tpu.memory_space<hbm>>
    tpu.wait_indirect_dma semaphore(%arg17 : memref<!tpu.dma_semaphore, #tpu.memory_space<semaphore_mem>>) src(%dma_wait3A_737 : memref<400000xf32, #tpu.memory_space<hbm>>) dst(%dma_wait3A_735 : memref<6400xf32, #tpu.memory_space<vmem>>)
    %dma_wait3A_738 = arith.constant 6400 : i32
    %dma_wait3A_739 = tpu.memref_slice %arg13[%dma_wait3A_738] : memref<25600xf32, #tpu.memory_space<vmem>> -> memref<6400xf32, #tpu.memory_space<vmem>>
    %dma_wait3A_740 = arith.constant 0 : i32
    %dma_wait3A_741 = tpu.memref_slice %arg3[%dma_wait3A_740] : memref<400000xf32, #tpu.memory_space<hbm>> -> memref<400000xf32, #tpu.memory_space<hbm>>
    tpu.wait_indirect_dma semaphore(%arg17 : memref<!tpu.dma_semaphore, #tpu.memory_space<semaphore_mem>>) src(%dma_wait3A_741 : memref<400000xf32, #tpu.memory_space<hbm>>) dst(%dma_wait3A_739 : memref<6400xf32, #tpu.memory_space<vmem>>)
    %dma_wait3A_742 = arith.constant 12800 : i32
    %dma_wait3A_743 = tpu.memref_slice %arg13[%dma_wait3A_742] : memref<25600xf32, #tpu.memory_space<vmem>> -> memref<6400xf32, #tpu.memory_space<vmem>>
    %dma_wait3A_744 = arith.constant 0 : i32
    %dma_wait3A_745 = tpu.memref_slice %arg4[%dma_wait3A_744] : memref<400000xf32, #tpu.memory_space<hbm>> -> memref<400000xf32, #tpu.memory_space<hbm>>
    tpu.wait_indirect_dma semaphore(%arg17 : memref<!tpu.dma_semaphore, #tpu.memory_space<semaphore_mem>>) src(%dma_wait3A_745 : memref<400000xf32, #tpu.memory_space<hbm>>) dst(%dma_wait3A_743 : memref<6400xf32, #tpu.memory_space<vmem>>)
    %dma_wait3A_746 = arith.constant 19200 : i32
    %dma_wait3A_747 = tpu.memref_slice %arg13[%dma_wait3A_746] : memref<25600xf32, #tpu.memory_space<vmem>> -> memref<6400xf32, #tpu.memory_space<vmem>>
    %dma_wait3A_748 = arith.constant 0 : i32
    %dma_wait3A_749 = tpu.memref_slice %arg5[%dma_wait3A_748] : memref<400000xf32, #tpu.memory_space<hbm>> -> memref<400000xf32, #tpu.memory_space<hbm>>
    tpu.wait_indirect_dma semaphore(%arg17 : memref<!tpu.dma_semaphore, #tpu.memory_space<semaphore_mem>>) src(%dma_wait3A_749 : memref<400000xf32, #tpu.memory_space<hbm>>) dst(%dma_wait3A_747 : memref<6400xf32, #tpu.memory_space<vmem>>)
    %scan3A_750 = arith.constant 0 : i32
    %scan3A_751 = arith.constant 0 : i32
    %scan3A_752 = arith.constant 32 : i32
    %scan3A_753 = arith.addi %scan3A_751, %scan3A_752 : i32
    %scan3A_754 = arith.constant 1 : i32
    scf.for %scan3A_898 = %scan3A_751 to %scan3A_753 step %scan3A_754  : i32 {
      %mul3A_899 = arith.constant 6400 : i32
      %mul3A_900 = vector.broadcast %mul3A_899 : i32 to vector<16xi32>
      %mul3A_901 = arith.muli %and3A_4, %mul3A_900 : vector<16xi32>
      %mul3A_902 = arith.constant 200 : i32
      %mul3A_903 = arith.muli %mul3A_902, %scan3A_898 : i32
      %add3A_904 = vector.broadcast %mul3A_903 : i32 to vector<16xi32>
      %add3A_905 = arith.addi %mul3A_901, %add3A_904 : vector<16xi32>
      %mul3A_906 = arith.constant 50 : i32
      %mul3A_907 = vector.broadcast %mul3A_906 : i32 to vector<16xi32>
      %mul3A_908 = arith.muli %mul3A_907, %shift_right_arithmetic3A_2 : vector<16xi32>
      %add3A_909 = arith.addi %add3A_905, %mul3A_908 : vector<16xi32>
      %broadcast_in_dim3A = arith.constant 0.000000e+00 : f32
      %broadcast_in_dim3A_910 = vector.broadcast %broadcast_in_dim3A : f32 to vector<16xf32>
      %broadcast_in_dim3A_911 = arith.constant 0.000000e+00 : f32
      %broadcast_in_dim3A_912 = vector.broadcast %broadcast_in_dim3A_911 : f32 to vector<16xf32>
      %scan3A_913 = arith.constant 0 : i32
      %scan3A_914 = arith.constant 25 : i32
      %scan3A_915 = arith.addi %scan3A_913, %scan3A_914 : i32
      %scan3A_916 = arith.constant 1 : i32
      %scan3A_917:2 = scf.for %scan3A_926 = %scan3A_913 to %scan3A_915 step %scan3A_916 iter_args(%scan3A_927 = %broadcast_in_dim3A_910, %scan3A_928 = %broadcast_in_dim3A_912) -> (vector<16xf32>, vector<16xf32>)  : i32 {
        %add3A_929 = vector.broadcast %scan3A_926 : i32 to vector<16xi32>
        %add3A_930 = arith.addi %add3A_909, %add3A_929 : vector<16xi32>
        %gather3A = tpu.vector_load_idx %arg13[%add3A_930] : memref<25600xf32, #tpu.memory_space<vmem>>[vector<16xi32>], vector<16xf32>,
        %add3A_931 = arith.addf %scan3A_927, %gather3A : vector<16xf32>
        %add3A_932 = vector.broadcast %scan3A_926 : i32 to vector<16xi32>
        %add3A_933 = arith.addi %add3A_909, %add3A_932 : vector<16xi32>
        %add3A_934 = arith.constant 25 : i32
        %add3A_935 = vector.broadcast %add3A_934 : i32 to vector<16xi32>
        %add3A_936 = arith.addi %add3A_933, %add3A_935 : vector<16xi32>
        %gather3A_937 = tpu.vector_load_idx %arg13[%add3A_936] : memref<25600xf32, #tpu.memory_space<vmem>>[vector<16xi32>], vector<16xf32>,
        %add3A_938 = arith.addf %scan3A_928, %gather3A_937 : vector<16xf32>
        scf.yield %add3A_931, %add3A_938 : vector<16xf32>, vector<16xf32>
      }
      %scan3A_918 = arith.constant 25 : i32
      %add3A_919 = arith.addf %scan3A_917#0, %scan3A_917#1 : vector<16xf32>
      %mul3A_920 = arith.constant 2.000000e-02 : f32
      %mul3A_921 = vector.broadcast %mul3A_920 : f32 to vector<16xf32>
      %mul3A_922 = arith.mulf %add3A_919, %mul3A_921 : vector<16xf32>
      %mul3A_923 = arith.constant 16 : i32
      %mul3A_924 = arith.muli %scan3A_898, %mul3A_923 : i32
      %swap3A = arith.index_cast %mul3A_924 : i32 to index
      %swap3A_925 = tpu.vector_load %arg16[%swap3A] {strides = array<i32>} : memref<512xf32, #tpu.memory_space<vmem>>, vector<16xf32>,
      tpu.vector_store %arg16[%swap3A], %mul3A_922 {strides = array<i32>} : memref<512xf32, #tpu.memory_space<vmem>>, vector<16xf32>,
    }
    %scan3A_755 = arith.constant 32 : i32
    %mul3A_756 = arith.constant 512 : i32
    %mul3A_757 = arith.muli %add3A_733, %mul3A_756 : i32
    "tpu.region"() ({
      %run_scoped3A = tpu.sem_alloc : memref<!tpu.dma_semaphore, #tpu.memory_space<semaphore_mem>>
      %dma_start3A_898 = tpu.memref_slice %arg8[%mul3A_757] : memref<262144xf32, #tpu.memory_space<hbm>> -> memref<512xf32, #tpu.memory_space<hbm>>
      %dma_start3A_899 = tpu.memref_slice %arg8[%mul3A_757] : memref<262144xf32, #tpu.memory_space<hbm>> -> memref<512xf32, #tpu.memory_space<hbm>>
      tpu.enqueue_dma source(%arg16 : memref<512xf32, #tpu.memory_space<vmem>>) target(%dma_start3A_899 : memref<512xf32, #tpu.memory_space<hbm>>) target_semaphore(%run_scoped3A : memref<!tpu.dma_semaphore, #tpu.memory_space<semaphore_mem>>)
      %dma_wait3A_900 = tpu.memref_slice %arg8[%mul3A_757] : memref<262144xf32, #tpu.memory_space<hbm>> -> memref<512xf32, #tpu.memory_space<hbm>>
      %dma_wait3A_901 = tpu.memref_slice %arg8[%mul3A_757] : memref<262144xf32, #tpu.memory_space<hbm>> -> memref<512xf32, #tpu.memory_space<hbm>>
      tpu.wait_dma2 semaphore(%run_scoped3A : memref<!tpu.dma_semaphore, #tpu.memory_space<semaphore_mem>>) src(%arg16 : memref<512xf32, #tpu.memory_space<vmem>>) dst(%dma_wait3A_901 : memref<512xf32, #tpu.memory_space<hbm>>)
      tpu.yield
    }) : () -> ()
    %mul3A_758 = arith.constant 16 : i32
    %mul3A_759 = arith.muli %add3A, %mul3A_758 : i32
    %add3A_760 = arith.constant 14 : i32
    %add3A_761 = arith.addi %mul3A_759, %add3A_760 : i32
    %mul3A_762 = arith.constant 6400 : i32
    %mul3A_763 = arith.muli %add3A_761, %mul3A_762 : i32
    "tpu.region"() ({
      %run_scoped3A = tpu.sem_alloc : memref<!tpu.dma_semaphore, #tpu.memory_space<semaphore_mem>>
      %dma_start3A_898 = tpu.memref_slice %arg6[%mul3A_763] : memref<3276800xi32, #tpu.memory_space<hbm>> -> memref<6400xi32, #tpu.memory_space<hbm>>
      %dma_start3A_899 = tpu.memref_slice %arg6[%mul3A_763] : memref<3276800xi32, #tpu.memory_space<hbm>> -> memref<6400xi32, #tpu.memory_space<hbm>>
      tpu.enqueue_dma source(%dma_start3A_899 : memref<6400xi32, #tpu.memory_space<hbm>>) target(%arg9 : memref<6400xi32, #tpu.memory_space<vmem>>) target_semaphore(%run_scoped3A : memref<!tpu.dma_semaphore, #tpu.memory_space<semaphore_mem>>)
      %dma_wait3A_900 = tpu.memref_slice %arg6[%mul3A_763] : memref<3276800xi32, #tpu.memory_space<hbm>> -> memref<6400xi32, #tpu.memory_space<hbm>>
      %dma_wait3A_901 = tpu.memref_slice %arg6[%mul3A_763] : memref<3276800xi32, #tpu.memory_space<hbm>> -> memref<6400xi32, #tpu.memory_space<hbm>>
      tpu.wait_dma2 semaphore(%run_scoped3A : memref<!tpu.dma_semaphore, #tpu.memory_space<semaphore_mem>>) src(%dma_wait3A_901 : memref<6400xi32, #tpu.memory_space<hbm>>) dst(%arg9 : memref<6400xi32, #tpu.memory_space<vmem>>)
      tpu.yield
    }) : () -> ()
    %scan3A_764 = arith.constant 0 : i32
    %scan3A_765 = arith.constant 0 : i32
    %scan3A_766 = arith.constant 400 : i32
    %scan3A_767 = arith.addi %scan3A_765, %scan3A_766 : i32
    %scan3A_768 = arith.constant 1 : i32
    scf.for %scan3A_898 = %scan3A_765 to %scan3A_767 step %scan3A_768  : i32 {
      %mul3A_899 = arith.constant 16 : i32
      %mul3A_900 = arith.muli %scan3A_898, %mul3A_899 : i32
      %get3A = arith.index_cast %mul3A_900 : i32 to index
      %get3A_901 = tpu.vector_load %arg9[%get3A] {strides = array<i32>} : memref<6400xi32, #tpu.memory_space<vmem>>, vector<16xi32>,
      %mul3A_902 = arith.constant 16 : i32
      %mul3A_903 = arith.muli %scan3A_898, %mul3A_902 : i32
      %get3A_904 = arith.index_cast %mul3A_903 : i32 to index
      %get3A_905 = tpu.vector_load %arg15[%get3A_904] {strides = array<i32>} : memref<6400xi32, #tpu.memory_space<vmem>>, vector<16xi32>,
      %add3A_906 = arith.addi %get3A_901, %get3A_905 : vector<16xi32>
      %mul3A_907 = arith.constant 16 : i32
      %mul3A_908 = arith.muli %scan3A_898, %mul3A_907 : i32
      %swap3A = arith.index_cast %mul3A_908 : i32 to index
      %swap3A_909 = tpu.vector_load %arg11[%swap3A] {strides = array<i32>} : memref<6400xi32, #tpu.memory_space<vmem>>, vector<16xi32>,
      tpu.vector_store %arg11[%swap3A], %add3A_906 {strides = array<i32>} : memref<6400xi32, #tpu.memory_space<vmem>>, vector<16xi32>,
    }
    %scan3A_769 = arith.constant 400 : i32
    %dma_start3A_770 = arith.constant 0 : i32
    %dma_start3A_771 = tpu.memref_slice %arg13[%dma_start3A_770] : memref<25600xf32, #tpu.memory_space<vmem>> -> memref<6400xf32, #tpu.memory_space<vmem>>
    %dma_start3A_772 = arith.constant 0 : i32
    %dma_start3A_773 = tpu.memref_slice %arg2[%dma_start3A_772] : memref<400000xf32, #tpu.memory_space<hbm>> -> memref<400000xf32, #tpu.memory_space<hbm>>
    tpu.enqueue_indirect_dma source(%dma_start3A_773 : memref<400000xf32, #tpu.memory_space<hbm>>) target(%dma_start3A_771 : memref<6400xf32, #tpu.memory_space<vmem>>) offsets(%arg11 : memref<6400xi32, #tpu.memory_space<vmem>>) semaphore(%arg17 : memref<!tpu.dma_semaphore, #tpu.memory_space<semaphore_mem>>)
    %dma_start3A_774 = arith.constant 6400 : i32
    %dma_start3A_775 = tpu.memref_slice %arg13[%dma_start3A_774] : memref<25600xf32, #tpu.memory_space<vmem>> -> memref<6400xf32, #tpu.memory_space<vmem>>
    %dma_start3A_776 = arith.constant 0 : i32
    %dma_start3A_777 = tpu.memref_slice %arg3[%dma_start3A_776] : memref<400000xf32, #tpu.memory_space<hbm>> -> memref<400000xf32, #tpu.memory_space<hbm>>
    tpu.enqueue_indirect_dma source(%dma_start3A_777 : memref<400000xf32, #tpu.memory_space<hbm>>) target(%dma_start3A_775 : memref<6400xf32, #tpu.memory_space<vmem>>) offsets(%arg11 : memref<6400xi32, #tpu.memory_space<vmem>>) semaphore(%arg17 : memref<!tpu.dma_semaphore, #tpu.memory_space<semaphore_mem>>)
    %dma_start3A_778 = arith.constant 12800 : i32
    %dma_start3A_779 = tpu.memref_slice %arg13[%dma_start3A_778] : memref<25600xf32, #tpu.memory_space<vmem>> -> memref<6400xf32, #tpu.memory_space<vmem>>
    %dma_start3A_780 = arith.constant 0 : i32
    %dma_start3A_781 = tpu.memref_slice %arg4[%dma_start3A_780] : memref<400000xf32, #tpu.memory_space<hbm>> -> memref<400000xf32, #tpu.memory_space<hbm>>
    tpu.enqueue_indirect_dma source(%dma_start3A_781 : memref<400000xf32, #tpu.memory_space<hbm>>) target(%dma_start3A_779 : memref<6400xf32, #tpu.memory_space<vmem>>) offsets(%arg11 : memref<6400xi32, #tpu.memory_space<vmem>>) semaphore(%arg17 : memref<!tpu.dma_semaphore, #tpu.memory_space<semaphore_mem>>)
    %dma_start3A_782 = arith.constant 19200 : i32
    %dma_start3A_783 = tpu.memref_slice %arg13[%dma_start3A_782] : memref<25600xf32, #tpu.memory_space<vmem>> -> memref<6400xf32, #tpu.memory_space<vmem>>
    %dma_start3A_784 = arith.constant 0 : i32
    %dma_start3A_785 = tpu.memref_slice %arg5[%dma_start3A_784] : memref<400000xf32, #tpu.memory_space<hbm>> -> memref<400000xf32, #tpu.memory_space<hbm>>
    tpu.enqueue_indirect_dma source(%dma_start3A_785 : memref<400000xf32, #tpu.memory_space<hbm>>) target(%dma_start3A_783 : memref<6400xf32, #tpu.memory_space<vmem>>) offsets(%arg11 : memref<6400xi32, #tpu.memory_space<vmem>>) semaphore(%arg17 : memref<!tpu.dma_semaphore, #tpu.memory_space<semaphore_mem>>)
    %mul3A_786 = arith.constant 16 : i32
    %mul3A_787 = arith.muli %add3A, %mul3A_786 : i32
    %add3A_788 = arith.constant 13 : i32
    %add3A_789 = arith.addi %mul3A_787, %add3A_788 : i32
    %dma_wait3A_790 = arith.constant 0 : i32
    %dma_wait3A_791 = tpu.memref_slice %arg14[%dma_wait3A_790] : memref<25600xf32, #tpu.memory_space<vmem>> -> memref<6400xf32, #tpu.memory_space<vmem>>
    %dma_wait3A_792 = arith.constant 0 : i32
    %dma_wait3A_793 = tpu.memref_slice %arg2[%dma_wait3A_792] : memref<400000xf32, #tpu.memory_space<hbm>> -> memref<400000xf32, #tpu.memory_space<hbm>>
    tpu.wait_indirect_dma semaphore(%arg18 : memref<!tpu.dma_semaphore, #tpu.memory_space<semaphore_mem>>) src(%dma_wait3A_793 : memref<400000xf32, #tpu.memory_space<hbm>>) dst(%dma_wait3A_791 : memref<6400xf32, #tpu.memory_space<vmem>>)
    %dma_wait3A_794 = arith.constant 6400 : i32
    %dma_wait3A_795 = tpu.memref_slice %arg14[%dma_wait3A_794] : memref<25600xf32, #tpu.memory_space<vmem>> -> memref<6400xf32, #tpu.memory_space<vmem>>
    %dma_wait3A_796 = arith.constant 0 : i32
    %dma_wait3A_797 = tpu.memref_slice %arg3[%dma_wait3A_796] : memref<400000xf32, #tpu.memory_space<hbm>> -> memref<400000xf32, #tpu.memory_space<hbm>>
    tpu.wait_indirect_dma semaphore(%arg18 : memref<!tpu.dma_semaphore, #tpu.memory_space<semaphore_mem>>) src(%dma_wait3A_797 : memref<400000xf32, #tpu.memory_space<hbm>>) dst(%dma_wait3A_795 : memref<6400xf32, #tpu.memory_space<vmem>>)
    %dma_wait3A_798 = arith.constant 12800 : i32
    %dma_wait3A_799 = tpu.memref_slice %arg14[%dma_wait3A_798] : memref<25600xf32, #tpu.memory_space<vmem>> -> memref<6400xf32, #tpu.memory_space<vmem>>
    %dma_wait3A_800 = arith.constant 0 : i32
    %dma_wait3A_801 = tpu.memref_slice %arg4[%dma_wait3A_800] : memref<400000xf32, #tpu.memory_space<hbm>> -> memref<400000xf32, #tpu.memory_space<hbm>>
    tpu.wait_indirect_dma semaphore(%arg18 : memref<!tpu.dma_semaphore, #tpu.memory_space<semaphore_mem>>) src(%dma_wait3A_801 : memref<400000xf32, #tpu.memory_space<hbm>>) dst(%dma_wait3A_799 : memref<6400xf32, #tpu.memory_space<vmem>>)
    %dma_wait3A_802 = arith.constant 19200 : i32
    %dma_wait3A_803 = tpu.memref_slice %arg14[%dma_wait3A_802] : memref<25600xf32, #tpu.memory_space<vmem>> -> memref<6400xf32, #tpu.memory_space<vmem>>
    %dma_wait3A_804 = arith.constant 0 : i32
    %dma_wait3A_805 = tpu.memref_slice %arg5[%dma_wait3A_804] : memref<400000xf32, #tpu.memory_space<hbm>> -> memref<400000xf32, #tpu.memory_space<hbm>>
    tpu.wait_indirect_dma semaphore(%arg18 : memref<!tpu.dma_semaphore, #tpu.memory_space<semaphore_mem>>) src(%dma_wait3A_805 : memref<400000xf32, #tpu.memory_space<hbm>>) dst(%dma_wait3A_803 : memref<6400xf32, #tpu.memory_space<vmem>>)
    %scan3A_806 = arith.constant 0 : i32
    %scan3A_807 = arith.constant 0 : i32
    %scan3A_808 = arith.constant 32 : i32
    %scan3A_809 = arith.addi %scan3A_807, %scan3A_808 : i32
    %scan3A_810 = arith.constant 1 : i32
    scf.for %scan3A_898 = %scan3A_807 to %scan3A_809 step %scan3A_810  : i32 {
      %mul3A_899 = arith.constant 6400 : i32
      %mul3A_900 = vector.broadcast %mul3A_899 : i32 to vector<16xi32>
      %mul3A_901 = arith.muli %and3A_4, %mul3A_900 : vector<16xi32>
      %mul3A_902 = arith.constant 200 : i32
      %mul3A_903 = arith.muli %mul3A_902, %scan3A_898 : i32
      %add3A_904 = vector.broadcast %mul3A_903 : i32 to vector<16xi32>
      %add3A_905 = arith.addi %mul3A_901, %add3A_904 : vector<16xi32>
      %mul3A_906 = arith.constant 50 : i32
      %mul3A_907 = vector.broadcast %mul3A_906 : i32 to vector<16xi32>
      %mul3A_908 = arith.muli %mul3A_907, %shift_right_arithmetic3A_2 : vector<16xi32>
      %add3A_909 = arith.addi %add3A_905, %mul3A_908 : vector<16xi32>
      %broadcast_in_dim3A = arith.constant 0.000000e+00 : f32
      %broadcast_in_dim3A_910 = vector.broadcast %broadcast_in_dim3A : f32 to vector<16xf32>
      %broadcast_in_dim3A_911 = arith.constant 0.000000e+00 : f32
      %broadcast_in_dim3A_912 = vector.broadcast %broadcast_in_dim3A_911 : f32 to vector<16xf32>
      %scan3A_913 = arith.constant 0 : i32
      %scan3A_914 = arith.constant 25 : i32
      %scan3A_915 = arith.addi %scan3A_913, %scan3A_914 : i32
      %scan3A_916 = arith.constant 1 : i32
      %scan3A_917:2 = scf.for %scan3A_926 = %scan3A_913 to %scan3A_915 step %scan3A_916 iter_args(%scan3A_927 = %broadcast_in_dim3A_910, %scan3A_928 = %broadcast_in_dim3A_912) -> (vector<16xf32>, vector<16xf32>)  : i32 {
        %add3A_929 = vector.broadcast %scan3A_926 : i32 to vector<16xi32>
        %add3A_930 = arith.addi %add3A_909, %add3A_929 : vector<16xi32>
        %gather3A = tpu.vector_load_idx %arg14[%add3A_930] : memref<25600xf32, #tpu.memory_space<vmem>>[vector<16xi32>], vector<16xf32>,
        %add3A_931 = arith.addf %scan3A_927, %gather3A : vector<16xf32>
        %add3A_932 = vector.broadcast %scan3A_926 : i32 to vector<16xi32>
        %add3A_933 = arith.addi %add3A_909, %add3A_932 : vector<16xi32>
        %add3A_934 = arith.constant 25 : i32
        %add3A_935 = vector.broadcast %add3A_934 : i32 to vector<16xi32>
        %add3A_936 = arith.addi %add3A_933, %add3A_935 : vector<16xi32>
        %gather3A_937 = tpu.vector_load_idx %arg14[%add3A_936] : memref<25600xf32, #tpu.memory_space<vmem>>[vector<16xi32>], vector<16xf32>,
        %add3A_938 = arith.addf %scan3A_928, %gather3A_937 : vector<16xf32>
        scf.yield %add3A_931, %add3A_938 : vector<16xf32>, vector<16xf32>
      }
      %scan3A_918 = arith.constant 25 : i32
      %add3A_919 = arith.addf %scan3A_917#0, %scan3A_917#1 : vector<16xf32>
      %mul3A_920 = arith.constant 2.000000e-02 : f32
      %mul3A_921 = vector.broadcast %mul3A_920 : f32 to vector<16xf32>
      %mul3A_922 = arith.mulf %add3A_919, %mul3A_921 : vector<16xf32>
      %mul3A_923 = arith.constant 16 : i32
      %mul3A_924 = arith.muli %scan3A_898, %mul3A_923 : i32
      %swap3A = arith.index_cast %mul3A_924 : i32 to index
      %swap3A_925 = tpu.vector_load %arg16[%swap3A] {strides = array<i32>} : memref<512xf32, #tpu.memory_space<vmem>>, vector<16xf32>,
      tpu.vector_store %arg16[%swap3A], %mul3A_922 {strides = array<i32>} : memref<512xf32, #tpu.memory_space<vmem>>, vector<16xf32>,
    }
    %scan3A_811 = arith.constant 32 : i32
    %mul3A_812 = arith.constant 512 : i32
    %mul3A_813 = arith.muli %add3A_789, %mul3A_812 : i32
    "tpu.region"() ({
      %run_scoped3A = tpu.sem_alloc : memref<!tpu.dma_semaphore, #tpu.memory_space<semaphore_mem>>
      %dma_start3A_898 = tpu.memref_slice %arg8[%mul3A_813] : memref<262144xf32, #tpu.memory_space<hbm>> -> memref<512xf32, #tpu.memory_space<hbm>>
      %dma_start3A_899 = tpu.memref_slice %arg8[%mul3A_813] : memref<262144xf32, #tpu.memory_space<hbm>> -> memref<512xf32, #tpu.memory_space<hbm>>
      tpu.enqueue_dma source(%arg16 : memref<512xf32, #tpu.memory_space<vmem>>) target(%dma_start3A_899 : memref<512xf32, #tpu.memory_space<hbm>>) target_semaphore(%run_scoped3A : memref<!tpu.dma_semaphore, #tpu.memory_space<semaphore_mem>>)
      %dma_wait3A_900 = tpu.memref_slice %arg8[%mul3A_813] : memref<262144xf32, #tpu.memory_space<hbm>> -> memref<512xf32, #tpu.memory_space<hbm>>
      %dma_wait3A_901 = tpu.memref_slice %arg8[%mul3A_813] : memref<262144xf32, #tpu.memory_space<hbm>> -> memref<512xf32, #tpu.memory_space<hbm>>
      tpu.wait_dma2 semaphore(%run_scoped3A : memref<!tpu.dma_semaphore, #tpu.memory_space<semaphore_mem>>) src(%arg16 : memref<512xf32, #tpu.memory_space<vmem>>) dst(%dma_wait3A_901 : memref<512xf32, #tpu.memory_space<hbm>>)
      tpu.yield
    }) : () -> ()
    %mul3A_814 = arith.constant 16 : i32
    %mul3A_815 = arith.muli %add3A, %mul3A_814 : i32
    %add3A_816 = arith.constant 15 : i32
    %add3A_817 = arith.addi %mul3A_815, %add3A_816 : i32
    %mul3A_818 = arith.constant 6400 : i32
    %mul3A_819 = arith.muli %add3A_817, %mul3A_818 : i32
    "tpu.region"() ({
      %run_scoped3A = tpu.sem_alloc : memref<!tpu.dma_semaphore, #tpu.memory_space<semaphore_mem>>
      %dma_start3A_898 = tpu.memref_slice %arg6[%mul3A_819] : memref<3276800xi32, #tpu.memory_space<hbm>> -> memref<6400xi32, #tpu.memory_space<hbm>>
      %dma_start3A_899 = tpu.memref_slice %arg6[%mul3A_819] : memref<3276800xi32, #tpu.memory_space<hbm>> -> memref<6400xi32, #tpu.memory_space<hbm>>
      tpu.enqueue_dma source(%dma_start3A_899 : memref<6400xi32, #tpu.memory_space<hbm>>) target(%arg10 : memref<6400xi32, #tpu.memory_space<vmem>>) target_semaphore(%run_scoped3A : memref<!tpu.dma_semaphore, #tpu.memory_space<semaphore_mem>>)
      %dma_wait3A_900 = tpu.memref_slice %arg6[%mul3A_819] : memref<3276800xi32, #tpu.memory_space<hbm>> -> memref<6400xi32, #tpu.memory_space<hbm>>
      %dma_wait3A_901 = tpu.memref_slice %arg6[%mul3A_819] : memref<3276800xi32, #tpu.memory_space<hbm>> -> memref<6400xi32, #tpu.memory_space<hbm>>
      tpu.wait_dma2 semaphore(%run_scoped3A : memref<!tpu.dma_semaphore, #tpu.memory_space<semaphore_mem>>) src(%dma_wait3A_901 : memref<6400xi32, #tpu.memory_space<hbm>>) dst(%arg10 : memref<6400xi32, #tpu.memory_space<vmem>>)
      tpu.yield
    }) : () -> ()
    %scan3A_820 = arith.constant 0 : i32
    %scan3A_821 = arith.constant 0 : i32
    %scan3A_822 = arith.constant 400 : i32
    %scan3A_823 = arith.addi %scan3A_821, %scan3A_822 : i32
    %scan3A_824 = arith.constant 1 : i32
    scf.for %scan3A_898 = %scan3A_821 to %scan3A_823 step %scan3A_824  : i32 {
      %mul3A_899 = arith.constant 16 : i32
      %mul3A_900 = arith.muli %scan3A_898, %mul3A_899 : i32
      %get3A = arith.index_cast %mul3A_900 : i32 to index
      %get3A_901 = tpu.vector_load %arg10[%get3A] {strides = array<i32>} : memref<6400xi32, #tpu.memory_space<vmem>>, vector<16xi32>,
      %mul3A_902 = arith.constant 16 : i32
      %mul3A_903 = arith.muli %scan3A_898, %mul3A_902 : i32
      %get3A_904 = arith.index_cast %mul3A_903 : i32 to index
      %get3A_905 = tpu.vector_load %arg15[%get3A_904] {strides = array<i32>} : memref<6400xi32, #tpu.memory_space<vmem>>, vector<16xi32>,
      %add3A_906 = arith.addi %get3A_901, %get3A_905 : vector<16xi32>
      %mul3A_907 = arith.constant 16 : i32
      %mul3A_908 = arith.muli %scan3A_898, %mul3A_907 : i32
      %swap3A = arith.index_cast %mul3A_908 : i32 to index
      %swap3A_909 = tpu.vector_load %arg12[%swap3A] {strides = array<i32>} : memref<6400xi32, #tpu.memory_space<vmem>>, vector<16xi32>,
      tpu.vector_store %arg12[%swap3A], %add3A_906 {strides = array<i32>} : memref<6400xi32, #tpu.memory_space<vmem>>, vector<16xi32>,
    }
    %scan3A_825 = arith.constant 400 : i32
    %dma_start3A_826 = arith.constant 0 : i32
    %dma_start3A_827 = tpu.memref_slice %arg14[%dma_start3A_826] : memref<25600xf32, #tpu.memory_space<vmem>> -> memref<6400xf32, #tpu.memory_space<vmem>>
    %dma_start3A_828 = arith.constant 0 : i32
    %dma_start3A_829 = tpu.memref_slice %arg2[%dma_start3A_828] : memref<400000xf32, #tpu.memory_space<hbm>> -> memref<400000xf32, #tpu.memory_space<hbm>>
    tpu.enqueue_indirect_dma source(%dma_start3A_829 : memref<400000xf32, #tpu.memory_space<hbm>>) target(%dma_start3A_827 : memref<6400xf32, #tpu.memory_space<vmem>>) offsets(%arg12 : memref<6400xi32, #tpu.memory_space<vmem>>) semaphore(%arg18 : memref<!tpu.dma_semaphore, #tpu.memory_space<semaphore_mem>>)
    %dma_start3A_830 = arith.constant 6400 : i32
    %dma_start3A_831 = tpu.memref_slice %arg14[%dma_start3A_830] : memref<25600xf32, #tpu.memory_space<vmem>> -> memref<6400xf32, #tpu.memory_space<vmem>>
    %dma_start3A_832 = arith.constant 0 : i32
    %dma_start3A_833 = tpu.memref_slice %arg3[%dma_start3A_832] : memref<400000xf32, #tpu.memory_space<hbm>> -> memref<400000xf32, #tpu.memory_space<hbm>>
    tpu.enqueue_indirect_dma source(%dma_start3A_833 : memref<400000xf32, #tpu.memory_space<hbm>>) target(%dma_start3A_831 : memref<6400xf32, #tpu.memory_space<vmem>>) offsets(%arg12 : memref<6400xi32, #tpu.memory_space<vmem>>) semaphore(%arg18 : memref<!tpu.dma_semaphore, #tpu.memory_space<semaphore_mem>>)
    %dma_start3A_834 = arith.constant 12800 : i32
    %dma_start3A_835 = tpu.memref_slice %arg14[%dma_start3A_834] : memref<25600xf32, #tpu.memory_space<vmem>> -> memref<6400xf32, #tpu.memory_space<vmem>>
    %dma_start3A_836 = arith.constant 0 : i32
    %dma_start3A_837 = tpu.memref_slice %arg4[%dma_start3A_836] : memref<400000xf32, #tpu.memory_space<hbm>> -> memref<400000xf32, #tpu.memory_space<hbm>>
    tpu.enqueue_indirect_dma source(%dma_start3A_837 : memref<400000xf32, #tpu.memory_space<hbm>>) target(%dma_start3A_835 : memref<6400xf32, #tpu.memory_space<vmem>>) offsets(%arg12 : memref<6400xi32, #tpu.memory_space<vmem>>) semaphore(%arg18 : memref<!tpu.dma_semaphore, #tpu.memory_space<semaphore_mem>>)
    %dma_start3A_838 = arith.constant 19200 : i32
    %dma_start3A_839 = tpu.memref_slice %arg14[%dma_start3A_838] : memref<25600xf32, #tpu.memory_space<vmem>> -> memref<6400xf32, #tpu.memory_space<vmem>>
    %dma_start3A_840 = arith.constant 0 : i32
    %dma_start3A_841 = tpu.memref_slice %arg5[%dma_start3A_840] : memref<400000xf32, #tpu.memory_space<hbm>> -> memref<400000xf32, #tpu.memory_space<hbm>>
    tpu.enqueue_indirect_dma source(%dma_start3A_841 : memref<400000xf32, #tpu.memory_space<hbm>>) target(%dma_start3A_839 : memref<6400xf32, #tpu.memory_space<vmem>>) offsets(%arg12 : memref<6400xi32, #tpu.memory_space<vmem>>) semaphore(%arg18 : memref<!tpu.dma_semaphore, #tpu.memory_space<semaphore_mem>>)
    %mul3A_842 = arith.constant 16 : i32
    %mul3A_843 = arith.muli %add3A, %mul3A_842 : i32
    %add3A_844 = arith.constant 14 : i32
    %add3A_845 = arith.addi %mul3A_843, %add3A_844 : i32
    %dma_wait3A_846 = arith.constant 0 : i32
    %dma_wait3A_847 = tpu.memref_slice %arg13[%dma_wait3A_846] : memref<25600xf32, #tpu.memory_space<vmem>> -> memref<6400xf32, #tpu.memory_space<vmem>>
    %dma_wait3A_848 = arith.constant 0 : i32
    %dma_wait3A_849 = tpu.memref_slice %arg2[%dma_wait3A_848] : memref<400000xf32, #tpu.memory_space<hbm>> -> memref<400000xf32, #tpu.memory_space<hbm>>
    tpu.wait_indirect_dma semaphore(%arg17 : memref<!tpu.dma_semaphore, #tpu.memory_space<semaphore_mem>>) src(%dma_wait3A_849 : memref<400000xf32, #tpu.memory_space<hbm>>) dst(%dma_wait3A_847 : memref<6400xf32, #tpu.memory_space<vmem>>)
    %dma_wait3A_850 = arith.constant 6400 : i32
    %dma_wait3A_851 = tpu.memref_slice %arg13[%dma_wait3A_850] : memref<25600xf32, #tpu.memory_space<vmem>> -> memref<6400xf32, #tpu.memory_space<vmem>>
    %dma_wait3A_852 = arith.constant 0 : i32
    %dma_wait3A_853 = tpu.memref_slice %arg3[%dma_wait3A_852] : memref<400000xf32, #tpu.memory_space<hbm>> -> memref<400000xf32, #tpu.memory_space<hbm>>
    tpu.wait_indirect_dma semaphore(%arg17 : memref<!tpu.dma_semaphore, #tpu.memory_space<semaphore_mem>>) src(%dma_wait3A_853 : memref<400000xf32, #tpu.memory_space<hbm>>) dst(%dma_wait3A_851 : memref<6400xf32, #tpu.memory_space<vmem>>)
    %dma_wait3A_854 = arith.constant 12800 : i32
    %dma_wait3A_855 = tpu.memref_slice %arg13[%dma_wait3A_854] : memref<25600xf32, #tpu.memory_space<vmem>> -> memref<6400xf32, #tpu.memory_space<vmem>>
    %dma_wait3A_856 = arith.constant 0 : i32
    %dma_wait3A_857 = tpu.memref_slice %arg4[%dma_wait3A_856] : memref<400000xf32, #tpu.memory_space<hbm>> -> memref<400000xf32, #tpu.memory_space<hbm>>
    tpu.wait_indirect_dma semaphore(%arg17 : memref<!tpu.dma_semaphore, #tpu.memory_space<semaphore_mem>>) src(%dma_wait3A_857 : memref<400000xf32, #tpu.memory_space<hbm>>) dst(%dma_wait3A_855 : memref<6400xf32, #tpu.memory_space<vmem>>)
    %dma_wait3A_858 = arith.constant 19200 : i32
    %dma_wait3A_859 = tpu.memref_slice %arg13[%dma_wait3A_858] : memref<25600xf32, #tpu.memory_space<vmem>> -> memref<6400xf32, #tpu.memory_space<vmem>>
    %dma_wait3A_860 = arith.constant 0 : i32
    %dma_wait3A_861 = tpu.memref_slice %arg5[%dma_wait3A_860] : memref<400000xf32, #tpu.memory_space<hbm>> -> memref<400000xf32, #tpu.memory_space<hbm>>
    tpu.wait_indirect_dma semaphore(%arg17 : memref<!tpu.dma_semaphore, #tpu.memory_space<semaphore_mem>>) src(%dma_wait3A_861 : memref<400000xf32, #tpu.memory_space<hbm>>) dst(%dma_wait3A_859 : memref<6400xf32, #tpu.memory_space<vmem>>)
    %scan3A_862 = arith.constant 0 : i32
    %scan3A_863 = arith.constant 0 : i32
    %scan3A_864 = arith.constant 32 : i32
    %scan3A_865 = arith.addi %scan3A_863, %scan3A_864 : i32
    %scan3A_866 = arith.constant 1 : i32
    scf.for %scan3A_898 = %scan3A_863 to %scan3A_865 step %scan3A_866  : i32 {
      %mul3A_899 = arith.constant 6400 : i32
      %mul3A_900 = vector.broadcast %mul3A_899 : i32 to vector<16xi32>
      %mul3A_901 = arith.muli %and3A_4, %mul3A_900 : vector<16xi32>
      %mul3A_902 = arith.constant 200 : i32
      %mul3A_903 = arith.muli %mul3A_902, %scan3A_898 : i32
      %add3A_904 = vector.broadcast %mul3A_903 : i32 to vector<16xi32>
      %add3A_905 = arith.addi %mul3A_901, %add3A_904 : vector<16xi32>
      %mul3A_906 = arith.constant 50 : i32
      %mul3A_907 = vector.broadcast %mul3A_906 : i32 to vector<16xi32>
      %mul3A_908 = arith.muli %mul3A_907, %shift_right_arithmetic3A_2 : vector<16xi32>
      %add3A_909 = arith.addi %add3A_905, %mul3A_908 : vector<16xi32>
      %broadcast_in_dim3A = arith.constant 0.000000e+00 : f32
      %broadcast_in_dim3A_910 = vector.broadcast %broadcast_in_dim3A : f32 to vector<16xf32>
      %broadcast_in_dim3A_911 = arith.constant 0.000000e+00 : f32
      %broadcast_in_dim3A_912 = vector.broadcast %broadcast_in_dim3A_911 : f32 to vector<16xf32>
      %scan3A_913 = arith.constant 0 : i32
      %scan3A_914 = arith.constant 25 : i32
      %scan3A_915 = arith.addi %scan3A_913, %scan3A_914 : i32
      %scan3A_916 = arith.constant 1 : i32
      %scan3A_917:2 = scf.for %scan3A_926 = %scan3A_913 to %scan3A_915 step %scan3A_916 iter_args(%scan3A_927 = %broadcast_in_dim3A_910, %scan3A_928 = %broadcast_in_dim3A_912) -> (vector<16xf32>, vector<16xf32>)  : i32 {
        %add3A_929 = vector.broadcast %scan3A_926 : i32 to vector<16xi32>
        %add3A_930 = arith.addi %add3A_909, %add3A_929 : vector<16xi32>
        %gather3A = tpu.vector_load_idx %arg13[%add3A_930] : memref<25600xf32, #tpu.memory_space<vmem>>[vector<16xi32>], vector<16xf32>,
        %add3A_931 = arith.addf %scan3A_927, %gather3A : vector<16xf32>
        %add3A_932 = vector.broadcast %scan3A_926 : i32 to vector<16xi32>
        %add3A_933 = arith.addi %add3A_909, %add3A_932 : vector<16xi32>
        %add3A_934 = arith.constant 25 : i32
        %add3A_935 = vector.broadcast %add3A_934 : i32 to vector<16xi32>
        %add3A_936 = arith.addi %add3A_933, %add3A_935 : vector<16xi32>
        %gather3A_937 = tpu.vector_load_idx %arg13[%add3A_936] : memref<25600xf32, #tpu.memory_space<vmem>>[vector<16xi32>], vector<16xf32>,
        %add3A_938 = arith.addf %scan3A_928, %gather3A_937 : vector<16xf32>
        scf.yield %add3A_931, %add3A_938 : vector<16xf32>, vector<16xf32>
      }
      %scan3A_918 = arith.constant 25 : i32
      %add3A_919 = arith.addf %scan3A_917#0, %scan3A_917#1 : vector<16xf32>
      %mul3A_920 = arith.constant 2.000000e-02 : f32
      %mul3A_921 = vector.broadcast %mul3A_920 : f32 to vector<16xf32>
      %mul3A_922 = arith.mulf %add3A_919, %mul3A_921 : vector<16xf32>
      %mul3A_923 = arith.constant 16 : i32
      %mul3A_924 = arith.muli %scan3A_898, %mul3A_923 : i32
      %swap3A = arith.index_cast %mul3A_924 : i32 to index
      %swap3A_925 = tpu.vector_load %arg16[%swap3A] {strides = array<i32>} : memref<512xf32, #tpu.memory_space<vmem>>, vector<16xf32>,
      tpu.vector_store %arg16[%swap3A], %mul3A_922 {strides = array<i32>} : memref<512xf32, #tpu.memory_space<vmem>>, vector<16xf32>,
    }
    %scan3A_867 = arith.constant 32 : i32
    %mul3A_868 = arith.constant 512 : i32
    %mul3A_869 = arith.muli %add3A_845, %mul3A_868 : i32
    "tpu.region"() ({
      %run_scoped3A = tpu.sem_alloc : memref<!tpu.dma_semaphore, #tpu.memory_space<semaphore_mem>>
      %dma_start3A_898 = tpu.memref_slice %arg8[%mul3A_869] : memref<262144xf32, #tpu.memory_space<hbm>> -> memref<512xf32, #tpu.memory_space<hbm>>
      %dma_start3A_899 = tpu.memref_slice %arg8[%mul3A_869] : memref<262144xf32, #tpu.memory_space<hbm>> -> memref<512xf32, #tpu.memory_space<hbm>>
      tpu.enqueue_dma source(%arg16 : memref<512xf32, #tpu.memory_space<vmem>>) target(%dma_start3A_899 : memref<512xf32, #tpu.memory_space<hbm>>) target_semaphore(%run_scoped3A : memref<!tpu.dma_semaphore, #tpu.memory_space<semaphore_mem>>)
      %dma_wait3A_900 = tpu.memref_slice %arg8[%mul3A_869] : memref<262144xf32, #tpu.memory_space<hbm>> -> memref<512xf32, #tpu.memory_space<hbm>>
      %dma_wait3A_901 = tpu.memref_slice %arg8[%mul3A_869] : memref<262144xf32, #tpu.memory_space<hbm>> -> memref<512xf32, #tpu.memory_space<hbm>>
      tpu.wait_dma2 semaphore(%run_scoped3A : memref<!tpu.dma_semaphore, #tpu.memory_space<semaphore_mem>>) src(%arg16 : memref<512xf32, #tpu.memory_space<vmem>>) dst(%dma_wait3A_901 : memref<512xf32, #tpu.memory_space<hbm>>)
      tpu.yield
    }) : () -> ()
    %mul3A_870 = arith.constant 16 : i32
    %mul3A_871 = arith.muli %add3A, %mul3A_870 : i32
    %add3A_872 = arith.constant 15 : i32
    %add3A_873 = arith.addi %mul3A_871, %add3A_872 : i32
    %dma_wait3A_874 = arith.constant 0 : i32
    %dma_wait3A_875 = tpu.memref_slice %arg14[%dma_wait3A_874] : memref<25600xf32, #tpu.memory_space<vmem>> -> memref<6400xf32, #tpu.memory_space<vmem>>
    %dma_wait3A_876 = arith.constant 0 : i32
    %dma_wait3A_877 = tpu.memref_slice %arg2[%dma_wait3A_876] : memref<400000xf32, #tpu.memory_space<hbm>> -> memref<400000xf32, #tpu.memory_space<hbm>>
    tpu.wait_indirect_dma semaphore(%arg18 : memref<!tpu.dma_semaphore, #tpu.memory_space<semaphore_mem>>) src(%dma_wait3A_877 : memref<400000xf32, #tpu.memory_space<hbm>>) dst(%dma_wait3A_875 : memref<6400xf32, #tpu.memory_space<vmem>>)
    %dma_wait3A_878 = arith.constant 6400 : i32
    %dma_wait3A_879 = tpu.memref_slice %arg14[%dma_wait3A_878] : memref<25600xf32, #tpu.memory_space<vmem>> -> memref<6400xf32, #tpu.memory_space<vmem>>
    %dma_wait3A_880 = arith.constant 0 : i32
    %dma_wait3A_881 = tpu.memref_slice %arg3[%dma_wait3A_880] : memref<400000xf32, #tpu.memory_space<hbm>> -> memref<400000xf32, #tpu.memory_space<hbm>>
    tpu.wait_indirect_dma semaphore(%arg18 : memref<!tpu.dma_semaphore, #tpu.memory_space<semaphore_mem>>) src(%dma_wait3A_881 : memref<400000xf32, #tpu.memory_space<hbm>>) dst(%dma_wait3A_879 : memref<6400xf32, #tpu.memory_space<vmem>>)
    %dma_wait3A_882 = arith.constant 12800 : i32
    %dma_wait3A_883 = tpu.memref_slice %arg14[%dma_wait3A_882] : memref<25600xf32, #tpu.memory_space<vmem>> -> memref<6400xf32, #tpu.memory_space<vmem>>
    %dma_wait3A_884 = arith.constant 0 : i32
    %dma_wait3A_885 = tpu.memref_slice %arg4[%dma_wait3A_884] : memref<400000xf32, #tpu.memory_space<hbm>> -> memref<400000xf32, #tpu.memory_space<hbm>>
    tpu.wait_indirect_dma semaphore(%arg18 : memref<!tpu.dma_semaphore, #tpu.memory_space<semaphore_mem>>) src(%dma_wait3A_885 : memref<400000xf32, #tpu.memory_space<hbm>>) dst(%dma_wait3A_883 : memref<6400xf32, #tpu.memory_space<vmem>>)
    %dma_wait3A_886 = arith.constant 19200 : i32
    %dma_wait3A_887 = tpu.memref_slice %arg14[%dma_wait3A_886] : memref<25600xf32, #tpu.memory_space<vmem>> -> memref<6400xf32, #tpu.memory_space<vmem>>
    %dma_wait3A_888 = arith.constant 0 : i32
    %dma_wait3A_889 = tpu.memref_slice %arg5[%dma_wait3A_888] : memref<400000xf32, #tpu.memory_space<hbm>> -> memref<400000xf32, #tpu.memory_space<hbm>>
    tpu.wait_indirect_dma semaphore(%arg18 : memref<!tpu.dma_semaphore, #tpu.memory_space<semaphore_mem>>) src(%dma_wait3A_889 : memref<400000xf32, #tpu.memory_space<hbm>>) dst(%dma_wait3A_887 : memref<6400xf32, #tpu.memory_space<vmem>>)
    %scan3A_890 = arith.constant 0 : i32
    %scan3A_891 = arith.constant 0 : i32
    %scan3A_892 = arith.constant 32 : i32
    %scan3A_893 = arith.addi %scan3A_891, %scan3A_892 : i32
    %scan3A_894 = arith.constant 1 : i32
    scf.for %scan3A_898 = %scan3A_891 to %scan3A_893 step %scan3A_894  : i32 {
      %mul3A_899 = arith.constant 6400 : i32
      %mul3A_900 = vector.broadcast %mul3A_899 : i32 to vector<16xi32>
      %mul3A_901 = arith.muli %and3A_4, %mul3A_900 : vector<16xi32>
      %mul3A_902 = arith.constant 200 : i32
      %mul3A_903 = arith.muli %mul3A_902, %scan3A_898 : i32
      %add3A_904 = vector.broadcast %mul3A_903 : i32 to vector<16xi32>
      %add3A_905 = arith.addi %mul3A_901, %add3A_904 : vector<16xi32>
      %mul3A_906 = arith.constant 50 : i32
      %mul3A_907 = vector.broadcast %mul3A_906 : i32 to vector<16xi32>
      %mul3A_908 = arith.muli %mul3A_907, %shift_right_arithmetic3A_2 : vector<16xi32>
      %add3A_909 = arith.addi %add3A_905, %mul3A_908 : vector<16xi32>
      %broadcast_in_dim3A = arith.constant 0.000000e+00 : f32
      %broadcast_in_dim3A_910 = vector.broadcast %broadcast_in_dim3A : f32 to vector<16xf32>
      %broadcast_in_dim3A_911 = arith.constant 0.000000e+00 : f32
      %broadcast_in_dim3A_912 = vector.broadcast %broadcast_in_dim3A_911 : f32 to vector<16xf32>
      %scan3A_913 = arith.constant 0 : i32
      %scan3A_914 = arith.constant 25 : i32
      %scan3A_915 = arith.addi %scan3A_913, %scan3A_914 : i32
      %scan3A_916 = arith.constant 1 : i32
      %scan3A_917:2 = scf.for %scan3A_926 = %scan3A_913 to %scan3A_915 step %scan3A_916 iter_args(%scan3A_927 = %broadcast_in_dim3A_910, %scan3A_928 = %broadcast_in_dim3A_912) -> (vector<16xf32>, vector<16xf32>)  : i32 {
        %add3A_929 = vector.broadcast %scan3A_926 : i32 to vector<16xi32>
        %add3A_930 = arith.addi %add3A_909, %add3A_929 : vector<16xi32>
        %gather3A = tpu.vector_load_idx %arg14[%add3A_930] : memref<25600xf32, #tpu.memory_space<vmem>>[vector<16xi32>], vector<16xf32>,
        %add3A_931 = arith.addf %scan3A_927, %gather3A : vector<16xf32>
        %add3A_932 = vector.broadcast %scan3A_926 : i32 to vector<16xi32>
        %add3A_933 = arith.addi %add3A_909, %add3A_932 : vector<16xi32>
        %add3A_934 = arith.constant 25 : i32
        %add3A_935 = vector.broadcast %add3A_934 : i32 to vector<16xi32>
        %add3A_936 = arith.addi %add3A_933, %add3A_935 : vector<16xi32>
        %gather3A_937 = tpu.vector_load_idx %arg14[%add3A_936] : memref<25600xf32, #tpu.memory_space<vmem>>[vector<16xi32>], vector<16xf32>,
        %add3A_938 = arith.addf %scan3A_928, %gather3A_937 : vector<16xf32>
        scf.yield %add3A_931, %add3A_938 : vector<16xf32>, vector<16xf32>
      }
      %scan3A_918 = arith.constant 25 : i32
      %add3A_919 = arith.addf %scan3A_917#0, %scan3A_917#1 : vector<16xf32>
      %mul3A_920 = arith.constant 2.000000e-02 : f32
      %mul3A_921 = vector.broadcast %mul3A_920 : f32 to vector<16xf32>
      %mul3A_922 = arith.mulf %add3A_919, %mul3A_921 : vector<16xf32>
      %mul3A_923 = arith.constant 16 : i32
      %mul3A_924 = arith.muli %scan3A_898, %mul3A_923 : i32
      %swap3A = arith.index_cast %mul3A_924 : i32 to index
      %swap3A_925 = tpu.vector_load %arg16[%swap3A] {strides = array<i32>} : memref<512xf32, #tpu.memory_space<vmem>>, vector<16xf32>,
      tpu.vector_store %arg16[%swap3A], %mul3A_922 {strides = array<i32>} : memref<512xf32, #tpu.memory_space<vmem>>, vector<16xf32>,
    }
    %scan3A_895 = arith.constant 32 : i32
    %mul3A_896 = arith.constant 512 : i32
    %mul3A_897 = arith.muli %add3A_873, %mul3A_896 : i32
    "tpu.region"() ({
      %run_scoped3A = tpu.sem_alloc : memref<!tpu.dma_semaphore, #tpu.memory_space<semaphore_mem>>
      %dma_start3A_898 = tpu.memref_slice %arg8[%mul3A_897] : memref<262144xf32, #tpu.memory_space<hbm>> -> memref<512xf32, #tpu.memory_space<hbm>>
      %dma_start3A_899 = tpu.memref_slice %arg8[%mul3A_897] : memref<262144xf32, #tpu.memory_space<hbm>> -> memref<512xf32, #tpu.memory_space<hbm>>
      tpu.enqueue_dma source(%arg16 : memref<512xf32, #tpu.memory_space<vmem>>) target(%dma_start3A_899 : memref<512xf32, #tpu.memory_space<hbm>>) target_semaphore(%run_scoped3A : memref<!tpu.dma_semaphore, #tpu.memory_space<semaphore_mem>>)
      %dma_wait3A_900 = tpu.memref_slice %arg8[%mul3A_897] : memref<262144xf32, #tpu.memory_space<hbm>> -> memref<512xf32, #tpu.memory_space<hbm>>
      %dma_wait3A_901 = tpu.memref_slice %arg8[%mul3A_897] : memref<262144xf32, #tpu.memory_space<hbm>> -> memref<512xf32, #tpu.memory_space<hbm>>
      tpu.wait_dma2 semaphore(%run_scoped3A : memref<!tpu.dma_semaphore, #tpu.memory_space<semaphore_mem>>) src(%arg16 : memref<512xf32, #tpu.memory_space<vmem>>) dst(%dma_wait3A_901 : memref<512xf32, #tpu.memory_space<hbm>>)
      tpu.yield
    }) : () -> ()
    return
  }
}

</mosaic_0001>

<sc_bundles>
// kernel: _sc_calls.4.cloned.1.call-start
scs
__scs_entry_jumppad:
0x0: {  	(pc) =	sbr.rel $0x88, $3  }
0x1: {  	(tag) =	ssettag $0x0;
	lr =	simm.s32 $0x1  }
0x2: {  	[smem:$0x3F95] =	sst lr;
	_ =	strace $0xD0000000  }
0x3: {  	_ = 	snop  }
0x4: {  	_ = 	snop  }
0x5: {  	_ = 	snop  }
0x6: {  	_ = 	snop  }
0x7: {  	_ = 	snop  }
__scs_overlays_trampoline_lowered:
0x8: {  	[smem:$0x3FA4] =	sst s0  }
0x9: {  	[smem:$0x3FA5] =	sst s1  }
0xa: {  	[smem:$0x3FA6] =	sst s2  }
0xb: {  	[smem:$0x3FA7] =	sst s3  }
0xc: {  	[smem:$0x3FA8] =	sst s4  }
0xd: {  	[smem:$0x3FA9] =	sst s5  }
0xe: {  	[smem:$0x3FAA] =	sst s6  }
0xf: {  	[smem:$0x3FAB] =	sst s7  }
0x10: {  	[smem:$0x3FAC] =	sst s8  }
0x11: {  	[smem:$0x3FAD] =	sst s9;
	s0 =	simm.s32 @!p0 $0x0  }
0x12: {  	s1 =	sld [smem:$0x3F93];
	s0 =	simm.s32 @p0 $0x1  }
0x13: {  	[smem:$0x3FAE] =	sst s0;
	s0 =	simm.s32 @!p1 $0x0  }
0x14: {  	s2 =	sld [smem:$0x3F92];
	s0 =	simm.s32 @p1 $0x1  }
0x15: {  	[smem:$0x3FAF] =	sst s0;
	s0 =	simm.s32 @!p2 $0x0  }
0x16: {  	s3 =	sld [smem:$0x3FDB];
	s0 =	simm.s32 @p2 $0x1  }
0x17: {  	s4 =	simm.s32 $0x1BF5;
	[smem:$0x3FB1] =	sst s0  }
0x18: {  	s0 =	sld [smem:$0x3F94];
	_ =	swait.ge [sflag:s4], $0x0  }
0x19: {  	s7 =	sld [smem:$0x3F95]  }
0x1a: {  	s8 =	sadd.s32 $0xFFFFE003, lr  }
0x1b: {  	s9 =	sadd.s32 $0xFFFFFEF7, lr;
	s5 =	simm.s32 $0xFFFFFFFF;
	p2 =	slt.u32 s8, $0xFFFFF086  }
0x1c: {  	p1 =	slt.u32 s9, $0xF7A;
	s5 =	simm.s32 @!p2 $0x0  }
0x1d: {  	s5 =	simm.s32 @p1 $0x1;
	p0 =	seq.s32 s7, s2  }
0x1e: {  	s7 =	smul.u32 @!p0 $0xF7A, s2;
	p2 =	seq.s32 @!p0 s5, $0x0  }
0x1f: {  	s9 =	smul.u32 $0xF7A, s1;
	s8 =	simm.s32 @!p0 $0x1BF5;
	p2 =	por !p2, p0  }
0x20: {  	[sflag:s8] =	ssyncset.s32 @!p0 $0xFFFFF086;
	s6 =	sadd.s32 @!p0 s3, s7;
	s7 =	simm.s32 @!p0 $0x108  }
0x21: {  	s3 =	sadd.s32 s3, s9;
	s6 =	sadd.s32 @!p0 $0x88, s6;
	s7 =	simm.s32 @p2 $0x1082  }
0x22: {  	[simem:s7], [sflag:s8] =	dma.local @!p0 [hbm:s6], $0xF7A  }
0x23: {  	s9 =	sor.u32 $0xD0000000, s2;
	s6 =	simm.s32 $0x108;
	_ =	swait.ge @!p0 [sflag:s8], $0x0  }
0x24: {  	s3 =	sadd.s32 $0x88, s3;
	s6 =	simm.s32 @!p1 $0x1082;
	[sflag:s4] =	ssyncset.s32 $0xFFFFF086  }
0x25: {  	[simem:s6], [sflag:s4] =	dma.local [hbm:s3], $0xF7A  }
0x26: {  	[smem:$0x3F95] =	sst s1;
	(tag) =	ssettag s2;
	_ =	strace s9  }
0x27: {  	s1 =	sld [smem:$0x3FA5]  }
0x28: {  	s2 =	sld [smem:$0x3FA6]  }
0x29: {  	s4 =	sld [smem:$0x3FA8]  }
0x2a: {  	p0 =	seq.s32 s5, $0x0;
	s5 =	sld [smem:$0x3FA9]  }
0x2b: {  	s6 =	sld [smem:$0x3FAA]  }
0x2c: {  	s7 =	sld [smem:$0x3FAB]  }
0x2d: {  	s3 =	simm.s32 $0x108;
	s8 =	sld [smem:$0x3FAC]  }
0x2e: {  	s3 =	simm.s32 @!p0 $0x1082;
	s9 =	sld [smem:$0x3FAD]  }
0x2f: {  	lr =	sadd.s32 s0, s3;
	s0 =	sld [smem:$0x3FA4]  }
0x30: {  	s3 =	sld [smem:$0x3FA7]  }
0x31: {  	[smem:$0x3FB0] =	sst s10  }
0x32: {  	s10 =	sld [smem:$0x3FAE];
	_ =	sdelay $0x3  }
0x33: {  	p0 =	seq.s32 s10, $0x1;
	s10 =	sld [smem:$0x3FB0];
	_ =	sdelay $0x3  }
0x34: {  	[smem:$0x3FB0] =	sst s10  }
0x35: {  	s10 =	sld [smem:$0x3FAF];
	_ =	sdelay $0x3  }
0x36: {  	p1 =	seq.s32 s10, $0x1;
	s10 =	sld [smem:$0x3FB0];
	_ =	sdelay $0x3  }
0x37: {  	[smem:$0x3FB0] =	sst s10  }
0x38: {  	s10 =	sld [smem:$0x3FB1]  }
0x39: {  	_ = 	snop;
	(pc) =	sbr.ind lr, $3  }
0x3a: {  	_ = 	snop  }
0x3b: {  	_ = 	snop  }
0x3c: {  	p2 =	seq.s32 s10, $0x1;
	s10 =	sld [smem:$0x3FB0]  }
0x3d: {  	_ =	shalt  }
0x3e: {  	_ =	shalt  }
0x3f: {  	_ =	shalt  }
0x40: {  	_ =	shalt  }
0x41: {  	_ =	shalt  }
0x42: {  	_ =	shalt  }
0x43: {  	_ =	shalt  }
0x44: {  	_ =	shalt  }
0x45: {  	_ =	shalt  }
0x46: {  	_ =	shalt  }
0x47: {  	_ =	shalt  }
0x48: {  	_ =	shalt  }
0x49: {  	_ =	shalt  }
0x4a: {  	_ =	shalt  }
0x4b: {  	_ =	shalt  }
0x4c: {  	_ =	shalt  }
0x4d: {  	_ =	shalt  }
0x4e: {  	_ =	shalt  }
0x4f: {  	_ =	shalt  }
0x50: {  	_ =	shalt  }
0x51: {  	_ =	shalt  }
0x52: {  	_ =	shalt  }
0x53: {  	_ =	shalt  }
0x54: {  	_ =	shalt  }
0x55: {  	_ =	shalt  }
0x56: {  	_ =	shalt  }
0x57: {  	_ =	shalt  }
0x58: {  	_ =	shalt  }
0x59: {  	_ =	shalt  }
0x5a: {  	_ =	shalt  }
0x5b: {  	_ =	shalt  }
0x5c: {  	_ =	shalt  }
0x5d: {  	_ =	shalt  }
0x5e: {  	_ =	shalt  }
0x5f: {  	_ =	shalt  }
0x60: {  	_ =	shalt  }
0x61: {  	_ =	shalt  }
0x62: {  	_ =	shalt  }
0x63: {  	_ =	shalt  }
0x64: {  	_ =	shalt  }
0x65: {  	_ =	shalt  }
0x66: {  	_ =	shalt  }
0x67: {  	_ =	shalt  }
0x68: {  	_ =	shalt  }
0x69: {  	_ =	shalt  }
0x6a: {  	_ =	shalt  }
0x6b: {  	_ =	shalt  }
0x6c: {  	_ =	shalt  }
0x6d: {  	_ =	shalt  }
0x6e: {  	_ =	shalt  }
0x6f: {  	_ =	shalt  }
0x70: {  	_ =	shalt  }
0x71: {  	_ =	shalt  }
0x72: {  	_ =	shalt  }
0x73: {  	_ =	shalt  }
0x74: {  	_ =	shalt  }
0x75: {  	_ =	shalt  }
0x76: {  	_ =	shalt  }
0x77: {  	_ =	shalt  }
0x78: {  	_ =	shalt  }
0x79: {  	_ =	shalt  }
0x7a: {  	_ =	shalt  }
0x7b: {  	_ =	shalt  }
0x7c: {  	_ =	shalt  }
0x7d: {  	_ =	shalt  }
0x7e: {  	_ =	shalt  }
0x7f: {  	_ =	shalt  }
0x80: {  	_ =	shalt  }
0x81: {  	_ =	shalt  }
0x82: {  	_ =	shalt  }
0x83: {  	_ =	shalt  }
0x84: {  	_ =	shalt  }
0x85: {  	_ =	shalt  }
0x86: {  	_ =	shalt  }
0x87: {  	_ =	shalt  }
.Lfunc_end0:
.L_simem_size_0:
called_computation_lowered:
.L_overlay_start_0:
0x88: {  	s2 =	sld [smem:$0x3FD9]  }
0x89: {  	s3 =	sld [smem:$0x3FFE];
	_ =	sdelay $0x1  }
0x8a: {  	s1 =	srdreg.scid  }
0x8b: {  	s0 =	sand.u32 $0x1, s1  }
0x8c: {  	s15 =	sshll.u32 s0, $0xA;
	s2 =	sadd.s32 s3, s2  }
0x8d: {  	s2 =	sadd.s32 s2, s15  }
0x8e: {  	[smem:$0x3FBC] =	sst s2  }
0x8f: {  	_ = 	snop  }
0x90: {  	s2 =	sld [smem:$0x3FC5]  }
0x91: {  	s16 =	sld [smem:$0x3FC4]  }
0x92: {  	s4 =	sld [smem:$0x3FC3]  }
0x93: {  	s5 =	sld [smem:$0x3FD0]  }
0x94: {  	s6 =	sld [smem:$0x3FC2]  }
0x95: {  	s7 =	sld [smem:$0x3FC0]  }
0x96: {  	s9 =	simm.s32 $0xA;
	s10 =	simm.s32 $0x10;
	s8 =	sld [smem:$0x3FBF]  }
0x97: {  	[smem:s10], [sflag:s9] =	dma.local [hbm:s5], $0x1  }
0x98: {  	_ =	swait.eq [sflag:s9], $0x1  }
0x99: {  	[sflag:s9] =	ssyncset.done $0x0  }
0x9a: {  	[sflag:s9] =	ssyncadd.s32 $0xFFFFFFFF  }
0x9b: {  	s17 =	sld [smem:$0x11];
	(tm) =	ssettm $0x1  }
0x9c: {  	s18 =	sld [smem:$0x3FFB];
	_ =	sdelay $0x3  }
0x9d: {  	_ =	strace s18  }
0x9e: {  	s9 =	sld [smem:$0x3FFC];
	_ =	sdelay $0x3  }
0x9f: {  	_ =	strace s9  }
0xa0: {  	s9 =	sld [smem:$0x3FFD];
	_ =	sdelay $0x3  }
0xa1: {  	_ =	strace s9  }
0xa2: {  	_ =	strace $0x8FFFFFFF  }
0xa3: {  	s19 =	sld [smem:$0x3FDB];
	_ =	sdelay $0x1  }
0xa4: {  	s20 =	simm.s32 $_scs_section_size  }
0xa5: {  	s11 =	simm.s32 $_size__tile_overlayer_lowered;
	s12 =	simm.s32 $_tile_overlayer_lowered  }
0xa6: {  	s23 =	simm.s32 $0x1BFF;
	s22 =	sshll.u32 s12, $0x1;
	s9 =	sadd.s32 s20, s19  }
0xa7: {  	s13 =	simm.s32 $0x0;
	s21 =	sshll.u32 s11, $0x1;
	s11 =	sadd.s32 s22, s9  }
0xa8: {  	[timem:s13], [sflag:s23] =	dma.local [hbm:s11], s21  }
0xa9: {  	_ =	swait.ge [sflag:s23], s21  }
0xaa: {  	s10 =	ssub.s32 $0x0, s21;
	[sflag:s23] =	ssyncset.done $0x0  }
0xab: {  	[sflag:s23] =	ssyncadd.s32 s10;
	_ =	sdelay $0x1  }
0xac: {  	s24 =	simm.s32 $0x1B8B  }
0xad: {  	_ =	swait.ge [sflag:s24], $0x1  }
0xae: {  	[sflag:s24] =	ssyncset.done $0x0  }
0xaf: {  	s25 =	simm.s32 $0x1B8E;
	[sflag:s24] =	ssyncadd.s32 $0xFFFFFFFF  }
0xb0: {  	s26 =	simm.s32 $execute0_lowered;
	[smem:$0x3FD2] =	sst s25  }
0xb1: {  	s10 =	sshll.u32 s26, $0x1;
	_ =	strace $0x80000046;
	[dreg:$0x1] =	wrdreg $0xFFFFFFFF  }
0xb2: {  	s28 =	simm.s32 $_size_execute0_lowered;
	s9 =	sadd.s32 s9, s10;
	[dreg:$0x0] =	wrdreg $0x0  }
0xb3: {  	s10 =	sshll.u32 s28, $0x1;
	[dreg:$0x2] =	wrdreg s9  }
0xb4: {  	[dreg:$0x3] =	wrdreg s10  }
0xb5: {  	[dreg:$0x4] =	wrdreg $0xC0  }
0xb6: {  	_ =	task [dreg:s13], $0x5FFFF  }
0xb7: {  	[dreg:$0x1] =	wrdreg $0xFFFFFFFF  }
0xb8: {  	[dreg:$0x0] =	wrdreg $0x60  }
0xb9: {  	[dreg:$0x2] =	wrdreg s2  }
0xba: {  	[dreg:$0x3] =	wrdreg s16  }
0xbb: {  	[dreg:$0x4] =	wrdreg s4  }
0xbc: {  	[dreg:$0x5] =	wrdreg s6  }
0xbd: {  	[dreg:$0x6] =	wrdreg s7  }
0xbe: {  	[dreg:$0x7] =	wrdreg s8  }
0xbf: {  	[dreg:$0x8] =	wrdreg s17  }
0xc0: {  	[dreg:$0x9] =	wrdreg $0x9  }
0xc1: {  	_ =	task.clear_ibuf [dreg:s13], $0xAFFFF;
	_ =	strace $0x90000046  }
0xc2: {  	s29 =	simm.s32 $0x9;
	_ =	strace $0x80000048  }
0xc3: {  	_ =	swait.ge [sflag:s29], $0x1  }
0xc4: {  	[sflag:s29] =	ssyncadd.s32 $0xFFFFFFFF  }
0xc5: {  	_ =	strace $0x90000048  }
0xc6: {  	_ =	sfence  }
0xc7: {  	s30 =	sld [smem:$0x0];
	_ =	sdelay $0x2  }
0xc8: {  	s31 =	sshll.u32 s1, $0xD;
	s1 =	sshrl.u32 s1, $0x2  }
0xc9: {  	s3 =	sand.u32 $0x4000, s31;
	s1 =	sadd.s32 s1, s30  }
0xca: {  	s0 =	sor.u32 s3, s0;
	s1 =	sshll.u32 s1, $0x11  }
0xcb: {  	s0 =	sor.u32 s1, s0  }
0xcc: {  	s0 =	sadd.s32 $0x8F2B, s0  }
0xcd: {  	[sflag:s0] =	ssyncadd.remote.s32 $0x1  }
0xce: {  	_ =	sfence.sel $0xFFFF  }
0xcf: {  	[dreg:$0x0] =	wrdreg $0xFFFFFFFF;
	(pc) =	sbr.abs _section_cstart, $3  }
0xd0: {  	[dreg:$0x1] =	wrdreg $0xFFFFFFFF  }
0xd1: {  	_ =	task.clear_ibuf [dreg:s13], $0x2FFFF;
	_ =	strace $0x9FFFFFFF  }
0xd2: {  	(tm) =	ssettm $0x7FFFFFFF  }
0xd3: {  	_ =	shalt  }
tec
execute0_lowered:
.L_overlay_start_1:
0x0: {  	(tag) =	ssettag $0x1  }
0x1: {  	s0 =	srdreg.scid;
	s1 =	stileid.u32  }
0x2: {  	s0 =	sand.u32 $0x1, s0;
	s1 =	sshll.u32 s1, $0x1  }
0x3: {  	s1 =	sor.u32 s0, s1  }
0x4: {  	s4 =	sshll.u32 s1, $0x4  }
0x5: {  	s8 =	rddreg [dreg:$0x4];
	s2 =	smul.u32 $0x3200, s1;
	s9 =	sor.u32 $0x1, s4  }
0x6: {  	s29 =	rddreg [dreg:$0x0];
	s10 =	sor.u32 $0x2, s4;
	s3 =	smul.u32 $0x320, s9  }
0x7: {  	s30 =	rddreg [dreg:$0x1];
	s11 =	sor.u32 $0x3, s4;
	s5 =	smul.u32 $0x320, s10  }
0x8: {  	s0 =	ssub.s32 $0x2, s0;
	s12 =	sor.u32 $0x4, s4;
	s6 =	smul.u32 $0x320, s11  }
0x9: {  	s7 =	sshrl.u32 s0, $0x1;
	s14 =	sor.u32 $0x5, s4;
	s13 =	smul.u32 $0x320, s12  }
0xa: {  	s16 =	sor.u32 $0x6, s4;
	s7 =	ssub.s32 s0, s7;
	s15 =	smul.u32 $0x320, s14  }
0xb: {  	s18 =	sor.u32 $0x7, s4;
	s19 =	sor.u32 $0x8, s4;
	s31 =	smul.u32 $0x320, s16  }
0xc: {  	s21 =	sor.u32 $0x9, s4;
	s23 =	sor.u32 $0xA, s4;
	s17 =	smul.u32 $0x320, s18  }
0xd: {  	s25 =	sor.u32 $0xB, s4;
	s2 =	sadd.s32 s8, s2;
	s20 =	smul.u32 $0x320, s19  }
0xe: {  	s22 =	smul.u32 $0x320, s21;
	[dreg:$0x8] =	wrdreg s2;
	s3 =	sadd.s32 s8, s3  }
0xf: {  	s24 =	smul.u32 $0x320, s23;
	s5 =	sadd.s32 s8, s5;
	[dreg:$0x9] =	wrdreg s3  }
0x10: {  	s14 =	sshll.u32 s14, $0x6;
	s6 =	sadd.s32 s8, s6;
	[dreg:$0xa] =	wrdreg s5  }
0x11: {  	s18 =	sshll.u32 s18, $0x6;
	s13 =	sadd.s32 s8, s13;
	[dreg:$0xb] =	wrdreg s6  }
0x12: {  	s21 =	sshll.u32 s21, $0x6;
	s15 =	sadd.s32 s8, s15;
	[dreg:$0xc] =	wrdreg s13  }
0x13: {  	s7 =	smax.u32 s7, $0x1;
	s0 =	sadd.s32 s8, s31;
	[dreg:$0xd] =	wrdreg s15  }
0x14: {  	s2 =	sor.u32 $0xC, s4;
	s26 =	sadd.s32 s8, s17;
	[dreg:$0xe] =	wrdreg s0  }
0x15: {  	s31 =	sadd.s32 s8, s20;
	s20 =	sadd.s32 s8, s22;
	[dreg:$0xf] =	wrdreg s26  }
0x16: {  	s24 =	sadd.s32 s8, s24;
	s13 =	smul.u32 $0x320, s25;
	[dreg:$0x10] =	wrdreg s31  }
0x17: {  	s17 =	simm.s32 $0x0;
	s15 =	smul.u32 $0x320, s2;
	[dreg:$0x11] =	wrdreg s20  }
0x18: {  	s3 =	sor.u32 $0xD, s4;
	s5 =	sor.u32 $0xE, s4;
	[dreg:$0x12] =	wrdreg s24  }
0x19: {  	s6 =	sshllo.u32 s1, $0x4;
	s1 =	sshll.u32 s1, $0xA;
	[smem:$0x7FF] =	sst s17  }
0x1a: {  	s4 =	sshll.u32 s9, $0x6;
	s9 =	sshll.u32 s10, $0x6;
	s10 =	sshll.u32 s11, $0x6  }
0x1b: {  	s20 =	sshll.u32 s19, $0x6;
	s24 =	sshll.u32 s23, $0x6;
	s0 =	smul.u32 $0x320, s3  }
0x1c: {  	s19 =	simm.s32 $0xFA00;
	s28 =	smul.u32 $0x320, s5;
	s13 =	sadd.s32 s8, s13  }
0x1d: {  	s22 =	smul.u32 $0x320, s6;
	s26 =	sadd.s32 s8, s15;
	[dreg:$0x13] =	wrdreg s13  }
0x1e: {  	s23 =	simm.s32 $0x2;
	[dreg:$0x14] =	wrdreg s26;
	s0 =	sadd.s32 s8, s0  }
0x1f: {  	s28 =	sadd.s32 s8, s28;
	s31 =	sadd.s32 s8, s22;
	s8 =	rddreg [dreg:$0x6]  }
0x20: {  	s5 =	sshll.u32 s5, $0x6;
	s6 =	sshll.u32 s6, $0x6;
	[dreg:$0x15] =	wrdreg s0  }
0x21: {  	s15 =	sshll.u32 s16, $0x6;
	s13 =	sshll.u32 s12, $0x6;
	[dreg:$0x16] =	wrdreg s28  }
0x22: {  	v0 =	vimm.s32 $0x4B96;
	vm0 =	vcmask $0x300;
	v1 =	vimm.s32 $0x4BAF;
	s26 =	sshll.u32 s25, $0x6;
	s12 =	simm.s32 $0x7D00;
	[dreg:$0x17] =	wrdreg s31  }
0x23: {  	vm1 =	vcmask $0x704;
	v0 =	vsel vm0, $0x0, v0;
	v1 =	vsel vm0, $0x19, v1;
	s0 =	sadd.s32 s8, s1;
	s11 =	sadd.s32 s8, s10;
	s1 =	rddreg [dreg:$0x2]  }
0x24: {  	vm15 =	vcmask $0xB08;
	v0 =	vsel vm1, $0x1900, v0;
	v1 =	vsel vm1, $0x1919, v1;
	s16 =	sadd.s32 s8, s15;
	s28 =	sshll.u32 s2, $0x6;
	s2 =	rddreg [dreg:$0x3]  }
0x25: {  	vm4 =	vcmask $0xF0C;
	v0 =	vsel vm15, $0x3200, v0;
	v1 =	vsel vm15, $0x3219, v1;
	s22 =	sadd.s32 s8, s21;
	s31 =	sshll.u32 s3, $0x6;
	[dreg:$0x18] =	wrdreg s0  }
0x26: {  	vm5 =	vcmask $0x1310;
	v0 =	vsel vm4, $0x4B00, v0;
	v1 =	vsel vm4, $0x4B19, v1;
	s5 =	sadd.s32 s8, s5;
	s6 =	sadd.s32 s8, s6;
	[dreg:$0x1b] =	wrdreg s11  }
0x27: {  	vm6 =	vcmask $0x1714;
	v0 =	vsel vm5, $0x32, v0;
	v1 =	vsel vm5, $0x4B, v1;
	s10 =	simm.s32 $0x3200;
	s15 =	simm.s32 $0x4B00;
	[dreg:$0x1e] =	wrdreg s16  }
0x28: {  	vm7 =	vcmask $0x1B18;
	v0 =	vsel vm6, $0x1932, v0;
	v1 =	vsel vm6, $0x194B, v1;
	s21 =	simm.s32 $0x1;
	s0 =	sadd.s32 s8, s4;
	[smem:$0x7FC] =	sst s22  }
0x29: {  	vm8 =	vcmask $0x1F1C;
	v0 =	vsel vm7, $0x3232, v0;
	v1 =	vsel vm7, $0x324B, v1;
	s3 =	sadd.s32 s8, s28;
	s4 =	sadd.s32 s8, s31;
	s11 =	simm.s32 $0x6400  }
0x2a: {  	vm9 =	vcmask $0x2320;
	v0 =	vsel vm8, $0x4B32, v0;
	v1 =	vsel vm8, $0x4B4B, v1;
	s16 =	simm.s32 $0xC800;
	[dreg:$0x19] =	wrdreg s0;
	s0 =	sadd.s32 s8, s9  }
0x2b: {  	vm10 =	vcmask $0x2724;
	v0 =	vsel vm9, $0x64, v0;
	v1 =	vsel vm9, $0x7D, v1;
	s22 =	simm.s32 $0x14500;
	[dreg:$0x1a] =	wrdreg s0;
	s0 =	sadd.s32 s8, s13  }
0x2c: {  	vm11 =	vcmask $0x2B28;
	v0 =	vsel vm10, $0x1964, v0;
	v1 =	vsel vm10, $0x197D, v1;
	s9 =	simm.s32 $0x1900;
	[dreg:$0x1c] =	wrdreg s0;
	s0 =	sadd.s32 s8, s14  }
0x2d: {  	vm12 =	vcmask $0x2F2C;
	v0 =	vsel vm11, $0x3264, v0;
	v1 =	vsel vm11, $0x327D, v1;
	s13 =	simm.s32 $0x9600;
	[dreg:$0x1d] =	wrdreg s0;
	s0 =	sadd.s32 s8, s18  }
0x2e: {  	vm13 =	vcmask $0x3330;
	v0 =	vsel vm12, $0x4B64, v0;
	v1 =	vsel vm12, $0x4B7D, v1;
	s14 =	simm.s32 $0xAF00;
	[dreg:$0x1f] =	wrdreg s0;
	s0 =	sadd.s32 s8, s20  }
0x2f: {  	vm14 =	vcmask $0x3734;
	v0 =	vsel vm13, $0x96, v0;
	v1 =	vsel vm13, $0xAF, v1;
	s18 =	simm.s32 $0xE100;
	[smem:$0x7FB] =	sst s0;
	s0 =	sadd.s32 s8, s24  }
0x30: {  	vm15 =	vcmask $0x3B38;
	v0 =	vsel vm14, $0x1996, v0;
	v1 =	vsel vm14, $0x19AF, v1;
	s20 =	simm.s32 $0x11300;
	s24 =	simm.s32 $0x0;
	[smem:$0x7FD] =	sst s0  }
0x31: {  	v0 =	vsel vm15, $0x3296, v0;
	v1 =	vsel vm15, $0x32AF, v1;
	s0 =	sadd.s32 s8, s26;
	s8 =	simm.s32 $0x3;
	_ =	strace $0x80000047  }
.LBB2_1:
0x32: {  	s25 =	rddreg [dreg:$0x5];
	s26 =	simm.s32 $0x12C00  }
0x33: {  	[tilespmem:s26], [sflag:$0x3] =	stream.linear.gather [hbm4b:s25+s17], $0x1900, $0x38;
	[tilespmem:$0x14700] =	vst v63  }
0x34: {  	_ =	swait.ge [sflag:s8], $0x1900  }
0x35: {  	[sflag:s8] =	ssyncset.done $0x0  }
0x36: {  	s31 =	rddreg [dreg:$0x8];
	[sflag:s8] =	ssyncadd.s32 $0xFFFFE700  }
0x37: {  	[tilespmem:s17], [sflag:$0x3] =	stream.linear.gather [hbm4b:s31+s17], $0x1900, $0x38;
	[tilespmem:$0x14700] =	vst v63  }
0x38: {  	_ =	swait.ge [sflag:s8], $0x1900  }
0x39: {  	[sflag:s8] =	ssyncset.done $0x0  }
0x3a: {  	s25 =	simm.s32 $0x0;
	[sflag:s8] =	ssyncadd.s32 $0xFFFFE700  }
0x3b: {  	v2 =	vld [tilespmem:s25+$0x0]  }
0x3c: {  	s26 =	simm.s32 $0x40;
	v3 =	vld [tilespmem:s25+$0x12C00]  }
.LBB2_2:
0x3d: {  	p0 =	sne.s32 s26, $0x63C0  }
.Ltmp0:
0x3e: {  	_ = 	snop;
	(pc) =	sbr.rel @p0 .LBB2_2-.Ltmp0, $4  }
0x3f: {  	_ = 	snop  }
0x40: {  	s28 =	sshra.s32 s26, $0x2  }
0x41: {  	s26 =	sadd.s32 $0x40, s26;
	v4 =	vadd.s32 v2, v3;
	v2 =	vld [tilespmem:s28+$0x0]  }
0x42: {  	v3 =	vld [tilespmem:s28+$0x12C00];
	[tilespmem:s25+$0x3200] =	vst v4;
	s25 =	smov.u32 s28  }
0x43: {  	_ =	sdelay $0x3  }
0x44: {  	v2 =	vadd.s32 v2, v3  }
0x45: {  	[tilespmem:s25+$0x3200] =	vst v2  }
0x46: {  	[tilespmem:s11], [sflag:$0x1] =	stream.indirect.gather [hbm4b:s29+s9], $0x1, s10, s9, $0xb8;
	[tilespmem:$0x14700] =	vst v63  }
0x47: {  	_ = 	snop  }
0x48: {  	[tilespmem:s12], [sflag:$0x1] =	stream.indirect.gather [hbm4b:s30+s9], $0x1, s10, s9, $0xb8;
	[tilespmem:$0x14700] =	vst v63  }
0x49: {  	_ = 	snop  }
0x4a: {  	[tilespmem:s13], [sflag:$0x1] =	stream.indirect.gather [hbm4b:s1+s9], $0x1, s10, s9, $0xb8;
	[tilespmem:$0x14700] =	vst v63  }
0x4b: {  	_ = 	snop  }
0x4c: {  	[tilespmem:s14], [sflag:$0x1] =	stream.indirect.gather [hbm4b:s2+s9], $0x1, s10, s9, $0xb8;
	[tilespmem:$0x14700] =	vst v63  }
0x4d: {  	s31 =	simm.s32 $0x0;
	s26 =	rddreg [dreg:$0x9]  }
0x4e: {  	[tilespmem:s9], [sflag:$0x3] =	stream.linear.gather [hbm4b:s26+s31], $0x1900, $0x38;
	[tilespmem:$0x14700] =	vst v63  }
0x4f: {  	_ =	swait.ge [sflag:s8], $0x1900  }
0x50: {  	[sflag:s8] =	ssyncset.done $0x0  }
0x51: {  	s25 =	simm.s32 $0x0;
	[sflag:s8] =	ssyncadd.s32 $0xFFFFE700  }
0x52: {  	v2 =	vld [tilespmem:s25+$0x1900]  }
0x53: {  	s26 =	simm.s32 $0x40;
	v3 =	vld [tilespmem:s25+$0x12C00]  }
.LBB2_4:
0x54: {  	p0 =	sne.s32 s26, $0x63C0  }
.Ltmp1:
0x55: {  	_ = 	snop;
	(pc) =	sbr.rel @p0 .LBB2_4-.Ltmp1, $4  }
0x56: {  	_ = 	snop  }
0x57: {  	s28 =	sshra.s32 s26, $0x2  }
0x58: {  	s26 =	sadd.s32 $0x40, s26;
	v4 =	vadd.s32 v2, v3;
	v2 =	vld [tilespmem:s28+$0x1900]  }
0x59: {  	v3 =	vld [tilespmem:s28+$0x12C00];
	[tilespmem:s25+$0x4B00] =	vst v4;
	s25 =	smov.u32 s28  }
0x5a: {  	_ =	sdelay $0x3  }
0x5b: {  	v2 =	vadd.s32 v2, v3  }
0x5c: {  	[tilespmem:s25+$0x4B00] =	vst v2  }
0x5d: {  	[tilespmem:s16], [sflag:$0x2] =	stream.indirect.gather [hbm4b:s29+s9], $0x1, s15, s9, $0xb8;
	[tilespmem:$0x14700] =	vst v63  }
0x5e: {  	_ = 	snop  }
0x5f: {  	[tilespmem:s18], [sflag:$0x2] =	stream.indirect.gather [hbm4b:s30+s9], $0x1, s15, s9, $0xb8;
	[tilespmem:$0x14700] =	vst v63  }
0x60: {  	_ = 	snop  }
0x61: {  	[tilespmem:s19], [sflag:$0x2] =	stream.indirect.gather [hbm4b:s1+s9], $0x1, s15, s9, $0xb8;
	[tilespmem:$0x14700] =	vst v63  }
0x62: {  	_ = 	snop  }
0x63: {  	[tilespmem:s20], [sflag:$0x2] =	stream.indirect.gather [hbm4b:s2+s9], $0x1, s15, s9, $0xb8;
	[tilespmem:$0x14700] =	vst v63  }
0x64: {  	_ =	swait.ge [sflag:s21], $0x1900  }
0x65: {  	[sflag:s21] =	ssyncset.done $0x0  }
0x66: {  	[sflag:s21] =	ssyncadd.s32 $0xFFFFE700  }
0x67: {  	_ =	swait.ge [sflag:s21], $0x1900  }
0x68: {  	[sflag:s21] =	ssyncset.done $0x0  }
0x69: {  	[sflag:s21] =	ssyncadd.s32 $0xFFFFE700  }
0x6a: {  	_ =	swait.ge [sflag:s21], $0x1900  }
0x6b: {  	[sflag:s21] =	ssyncset.done $0x0  }
0x6c: {  	[sflag:s21] =	ssyncadd.s32 $0xFFFFE700  }
0x6d: {  	_ =	swait.ge [sflag:s21], $0x1900  }
0x6e: {  	[sflag:s21] =	ssyncset.done $0x0  }
0x6f: {  	s25 =	simm.s32 $0x0;
	[sflag:s21] =	ssyncadd.s32 $0xFFFFE700  }
.LBB2_6:
0x70: {  	s26 =	smul.u32 $0xC8, s25;
	_ =	sdelay $0x1  }
0x71: {  	s28 =	sadd.s32 $0x0, s26  }
0x72: {  	v3 =	vadd.s32 s28, v1  }
0x73: {  	v5 =	vadd.s32 s28, v0;
	_ =	sdelay $0x3  }
0x74: {  	v2 =	vimm.f32 $0.0e+00;
	s31 =	sadd.s32 $0x1, s26;
	v3 =	vld.idx.msk [tilespmem:v3+s11+$0x0], $0xffff  }
0x75: {  	s28 =	simm.s32 $0x2;
	v4 =	vadd.s32 s31, v0;
	v7 =	vadd.s32 s31, v1;
	v6 =	vld.idx.msk [tilespmem:v5+s11+$0x0], $0xffff;
	v5 =	vimm.f32 $0.0e+00  }
.LBB2_7:
0x76: {  	p0 =	sne.s32 s28, $0x18  }
.Ltmp2:
0x77: {  	_ = 	snop;
	(pc) =	sbr.rel @p0 .LBB2_7-.Ltmp2, $3  }
0x78: {  	_ =	sdelay $0x1  }
0x79: {  	s31 =	sadd.s32 s26, s28;
	s28 =	sadd.s32 $0x1, s28;
	v2 =	vadd.f32 v3, v2;
	v3 =	vld.idx.msk [tilespmem:v7+s11+$0x0], $0xffff  }
0x7a: {  	v7 =	vadd.s32 s31, v1;
	v5 =	vadd.f32 v6, v5;
	v6 =	vld.idx.msk [tilespmem:v4+s11+$0x0], $0xffff;
	v4 =	vadd.s32 s31, v0  }
0x7b: {  	_ =	sdelay $0x3  }
0x7c: {  	v7 =	vld.idx.msk [tilespmem:v7+s11+$0x0], $0xffff  }
0x7d: {  	v4 =	vld.idx.msk [tilespmem:v4+s11+$0x0], $0xffff;
	_ =	sdelay $0x2  }
0x7e: {  	v2 =	vadd.f32 v3, v2;
	v3 =	vadd.f32 v6, v5;
	_ =	sdelay $0x1  }
0x7f: {  	s26 =	sshll.u32 s25, $0x4;
	s25 =	sadd.s32 $0x1, s25;
	v2 =	vadd.f32 v7, v2;
	v3 =	vadd.f32 v4, v3  }
0x80: {  	p0 =	sne.s32 s25, $0x20  }
.Ltmp3:
0x81: {  	v2 =	vadd.f32 v2, v3;
	(pc) =	sbr.rel @p0 .LBB2_6-.Ltmp3, $4  }
0x82: {  	_ = 	snop  }
0x83: {  	v2 =	vmul.f32 $1.999999960e-02, v2  }
0x84: {  	s26 =	sand.u32 $0x3FFFFFF0, s26  }
0x85: {  	[tilespmem:s26+$0x14500] =	vst v2  }
0x86: {  	s25 =	simm.s32 $0x0;
	s26 =	rddreg [dreg:$0x18]  }
0x87: {  	[hbm4b:s26+s25] =	stream.linear.scatter [tilespmem:s22], [sflag:$0x3], $0x200, $0x38;
	[tilespmem:$0x14700] =	vst v63  }
0x88: {  	_ =	swait.ge [sflag:s8], $0x200  }
0x89: {  	[sflag:s8] =	ssyncset.done $0x0  }
0x8a: {  	s31 =	rddreg [dreg:$0xa];
	[sflag:s8] =	ssyncadd.s32 $0xFFFFFE00  }
0x8b: {  	[tilespmem:s25], [sflag:$0x3] =	stream.linear.gather [hbm4b:s31+s25], $0x1900, $0x38;
	[tilespmem:$0x14700] =	vst v63  }
0x8c: {  	_ =	swait.ge [sflag:s8], $0x1900  }
0x8d: {  	[sflag:s8] =	ssyncset.done $0x0  }
0x8e: {  	s25 =	simm.s32 $0x0;
	[sflag:s8] =	ssyncadd.s32 $0xFFFFE700  }
0x8f: {  	v2 =	vld [tilespmem:s25+$0x0]  }
0x90: {  	s26 =	simm.s32 $0x40;
	v3 =	vld [tilespmem:s25+$0x12C00]  }
.LBB2_10:
0x91: {  	p0 =	sne.s32 s26, $0x63C0  }
.Ltmp4:
0x92: {  	_ = 	snop;
	(pc) =	sbr.rel @p0 .LBB2_10-.Ltmp4, $4  }
0x93: {  	_ = 	snop  }
0x94: {  	s28 =	sshra.s32 s26, $0x2  }
0x95: {  	s26 =	sadd.s32 $0x40, s26;
	v4 =	vadd.s32 v2, v3;
	v2 =	vld [tilespmem:s28+$0x0]  }
0x96: {  	v3 =	vld [tilespmem:s28+$0x12C00];
	[tilespmem:s25+$0x3200] =	vst v4;
	s25 =	smov.u32 s28  }
0x97: {  	_ =	sdelay $0x3  }
0x98: {  	v2 =	vadd.s32 v2, v3  }
0x99: {  	[tilespmem:s25+$0x3200] =	vst v2  }
0x9a: {  	[tilespmem:s11], [sflag:$0x1] =	stream.indirect.gather [hbm4b:s29+s9], $0x1, s10, s9, $0xb8;
	[tilespmem:$0x14700] =	vst v63  }
0x9b: {  	_ = 	snop  }
0x9c: {  	[tilespmem:s12], [sflag:$0x1] =	stream.indirect.gather [hbm4b:s30+s9], $0x1, s10, s9, $0xb8;
	[tilespmem:$0x14700] =	vst v63  }
0x9d: {  	_ = 	snop  }
0x9e: {  	[tilespmem:s13], [sflag:$0x1] =	stream.indirect.gather [hbm4b:s1+s9], $0x1, s10, s9, $0xb8;
	[tilespmem:$0x14700] =	vst v63  }
0x9f: {  	_ = 	snop  }
0xa0: {  	[tilespmem:s14], [sflag:$0x1] =	stream.indirect.gather [hbm4b:s2+s9], $0x1, s10, s9, $0xb8;
	[tilespmem:$0x14700] =	vst v63  }
0xa1: {  	_ =	swait.ge [sflag:s23], $0x1900  }
0xa2: {  	[sflag:s23] =	ssyncset.done $0x0  }
0xa3: {  	[sflag:s23] =	ssyncadd.s32 $0xFFFFE700  }
0xa4: {  	_ =	swait.ge [sflag:s23], $0x1900  }
0xa5: {  	[sflag:s23] =	ssyncset.done $0x0  }
0xa6: {  	[sflag:s23] =	ssyncadd.s32 $0xFFFFE700  }
0xa7: {  	_ =	swait.ge [sflag:s23], $0x1900  }
0xa8: {  	[sflag:s23] =	ssyncset.done $0x0  }
0xa9: {  	[sflag:s23] =	ssyncadd.s32 $0xFFFFE700  }
0xaa: {  	_ =	swait.ge [sflag:s23], $0x1900  }
0xab: {  	[sflag:s23] =	ssyncset.done $0x0  }
0xac: {  	s25 =	simm.s32 $0x0;
	[sflag:s23] =	ssyncadd.s32 $0xFFFFE700  }
.LBB2_12:
0xad: {  	s26 =	smul.u32 $0xC8, s25;
	_ =	sdelay $0x1  }
0xae: {  	s28 =	sadd.s32 $0x0, s26  }
0xaf: {  	v3 =	vadd.s32 s28, v1  }
0xb0: {  	v5 =	vadd.s32 s28, v0;
	_ =	sdelay $0x3  }
0xb1: {  	v2 =	vimm.f32 $0.0e+00;
	s31 =	sadd.s32 $0x1, s26;
	v3 =	vld.idx.msk [tilespmem:v3+s16+$0x0], $0xffff  }
0xb2: {  	s28 =	simm.s32 $0x2;
	v4 =	vadd.s32 s31, v0;
	v7 =	vadd.s32 s31, v1;
	v6 =	vld.idx.msk [tilespmem:v5+s16+$0x0], $0xffff;
	v5 =	vimm.f32 $0.0e+00  }
.LBB2_13:
0xb3: {  	p0 =	sne.s32 s28, $0x18  }
.Ltmp5:
0xb4: {  	_ = 	snop;
	(pc) =	sbr.rel @p0 .LBB2_13-.Ltmp5, $3  }
0xb5: {  	_ =	sdelay $0x1  }
0xb6: {  	s31 =	sadd.s32 s26, s28;
	s28 =	sadd.s32 $0x1, s28;
	v2 =	vadd.f32 v3, v2;
	v3 =	vld.idx.msk [tilespmem:v7+s16+$0x0], $0xffff  }
0xb7: {  	v7 =	vadd.s32 s31, v1;
	v5 =	vadd.f32 v6, v5;
	v6 =	vld.idx.msk [tilespmem:v4+s16+$0x0], $0xffff;
	v4 =	vadd.s32 s31, v0  }
0xb8: {  	_ =	sdelay $0x3  }
0xb9: {  	v7 =	vld.idx.msk [tilespmem:v7+s16+$0x0], $0xffff  }
0xba: {  	v4 =	vld.idx.msk [tilespmem:v4+s16+$0x0], $0xffff;
	_ =	sdelay $0x2  }
0xbb: {  	v2 =	vadd.f32 v3, v2;
	v3 =	vadd.f32 v6, v5;
	_ =	sdelay $0x1  }
0xbc: {  	s26 =	sshll.u32 s25, $0x4;
	s25 =	sadd.s32 $0x1, s25;
	v2 =	vadd.f32 v7, v2;
	v3 =	vadd.f32 v4, v3  }
0xbd: {  	p0 =	sne.s32 s25, $0x20  }
.Ltmp6:
0xbe: {  	v2 =	vadd.f32 v2, v3;
	(pc) =	sbr.rel @p0 .LBB2_12-.Ltmp6, $4  }
0xbf: {  	_ = 	snop  }
0xc0: {  	v2 =	vmul.f32 $1.999999960e-02, v2  }
0xc1: {  	s26 =	sand.u32 $0x3FFFFFF0, s26  }
0xc2: {  	[tilespmem:s26+$0x14500] =	vst v2  }
0xc3: {  	s25 =	simm.s32 $0x0;
	s26 =	rddreg [dreg:$0x19]  }
0xc4: {  	[hbm4b:s26+s25] =	stream.linear.scatter [tilespmem:s22], [sflag:$0x3], $0x200, $0x38;
	[tilespmem:$0x14700] =	vst v63  }
0xc5: {  	_ =	swait.ge [sflag:s8], $0x200  }
0xc6: {  	[sflag:s8] =	ssyncset.done $0x0  }
0xc7: {  	s31 =	rddreg [dreg:$0xb];
	[sflag:s8] =	ssyncadd.s32 $0xFFFFFE00  }
0xc8: {  	[tilespmem:s9], [sflag:$0x3] =	stream.linear.gather [hbm4b:s31+s25], $0x1900, $0x38;
	[tilespmem:$0x14700] =	vst v63  }
0xc9: {  	_ =	swait.ge [sflag:s8], $0x1900  }
0xca: {  	[sflag:s8] =	ssyncset.done $0x0  }
0xcb: {  	s25 =	simm.s32 $0x0;
	[sflag:s8] =	ssyncadd.s32 $0xFFFFE700  }
0xcc: {  	v2 =	vld [tilespmem:s25+$0x1900]  }
0xcd: {  	s26 =	simm.s32 $0x40;
	v3 =	vld [tilespmem:s25+$0x12C00]  }
.LBB2_16:
0xce: {  	p0 =	sne.s32 s26, $0x63C0  }
.Ltmp7:
0xcf: {  	_ = 	snop;
	(pc) =	sbr.rel @p0 .LBB2_16-.Ltmp7, $4  }
0xd0: {  	_ = 	snop  }
0xd1: {  	s28 =	sshra.s32 s26, $0x2  }
0xd2: {  	s26 =	sadd.s32 $0x40, s26;
	v4 =	vadd.s32 v2, v3;
	v2 =	vld [tilespmem:s28+$0x1900]  }
0xd3: {  	v3 =	vld [tilespmem:s28+$0x12C00];
	[tilespmem:s25+$0x4B00] =	vst v4;
	s25 =	smov.u32 s28  }
0xd4: {  	_ =	sdelay $0x3  }
0xd5: {  	v2 =	vadd.s32 v2, v3  }
0xd6: {  	[tilespmem:s25+$0x4B00] =	vst v2  }
0xd7: {  	[tilespmem:s16], [sflag:$0x2] =	stream.indirect.gather [hbm4b:s29+s9], $0x1, s15, s9, $0xb8;
	[tilespmem:$0x14700] =	vst v63  }
0xd8: {  	_ = 	snop  }
0xd9: {  	[tilespmem:s18], [sflag:$0x2] =	stream.indirect.gather [hbm4b:s30+s9], $0x1, s15, s9, $0xb8;
	[tilespmem:$0x14700] =	vst v63  }
0xda: {  	_ = 	snop  }
0xdb: {  	[tilespmem:s19], [sflag:$0x2] =	stream.indirect.gather [hbm4b:s1+s9], $0x1, s15, s9, $0xb8;
	[tilespmem:$0x14700] =	vst v63  }
0xdc: {  	_ = 	snop  }
0xdd: {  	[tilespmem:s20], [sflag:$0x2] =	stream.indirect.gather [hbm4b:s2+s9], $0x1, s15, s9, $0xb8;
	[tilespmem:$0x14700] =	vst v63  }
0xde: {  	_ =	swait.ge [sflag:s21], $0x1900  }
0xdf: {  	[sflag:s21] =	ssyncset.done $0x0  }
0xe0: {  	[sflag:s21] =	ssyncadd.s32 $0xFFFFE700  }
0xe1: {  	_ =	swait.ge [sflag:s21], $0x1900  }
0xe2: {  	[sflag:s21] =	ssyncset.done $0x0  }
0xe3: {  	[sflag:s21] =	ssyncadd.s32 $0xFFFFE700  }
0xe4: {  	_ =	swait.ge [sflag:s21], $0x1900  }
0xe5: {  	[sflag:s21] =	ssyncset.done $0x0  }
0xe6: {  	[sflag:s21] =	ssyncadd.s32 $0xFFFFE700  }
0xe7: {  	_ =	swait.ge [sflag:s21], $0x1900  }
0xe8: {  	[sflag:s21] =	ssyncset.done $0x0  }
0xe9: {  	s25 =	simm.s32 $0x0;
	[sflag:s21] =	ssyncadd.s32 $0xFFFFE700  }
.LBB2_18:
0xea: {  	s26 =	smul.u32 $0xC8, s25;
	_ =	sdelay $0x1  }
0xeb: {  	s28 =	sadd.s32 $0x0, s26  }
0xec: {  	v3 =	vadd.s32 s28, v1  }
0xed: {  	v5 =	vadd.s32 s28, v0;
	_ =	sdelay $0x3  }
0xee: {  	v2 =	vimm.f32 $0.0e+00;
	s31 =	sadd.s32 $0x1, s26;
	v3 =	vld.idx.msk [tilespmem:v3+s11+$0x0], $0xffff  }
0xef: {  	s28 =	simm.s32 $0x2;
	v4 =	vadd.s32 s31, v0;
	v7 =	vadd.s32 s31, v1;
	v6 =	vld.idx.msk [tilespmem:v5+s11+$0x0], $0xffff;
	v5 =	vimm.f32 $0.0e+00  }
.LBB2_19:
0xf0: {  	p0 =	sne.s32 s28, $0x18  }
.Ltmp8:
0xf1: {  	_ = 	snop;
	(pc) =	sbr.rel @p0 .LBB2_19-.Ltmp8, $3  }
0xf2: {  	_ =	sdelay $0x1  }
0xf3: {  	s31 =	sadd.s32 s26, s28;
	s28 =	sadd.s32 $0x1, s28;
	v2 =	vadd.f32 v3, v2;
	v3 =	vld.idx.msk [tilespmem:v7+s11+$0x0], $0xffff  }
0xf4: {  	v7 =	vadd.s32 s31, v1;
	v5 =	vadd.f32 v6, v5;
	v6 =	vld.idx.msk [tilespmem:v4+s11+$0x0], $0xffff;
	v4 =	vadd.s32 s31, v0  }
0xf5: {  	_ =	sdelay $0x3  }
0xf6: {  	v7 =	vld.idx.msk [tilespmem:v7+s11+$0x0], $0xffff  }
0xf7: {  	v4 =	vld.idx.msk [tilespmem:v4+s11+$0x0], $0xffff;
	_ =	sdelay $0x2  }
0xf8: {  	v2 =	vadd.f32 v3, v2;
	v3 =	vadd.f32 v6, v5;
	_ =	sdelay $0x1  }
0xf9: {  	s26 =	sshll.u32 s25, $0x4;
	s25 =	sadd.s32 $0x1, s25;
	v2 =	vadd.f32 v7, v2;
	v3 =	vadd.f32 v4, v3  }
0xfa: {  	p0 =	sne.s32 s25, $0x20  }
.Ltmp9:
0xfb: {  	v2 =	vadd.f32 v2, v3;
	(pc) =	sbr.rel @p0 .LBB2_18-.Ltmp9, $4  }
0xfc: {  	_ = 	snop  }
0xfd: {  	v2 =	vmul.f32 $1.999999960e-02, v2  }
0xfe: {  	s26 =	sand.u32 $0x3FFFFFF0, s26  }
0xff: {  	[tilespmem:s26+$0x14500] =	vst v2  }
0x100: {  	s25 =	simm.s32 $0x0;
	s26 =	rddreg [dreg:$0x1a]  }
0x101: {  	[hbm4b:s26+s25] =	stream.linear.scatter [tilespmem:s22], [sflag:$0x3], $0x200, $0x38;
	[tilespmem:$0x14700] =	vst v63  }
0x102: {  	_ =	swait.ge [sflag:s8], $0x200  }
0x103: {  	[sflag:s8] =	ssyncset.done $0x0  }
0x104: {  	s31 =	rddreg [dreg:$0xc];
	[sflag:s8] =	ssyncadd.s32 $0xFFFFFE00  }
0x105: {  	[tilespmem:s25], [sflag:$0x3] =	stream.linear.gather [hbm4b:s31+s25], $0x1900, $0x38;
	[tilespmem:$0x14700] =	vst v63  }
0x106: {  	_ =	swait.ge [sflag:s8], $0x1900  }
0x107: {  	[sflag:s8] =	ssyncset.done $0x0  }
0x108: {  	s25 =	simm.s32 $0x0;
	[sflag:s8] =	ssyncadd.s32 $0xFFFFE700  }
0x109: {  	v2 =	vld [tilespmem:s25+$0x0]  }
0x10a: {  	s26 =	simm.s32 $0x40;
	v3 =	vld [tilespmem:s25+$0x12C00]  }
.LBB2_22:
0x10b: {  	p0 =	sne.s32 s26, $0x63C0  }
.Ltmp10:
0x10c: {  	_ = 	snop;
	(pc) =	sbr.rel @p0 .LBB2_22-.Ltmp10, $4  }
0x10d: {  	_ = 	snop  }
0x10e: {  	s28 =	sshra.s32 s26, $0x2  }
0x10f: {  	s26 =	sadd.s32 $0x40, s26;
	v4 =	vadd.s32 v2, v3;
	v2 =	vld [tilespmem:s28+$0x0]  }
0x110: {  	v3 =	vld [tilespmem:s28+$0x12C00];
	[tilespmem:s25+$0x3200] =	vst v4;
	s25 =	smov.u32 s28  }
0x111: {  	_ =	sdelay $0x3  }
0x112: {  	v2 =	vadd.s32 v2, v3  }
0x113: {  	[tilespmem:s25+$0x3200] =	vst v2  }
0x114: {  	[tilespmem:s11], [sflag:$0x1] =	stream.indirect.gather [hbm4b:s29+s9], $0x1, s10, s9, $0xb8;
	[tilespmem:$0x14700] =	vst v63  }
0x115: {  	_ = 	snop  }
0x116: {  	[tilespmem:s12], [sflag:$0x1] =	stream.indirect.gather [hbm4b:s30+s9], $0x1, s10, s9, $0xb8;
	[tilespmem:$0x14700] =	vst v63  }
0x117: {  	_ = 	snop  }
0x118: {  	[tilespmem:s13], [sflag:$0x1] =	stream.indirect.gather [hbm4b:s1+s9], $0x1, s10, s9, $0xb8;
	[tilespmem:$0x14700] =	vst v63  }
0x119: {  	_ = 	snop  }
0x11a: {  	[tilespmem:s14], [sflag:$0x1] =	stream.indirect.gather [hbm4b:s2+s9], $0x1, s10, s9, $0xb8;
	[tilespmem:$0x14700] =	vst v63  }
0x11b: {  	_ =	swait.ge [sflag:s23], $0x1900  }
0x11c: {  	[sflag:s23] =	ssyncset.done $0x0  }
0x11d: {  	[sflag:s23] =	ssyncadd.s32 $0xFFFFE700  }
0x11e: {  	_ =	swait.ge [sflag:s23], $0x1900  }
0x11f: {  	[sflag:s23] =	ssyncset.done $0x0  }
0x120: {  	[sflag:s23] =	ssyncadd.s32 $0xFFFFE700  }
0x121: {  	_ =	swait.ge [sflag:s23], $0x1900  }
0x122: {  	[sflag:s23] =	ssyncset.done $0x0  }
0x123: {  	[sflag:s23] =	ssyncadd.s32 $0xFFFFE700  }
0x124: {  	_ =	swait.ge [sflag:s23], $0x1900  }
0x125: {  	[sflag:s23] =	ssyncset.done $0x0  }
0x126: {  	s25 =	simm.s32 $0x0;
	[sflag:s23] =	ssyncadd.s32 $0xFFFFE700  }
.LBB2_24:
0x127: {  	s26 =	smul.u32 $0xC8, s25;
	_ =	sdelay $0x1  }
0x128: {  	s28 =	sadd.s32 $0x0, s26  }
0x129: {  	v3 =	vadd.s32 s28, v1  }
0x12a: {  	v5 =	vadd.s32 s28, v0;
	_ =	sdelay $0x3  }
0x12b: {  	v2 =	vimm.f32 $0.0e+00;
	s31 =	sadd.s32 $0x1, s26;
	v3 =	vld.idx.msk [tilespmem:v3+s16+$0x0], $0xffff  }
0x12c: {  	s28 =	simm.s32 $0x2;
	v4 =	vadd.s32 s31, v0;
	v7 =	vadd.s32 s31, v1;
	v6 =	vld.idx.msk [tilespmem:v5+s16+$0x0], $0xffff;
	v5 =	vimm.f32 $0.0e+00  }
.LBB2_25:
0x12d: {  	p0 =	sne.s32 s28, $0x18  }
.Ltmp11:
0x12e: {  	_ = 	snop;
	(pc) =	sbr.rel @p0 .LBB2_25-.Ltmp11, $3  }
0x12f: {  	_ =	sdelay $0x1  }
0x130: {  	s31 =	sadd.s32 s26, s28;
	s28 =	sadd.s32 $0x1, s28;
	v2 =	vadd.f32 v3, v2;
	v3 =	vld.idx.msk [tilespmem:v7+s16+$0x0], $0xffff  }
0x131: {  	v7 =	vadd.s32 s31, v1;
	v5 =	vadd.f32 v6, v5;
	v6 =	vld.idx.msk [tilespmem:v4+s16+$0x0], $0xffff;
	v4 =	vadd.s32 s31, v0  }
0x132: {  	_ =	sdelay $0x3  }
0x133: {  	v7 =	vld.idx.msk [tilespmem:v7+s16+$0x0], $0xffff  }
0x134: {  	v4 =	vld.idx.msk [tilespmem:v4+s16+$0x0], $0xffff;
	_ =	sdelay $0x2  }
0x135: {  	v2 =	vadd.f32 v3, v2;
	v3 =	vadd.f32 v6, v5;
	_ =	sdelay $0x1  }
0x136: {  	s26 =	sshll.u32 s25, $0x4;
	s25 =	sadd.s32 $0x1, s25;
	v2 =	vadd.f32 v7, v2;
	v3 =	vadd.f32 v4, v3  }
0x137: {  	p0 =	sne.s32 s25, $0x20  }
.Ltmp12:
0x138: {  	v2 =	vadd.f32 v2, v3;
	(pc) =	sbr.rel @p0 .LBB2_24-.Ltmp12, $4  }
0x139: {  	_ = 	snop  }
0x13a: {  	v2 =	vmul.f32 $1.999999960e-02, v2  }
0x13b: {  	s26 =	sand.u32 $0x3FFFFFF0, s26  }
0x13c: {  	[tilespmem:s26+$0x14500] =	vst v2  }
0x13d: {  	s25 =	simm.s32 $0x0;
	s26 =	rddreg [dreg:$0x1b]  }
0x13e: {  	[hbm4b:s26+s25] =	stream.linear.scatter [tilespmem:s22], [sflag:$0x3], $0x200, $0x38;
	[tilespmem:$0x14700] =	vst v63  }
0x13f: {  	_ =	swait.ge [sflag:s8], $0x200  }
0x140: {  	[sflag:s8] =	ssyncset.done $0x0  }
0x141: {  	s31 =	rddreg [dreg:$0xd];
	[sflag:s8] =	ssyncadd.s32 $0xFFFFFE00  }
0x142: {  	[tilespmem:s9], [sflag:$0x3] =	stream.linear.gather [hbm4b:s31+s25], $0x1900, $0x38;
	[tilespmem:$0x14700] =	vst v63  }
0x143: {  	_ =	swait.ge [sflag:s8], $0x1900  }
0x144: {  	[sflag:s8] =	ssyncset.done $0x0  }
0x145: {  	s25 =	simm.s32 $0x0;
	[sflag:s8] =	ssyncadd.s32 $0xFFFFE700  }
0x146: {  	v2 =	vld [tilespmem:s25+$0x1900]  }
0x147: {  	s26 =	simm.s32 $0x40;
	v3 =	vld [tilespmem:s25+$0x12C00]  }
.LBB2_28:
0x148: {  	p0 =	sne.s32 s26, $0x63C0  }
.Ltmp13:
0x149: {  	_ = 	snop;
	(pc) =	sbr.rel @p0 .LBB2_28-.Ltmp13, $4  }
0x14a: {  	_ = 	snop  }
0x14b: {  	s28 =	sshra.s32 s26, $0x2  }
0x14c: {  	s26 =	sadd.s32 $0x40, s26;
	v4 =	vadd.s32 v2, v3;
	v2 =	vld [tilespmem:s28+$0x1900]  }
0x14d: {  	v3 =	vld [tilespmem:s28+$0x12C00];
	[tilespmem:s25+$0x4B00] =	vst v4;
	s25 =	smov.u32 s28  }
0x14e: {  	_ =	sdelay $0x3  }
0x14f: {  	v2 =	vadd.s32 v2, v3  }
0x150: {  	[tilespmem:s25+$0x4B00] =	vst v2  }
0x151: {  	[tilespmem:s16], [sflag:$0x2] =	stream.indirect.gather [hbm4b:s29+s9], $0x1, s15, s9, $0xb8;
	[tilespmem:$0x14700] =	vst v63  }
0x152: {  	_ = 	snop  }
0x153: {  	[tilespmem:s18], [sflag:$0x2] =	stream.indirect.gather [hbm4b:s30+s9], $0x1, s15, s9, $0xb8;
	[tilespmem:$0x14700] =	vst v63  }
0x154: {  	_ = 	snop  }
0x155: {  	[tilespmem:s19], [sflag:$0x2] =	stream.indirect.gather [hbm4b:s1+s9], $0x1, s15, s9, $0xb8;
	[tilespmem:$0x14700] =	vst v63  }
0x156: {  	_ = 	snop  }
0x157: {  	[tilespmem:s20], [sflag:$0x2] =	stream.indirect.gather [hbm4b:s2+s9], $0x1, s15, s9, $0xb8;
	[tilespmem:$0x14700] =	vst v63  }
0x158: {  	_ =	swait.ge [sflag:s21], $0x1900  }
0x159: {  	[sflag:s21] =	ssyncset.done $0x0  }
0x15a: {  	[sflag:s21] =	ssyncadd.s32 $0xFFFFE700  }
0x15b: {  	_ =	swait.ge [sflag:s21], $0x1900  }
0x15c: {  	[sflag:s21] =	ssyncset.done $0x0  }
0x15d: {  	[sflag:s21] =	ssyncadd.s32 $0xFFFFE700  }
0x15e: {  	_ =	swait.ge [sflag:s21], $0x1900  }
0x15f: {  	[sflag:s21] =	ssyncset.done $0x0  }
0x160: {  	[sflag:s21] =	ssyncadd.s32 $0xFFFFE700  }
0x161: {  	_ =	swait.ge [sflag:s21], $0x1900  }
0x162: {  	[sflag:s21] =	ssyncset.done $0x0  }
0x163: {  	s25 =	simm.s32 $0x0;
	[sflag:s21] =	ssyncadd.s32 $0xFFFFE700  }
.LBB2_30:
0x164: {  	s26 =	smul.u32 $0xC8, s25;
	_ =	sdelay $0x1  }
0x165: {  	s28 =	sadd.s32 $0x0, s26  }
0x166: {  	v3 =	vadd.s32 s28, v1  }
0x167: {  	v5 =	vadd.s32 s28, v0;
	_ =	sdelay $0x3  }
0x168: {  	v2 =	vimm.f32 $0.0e+00;
	s31 =	sadd.s32 $0x1, s26;
	v3 =	vld.idx.msk [tilespmem:v3+s11+$0x0], $0xffff  }
0x169: {  	s28 =	simm.s32 $0x2;
	v4 =	vadd.s32 s31, v0;
	v7 =	vadd.s32 s31, v1;
	v6 =	vld.idx.msk [tilespmem:v5+s11+$0x0], $0xffff;
	v5 =	vimm.f32 $0.0e+00  }
.LBB2_31:
0x16a: {  	p0 =	sne.s32 s28, $0x18  }
.Ltmp14:
0x16b: {  	_ = 	snop;
	(pc) =	sbr.rel @p0 .LBB2_31-.Ltmp14, $3  }
0x16c: {  	_ =	sdelay $0x1  }
0x16d: {  	s31 =	sadd.s32 s26, s28;
	s28 =	sadd.s32 $0x1, s28;
	v2 =	vadd.f32 v3, v2;
	v3 =	vld.idx.msk [tilespmem:v7+s11+$0x0], $0xffff  }
0x16e: {  	v7 =	vadd.s32 s31, v1;
	v5 =	vadd.f32 v6, v5;
	v6 =	vld.idx.msk [tilespmem:v4+s11+$0x0], $0xffff;
	v4 =	vadd.s32 s31, v0  }
0x16f: {  	_ =	sdelay $0x3  }
0x170: {  	v7 =	vld.idx.msk [tilespmem:v7+s11+$0x0], $0xffff  }
0x171: {  	v4 =	vld.idx.msk [tilespmem:v4+s11+$0x0], $0xffff;
	_ =	sdelay $0x2  }
0x172: {  	v2 =	vadd.f32 v3, v2;
	v3 =	vadd.f32 v6, v5;
	_ =	sdelay $0x1  }
0x173: {  	s26 =	sshll.u32 s25, $0x4;
	s25 =	sadd.s32 $0x1, s25;
	v2 =	vadd.f32 v7, v2;
	v3 =	vadd.f32 v4, v3  }
0x174: {  	p0 =	sne.s32 s25, $0x20  }
.Ltmp15:
0x175: {  	v2 =	vadd.f32 v2, v3;
	(pc) =	sbr.rel @p0 .LBB2_30-.Ltmp15, $4  }
0x176: {  	_ = 	snop  }
0x177: {  	v2 =	vmul.f32 $1.999999960e-02, v2  }
0x178: {  	s26 =	sand.u32 $0x3FFFFFF0, s26  }
0x179: {  	[tilespmem:s26+$0x14500] =	vst v2  }
0x17a: {  	s25 =	simm.s32 $0x0;
	s26 =	rddreg [dreg:$0x1c]  }
0x17b: {  	[hbm4b:s26+s25] =	stream.linear.scatter [tilespmem:s22], [sflag:$0x3], $0x200, $0x38;
	[tilespmem:$0x14700] =	vst v63  }
0x17c: {  	_ =	swait.ge [sflag:s8], $0x200  }
0x17d: {  	[sflag:s8] =	ssyncset.done $0x0  }
0x17e: {  	s31 =	rddreg [dreg:$0xe];
	[sflag:s8] =	ssyncadd.s32 $0xFFFFFE00  }
0x17f: {  	[tilespmem:s25], [sflag:$0x3] =	stream.linear.gather [hbm4b:s31+s25], $0x1900, $0x38;
	[tilespmem:$0x14700] =	vst v63  }
0x180: {  	_ =	swait.ge [sflag:s8], $0x1900  }
0x181: {  	[sflag:s8] =	ssyncset.done $0x0  }
0x182: {  	s25 =	simm.s32 $0x0;
	[sflag:s8] =	ssyncadd.s32 $0xFFFFE700  }
0x183: {  	v2 =	vld [tilespmem:s25+$0x0]  }
0x184: {  	s26 =	simm.s32 $0x40;
	v3 =	vld [tilespmem:s25+$0x12C00]  }
.LBB2_34:
0x185: {  	p0 =	sne.s32 s26, $0x63C0  }
.Ltmp16:
0x186: {  	_ = 	snop;
	(pc) =	sbr.rel @p0 .LBB2_34-.Ltmp16, $4  }
0x187: {  	_ = 	snop  }
0x188: {  	s28 =	sshra.s32 s26, $0x2  }
0x189: {  	s26 =	sadd.s32 $0x40, s26;
	v4 =	vadd.s32 v2, v3;
	v2 =	vld [tilespmem:s28+$0x0]  }
0x18a: {  	v3 =	vld [tilespmem:s28+$0x12C00];
	[tilespmem:s25+$0x3200] =	vst v4;
	s25 =	smov.u32 s28  }
0x18b: {  	_ =	sdelay $0x3  }
0x18c: {  	v2 =	vadd.s32 v2, v3  }
0x18d: {  	[tilespmem:s25+$0x3200] =	vst v2  }
0x18e: {  	[tilespmem:s11], [sflag:$0x1] =	stream.indirect.gather [hbm4b:s29+s9], $0x1, s10, s9, $0xb8;
	[tilespmem:$0x14700] =	vst v63  }
0x18f: {  	_ = 	snop  }
0x190: {  	[tilespmem:s12], [sflag:$0x1] =	stream.indirect.gather [hbm4b:s30+s9], $0x1, s10, s9, $0xb8;
	[tilespmem:$0x14700] =	vst v63  }
0x191: {  	_ = 	snop  }
0x192: {  	[tilespmem:s13], [sflag:$0x1] =	stream.indirect.gather [hbm4b:s1+s9], $0x1, s10, s9, $0xb8;
	[tilespmem:$0x14700] =	vst v63  }
0x193: {  	_ = 	snop  }
0x194: {  	[tilespmem:s14], [sflag:$0x1] =	stream.indirect.gather [hbm4b:s2+s9], $0x1, s10, s9, $0xb8;
	[tilespmem:$0x14700] =	vst v63  }
0x195: {  	_ =	swait.ge [sflag:s23], $0x1900  }
0x196: {  	[sflag:s23] =	ssyncset.done $0x0  }
0x197: {  	[sflag:s23] =	ssyncadd.s32 $0xFFFFE700  }
0x198: {  	_ =	swait.ge [sflag:s23], $0x1900  }
0x199: {  	[sflag:s23] =	ssyncset.done $0x0  }
0x19a: {  	[sflag:s23] =	ssyncadd.s32 $0xFFFFE700  }
0x19b: {  	_ =	swait.ge [sflag:s23], $0x1900  }
0x19c: {  	[sflag:s23] =	ssyncset.done $0x0  }
0x19d: {  	[sflag:s23] =	ssyncadd.s32 $0xFFFFE700  }
0x19e: {  	_ =	swait.ge [sflag:s23], $0x1900  }
0x19f: {  	[sflag:s23] =	ssyncset.done $0x0  }
0x1a0: {  	s25 =	simm.s32 $0x0;
	[sflag:s23] =	ssyncadd.s32 $0xFFFFE700  }
.LBB2_36:
0x1a1: {  	s26 =	smul.u32 $0xC8, s25;
	_ =	sdelay $0x1  }
0x1a2: {  	s28 =	sadd.s32 $0x0, s26  }
0x1a3: {  	v3 =	vadd.s32 s28, v1  }
0x1a4: {  	v5 =	vadd.s32 s28, v0;
	_ =	sdelay $0x3  }
0x1a5: {  	v2 =	vimm.f32 $0.0e+00;
	s31 =	sadd.s32 $0x1, s26;
	v3 =	vld.idx.msk [tilespmem:v3+s16+$0x0], $0xffff  }
0x1a6: {  	s28 =	simm.s32 $0x2;
	v4 =	vadd.s32 s31, v0;
	v7 =	vadd.s32 s31, v1;
	v6 =	vld.idx.msk [tilespmem:v5+s16+$0x0], $0xffff;
	v5 =	vimm.f32 $0.0e+00  }
.LBB2_37:
0x1a7: {  	p0 =	sne.s32 s28, $0x18  }
.Ltmp17:
0x1a8: {  	_ = 	snop;
	(pc) =	sbr.rel @p0 .LBB2_37-.Ltmp17, $3  }
0x1a9: {  	_ =	sdelay $0x1  }
0x1aa: {  	s31 =	sadd.s32 s26, s28;
	s28 =	sadd.s32 $0x1, s28;
	v2 =	vadd.f32 v3, v2;
	v3 =	vld.idx.msk [tilespmem:v7+s16+$0x0], $0xffff  }
0x1ab: {  	v7 =	vadd.s32 s31, v1;
	v5 =	vadd.f32 v6, v5;
	v6 =	vld.idx.msk [tilespmem:v4+s16+$0x0], $0xffff;
	v4 =	vadd.s32 s31, v0  }
0x1ac: {  	_ =	sdelay $0x3  }
0x1ad: {  	v7 =	vld.idx.msk [tilespmem:v7+s16+$0x0], $0xffff  }
0x1ae: {  	v4 =	vld.idx.msk [tilespmem:v4+s16+$0x0], $0xffff;
	_ =	sdelay $0x2  }
0x1af: {  	v2 =	vadd.f32 v3, v2;
	v3 =	vadd.f32 v6, v5;
	_ =	sdelay $0x1  }
0x1b0: {  	s26 =	sshll.u32 s25, $0x4;
	s25 =	sadd.s32 $0x1, s25;
	v2 =	vadd.f32 v7, v2;
	v3 =	vadd.f32 v4, v3  }
0x1b1: {  	p0 =	sne.s32 s25, $0x20  }
.Ltmp18:
0x1b2: {  	v2 =	vadd.f32 v2, v3;
	(pc) =	sbr.rel @p0 .LBB2_36-.Ltmp18, $4  }
0x1b3: {  	_ = 	snop  }
0x1b4: {  	v2 =	vmul.f32 $1.999999960e-02, v2  }
0x1b5: {  	s26 =	sand.u32 $0x3FFFFFF0, s26  }
0x1b6: {  	[tilespmem:s26+$0x14500] =	vst v2  }
0x1b7: {  	s25 =	simm.s32 $0x0;
	s26 =	rddreg [dreg:$0x1d]  }
0x1b8: {  	[hbm4b:s26+s25] =	stream.linear.scatter [tilespmem:s22], [sflag:$0x3], $0x200, $0x38;
	[tilespmem:$0x14700] =	vst v63  }
0x1b9: {  	_ =	swait.ge [sflag:s8], $0x200  }
0x1ba: {  	[sflag:s8] =	ssyncset.done $0x0  }
0x1bb: {  	s31 =	rddreg [dreg:$0xf];
	[sflag:s8] =	ssyncadd.s32 $0xFFFFFE00  }
0x1bc: {  	[tilespmem:s9], [sflag:$0x3] =	stream.linear.gather [hbm4b:s31+s25], $0x1900, $0x38;
	[tilespmem:$0x14700] =	vst v63  }
0x1bd: {  	_ =	swait.ge [sflag:s8], $0x1900  }
0x1be: {  	[sflag:s8] =	ssyncset.done $0x0  }
0x1bf: {  	s25 =	simm.s32 $0x0;
	[sflag:s8] =	ssyncadd.s32 $0xFFFFE700  }
0x1c0: {  	v2 =	vld [tilespmem:s25+$0x1900]  }
0x1c1: {  	s26 =	simm.s32 $0x40;
	v3 =	vld [tilespmem:s25+$0x12C00]  }
.LBB2_40:
0x1c2: {  	p0 =	sne.s32 s26, $0x63C0  }
.Ltmp19:
0x1c3: {  	_ = 	snop;
	(pc) =	sbr.rel @p0 .LBB2_40-.Ltmp19, $4  }
0x1c4: {  	_ = 	snop  }
0x1c5: {  	s28 =	sshra.s32 s26, $0x2  }
0x1c6: {  	s26 =	sadd.s32 $0x40, s26;
	v4 =	vadd.s32 v2, v3;
	v2 =	vld [tilespmem:s28+$0x1900]  }
0x1c7: {  	v3 =	vld [tilespmem:s28+$0x12C00];
	[tilespmem:s25+$0x4B00] =	vst v4;
	s25 =	smov.u32 s28  }
0x1c8: {  	_ =	sdelay $0x3  }
0x1c9: {  	v2 =	vadd.s32 v2, v3  }
0x1ca: {  	[tilespmem:s25+$0x4B00] =	vst v2  }
0x1cb: {  	[tilespmem:s16], [sflag:$0x2] =	stream.indirect.gather [hbm4b:s29+s9], $0x1, s15, s9, $0xb8;
	[tilespmem:$0x14700] =	vst v63  }
0x1cc: {  	_ = 	snop  }
0x1cd: {  	[tilespmem:s18], [sflag:$0x2] =	stream.indirect.gather [hbm4b:s30+s9], $0x1, s15, s9, $0xb8;
	[tilespmem:$0x14700] =	vst v63  }
0x1ce: {  	_ = 	snop  }
0x1cf: {  	[tilespmem:s19], [sflag:$0x2] =	stream.indirect.gather [hbm4b:s1+s9], $0x1, s15, s9, $0xb8;
	[tilespmem:$0x14700] =	vst v63  }
0x1d0: {  	_ = 	snop  }
0x1d1: {  	[tilespmem:s20], [sflag:$0x2] =	stream.indirect.gather [hbm4b:s2+s9], $0x1, s15, s9, $0xb8;
	[tilespmem:$0x14700] =	vst v63  }
0x1d2: {  	_ =	swait.ge [sflag:s21], $0x1900  }
0x1d3: {  	[sflag:s21] =	ssyncset.done $0x0  }
0x1d4: {  	[sflag:s21] =	ssyncadd.s32 $0xFFFFE700  }
0x1d5: {  	_ =	swait.ge [sflag:s21], $0x1900  }
0x1d6: {  	[sflag:s21] =	ssyncset.done $0x0  }
0x1d7: {  	[sflag:s21] =	ssyncadd.s32 $0xFFFFE700  }
0x1d8: {  	_ =	swait.ge [sflag:s21], $0x1900  }
0x1d9: {  	[sflag:s21] =	ssyncset.done $0x0  }
0x1da: {  	[sflag:s21] =	ssyncadd.s32 $0xFFFFE700  }
0x1db: {  	_ =	swait.ge [sflag:s21], $0x1900  }
0x1dc: {  	[sflag:s21] =	ssyncset.done $0x0  }
0x1dd: {  	s25 =	simm.s32 $0x0;
	[sflag:s21] =	ssyncadd.s32 $0xFFFFE700  }
.LBB2_42:
0x1de: {  	s26 =	smul.u32 $0xC8, s25;
	_ =	sdelay $0x1  }
0x1df: {  	s28 =	sadd.s32 $0x0, s26  }
0x1e0: {  	v3 =	vadd.s32 s28, v1  }
0x1e1: {  	v5 =	vadd.s32 s28, v0;
	_ =	sdelay $0x3  }
0x1e2: {  	v2 =	vimm.f32 $0.0e+00;
	s31 =	sadd.s32 $0x1, s26;
	v3 =	vld.idx.msk [tilespmem:v3+s11+$0x0], $0xffff  }
0x1e3: {  	s28 =	simm.s32 $0x2;
	v4 =	vadd.s32 s31, v0;
	v7 =	vadd.s32 s31, v1;
	v6 =	vld.idx.msk [tilespmem:v5+s11+$0x0], $0xffff;
	v5 =	vimm.f32 $0.0e+00  }
.LBB2_43:
0x1e4: {  	p0 =	sne.s32 s28, $0x18  }
.Ltmp20:
0x1e5: {  	_ = 	snop;
	(pc) =	sbr.rel @p0 .LBB2_43-.Ltmp20, $3  }
0x1e6: {  	_ =	sdelay $0x1  }
0x1e7: {  	s31 =	sadd.s32 s26, s28;
	s28 =	sadd.s32 $0x1, s28;
	v2 =	vadd.f32 v3, v2;
	v3 =	vld.idx.msk [tilespmem:v7+s11+$0x0], $0xffff  }
0x1e8: {  	v7 =	vadd.s32 s31, v1;
	v5 =	vadd.f32 v6, v5;
	v6 =	vld.idx.msk [tilespmem:v4+s11+$0x0], $0xffff;
	v4 =	vadd.s32 s31, v0  }
0x1e9: {  	_ =	sdelay $0x3  }
0x1ea: {  	v7 =	vld.idx.msk [tilespmem:v7+s11+$0x0], $0xffff  }
0x1eb: {  	v4 =	vld.idx.msk [tilespmem:v4+s11+$0x0], $0xffff;
	_ =	sdelay $0x2  }
0x1ec: {  	v2 =	vadd.f32 v3, v2;
	v3 =	vadd.f32 v6, v5;
	_ =	sdelay $0x1  }
0x1ed: {  	s26 =	sshll.u32 s25, $0x4;
	s25 =	sadd.s32 $0x1, s25;
	v2 =	vadd.f32 v7, v2;
	v3 =	vadd.f32 v4, v3  }
0x1ee: {  	p0 =	sne.s32 s25, $0x20  }
.Ltmp21:
0x1ef: {  	v2 =	vadd.f32 v2, v3;
	(pc) =	sbr.rel @p0 .LBB2_42-.Ltmp21, $4  }
0x1f0: {  	_ = 	snop  }
0x1f1: {  	v2 =	vmul.f32 $1.999999960e-02, v2  }
0x1f2: {  	s26 =	sand.u32 $0x3FFFFFF0, s26  }
0x1f3: {  	[tilespmem:s26+$0x14500] =	vst v2  }
0x1f4: {  	s25 =	simm.s32 $0x0;
	s26 =	rddreg [dreg:$0x1e]  }
0x1f5: {  	[hbm4b:s26+s25] =	stream.linear.scatter [tilespmem:s22], [sflag:$0x3], $0x200, $0x38;
	[tilespmem:$0x14700] =	vst v63  }
0x1f6: {  	_ =	swait.ge [sflag:s8], $0x200  }
0x1f7: {  	[sflag:s8] =	ssyncset.done $0x0  }
0x1f8: {  	s31 =	rddreg [dreg:$0x10];
	[sflag:s8] =	ssyncadd.s32 $0xFFFFFE00  }
0x1f9: {  	[tilespmem:s25], [sflag:$0x3] =	stream.linear.gather [hbm4b:s31+s25], $0x1900, $0x38;
	[tilespmem:$0x14700] =	vst v63  }
0x1fa: {  	_ =	swait.ge [sflag:s8], $0x1900  }
0x1fb: {  	[sflag:s8] =	ssyncset.done $0x0  }
0x1fc: {  	s25 =	simm.s32 $0x0;
	[sflag:s8] =	ssyncadd.s32 $0xFFFFE700  }
0x1fd: {  	v2 =	vld [tilespmem:s25+$0x0]  }
0x1fe: {  	s26 =	simm.s32 $0x40;
	v3 =	vld [tilespmem:s25+$0x12C00]  }
.LBB2_46:
0x1ff: {  	p0 =	sne.s32 s26, $0x63C0  }
.Ltmp22:
0x200: {  	_ = 	snop;
	(pc) =	sbr.rel @p0 .LBB2_46-.Ltmp22, $4  }
0x201: {  	_ = 	snop  }
0x202: {  	s28 =	sshra.s32 s26, $0x2  }
0x203: {  	s26 =	sadd.s32 $0x40, s26;
	v4 =	vadd.s32 v2, v3;
	v2 =	vld [tilespmem:s28+$0x0]  }
0x204: {  	v3 =	vld [tilespmem:s28+$0x12C00];
	[tilespmem:s25+$0x3200] =	vst v4;
	s25 =	smov.u32 s28  }
0x205: {  	_ =	sdelay $0x3  }
0x206: {  	v2 =	vadd.s32 v2, v3  }
0x207: {  	[tilespmem:s25+$0x3200] =	vst v2  }
0x208: {  	[tilespmem:s11], [sflag:$0x1] =	stream.indirect.gather [hbm4b:s29+s9], $0x1, s10, s9, $0xb8;
	[tilespmem:$0x14700] =	vst v63  }
0x209: {  	_ = 	snop  }
0x20a: {  	[tilespmem:s12], [sflag:$0x1] =	stream.indirect.gather [hbm4b:s30+s9], $0x1, s10, s9, $0xb8;
	[tilespmem:$0x14700] =	vst v63  }
0x20b: {  	_ = 	snop  }
0x20c: {  	[tilespmem:s13], [sflag:$0x1] =	stream.indirect.gather [hbm4b:s1+s9], $0x1, s10, s9, $0xb8;
	[tilespmem:$0x14700] =	vst v63  }
0x20d: {  	_ = 	snop  }
0x20e: {  	[tilespmem:s14], [sflag:$0x1] =	stream.indirect.gather [hbm4b:s2+s9], $0x1, s10, s9, $0xb8;
	[tilespmem:$0x14700] =	vst v63  }
0x20f: {  	_ =	swait.ge [sflag:s23], $0x1900  }
0x210: {  	[sflag:s23] =	ssyncset.done $0x0  }
0x211: {  	[sflag:s23] =	ssyncadd.s32 $0xFFFFE700  }
0x212: {  	_ =	swait.ge [sflag:s23], $0x1900  }
0x213: {  	[sflag:s23] =	ssyncset.done $0x0  }
0x214: {  	[sflag:s23] =	ssyncadd.s32 $0xFFFFE700  }
0x215: {  	_ =	swait.ge [sflag:s23], $0x1900  }
0x216: {  	[sflag:s23] =	ssyncset.done $0x0  }
0x217: {  	[sflag:s23] =	ssyncadd.s32 $0xFFFFE700  }
0x218: {  	_ =	swait.ge [sflag:s23], $0x1900  }
0x219: {  	[sflag:s23] =	ssyncset.done $0x0  }
0x21a: {  	s25 =	simm.s32 $0x0;
	[sflag:s23] =	ssyncadd.s32 $0xFFFFE700  }
.LBB2_48:
0x21b: {  	s26 =	smul.u32 $0xC8, s25;
	_ =	sdelay $0x1  }
0x21c: {  	s28 =	sadd.s32 $0x0, s26  }
0x21d: {  	v3 =	vadd.s32 s28, v1  }
0x21e: {  	v5 =	vadd.s32 s28, v0;
	_ =	sdelay $0x3  }
0x21f: {  	v2 =	vimm.f32 $0.0e+00;
	s31 =	sadd.s32 $0x1, s26;
	v3 =	vld.idx.msk [tilespmem:v3+s16+$0x0], $0xffff  }
0x220: {  	s28 =	simm.s32 $0x2;
	v4 =	vadd.s32 s31, v0;
	v7 =	vadd.s32 s31, v1;
	v6 =	vld.idx.msk [tilespmem:v5+s16+$0x0], $0xffff;
	v5 =	vimm.f32 $0.0e+00  }
.LBB2_49:
0x221: {  	p0 =	sne.s32 s28, $0x18  }
.Ltmp23:
0x222: {  	_ = 	snop;
	(pc) =	sbr.rel @p0 .LBB2_49-.Ltmp23, $3  }
0x223: {  	_ =	sdelay $0x1  }
0x224: {  	s31 =	sadd.s32 s26, s28;
	s28 =	sadd.s32 $0x1, s28;
	v2 =	vadd.f32 v3, v2;
	v3 =	vld.idx.msk [tilespmem:v7+s16+$0x0], $0xffff  }
0x225: {  	v7 =	vadd.s32 s31, v1;
	v5 =	vadd.f32 v6, v5;
	v6 =	vld.idx.msk [tilespmem:v4+s16+$0x0], $0xffff;
	v4 =	vadd.s32 s31, v0  }
0x226: {  	_ =	sdelay $0x3  }
0x227: {  	v7 =	vld.idx.msk [tilespmem:v7+s16+$0x0], $0xffff  }
0x228: {  	v4 =	vld.idx.msk [tilespmem:v4+s16+$0x0], $0xffff;
	_ =	sdelay $0x2  }
0x229: {  	v2 =	vadd.f32 v3, v2;
	v3 =	vadd.f32 v6, v5;
	_ =	sdelay $0x1  }
0x22a: {  	s26 =	sshll.u32 s25, $0x4;
	s25 =	sadd.s32 $0x1, s25;
	v2 =	vadd.f32 v7, v2;
	v3 =	vadd.f32 v4, v3  }
0x22b: {  	p0 =	sne.s32 s25, $0x20  }
.Ltmp24:
0x22c: {  	v2 =	vadd.f32 v2, v3;
	(pc) =	sbr.rel @p0 .LBB2_48-.Ltmp24, $4  }
0x22d: {  	_ = 	snop  }
0x22e: {  	v2 =	vmul.f32 $1.999999960e-02, v2  }
0x22f: {  	s26 =	sand.u32 $0x3FFFFFF0, s26  }
0x230: {  	[tilespmem:s26+$0x14500] =	vst v2  }
0x231: {  	s25 =	simm.s32 $0x0;
	s26 =	rddreg [dreg:$0x1f]  }
0x232: {  	[hbm4b:s26+s25] =	stream.linear.scatter [tilespmem:s22], [sflag:$0x3], $0x200, $0x38;
	[tilespmem:$0x14700] =	vst v63  }
0x233: {  	_ =	swait.ge [sflag:s8], $0x200  }
0x234: {  	[sflag:s8] =	ssyncset.done $0x0  }
0x235: {  	s31 =	rddreg [dreg:$0x11];
	[sflag:s8] =	ssyncadd.s32 $0xFFFFFE00  }
0x236: {  	[tilespmem:s9], [sflag:$0x3] =	stream.linear.gather [hbm4b:s31+s25], $0x1900, $0x38;
	[tilespmem:$0x14700] =	vst v63  }
0x237: {  	_ =	swait.ge [sflag:s8], $0x1900  }
0x238: {  	[sflag:s8] =	ssyncset.done $0x0  }
0x239: {  	s25 =	simm.s32 $0x0;
	[sflag:s8] =	ssyncadd.s32 $0xFFFFE700  }
0x23a: {  	v2 =	vld [tilespmem:s25+$0x1900]  }
0x23b: {  	s26 =	simm.s32 $0x40;
	v3 =	vld [tilespmem:s25+$0x12C00]  }
.LBB2_52:
0x23c: {  	p0 =	sne.s32 s26, $0x63C0  }
.Ltmp25:
0x23d: {  	_ = 	snop;
	(pc) =	sbr.rel @p0 .LBB2_52-.Ltmp25, $4  }
0x23e: {  	_ = 	snop  }
0x23f: {  	s28 =	sshra.s32 s26, $0x2  }
0x240: {  	s26 =	sadd.s32 $0x40, s26;
	v4 =	vadd.s32 v2, v3;
	v2 =	vld [tilespmem:s28+$0x1900]  }
0x241: {  	v3 =	vld [tilespmem:s28+$0x12C00];
	[tilespmem:s25+$0x4B00] =	vst v4;
	s25 =	smov.u32 s28  }
0x242: {  	_ =	sdelay $0x3  }
0x243: {  	v2 =	vadd.s32 v2, v3  }
0x244: {  	[tilespmem:s25+$0x4B00] =	vst v2  }
0x245: {  	[tilespmem:s16], [sflag:$0x2] =	stream.indirect.gather [hbm4b:s29+s9], $0x1, s15, s9, $0xb8;
	[tilespmem:$0x14700] =	vst v63  }
0x246: {  	_ = 	snop  }
0x247: {  	[tilespmem:s18], [sflag:$0x2] =	stream.indirect.gather [hbm4b:s30+s9], $0x1, s15, s9, $0xb8;
	[tilespmem:$0x14700] =	vst v63  }
0x248: {  	_ = 	snop  }
0x249: {  	[tilespmem:s19], [sflag:$0x2] =	stream.indirect.gather [hbm4b:s1+s9], $0x1, s15, s9, $0xb8;
	[tilespmem:$0x14700] =	vst v63  }
0x24a: {  	_ = 	snop  }
0x24b: {  	[tilespmem:s20], [sflag:$0x2] =	stream.indirect.gather [hbm4b:s2+s9], $0x1, s15, s9, $0xb8;
	[tilespmem:$0x14700] =	vst v63  }
0x24c: {  	_ =	swait.ge [sflag:s21], $0x1900  }
0x24d: {  	[sflag:s21] =	ssyncset.done $0x0  }
0x24e: {  	[sflag:s21] =	ssyncadd.s32 $0xFFFFE700  }
0x24f: {  	_ =	swait.ge [sflag:s21], $0x1900  }
0x250: {  	[sflag:s21] =	ssyncset.done $0x0  }
0x251: {  	[sflag:s21] =	ssyncadd.s32 $0xFFFFE700  }
0x252: {  	_ =	swait.ge [sflag:s21], $0x1900  }
0x253: {  	[sflag:s21] =	ssyncset.done $0x0  }
0x254: {  	[sflag:s21] =	ssyncadd.s32 $0xFFFFE700  }
0x255: {  	_ =	swait.ge [sflag:s21], $0x1900  }
0x256: {  	[sflag:s21] =	ssyncset.done $0x0  }
0x257: {  	s25 =	simm.s32 $0x0;
	[sflag:s21] =	ssyncadd.s32 $0xFFFFE700  }
.LBB2_54:
0x258: {  	s26 =	smul.u32 $0xC8, s25;
	_ =	sdelay $0x1  }
0x259: {  	s28 =	sadd.s32 $0x0, s26  }
0x25a: {  	v3 =	vadd.s32 s28, v1  }
0x25b: {  	v5 =	vadd.s32 s28, v0;
	_ =	sdelay $0x3  }
0x25c: {  	v2 =	vimm.f32 $0.0e+00;
	s31 =	sadd.s32 $0x1, s26;
	v3 =	vld.idx.msk [tilespmem:v3+s11+$0x0], $0xffff  }
0x25d: {  	s28 =	simm.s32 $0x2;
	v4 =	vadd.s32 s31, v0;
	v7 =	vadd.s32 s31, v1;
	v6 =	vld.idx.msk [tilespmem:v5+s11+$0x0], $0xffff;
	v5 =	vimm.f32 $0.0e+00  }
.LBB2_55:
0x25e: {  	p0 =	sne.s32 s28, $0x18  }
.Ltmp26:
0x25f: {  	_ = 	snop;
	(pc) =	sbr.rel @p0 .LBB2_55-.Ltmp26, $3  }
0x260: {  	_ =	sdelay $0x1  }
0x261: {  	s31 =	sadd.s32 s26, s28;
	s28 =	sadd.s32 $0x1, s28;
	v2 =	vadd.f32 v3, v2;
	v3 =	vld.idx.msk [tilespmem:v7+s11+$0x0], $0xffff  }
0x262: {  	v7 =	vadd.s32 s31, v1;
	v5 =	vadd.f32 v6, v5;
	v6 =	vld.idx.msk [tilespmem:v4+s11+$0x0], $0xffff;
	v4 =	vadd.s32 s31, v0  }
0x263: {  	_ =	sdelay $0x3  }
0x264: {  	v7 =	vld.idx.msk [tilespmem:v7+s11+$0x0], $0xffff  }
0x265: {  	v4 =	vld.idx.msk [tilespmem:v4+s11+$0x0], $0xffff;
	_ =	sdelay $0x2  }
0x266: {  	v2 =	vadd.f32 v3, v2;
	v3 =	vadd.f32 v6, v5;
	_ =	sdelay $0x1  }
0x267: {  	s26 =	sshll.u32 s25, $0x4;
	s25 =	sadd.s32 $0x1, s25;
	v2 =	vadd.f32 v7, v2;
	v3 =	vadd.f32 v4, v3  }
0x268: {  	p0 =	sne.s32 s25, $0x20  }
.Ltmp27:
0x269: {  	v2 =	vadd.f32 v2, v3;
	(pc) =	sbr.rel @p0 .LBB2_54-.Ltmp27, $4  }
0x26a: {  	_ = 	snop  }
0x26b: {  	v2 =	vmul.f32 $1.999999960e-02, v2  }
0x26c: {  	s26 =	sand.u32 $0x3FFFFFF0, s26  }
0x26d: {  	[tilespmem:s26+$0x14500] =	vst v2  }
0x26e: {  	s26 =	sld [smem:$0x7FB];
	_ =	sdelay $0x1  }
0x26f: {  	s25 =	simm.s32 $0x0  }
0x270: {  	[hbm4b:s26+s25] =	stream.linear.scatter [tilespmem:s22], [sflag:$0x3], $0x200, $0x38;
	[tilespmem:$0x14700] =	vst v63  }
0x271: {  	_ =	swait.ge [sflag:s8], $0x200  }
0x272: {  	[sflag:s8] =	ssyncset.done $0x0  }
0x273: {  	s31 =	rddreg [dreg:$0x12];
	[sflag:s8] =	ssyncadd.s32 $0xFFFFFE00  }
0x274: {  	[tilespmem:s25], [sflag:$0x3] =	stream.linear.gather [hbm4b:s31+s25], $0x1900, $0x38;
	[tilespmem:$0x14700] =	vst v63  }
0x275: {  	_ =	swait.ge [sflag:s8], $0x1900  }
0x276: {  	[sflag:s8] =	ssyncset.done $0x0  }
0x277: {  	s25 =	simm.s32 $0x0;
	[sflag:s8] =	ssyncadd.s32 $0xFFFFE700  }
0x278: {  	v2 =	vld [tilespmem:s25+$0x0]  }
0x279: {  	s26 =	simm.s32 $0x40;
	v3 =	vld [tilespmem:s25+$0x12C00]  }
.LBB2_58:
0x27a: {  	p0 =	sne.s32 s26, $0x63C0  }
.Ltmp28:
0x27b: {  	_ = 	snop;
	(pc) =	sbr.rel @p0 .LBB2_58-.Ltmp28, $4  }
0x27c: {  	_ = 	snop  }
0x27d: {  	s28 =	sshra.s32 s26, $0x2  }
0x27e: {  	s26 =	sadd.s32 $0x40, s26;
	v4 =	vadd.s32 v2, v3;
	v2 =	vld [tilespmem:s28+$0x0]  }
0x27f: {  	v3 =	vld [tilespmem:s28+$0x12C00];
	[tilespmem:s25+$0x3200] =	vst v4;
	s25 =	smov.u32 s28  }
0x280: {  	_ =	sdelay $0x3  }
0x281: {  	v2 =	vadd.s32 v2, v3  }
0x282: {  	[tilespmem:s25+$0x3200] =	vst v2  }
0x283: {  	[tilespmem:s11], [sflag:$0x1] =	stream.indirect.gather [hbm4b:s29+s9], $0x1, s10, s9, $0xb8;
	[tilespmem:$0x14700] =	vst v63  }
0x284: {  	_ = 	snop  }
0x285: {  	[tilespmem:s12], [sflag:$0x1] =	stream.indirect.gather [hbm4b:s30+s9], $0x1, s10, s9, $0xb8;
	[tilespmem:$0x14700] =	vst v63  }
0x286: {  	_ = 	snop  }
0x287: {  	[tilespmem:s13], [sflag:$0x1] =	stream.indirect.gather [hbm4b:s1+s9], $0x1, s10, s9, $0xb8;
	[tilespmem:$0x14700] =	vst v63  }
0x288: {  	_ = 	snop  }
0x289: {  	[tilespmem:s14], [sflag:$0x1] =	stream.indirect.gather [hbm4b:s2+s9], $0x1, s10, s9, $0xb8;
	[tilespmem:$0x14700] =	vst v63  }
0x28a: {  	_ =	swait.ge [sflag:s23], $0x1900  }
0x28b: {  	[sflag:s23] =	ssyncset.done $0x0  }
0x28c: {  	[sflag:s23] =	ssyncadd.s32 $0xFFFFE700  }
0x28d: {  	_ =	swait.ge [sflag:s23], $0x1900  }
0x28e: {  	[sflag:s23] =	ssyncset.done $0x0  }
0x28f: {  	[sflag:s23] =	ssyncadd.s32 $0xFFFFE700  }
0x290: {  	_ =	swait.ge [sflag:s23], $0x1900  }
0x291: {  	[sflag:s23] =	ssyncset.done $0x0  }
0x292: {  	[sflag:s23] =	ssyncadd.s32 $0xFFFFE700  }
0x293: {  	_ =	swait.ge [sflag:s23], $0x1900  }
0x294: {  	[sflag:s23] =	ssyncset.done $0x0  }
0x295: {  	s25 =	simm.s32 $0x0;
	[sflag:s23] =	ssyncadd.s32 $0xFFFFE700  }
.LBB2_60:
0x296: {  	s26 =	smul.u32 $0xC8, s25;
	_ =	sdelay $0x1  }
0x297: {  	s28 =	sadd.s32 $0x0, s26  }
0x298: {  	v3 =	vadd.s32 s28, v1  }
0x299: {  	v5 =	vadd.s32 s28, v0;
	_ =	sdelay $0x3  }
0x29a: {  	v2 =	vimm.f32 $0.0e+00;
	s31 =	sadd.s32 $0x1, s26;
	v3 =	vld.idx.msk [tilespmem:v3+s16+$0x0], $0xffff  }
0x29b: {  	s28 =	simm.s32 $0x2;
	v4 =	vadd.s32 s31, v0;
	v7 =	vadd.s32 s31, v1;
	v6 =	vld.idx.msk [tilespmem:v5+s16+$0x0], $0xffff;
	v5 =	vimm.f32 $0.0e+00  }
.LBB2_61:
0x29c: {  	p0 =	sne.s32 s28, $0x18  }
.Ltmp29:
0x29d: {  	_ = 	snop;
	(pc) =	sbr.rel @p0 .LBB2_61-.Ltmp29, $3  }
0x29e: {  	_ =	sdelay $0x1  }
0x29f: {  	s31 =	sadd.s32 s26, s28;
	s28 =	sadd.s32 $0x1, s28;
	v2 =	vadd.f32 v3, v2;
	v3 =	vld.idx.msk [tilespmem:v7+s16+$0x0], $0xffff  }
0x2a0: {  	v7 =	vadd.s32 s31, v1;
	v5 =	vadd.f32 v6, v5;
	v6 =	vld.idx.msk [tilespmem:v4+s16+$0x0], $0xffff;
	v4 =	vadd.s32 s31, v0  }
0x2a1: {  	_ =	sdelay $0x3  }
0x2a2: {  	v7 =	vld.idx.msk [tilespmem:v7+s16+$0x0], $0xffff  }
0x2a3: {  	v4 =	vld.idx.msk [tilespmem:v4+s16+$0x0], $0xffff;
	_ =	sdelay $0x2  }
0x2a4: {  	v2 =	vadd.f32 v3, v2;
	v3 =	vadd.f32 v6, v5;
	_ =	sdelay $0x1  }
0x2a5: {  	s26 =	sshll.u32 s25, $0x4;
	s25 =	sadd.s32 $0x1, s25;
	v2 =	vadd.f32 v7, v2;
	v3 =	vadd.f32 v4, v3  }
0x2a6: {  	p0 =	sne.s32 s25, $0x20  }
.Ltmp30:
0x2a7: {  	v2 =	vadd.f32 v2, v3;
	(pc) =	sbr.rel @p0 .LBB2_60-.Ltmp30, $4  }
0x2a8: {  	_ = 	snop  }
0x2a9: {  	v2 =	vmul.f32 $1.999999960e-02, v2  }
0x2aa: {  	s26 =	sand.u32 $0x3FFFFFF0, s26  }
0x2ab: {  	[tilespmem:s26+$0x14500] =	vst v2  }
0x2ac: {  	s26 =	sld [smem:$0x7FC];
	_ =	sdelay $0x1  }
0x2ad: {  	s25 =	simm.s32 $0x0  }
0x2ae: {  	[hbm4b:s26+s25] =	stream.linear.scatter [tilespmem:s22], [sflag:$0x3], $0x200, $0x38;
	[tilespmem:$0x14700] =	vst v63  }
0x2af: {  	_ =	swait.ge [sflag:s8], $0x200  }
0x2b0: {  	[sflag:s8] =	ssyncset.done $0x0  }
0x2b1: {  	s31 =	rddreg [dreg:$0x13];
	[sflag:s8] =	ssyncadd.s32 $0xFFFFFE00  }
0x2b2: {  	[tilespmem:s9], [sflag:$0x3] =	stream.linear.gather [hbm4b:s31+s25], $0x1900, $0x38;
	[tilespmem:$0x14700] =	vst v63  }
0x2b3: {  	_ =	swait.ge [sflag:s8], $0x1900  }
0x2b4: {  	[sflag:s8] =	ssyncset.done $0x0  }
0x2b5: {  	s25 =	simm.s32 $0x0;
	[sflag:s8] =	ssyncadd.s32 $0xFFFFE700  }
0x2b6: {  	v2 =	vld [tilespmem:s25+$0x1900]  }
0x2b7: {  	s26 =	simm.s32 $0x40;
	v3 =	vld [tilespmem:s25+$0x12C00]  }
.LBB2_64:
0x2b8: {  	p0 =	sne.s32 s26, $0x63C0  }
.Ltmp31:
0x2b9: {  	_ = 	snop;
	(pc) =	sbr.rel @p0 .LBB2_64-.Ltmp31, $4  }
0x2ba: {  	_ = 	snop  }
0x2bb: {  	s28 =	sshra.s32 s26, $0x2  }
0x2bc: {  	s26 =	sadd.s32 $0x40, s26;
	v4 =	vadd.s32 v2, v3;
	v2 =	vld [tilespmem:s28+$0x1900]  }
0x2bd: {  	v3 =	vld [tilespmem:s28+$0x12C00];
	[tilespmem:s25+$0x4B00] =	vst v4;
	s25 =	smov.u32 s28  }
0x2be: {  	_ =	sdelay $0x3  }
0x2bf: {  	v2 =	vadd.s32 v2, v3  }
0x2c0: {  	[tilespmem:s25+$0x4B00] =	vst v2  }
0x2c1: {  	[tilespmem:s16], [sflag:$0x2] =	stream.indirect.gather [hbm4b:s29+s9], $0x1, s15, s9, $0xb8;
	[tilespmem:$0x14700] =	vst v63  }
0x2c2: {  	_ = 	snop  }
0x2c3: {  	[tilespmem:s18], [sflag:$0x2] =	stream.indirect.gather [hbm4b:s30+s9], $0x1, s15, s9, $0xb8;
	[tilespmem:$0x14700] =	vst v63  }
0x2c4: {  	_ = 	snop  }
0x2c5: {  	[tilespmem:s19], [sflag:$0x2] =	stream.indirect.gather [hbm4b:s1+s9], $0x1, s15, s9, $0xb8;
	[tilespmem:$0x14700] =	vst v63  }
0x2c6: {  	_ = 	snop  }
0x2c7: {  	[tilespmem:s20], [sflag:$0x2] =	stream.indirect.gather [hbm4b:s2+s9], $0x1, s15, s9, $0xb8;
	[tilespmem:$0x14700] =	vst v63  }
0x2c8: {  	_ =	swait.ge [sflag:s21], $0x1900  }
0x2c9: {  	[sflag:s21] =	ssyncset.done $0x0  }
0x2ca: {  	[sflag:s21] =	ssyncadd.s32 $0xFFFFE700  }
0x2cb: {  	_ =	swait.ge [sflag:s21], $0x1900  }
0x2cc: {  	[sflag:s21] =	ssyncset.done $0x0  }
0x2cd: {  	[sflag:s21] =	ssyncadd.s32 $0xFFFFE700  }
0x2ce: {  	_ =	swait.ge [sflag:s21], $0x1900  }
0x2cf: {  	[sflag:s21] =	ssyncset.done $0x0  }
0x2d0: {  	[sflag:s21] =	ssyncadd.s32 $0xFFFFE700  }
0x2d1: {  	_ =	swait.ge [sflag:s21], $0x1900  }
0x2d2: {  	[sflag:s21] =	ssyncset.done $0x0  }
0x2d3: {  	s25 =	simm.s32 $0x0;
	[sflag:s21] =	ssyncadd.s32 $0xFFFFE700  }
.LBB2_66:
0x2d4: {  	s26 =	smul.u32 $0xC8, s25;
	_ =	sdelay $0x1  }
0x2d5: {  	s28 =	sadd.s32 $0x0, s26  }
0x2d6: {  	v3 =	vadd.s32 s28, v1  }
0x2d7: {  	v5 =	vadd.s32 s28, v0;
	_ =	sdelay $0x3  }
0x2d8: {  	v2 =	vimm.f32 $0.0e+00;
	s31 =	sadd.s32 $0x1, s26;
	v3 =	vld.idx.msk [tilespmem:v3+s11+$0x0], $0xffff  }
0x2d9: {  	s28 =	simm.s32 $0x2;
	v4 =	vadd.s32 s31, v0;
	v7 =	vadd.s32 s31, v1;
	v6 =	vld.idx.msk [tilespmem:v5+s11+$0x0], $0xffff;
	v5 =	vimm.f32 $0.0e+00  }
.LBB2_67:
0x2da: {  	p0 =	sne.s32 s28, $0x18  }
.Ltmp32:
0x2db: {  	_ = 	snop;
	(pc) =	sbr.rel @p0 .LBB2_67-.Ltmp32, $3  }
0x2dc: {  	_ =	sdelay $0x1  }
0x2dd: {  	s31 =	sadd.s32 s26, s28;
	s28 =	sadd.s32 $0x1, s28;
	v2 =	vadd.f32 v3, v2;
	v3 =	vld.idx.msk [tilespmem:v7+s11+$0x0], $0xffff  }
0x2de: {  	v7 =	vadd.s32 s31, v1;
	v5 =	vadd.f32 v6, v5;
	v6 =	vld.idx.msk [tilespmem:v4+s11+$0x0], $0xffff;
	v4 =	vadd.s32 s31, v0  }
0x2df: {  	_ =	sdelay $0x3  }
0x2e0: {  	v7 =	vld.idx.msk [tilespmem:v7+s11+$0x0], $0xffff  }
0x2e1: {  	v4 =	vld.idx.msk [tilespmem:v4+s11+$0x0], $0xffff;
	_ =	sdelay $0x2  }
0x2e2: {  	v2 =	vadd.f32 v3, v2;
	v3 =	vadd.f32 v6, v5;
	_ =	sdelay $0x1  }
0x2e3: {  	s26 =	sshll.u32 s25, $0x4;
	s25 =	sadd.s32 $0x1, s25;
	v2 =	vadd.f32 v7, v2;
	v3 =	vadd.f32 v4, v3  }
0x2e4: {  	p0 =	sne.s32 s25, $0x20  }
.Ltmp33:
0x2e5: {  	v2 =	vadd.f32 v2, v3;
	(pc) =	sbr.rel @p0 .LBB2_66-.Ltmp33, $4  }
0x2e6: {  	_ = 	snop  }
0x2e7: {  	v2 =	vmul.f32 $1.999999960e-02, v2  }
0x2e8: {  	s26 =	sand.u32 $0x3FFFFFF0, s26  }
0x2e9: {  	[tilespmem:s26+$0x14500] =	vst v2  }
0x2ea: {  	s26 =	sld [smem:$0x7FD];
	_ =	sdelay $0x1  }
0x2eb: {  	s25 =	simm.s32 $0x0  }
0x2ec: {  	[hbm4b:s26+s25] =	stream.linear.scatter [tilespmem:s22], [sflag:$0x3], $0x200, $0x38;
	[tilespmem:$0x14700] =	vst v63  }
0x2ed: {  	_ =	swait.ge [sflag:s8], $0x200  }
0x2ee: {  	[sflag:s8] =	ssyncset.done $0x0  }
0x2ef: {  	s31 =	rddreg [dreg:$0x14];
	[sflag:s8] =	ssyncadd.s32 $0xFFFFFE00  }
0x2f0: {  	[tilespmem:s25], [sflag:$0x3] =	stream.linear.gather [hbm4b:s31+s25], $0x1900, $0x38;
	[tilespmem:$0x14700] =	vst v63  }
0x2f1: {  	_ =	swait.ge [sflag:s8], $0x1900  }
0x2f2: {  	[sflag:s8] =	ssyncset.done $0x0  }
0x2f3: {  	s25 =	simm.s32 $0x0;
	[sflag:s8] =	ssyncadd.s32 $0xFFFFE700  }
0x2f4: {  	v2 =	vld [tilespmem:s25+$0x0]  }
0x2f5: {  	s26 =	simm.s32 $0x40;
	v3 =	vld [tilespmem:s25+$0x12C00]  }
.LBB2_70:
0x2f6: {  	p0 =	sne.s32 s26, $0x63C0  }
.Ltmp34:
0x2f7: {  	_ = 	snop;
	(pc) =	sbr.rel @p0 .LBB2_70-.Ltmp34, $4  }
0x2f8: {  	_ = 	snop  }
0x2f9: {  	s28 =	sshra.s32 s26, $0x2  }
0x2fa: {  	s26 =	sadd.s32 $0x40, s26;
	v4 =	vadd.s32 v2, v3;
	v2 =	vld [tilespmem:s28+$0x0]  }
0x2fb: {  	v3 =	vld [tilespmem:s28+$0x12C00];
	[tilespmem:s25+$0x3200] =	vst v4;
	s25 =	smov.u32 s28  }
0x2fc: {  	_ =	sdelay $0x3  }
0x2fd: {  	v2 =	vadd.s32 v2, v3  }
0x2fe: {  	[tilespmem:s25+$0x3200] =	vst v2  }
0x2ff: {  	[tilespmem:s11], [sflag:$0x1] =	stream.indirect.gather [hbm4b:s29+s9], $0x1, s10, s9, $0xb8;
	[tilespmem:$0x14700] =	vst v63  }
0x300: {  	_ = 	snop  }
0x301: {  	[tilespmem:s12], [sflag:$0x1] =	stream.indirect.gather [hbm4b:s30+s9], $0x1, s10, s9, $0xb8;
	[tilespmem:$0x14700] =	vst v63  }
0x302: {  	_ = 	snop  }
0x303: {  	[tilespmem:s13], [sflag:$0x1] =	stream.indirect.gather [hbm4b:s1+s9], $0x1, s10, s9, $0xb8;
	[tilespmem:$0x14700] =	vst v63  }
0x304: {  	_ = 	snop  }
0x305: {  	[tilespmem:s14], [sflag:$0x1] =	stream.indirect.gather [hbm4b:s2+s9], $0x1, s10, s9, $0xb8;
	[tilespmem:$0x14700] =	vst v63  }
0x306: {  	_ =	swait.ge [sflag:s23], $0x1900  }
0x307: {  	[sflag:s23] =	ssyncset.done $0x0  }
0x308: {  	[sflag:s23] =	ssyncadd.s32 $0xFFFFE700  }
0x309: {  	_ =	swait.ge [sflag:s23], $0x1900  }
0x30a: {  	[sflag:s23] =	ssyncset.done $0x0  }
0x30b: {  	[sflag:s23] =	ssyncadd.s32 $0xFFFFE700  }
0x30c: {  	_ =	swait.ge [sflag:s23], $0x1900  }
0x30d: {  	[sflag:s23] =	ssyncset.done $0x0  }
0x30e: {  	[sflag:s23] =	ssyncadd.s32 $0xFFFFE700  }
0x30f: {  	_ =	swait.ge [sflag:s23], $0x1900  }
0x310: {  	[sflag:s23] =	ssyncset.done $0x0  }
0x311: {  	s25 =	simm.s32 $0x0;
	[sflag:s23] =	ssyncadd.s32 $0xFFFFE700  }
.LBB2_72:
0x312: {  	s26 =	smul.u32 $0xC8, s25;
	_ =	sdelay $0x1  }
0x313: {  	s28 =	sadd.s32 $0x0, s26  }
0x314: {  	v3 =	vadd.s32 s28, v1  }
0x315: {  	v5 =	vadd.s32 s28, v0;
	_ =	sdelay $0x3  }
0x316: {  	v2 =	vimm.f32 $0.0e+00;
	s31 =	sadd.s32 $0x1, s26;
	v3 =	vld.idx.msk [tilespmem:v3+s16+$0x0], $0xffff  }
0x317: {  	s28 =	simm.s32 $0x2;
	v4 =	vadd.s32 s31, v0;
	v7 =	vadd.s32 s31, v1;
	v6 =	vld.idx.msk [tilespmem:v5+s16+$0x0], $0xffff;
	v5 =	vimm.f32 $0.0e+00  }
.LBB2_73:
0x318: {  	p0 =	sne.s32 s28, $0x18  }
.Ltmp35:
0x319: {  	_ = 	snop;
	(pc) =	sbr.rel @p0 .LBB2_73-.Ltmp35, $3  }
0x31a: {  	_ =	sdelay $0x1  }
0x31b: {  	s31 =	sadd.s32 s26, s28;
	s28 =	sadd.s32 $0x1, s28;
	v2 =	vadd.f32 v3, v2;
	v3 =	vld.idx.msk [tilespmem:v7+s16+$0x0], $0xffff  }
0x31c: {  	v7 =	vadd.s32 s31, v1;
	v5 =	vadd.f32 v6, v5;
	v6 =	vld.idx.msk [tilespmem:v4+s16+$0x0], $0xffff;
	v4 =	vadd.s32 s31, v0  }
0x31d: {  	_ =	sdelay $0x3  }
0x31e: {  	v7 =	vld.idx.msk [tilespmem:v7+s16+$0x0], $0xffff  }
0x31f: {  	v4 =	vld.idx.msk [tilespmem:v4+s16+$0x0], $0xffff;
	_ =	sdelay $0x2  }
0x320: {  	v2 =	vadd.f32 v3, v2;
	v3 =	vadd.f32 v6, v5;
	_ =	sdelay $0x1  }
0x321: {  	s26 =	sshll.u32 s25, $0x4;
	s25 =	sadd.s32 $0x1, s25;
	v2 =	vadd.f32 v7, v2;
	v3 =	vadd.f32 v4, v3  }
0x322: {  	p0 =	sne.s32 s25, $0x20  }
.Ltmp36:
0x323: {  	v2 =	vadd.f32 v2, v3;
	(pc) =	sbr.rel @p0 .LBB2_72-.Ltmp36, $4  }
0x324: {  	_ = 	snop  }
0x325: {  	v2 =	vmul.f32 $1.999999960e-02, v2  }
0x326: {  	s26 =	sand.u32 $0x3FFFFFF0, s26  }
0x327: {  	[tilespmem:s26+$0x14500] =	vst v2  }
0x328: {  	s25 =	simm.s32 $0x0  }
0x329: {  	[hbm4b:s0+s25] =	stream.linear.scatter [tilespmem:s22], [sflag:$0x3], $0x200, $0x38;
	[tilespmem:$0x14700] =	vst v63  }
0x32a: {  	_ =	swait.ge [sflag:s8], $0x200  }
0x32b: {  	[sflag:s8] =	ssyncset.done $0x0  }
0x32c: {  	s26 =	rddreg [dreg:$0x15];
	[sflag:s8] =	ssyncadd.s32 $0xFFFFFE00  }
0x32d: {  	[tilespmem:s9], [sflag:$0x3] =	stream.linear.gather [hbm4b:s26+s25], $0x1900, $0x38;
	[tilespmem:$0x14700] =	vst v63  }
0x32e: {  	_ =	swait.ge [sflag:s8], $0x1900  }
0x32f: {  	[sflag:s8] =	ssyncset.done $0x0  }
0x330: {  	s25 =	simm.s32 $0x0;
	[sflag:s8] =	ssyncadd.s32 $0xFFFFE700  }
0x331: {  	v2 =	vld [tilespmem:s25+$0x1900]  }
0x332: {  	s26 =	simm.s32 $0x40;
	v3 =	vld [tilespmem:s25+$0x12C00]  }
.LBB2_76:
0x333: {  	p0 =	sne.s32 s26, $0x63C0  }
.Ltmp37:
0x334: {  	_ = 	snop;
	(pc) =	sbr.rel @p0 .LBB2_76-.Ltmp37, $4  }
0x335: {  	_ = 	snop  }
0x336: {  	s28 =	sshra.s32 s26, $0x2  }
0x337: {  	s26 =	sadd.s32 $0x40, s26;
	v4 =	vadd.s32 v2, v3;
	v2 =	vld [tilespmem:s28+$0x1900]  }
0x338: {  	v3 =	vld [tilespmem:s28+$0x12C00];
	[tilespmem:s25+$0x4B00] =	vst v4;
	s25 =	smov.u32 s28  }
0x339: {  	_ =	sdelay $0x3  }
0x33a: {  	v2 =	vadd.s32 v2, v3  }
0x33b: {  	[tilespmem:s25+$0x4B00] =	vst v2  }
0x33c: {  	[tilespmem:s16], [sflag:$0x2] =	stream.indirect.gather [hbm4b:s29+s9], $0x1, s15, s9, $0xb8;
	[tilespmem:$0x14700] =	vst v63  }
0x33d: {  	_ = 	snop  }
0x33e: {  	[tilespmem:s18], [sflag:$0x2] =	stream.indirect.gather [hbm4b:s30+s9], $0x1, s15, s9, $0xb8;
	[tilespmem:$0x14700] =	vst v63  }
0x33f: {  	_ = 	snop  }
0x340: {  	[tilespmem:s19], [sflag:$0x2] =	stream.indirect.gather [hbm4b:s1+s9], $0x1, s15, s9, $0xb8;
	[tilespmem:$0x14700] =	vst v63  }
0x341: {  	_ = 	snop  }
0x342: {  	[tilespmem:s20], [sflag:$0x2] =	stream.indirect.gather [hbm4b:s2+s9], $0x1, s15, s9, $0xb8;
	[tilespmem:$0x14700] =	vst v63  }
0x343: {  	_ =	swait.ge [sflag:s21], $0x1900  }
0x344: {  	[sflag:s21] =	ssyncset.done $0x0  }
0x345: {  	[sflag:s21] =	ssyncadd.s32 $0xFFFFE700  }
0x346: {  	_ =	swait.ge [sflag:s21], $0x1900  }
0x347: {  	[sflag:s21] =	ssyncset.done $0x0  }
0x348: {  	[sflag:s21] =	ssyncadd.s32 $0xFFFFE700  }
0x349: {  	_ =	swait.ge [sflag:s21], $0x1900  }
0x34a: {  	[sflag:s21] =	ssyncset.done $0x0  }
0x34b: {  	[sflag:s21] =	ssyncadd.s32 $0xFFFFE700  }
0x34c: {  	_ =	swait.ge [sflag:s21], $0x1900  }
0x34d: {  	[sflag:s21] =	ssyncset.done $0x0  }
0x34e: {  	s25 =	simm.s32 $0x0;
	[sflag:s21] =	ssyncadd.s32 $0xFFFFE700  }
.LBB2_78:
0x34f: {  	s26 =	smul.u32 $0xC8, s25;
	_ =	sdelay $0x1  }
0x350: {  	s28 =	sadd.s32 $0x0, s26  }
0x351: {  	v3 =	vadd.s32 s28, v1  }
0x352: {  	v5 =	vadd.s32 s28, v0;
	_ =	sdelay $0x3  }
0x353: {  	v2 =	vimm.f32 $0.0e+00;
	s31 =	sadd.s32 $0x1, s26;
	v3 =	vld.idx.msk [tilespmem:v3+s11+$0x0], $0xffff  }
0x354: {  	s28 =	simm.s32 $0x2;
	v4 =	vadd.s32 s31, v0;
	v7 =	vadd.s32 s31, v1;
	v6 =	vld.idx.msk [tilespmem:v5+s11+$0x0], $0xffff;
	v5 =	vimm.f32 $0.0e+00  }
.LBB2_79:
0x355: {  	p0 =	sne.s32 s28, $0x18  }
.Ltmp38:
0x356: {  	_ = 	snop;
	(pc) =	sbr.rel @p0 .LBB2_79-.Ltmp38, $3  }
0x357: {  	_ =	sdelay $0x1  }
0x358: {  	s31 =	sadd.s32 s26, s28;
	s28 =	sadd.s32 $0x1, s28;
	v2 =	vadd.f32 v3, v2;
	v3 =	vld.idx.msk [tilespmem:v7+s11+$0x0], $0xffff  }
0x359: {  	v7 =	vadd.s32 s31, v1;
	v5 =	vadd.f32 v6, v5;
	v6 =	vld.idx.msk [tilespmem:v4+s11+$0x0], $0xffff;
	v4 =	vadd.s32 s31, v0  }
0x35a: {  	_ =	sdelay $0x3  }
0x35b: {  	v7 =	vld.idx.msk [tilespmem:v7+s11+$0x0], $0xffff  }
0x35c: {  	v4 =	vld.idx.msk [tilespmem:v4+s11+$0x0], $0xffff;
	_ =	sdelay $0x2  }
0x35d: {  	v2 =	vadd.f32 v3, v2;
	v3 =	vadd.f32 v6, v5;
	_ =	sdelay $0x1  }
0x35e: {  	s26 =	sshll.u32 s25, $0x4;
	s25 =	sadd.s32 $0x1, s25;
	v2 =	vadd.f32 v7, v2;
	v3 =	vadd.f32 v4, v3  }
0x35f: {  	p0 =	sne.s32 s25, $0x20  }
.Ltmp39:
0x360: {  	v2 =	vadd.f32 v2, v3;
	(pc) =	sbr.rel @p0 .LBB2_78-.Ltmp39, $4  }
0x361: {  	_ = 	snop  }
0x362: {  	v2 =	vmul.f32 $1.999999960e-02, v2  }
0x363: {  	s26 =	sand.u32 $0x3FFFFFF0, s26  }
0x364: {  	[tilespmem:s26+$0x14500] =	vst v2  }
0x365: {  	s25 =	simm.s32 $0x0  }
0x366: {  	[hbm4b:s3+s25] =	stream.linear.scatter [tilespmem:s22], [sflag:$0x3], $0x200, $0x38;
	[tilespmem:$0x14700] =	vst v63  }
0x367: {  	_ =	swait.ge [sflag:s8], $0x200  }
0x368: {  	[sflag:s8] =	ssyncset.done $0x0  }
0x369: {  	s26 =	rddreg [dreg:$0x16];
	[sflag:s8] =	ssyncadd.s32 $0xFFFFFE00  }
0x36a: {  	[tilespmem:s25], [sflag:$0x3] =	stream.linear.gather [hbm4b:s26+s25], $0x1900, $0x38;
	[tilespmem:$0x14700] =	vst v63  }
0x36b: {  	_ =	swait.ge [sflag:s8], $0x1900  }
0x36c: {  	[sflag:s8] =	ssyncset.done $0x0  }
0x36d: {  	s25 =	simm.s32 $0x0;
	[sflag:s8] =	ssyncadd.s32 $0xFFFFE700  }
0x36e: {  	v2 =	vld [tilespmem:s25+$0x0]  }
0x36f: {  	s26 =	simm.s32 $0x40;
	v3 =	vld [tilespmem:s25+$0x12C00]  }
.LBB2_82:
0x370: {  	p0 =	sne.s32 s26, $0x63C0  }
.Ltmp40:
0x371: {  	_ = 	snop;
	(pc) =	sbr.rel @p0 .LBB2_82-.Ltmp40, $4  }
0x372: {  	_ = 	snop  }
0x373: {  	s28 =	sshra.s32 s26, $0x2  }
0x374: {  	s26 =	sadd.s32 $0x40, s26;
	v4 =	vadd.s32 v2, v3;
	v2 =	vld [tilespmem:s28+$0x0]  }
0x375: {  	v3 =	vld [tilespmem:s28+$0x12C00];
	[tilespmem:s25+$0x3200] =	vst v4;
	s25 =	smov.u32 s28  }
0x376: {  	_ =	sdelay $0x3  }
0x377: {  	v2 =	vadd.s32 v2, v3  }
0x378: {  	[tilespmem:s25+$0x3200] =	vst v2  }
0x379: {  	[tilespmem:s11], [sflag:$0x1] =	stream.indirect.gather [hbm4b:s29+s9], $0x1, s10, s9, $0xb8;
	[tilespmem:$0x14700] =	vst v63  }
0x37a: {  	_ = 	snop  }
0x37b: {  	[tilespmem:s12], [sflag:$0x1] =	stream.indirect.gather [hbm4b:s30+s9], $0x1, s10, s9, $0xb8;
	[tilespmem:$0x14700] =	vst v63  }
0x37c: {  	_ = 	snop  }
0x37d: {  	[tilespmem:s13], [sflag:$0x1] =	stream.indirect.gather [hbm4b:s1+s9], $0x1, s10, s9, $0xb8;
	[tilespmem:$0x14700] =	vst v63  }
0x37e: {  	_ = 	snop  }
0x37f: {  	[tilespmem:s14], [sflag:$0x1] =	stream.indirect.gather [hbm4b:s2+s9], $0x1, s10, s9, $0xb8;
	[tilespmem:$0x14700] =	vst v63  }
0x380: {  	_ =	swait.ge [sflag:s23], $0x1900  }
0x381: {  	[sflag:s23] =	ssyncset.done $0x0  }
0x382: {  	[sflag:s23] =	ssyncadd.s32 $0xFFFFE700  }
0x383: {  	_ =	swait.ge [sflag:s23], $0x1900  }
0x384: {  	[sflag:s23] =	ssyncset.done $0x0  }
0x385: {  	[sflag:s23] =	ssyncadd.s32 $0xFFFFE700  }
0x386: {  	_ =	swait.ge [sflag:s23], $0x1900  }
0x387: {  	[sflag:s23] =	ssyncset.done $0x0  }
0x388: {  	[sflag:s23] =	ssyncadd.s32 $0xFFFFE700  }
0x389: {  	_ =	swait.ge [sflag:s23], $0x1900  }
0x38a: {  	[sflag:s23] =	ssyncset.done $0x0  }
0x38b: {  	s25 =	simm.s32 $0x0;
	[sflag:s23] =	ssyncadd.s32 $0xFFFFE700  }
.LBB2_84:
0x38c: {  	s26 =	smul.u32 $0xC8, s25;
	_ =	sdelay $0x1  }
0x38d: {  	s28 =	sadd.s32 $0x0, s26  }
0x38e: {  	v3 =	vadd.s32 s28, v1  }
0x38f: {  	v5 =	vadd.s32 s28, v0;
	_ =	sdelay $0x3  }
0x390: {  	v2 =	vimm.f32 $0.0e+00;
	s31 =	sadd.s32 $0x1, s26;
	v3 =	vld.idx.msk [tilespmem:v3+s16+$0x0], $0xffff  }
0x391: {  	s28 =	simm.s32 $0x2;
	v4 =	vadd.s32 s31, v0;
	v7 =	vadd.s32 s31, v1;
	v6 =	vld.idx.msk [tilespmem:v5+s16+$0x0], $0xffff;
	v5 =	vimm.f32 $0.0e+00  }
.LBB2_85:
0x392: {  	p0 =	sne.s32 s28, $0x18  }
.Ltmp41:
0x393: {  	_ = 	snop;
	(pc) =	sbr.rel @p0 .LBB2_85-.Ltmp41, $3  }
0x394: {  	_ =	sdelay $0x1  }
0x395: {  	s31 =	sadd.s32 s26, s28;
	s28 =	sadd.s32 $0x1, s28;
	v2 =	vadd.f32 v3, v2;
	v3 =	vld.idx.msk [tilespmem:v7+s16+$0x0], $0xffff  }
0x396: {  	v7 =	vadd.s32 s31, v1;
	v5 =	vadd.f32 v6, v5;
	v6 =	vld.idx.msk [tilespmem:v4+s16+$0x0], $0xffff;
	v4 =	vadd.s32 s31, v0  }
0x397: {  	_ =	sdelay $0x3  }
0x398: {  	v7 =	vld.idx.msk [tilespmem:v7+s16+$0x0], $0xffff  }
0x399: {  	v4 =	vld.idx.msk [tilespmem:v4+s16+$0x0], $0xffff;
	_ =	sdelay $0x2  }
0x39a: {  	v2 =	vadd.f32 v3, v2;
	v3 =	vadd.f32 v6, v5;
	_ =	sdelay $0x1  }
0x39b: {  	s26 =	sshll.u32 s25, $0x4;
	s25 =	sadd.s32 $0x1, s25;
	v2 =	vadd.f32 v7, v2;
	v3 =	vadd.f32 v4, v3  }
0x39c: {  	p0 =	sne.s32 s25, $0x20  }
.Ltmp42:
0x39d: {  	v2 =	vadd.f32 v2, v3;
	(pc) =	sbr.rel @p0 .LBB2_84-.Ltmp42, $4  }
0x39e: {  	_ = 	snop  }
0x39f: {  	v2 =	vmul.f32 $1.999999960e-02, v2  }
0x3a0: {  	s26 =	sand.u32 $0x3FFFFFF0, s26  }
0x3a1: {  	[tilespmem:s26+$0x14500] =	vst v2  }
0x3a2: {  	s25 =	simm.s32 $0x0  }
0x3a3: {  	[hbm4b:s4+s25] =	stream.linear.scatter [tilespmem:s22], [sflag:$0x3], $0x200, $0x38;
	[tilespmem:$0x14700] =	vst v63  }
0x3a4: {  	_ =	swait.ge [sflag:s8], $0x200  }
0x3a5: {  	[sflag:s8] =	ssyncset.done $0x0  }
0x3a6: {  	s26 =	rddreg [dreg:$0x17];
	[sflag:s8] =	ssyncadd.s32 $0xFFFFFE00  }
0x3a7: {  	[tilespmem:s9], [sflag:$0x3] =	stream.linear.gather [hbm4b:s26+s25], $0x1900, $0x38;
	[tilespmem:$0x14700] =	vst v63  }
0x3a8: {  	_ =	swait.ge [sflag:s8], $0x1900  }
0x3a9: {  	[sflag:s8] =	ssyncset.done $0x0  }
0x3aa: {  	s25 =	simm.s32 $0x0;
	[sflag:s8] =	ssyncadd.s32 $0xFFFFE700  }
0x3ab: {  	v2 =	vld [tilespmem:s25+$0x1900]  }
0x3ac: {  	s26 =	simm.s32 $0x40;
	v3 =	vld [tilespmem:s25+$0x12C00]  }
.LBB2_88:
0x3ad: {  	p0 =	sne.s32 s26, $0x63C0  }
.Ltmp43:
0x3ae: {  	_ = 	snop;
	(pc) =	sbr.rel @p0 .LBB2_88-.Ltmp43, $4  }
0x3af: {  	_ = 	snop  }
0x3b0: {  	s28 =	sshra.s32 s26, $0x2  }
0x3b1: {  	s26 =	sadd.s32 $0x40, s26;
	v4 =	vadd.s32 v2, v3;
	v2 =	vld [tilespmem:s28+$0x1900]  }
0x3b2: {  	v3 =	vld [tilespmem:s28+$0x12C00];
	[tilespmem:s25+$0x4B00] =	vst v4;
	s25 =	smov.u32 s28  }
0x3b3: {  	_ =	sdelay $0x3  }
0x3b4: {  	v2 =	vadd.s32 v2, v3  }
0x3b5: {  	[tilespmem:s25+$0x4B00] =	vst v2  }
0x3b6: {  	[tilespmem:s16], [sflag:$0x2] =	stream.indirect.gather [hbm4b:s29+s9], $0x1, s15, s9, $0xb8;
	[tilespmem:$0x14700] =	vst v63  }
0x3b7: {  	_ = 	snop  }
0x3b8: {  	[tilespmem:s18], [sflag:$0x2] =	stream.indirect.gather [hbm4b:s30+s9], $0x1, s15, s9, $0xb8;
	[tilespmem:$0x14700] =	vst v63  }
0x3b9: {  	_ = 	snop  }
0x3ba: {  	[tilespmem:s19], [sflag:$0x2] =	stream.indirect.gather [hbm4b:s1+s9], $0x1, s15, s9, $0xb8;
	[tilespmem:$0x14700] =	vst v63  }
0x3bb: {  	_ = 	snop  }
0x3bc: {  	[tilespmem:s20], [sflag:$0x2] =	stream.indirect.gather [hbm4b:s2+s9], $0x1, s15, s9, $0xb8;
	[tilespmem:$0x14700] =	vst v63  }
0x3bd: {  	_ =	swait.ge [sflag:s21], $0x1900  }
0x3be: {  	[sflag:s21] =	ssyncset.done $0x0  }
0x3bf: {  	[sflag:s21] =	ssyncadd.s32 $0xFFFFE700  }
0x3c0: {  	_ =	swait.ge [sflag:s21], $0x1900  }
0x3c1: {  	[sflag:s21] =	ssyncset.done $0x0  }
0x3c2: {  	[sflag:s21] =	ssyncadd.s32 $0xFFFFE700  }
0x3c3: {  	_ =	swait.ge [sflag:s21], $0x1900  }
0x3c4: {  	[sflag:s21] =	ssyncset.done $0x0  }
0x3c5: {  	[sflag:s21] =	ssyncadd.s32 $0xFFFFE700  }
0x3c6: {  	_ =	swait.ge [sflag:s21], $0x1900  }
0x3c7: {  	[sflag:s21] =	ssyncset.done $0x0  }
0x3c8: {  	s25 =	simm.s32 $0x0;
	[sflag:s21] =	ssyncadd.s32 $0xFFFFE700  }
.LBB2_90:
0x3c9: {  	s26 =	smul.u32 $0xC8, s25;
	_ =	sdelay $0x1  }
0x3ca: {  	s28 =	sadd.s32 $0x0, s26  }
0x3cb: {  	v3 =	vadd.s32 s28, v1  }
0x3cc: {  	v5 =	vadd.s32 s28, v0;
	_ =	sdelay $0x3  }
0x3cd: {  	v2 =	vimm.f32 $0.0e+00;
	s31 =	sadd.s32 $0x1, s26;
	v3 =	vld.idx.msk [tilespmem:v3+s11+$0x0], $0xffff  }
0x3ce: {  	s28 =	simm.s32 $0x2;
	v4 =	vadd.s32 s31, v0;
	v7 =	vadd.s32 s31, v1;
	v6 =	vld.idx.msk [tilespmem:v5+s11+$0x0], $0xffff;
	v5 =	vimm.f32 $0.0e+00  }
.LBB2_91:
0x3cf: {  	p0 =	sne.s32 s28, $0x18  }
.Ltmp44:
0x3d0: {  	_ = 	snop;
	(pc) =	sbr.rel @p0 .LBB2_91-.Ltmp44, $3  }
0x3d1: {  	_ =	sdelay $0x1  }
0x3d2: {  	s31 =	sadd.s32 s26, s28;
	s28 =	sadd.s32 $0x1, s28;
	v2 =	vadd.f32 v3, v2;
	v3 =	vld.idx.msk [tilespmem:v7+s11+$0x0], $0xffff  }
0x3d3: {  	v7 =	vadd.s32 s31, v1;
	v5 =	vadd.f32 v6, v5;
	v6 =	vld.idx.msk [tilespmem:v4+s11+$0x0], $0xffff;
	v4 =	vadd.s32 s31, v0  }
0x3d4: {  	_ =	sdelay $0x3  }
0x3d5: {  	v7 =	vld.idx.msk [tilespmem:v7+s11+$0x0], $0xffff  }
0x3d6: {  	v4 =	vld.idx.msk [tilespmem:v4+s11+$0x0], $0xffff;
	_ =	sdelay $0x2  }
0x3d7: {  	v2 =	vadd.f32 v3, v2;
	v3 =	vadd.f32 v6, v5;
	_ =	sdelay $0x1  }
0x3d8: {  	s26 =	sshll.u32 s25, $0x4;
	s25 =	sadd.s32 $0x1, s25;
	v2 =	vadd.f32 v7, v2;
	v3 =	vadd.f32 v4, v3  }
0x3d9: {  	p0 =	sne.s32 s25, $0x20  }
.Ltmp45:
0x3da: {  	v2 =	vadd.f32 v2, v3;
	(pc) =	sbr.rel @p0 .LBB2_90-.Ltmp45, $4  }
0x3db: {  	_ = 	snop  }
0x3dc: {  	v2 =	vmul.f32 $1.999999960e-02, v2  }
0x3dd: {  	s26 =	sand.u32 $0x3FFFFFF0, s26  }
0x3de: {  	[tilespmem:s26+$0x14500] =	vst v2  }
0x3df: {  	s25 =	simm.s32 $0x0  }
0x3e0: {  	[hbm4b:s5+s25] =	stream.linear.scatter [tilespmem:s22], [sflag:$0x3], $0x200, $0x38;
	[tilespmem:$0x14700] =	vst v63  }
0x3e1: {  	_ =	swait.ge [sflag:s8], $0x200  }
0x3e2: {  	[sflag:s8] =	ssyncset.done $0x0  }
0x3e3: {  	[sflag:s8] =	ssyncadd.s32 $0xFFFFFE00  }
0x3e4: {  	_ =	swait.ge [sflag:s23], $0x1900  }
0x3e5: {  	[sflag:s23] =	ssyncset.done $0x0  }
0x3e6: {  	[sflag:s23] =	ssyncadd.s32 $0xFFFFE700  }
0x3e7: {  	_ =	swait.ge [sflag:s23], $0x1900  }
0x3e8: {  	[sflag:s23] =	ssyncset.done $0x0  }
0x3e9: {  	[sflag:s23] =	ssyncadd.s32 $0xFFFFE700  }
0x3ea: {  	_ =	swait.ge [sflag:s23], $0x1900  }
0x3eb: {  	[sflag:s23] =	ssyncset.done $0x0  }
0x3ec: {  	[sflag:s23] =	ssyncadd.s32 $0xFFFFE700  }
0x3ed: {  	_ =	swait.ge [sflag:s23], $0x1900  }
0x3ee: {  	[sflag:s23] =	ssyncset.done $0x0  }
0x3ef: {  	[sflag:s23] =	ssyncadd.s32 $0xFFFFE700  }
.LBB2_94:
0x3f0: {  	s26 =	smul.u32 $0xC8, s25;
	_ =	sdelay $0x1  }
0x3f1: {  	s28 =	sadd.s32 $0x0, s26  }
0x3f2: {  	v3 =	vadd.s32 s28, v1  }
0x3f3: {  	v5 =	vadd.s32 s28, v0;
	_ =	sdelay $0x3  }
0x3f4: {  	v2 =	vimm.f32 $0.0e+00;
	s31 =	sadd.s32 $0x1, s26;
	v3 =	vld.idx.msk [tilespmem:v3+s16+$0x0], $0xffff  }
0x3f5: {  	s28 =	simm.s32 $0x2;
	v4 =	vadd.s32 s31, v0;
	v7 =	vadd.s32 s31, v1;
	v6 =	vld.idx.msk [tilespmem:v5+s16+$0x0], $0xffff;
	v5 =	vimm.f32 $0.0e+00  }
.LBB2_95:
0x3f6: {  	p0 =	sne.s32 s28, $0x18  }
.Ltmp46:
0x3f7: {  	_ = 	snop;
	(pc) =	sbr.rel @p0 .LBB2_95-.Ltmp46, $3  }
0x3f8: {  	_ =	sdelay $0x1  }
0x3f9: {  	s31 =	sadd.s32 s26, s28;
	s28 =	sadd.s32 $0x1, s28;
	v2 =	vadd.f32 v3, v2;
	v3 =	vld.idx.msk [tilespmem:v7+s16+$0x0], $0xffff  }
0x3fa: {  	v7 =	vadd.s32 s31, v1;
	v5 =	vadd.f32 v6, v5;
	v6 =	vld.idx.msk [tilespmem:v4+s16+$0x0], $0xffff;
	v4 =	vadd.s32 s31, v0  }
0x3fb: {  	_ =	sdelay $0x3  }
0x3fc: {  	v7 =	vld.idx.msk [tilespmem:v7+s16+$0x0], $0xffff  }
0x3fd: {  	v4 =	vld.idx.msk [tilespmem:v4+s16+$0x0], $0xffff;
	_ =	sdelay $0x2  }
0x3fe: {  	v2 =	vadd.f32 v3, v2;
	v3 =	vadd.f32 v6, v5;
	_ =	sdelay $0x1  }
0x3ff: {  	s26 =	sshll.u32 s25, $0x4;
	s25 =	sadd.s32 $0x1, s25;
	v2 =	vadd.f32 v7, v2;
	v3 =	vadd.f32 v4, v3  }
0x400: {  	p0 =	sne.s32 s25, $0x20  }
.Ltmp47:
0x401: {  	v2 =	vadd.f32 v2, v3;
	(pc) =	sbr.rel @p0 .LBB2_94-.Ltmp47, $4  }
0x402: {  	_ = 	snop  }
0x403: {  	v2 =	vmul.f32 $1.999999960e-02, v2  }
0x404: {  	s26 =	sand.u32 $0x3FFFFFF0, s26  }
0x405: {  	[tilespmem:s26+$0x14500] =	vst v2  }
0x406: {  	s24 =	sadd.s32 $0x1, s24  }
0x407: {  	p0 =	sne.s32 s24, s7  }
.Ltmp48:
0x408: {  	_ = 	snop;
	(pc) =	sbr.rel @p0 .LBB2_1-.Ltmp48, $4  }
0x409: {  	[hbm4b:s6+s17] =	stream.linear.scatter [tilespmem:s22], [sflag:$0x3], $0x200, $0x38;
	[tilespmem:$0x14700] =	vst v63  }
0x40a: {  	_ =	swait.ge [sflag:s8], $0x200  }
0x40b: {  	[sflag:s8] =	ssyncset.done $0x0  }
0x40c: {  	[sflag:s8] =	ssyncadd.s32 $0xFFFFFE00  }
0x40d: {  	_ =	sfence.sel $0x180000  }
0x40e: {  	[bflag:$0x0] =	sbarrier.arrive $0xFFFF  }
0x40f: {  	_ =	strace $0x90000047  }
0x410: {  	s0 =	stileid.u32;
	[bflag:$0x2] =	sbarrier.arrive $0xFFFF  }
0x411: {  	p0 =	sne.s32 s0, $0x0;
	s0 =	rddreg [dreg:$0x7]  }
0x412: {  	s0 =	sadd.s32 @!p0 $0x100000, s0  }
0x413: {  	[sflag:s0] =	ssyncadd.tile.s32 @!p0 $0x1;
	_ =	shalt  }
.Lfunc_end2:
_tile_overlayer_lowered:
.L_overlay_start_2:
0x414: {  	(tag) =	ssettag $0x2  }
0x415: {  	s0 =	rddreg [dreg:$0x0];
	s2 =	stileid.u32  }
0x416: {  	s1 =	rddreg [dreg:$0x1];
	p0 =	sne.s32 s2, $0x0  }
0x417: {  	s3 =	rddreg [dreg:$0x2];
	[bflag:$0x3] =	sbarrier.arrive $0xFFFF;
	s2 =	simm.s32 @!p0 $0x1C03  }
0x418: {  	[timem:s3], [sflag:s2] =	dma.local @!p0 [hbm:s0], s1  }
0x419: {  	s0 =	simm.s32 @!p0 $0x3  }
0x41a: {  	_ =	swait.ge @!p0 [sflag:s0], s1  }
0x41b: {  	s1 =	ssub.s32 @!p0 $0x0, s1;
	[sflag:s0] =	ssyncset.done @!p0 $0x0  }
0x41c: {  	[sflag:s0] =	ssyncadd.s32 @!p0 s1  }
0x41d: {  	[bflag:$0x3] =	sbarrier.arrive $0xFFFF  }
0x41e: {  	_ =	shalt  }

// kernel: _sc_calls.7.cloned.1.call-start
scs
__scs_entry_jumppad:
0x0: {  	(pc) =	sbr.rel $0x88, $3  }
0x1: {  	(tag) =	ssettag $0x0;
	lr =	simm.s32 $0x1  }
0x2: {  	[smem:$0x3F95] =	sst lr;
	_ =	strace $0xD0000000  }
0x3: {  	_ = 	snop  }
0x4: {  	_ = 	snop  }
0x5: {  	_ = 	snop  }
0x6: {  	_ = 	snop  }
0x7: {  	_ = 	snop  }
__scs_overlays_trampoline_lowered:
0x8: {  	[smem:$0x3FA4] =	sst s0  }
0x9: {  	[smem:$0x3FA5] =	sst s1  }
0xa: {  	[smem:$0x3FA6] =	sst s2  }
0xb: {  	[smem:$0x3FA7] =	sst s3  }
0xc: {  	[smem:$0x3FA8] =	sst s4  }
0xd: {  	[smem:$0x3FA9] =	sst s5  }
0xe: {  	[smem:$0x3FAA] =	sst s6  }
0xf: {  	[smem:$0x3FAB] =	sst s7  }
0x10: {  	[smem:$0x3FAC] =	sst s8  }
0x11: {  	[smem:$0x3FAD] =	sst s9;
	s0 =	simm.s32 @!p0 $0x0  }
0x12: {  	s1 =	sld [smem:$0x3F93];
	s0 =	simm.s32 @p0 $0x1  }
0x13: {  	[smem:$0x3FAE] =	sst s0;
	s0 =	simm.s32 @!p1 $0x0  }
0x14: {  	s2 =	sld [smem:$0x3F92];
	s0 =	simm.s32 @p1 $0x1  }
0x15: {  	[smem:$0x3FAF] =	sst s0;
	s0 =	simm.s32 @!p2 $0x0  }
0x16: {  	s3 =	sld [smem:$0x3FDB];
	s0 =	simm.s32 @p2 $0x1  }
0x17: {  	s4 =	simm.s32 $0x1BF5;
	[smem:$0x3FB1] =	sst s0  }
0x18: {  	s0 =	sld [smem:$0x3F94];
	_ =	swait.ge [sflag:s4], $0x0  }
0x19: {  	s7 =	sld [smem:$0x3F95]  }
0x1a: {  	s8 =	sadd.s32 $0xFFFFE003, lr  }
0x1b: {  	s9 =	sadd.s32 $0xFFFFFEF7, lr;
	s5 =	simm.s32 $0xFFFFFFFF;
	p2 =	slt.u32 s8, $0xFFFFF086  }
0x1c: {  	p1 =	slt.u32 s9, $0xF7A;
	s5 =	simm.s32 @!p2 $0x0  }
0x1d: {  	s5 =	simm.s32 @p1 $0x1;
	p0 =	seq.s32 s7, s2  }
0x1e: {  	s7 =	smul.u32 @!p0 $0xF7A, s2;
	p2 =	seq.s32 @!p0 s5, $0x0  }
0x1f: {  	s9 =	smul.u32 $0xF7A, s1;
	s8 =	simm.s32 @!p0 $0x1BF5;
	p2 =	por !p2, p0  }
0x20: {  	[sflag:s8] =	ssyncset.s32 @!p0 $0xFFFFF086;
	s6 =	sadd.s32 @!p0 s3, s7;
	s7 =	simm.s32 @!p0 $0x108  }
0x21: {  	s3 =	sadd.s32 s3, s9;
	s6 =	sadd.s32 @!p0 $0x88, s6;
	s7 =	simm.s32 @p2 $0x1082  }
0x22: {  	[simem:s7], [sflag:s8] =	dma.local @!p0 [hbm:s6], $0xF7A  }
0x23: {  	s9 =	sor.u32 $0xD0000000, s2;
	s6 =	simm.s32 $0x108;
	_ =	swait.ge @!p0 [sflag:s8], $0x0  }
0x24: {  	s3 =	sadd.s32 $0x88, s3;
	s6 =	simm.s32 @!p1 $0x1082;
	[sflag:s4] =	ssyncset.s32 $0xFFFFF086  }
0x25: {  	[simem:s6], [sflag:s4] =	dma.local [hbm:s3], $0xF7A  }
0x26: {  	[smem:$0x3F95] =	sst s1;
	(tag) =	ssettag s2;
	_ =	strace s9  }
0x27: {  	s1 =	sld [smem:$0x3FA5]  }
0x28: {  	s2 =	sld [smem:$0x3FA6]  }
0x29: {  	s4 =	sld [smem:$0x3FA8]  }
0x2a: {  	p0 =	seq.s32 s5, $0x0;
	s5 =	sld [smem:$0x3FA9]  }
0x2b: {  	s6 =	sld [smem:$0x3FAA]  }
0x2c: {  	s7 =	sld [smem:$0x3FAB]  }
0x2d: {  	s3 =	simm.s32 $0x108;
	s8 =	sld [smem:$0x3FAC]  }
0x2e: {  	s3 =	simm.s32 @!p0 $0x1082;
	s9 =	sld [smem:$0x3FAD]  }
0x2f: {  	lr =	sadd.s32 s0, s3;
	s0 =	sld [smem:$0x3FA4]  }
0x30: {  	s3 =	sld [smem:$0x3FA7]  }
0x31: {  	[smem:$0x3FB0] =	sst s10  }
0x32: {  	s10 =	sld [smem:$0x3FAE];
	_ =	sdelay $0x3  }
0x33: {  	p0 =	seq.s32 s10, $0x1;
	s10 =	sld [smem:$0x3FB0];
	_ =	sdelay $0x3  }
0x34: {  	[smem:$0x3FB0] =	sst s10  }
0x35: {  	s10 =	sld [smem:$0x3FAF];
	_ =	sdelay $0x3  }
0x36: {  	p1 =	seq.s32 s10, $0x1;
	s10 =	sld [smem:$0x3FB0];
	_ =	sdelay $0x3  }
0x37: {  	[smem:$0x3FB0] =	sst s10  }
0x38: {  	s10 =	sld [smem:$0x3FB1]  }
0x39: {  	_ = 	snop;
	(pc) =	sbr.ind lr, $3  }
0x3a: {  	_ = 	snop  }
0x3b: {  	_ = 	snop  }
0x3c: {  	p2 =	seq.s32 s10, $0x1;
	s10 =	sld [smem:$0x3FB0]  }
0x3d: {  	_ =	shalt  }
0x3e: {  	_ =	shalt  }
0x3f: {  	_ =	shalt  }
0x40: {  	_ =	shalt  }
0x41: {  	_ =	shalt  }
0x42: {  	_ =	shalt  }
0x43: {  	_ =	shalt  }
0x44: {  	_ =	shalt  }
0x45: {  	_ =	shalt  }
0x46: {  	_ =	shalt  }
0x47: {  	_ =	shalt  }
0x48: {  	_ =	shalt  }
0x49: {  	_ =	shalt  }
0x4a: {  	_ =	shalt  }
0x4b: {  	_ =	shalt  }
0x4c: {  	_ =	shalt  }
0x4d: {  	_ =	shalt  }
0x4e: {  	_ =	shalt  }
0x4f: {  	_ =	shalt  }
0x50: {  	_ =	shalt  }
0x51: {  	_ =	shalt  }
0x52: {  	_ =	shalt  }
0x53: {  	_ =	shalt  }
0x54: {  	_ =	shalt  }
0x55: {  	_ =	shalt  }
0x56: {  	_ =	shalt  }
0x57: {  	_ =	shalt  }
0x58: {  	_ =	shalt  }
0x59: {  	_ =	shalt  }
0x5a: {  	_ =	shalt  }
0x5b: {  	_ =	shalt  }
0x5c: {  	_ =	shalt  }
0x5d: {  	_ =	shalt  }
0x5e: {  	_ =	shalt  }
0x5f: {  	_ =	shalt  }
0x60: {  	_ =	shalt  }
0x61: {  	_ =	shalt  }
0x62: {  	_ =	shalt  }
0x63: {  	_ =	shalt  }
0x64: {  	_ =	shalt  }
0x65: {  	_ =	shalt  }
0x66: {  	_ =	shalt  }
0x67: {  	_ =	shalt  }
0x68: {  	_ =	shalt  }
0x69: {  	_ =	shalt  }
0x6a: {  	_ =	shalt  }
0x6b: {  	_ =	shalt  }
0x6c: {  	_ =	shalt  }
0x6d: {  	_ =	shalt  }
0x6e: {  	_ =	shalt  }
0x6f: {  	_ =	shalt  }
0x70: {  	_ =	shalt  }
0x71: {  	_ =	shalt  }
0x72: {  	_ =	shalt  }
0x73: {  	_ =	shalt  }
0x74: {  	_ =	shalt  }
0x75: {  	_ =	shalt  }
0x76: {  	_ =	shalt  }
0x77: {  	_ =	shalt  }
0x78: {  	_ =	shalt  }
0x79: {  	_ =	shalt  }
0x7a: {  	_ =	shalt  }
0x7b: {  	_ =	shalt  }
0x7c: {  	_ =	shalt  }
0x7d: {  	_ =	shalt  }
0x7e: {  	_ =	shalt  }
0x7f: {  	_ =	shalt  }
0x80: {  	_ =	shalt  }
0x81: {  	_ =	shalt  }
0x82: {  	_ =	shalt  }
0x83: {  	_ =	shalt  }
0x84: {  	_ =	shalt  }
0x85: {  	_ =	shalt  }
0x86: {  	_ =	shalt  }
0x87: {  	_ =	shalt  }
.Lfunc_end0:
.L_simem_size_0:
called_computation.1_lowered:
.L_overlay_start_0:
0x88: {  	s2 =	sld [smem:$0x3FD9]  }
0x89: {  	s3 =	sld [smem:$0x3FFE];
	_ =	sdelay $0x1  }
0x8a: {  	s1 =	srdreg.scid  }
0x8b: {  	s0 =	sand.u32 $0x1, s1  }
0x8c: {  	s15 =	sshll.u32 s0, $0xA;
	s2 =	sadd.s32 s3, s2  }
0x8d: {  	s2 =	sadd.s32 s2, s15  }
0x8e: {  	[smem:$0x3FBC] =	sst s2  }
0x8f: {  	_ = 	snop  }
0x90: {  	s2 =	sld [smem:$0x3FC9]  }
0x91: {  	s16 =	sld [smem:$0x3FC8]  }
0x92: {  	s4 =	sld [smem:$0x3FC7]  }
0x93: {  	s5 =	sld [smem:$0x3FD0]  }
0x94: {  	s6 =	sld [smem:$0x3FC6]  }
0x95: {  	s7 =	sld [smem:$0x3FC1]  }
0x96: {  	s9 =	simm.s32 $0xA;
	s10 =	simm.s32 $0x10;
	s8 =	sld [smem:$0x3FBE]  }
0x97: {  	[smem:s10], [sflag:s9] =	dma.local [hbm:s5], $0x1  }
0x98: {  	_ =	swait.eq [sflag:s9], $0x1  }
0x99: {  	[sflag:s9] =	ssyncset.done $0x0  }
0x9a: {  	[sflag:s9] =	ssyncadd.s32 $0xFFFFFFFF  }
0x9b: {  	s17 =	sld [smem:$0x10];
	(tm) =	ssettm $0x1  }
0x9c: {  	s18 =	sld [smem:$0x3FFB];
	_ =	sdelay $0x3  }
0x9d: {  	_ =	strace s18  }
0x9e: {  	s9 =	sld [smem:$0x3FFC];
	_ =	sdelay $0x3  }
0x9f: {  	_ =	strace s9  }
0xa0: {  	s9 =	sld [smem:$0x3FFD];
	_ =	sdelay $0x3  }
0xa1: {  	_ =	strace s9  }
0xa2: {  	_ =	strace $0x8FFFFFFF  }
0xa3: {  	s19 =	sld [smem:$0x3FDB];
	_ =	sdelay $0x1  }
0xa4: {  	s20 =	simm.s32 $_scs_section_size  }
0xa5: {  	s11 =	simm.s32 $_size__tile_overlayer_lowered;
	s12 =	simm.s32 $_tile_overlayer_lowered  }
0xa6: {  	s23 =	simm.s32 $0x1BFF;
	s22 =	sshll.u32 s12, $0x1;
	s9 =	sadd.s32 s20, s19  }
0xa7: {  	s13 =	simm.s32 $0x0;
	s21 =	sshll.u32 s11, $0x1;
	s11 =	sadd.s32 s22, s9  }
0xa8: {  	[timem:s13], [sflag:s23] =	dma.local [hbm:s11], s21  }
0xa9: {  	_ =	swait.ge [sflag:s23], s21  }
0xaa: {  	s10 =	ssub.s32 $0x0, s21;
	[sflag:s23] =	ssyncset.done $0x0  }
0xab: {  	[sflag:s23] =	ssyncadd.s32 s10;
	_ =	sdelay $0x1  }
0xac: {  	s24 =	simm.s32 $0x1B8B  }
0xad: {  	_ =	swait.ge [sflag:s24], $0x1  }
0xae: {  	[sflag:s24] =	ssyncset.done $0x0  }
0xaf: {  	s25 =	simm.s32 $0x1B8E;
	[sflag:s24] =	ssyncadd.s32 $0xFFFFFFFF  }
0xb0: {  	s26 =	simm.s32 $execute0_lowered;
	[smem:$0x3FD2] =	sst s25  }
0xb1: {  	s10 =	sshll.u32 s26, $0x1;
	_ =	strace $0x80000049;
	[dreg:$0x1] =	wrdreg $0xFFFFFFFF  }
0xb2: {  	s28 =	simm.s32 $_size_execute0_lowered;
	s9 =	sadd.s32 s9, s10;
	[dreg:$0x0] =	wrdreg $0x0  }
0xb3: {  	s10 =	sshll.u32 s28, $0x1;
	[dreg:$0x2] =	wrdreg s9  }
0xb4: {  	[dreg:$0x3] =	wrdreg s10  }
0xb5: {  	[dreg:$0x4] =	wrdreg $0xC0  }
0xb6: {  	_ =	task [dreg:s13], $0x5FFFF  }
0xb7: {  	[dreg:$0x1] =	wrdreg $0xFFFFFFFF  }
0xb8: {  	[dreg:$0x0] =	wrdreg $0x60  }
0xb9: {  	[dreg:$0x2] =	wrdreg s2  }
0xba: {  	[dreg:$0x3] =	wrdreg s16  }
0xbb: {  	[dreg:$0x4] =	wrdreg s4  }
0xbc: {  	[dreg:$0x5] =	wrdreg s6  }
0xbd: {  	[dreg:$0x6] =	wrdreg s7  }
0xbe: {  	[dreg:$0x7] =	wrdreg s8  }
0xbf: {  	[dreg:$0x8] =	wrdreg s17  }
0xc0: {  	[dreg:$0x9] =	wrdreg $0x9  }
0xc1: {  	_ =	task.clear_ibuf [dreg:s13], $0xAFFFF;
	_ =	strace $0x90000049  }
0xc2: {  	s29 =	simm.s32 $0x9;
	_ =	strace $0x8000004B  }
0xc3: {  	_ =	swait.ge [sflag:s29], $0x1  }
0xc4: {  	[sflag:s29] =	ssyncadd.s32 $0xFFFFFFFF  }
0xc5: {  	_ =	strace $0x9000004B  }
0xc6: {  	_ =	sfence  }
0xc7: {  	s30 =	sld [smem:$0x0];
	_ =	sdelay $0x2  }
0xc8: {  	s31 =	sshll.u32 s1, $0xD;
	s1 =	sshrl.u32 s1, $0x2  }
0xc9: {  	s3 =	sand.u32 $0x4000, s31;
	s1 =	sadd.s32 s1, s30  }
0xca: {  	s0 =	sor.u32 s3, s0;
	s1 =	sshll.u32 s1, $0x11  }
0xcb: {  	s0 =	sor.u32 s1, s0  }
0xcc: {  	s0 =	sadd.s32 $0x8F2B, s0  }
0xcd: {  	[sflag:s0] =	ssyncadd.remote.s32 $0x1  }
0xce: {  	_ =	sfence.sel $0xFFFF  }
0xcf: {  	[dreg:$0x0] =	wrdreg $0xFFFFFFFF;
	(pc) =	sbr.abs _section_cstart, $3  }
0xd0: {  	[dreg:$0x1] =	wrdreg $0xFFFFFFFF  }
0xd1: {  	_ =	task.clear_ibuf [dreg:s13], $0x2FFFF;
	_ =	strace $0x9FFFFFFF  }
0xd2: {  	(tm) =	ssettm $0x7FFFFFFF  }
0xd3: {  	_ =	shalt  }
tec
execute0_lowered:
.L_overlay_start_1:
0x0: {  	(tag) =	ssettag $0x1  }
0x1: {  	s0 =	srdreg.scid;
	s1 =	stileid.u32  }
0x2: {  	s0 =	sand.u32 $0x1, s0;
	s1 =	sshll.u32 s1, $0x1  }
0x3: {  	s5 =	sor.u32 s0, s1  }
0x4: {  	s2 =	rddreg [dreg:$0x1];
	s8 =	smul.u32 $0x680, s5  }
0x5: {  	s7 =	sshll.u32 s5, $0x3;
	s10 =	smul.u32 $0x1A00, s5;
	s5 =	sshllo.u32 s5, $0x3  }
0x6: {  	s3 =	rddreg [dreg:$0x2];
	s23 =	smul.u32 $0xD0, s5  }
0x7: {  	s4 =	rddreg [dreg:$0x3];
	s6 =	sor.u32 $0x1, s7;
	s5 =	smul.u32 $0x340, s5  }
0x8: {  	s12 =	rddreg [dreg:$0x4];
	s11 =	sor.u32 $0x2, s7;
	s9 =	smul.u32 $0xD0, s6  }
0x9: {  	s16 =	rddreg [dreg:$0x6];
	s28 =	simm.s32 $0x680;
	s13 =	smul.u32 $0xD0, s11  }
0xa: {  	s29 =	simm.s32 $0xD00;
	s15 =	sor.u32 $0x3, s7;
	s14 =	smul.u32 $0x340, s6  }
0xb: {  	s30 =	simm.s32 $0x1A00;
	s31 =	simm.s32 $0x2080;
	s17 =	smul.u32 $0xD0, s15  }
0xc: {  	s0 =	ssub.s32 $0x2, s0;
	s18 =	sor.u32 $0x4, s7;
	s11 =	smul.u32 $0x340, s11  }
0xd: {  	s1 =	rddreg [dreg:$0x0];
	s19 =	sshrl.u32 s0, $0x1;
	s20 =	smul.u32 $0xD0, s18  }
0xe: {  	s0 =	ssub.s32 s0, s19;
	s24 =	sor.u32 $0x5, s7;
	s15 =	smul.u32 $0x340, s15  }
0xf: {  	s7 =	sor.u32 $0x6, s7;
	s6 =	simm.s32 $0x0;
	s26 =	smul.u32 $0xD0, s24  }
0x10: {  	s8 =	sadd.s32 s12, s8;
	s21 =	smul.u32 $0xD0, s7;
	[smem:$0x7FF] =	sst s6  }
0x11: {  	s24 =	smul.u32 $0x340, s24;
	[dreg:$0x8] =	wrdreg s8;
	s25 =	sadd.s32 s12, s9  }
0x12: {  	s7 =	smul.u32 $0x340, s7;
	s13 =	sadd.s32 s12, s13;
	[dreg:$0x9] =	wrdreg s25  }
0x13: {  	s9 =	smul.u32 $0x340, s18;
	s18 =	sadd.s32 s12, s17;
	[dreg:$0xa] =	wrdreg s13  }
0x14: {  	s22 =	sadd.s32 s12, s20;
	s8 =	sadd.s32 s12, s26;
	[dreg:$0xb] =	wrdreg s18  }
0x15: {  	s26 =	sadd.s32 s16, s14;
	s19 =	sadd.s32 s16, s15;
	[dreg:$0xc] =	wrdreg s22  }
0x16: {  	s14 =	simm.s32 $0x0;
	[dreg:$0xd] =	wrdreg s8;
	s13 =	sadd.s32 s12, s21  }
0x17: {  	s8 =	sadd.s32 s12, s23;
	s25 =	sadd.s32 s16, s10;
	s18 =	sadd.s32 s16, s11  }
0x18: {  	s21 =	sadd.s32 s16, s24;
	s22 =	sadd.s32 s16, s7;
	s23 =	sadd.s32 s16, s5  }
0x19: {  	s24 =	smax.u32 s0, $0x1;
	s11 =	simm.s32 $0x2700;
	s0 =	simm.s32 $0x2D80  }
0x1a: {  	s5 =	simm.s32 $0x1380;
	s7 =	simm.s32 $0x3A80;
	[dreg:$0xe] =	wrdreg s13  }
0x1b: {  	s10 =	simm.s32 $0x1;
	s12 =	simm.s32 $0x5480;
	[dreg:$0xf] =	wrdreg s8  }
0x1c: {  	s20 =	sadd.s32 s16, s9;
	s8 =	simm.s32 $0x4100;
	s9 =	simm.s32 $0x4780  }
0x1d: {  	v0 =	vlaneseq.u32;
	s13 =	simm.s32 $0x2;
	_ =	strace $0x8000004A;
	[dreg:$0x10] =	wrdreg s25  }
0x1e: {  	v0 =	vmul.u32 $0x4, v0;
	[dreg:$0x11] =	wrdreg s26;
	s26 =	simm.s32 $0x3;
	s25 =	simm.s32 $0x3400  }
.LBB2_1:
0x1f: {  	s15 =	rddreg [dreg:$0x5];
	s16 =	simm.s32 $0x4E00  }
0x20: {  	[tilespmem:s16], [sflag:$0x3] =	stream.linear.gather [hbm4b:s15+s6], $0x680, $0x38;
	[tilespmem:$0x6E80] =	vst v63  }
0x21: {  	_ =	swait.ge [sflag:s26], $0x680  }
0x22: {  	[sflag:s26] =	ssyncset.done $0x0  }
0x23: {  	s17 =	rddreg [dreg:$0x8];
	[sflag:s26] =	ssyncadd.s32 $0xFFFFF980  }
0x24: {  	[tilespmem:s6], [sflag:$0x3] =	stream.linear.gather [hbm4b:s17+s6], $0x680, $0x38;
	[tilespmem:$0x6E80] =	vst v63  }
0x25: {  	_ =	swait.ge [sflag:s26], $0x680  }
0x26: {  	[sflag:s26] =	ssyncset.done $0x0  }
0x27: {  	s15 =	simm.s32 $0x0;
	[sflag:s26] =	ssyncadd.s32 $0xFFFFF980  }
0x28: {  	v1 =	vld [tilespmem:s15+$0x0]  }
0x29: {  	s16 =	simm.s32 $0x40;
	v2 =	vld [tilespmem:s15+$0x4E00]  }
.LBB2_2:
0x2a: {  	p0 =	sne.s32 s16, $0x19C0  }
.Ltmp0:
0x2b: {  	_ = 	snop;
	(pc) =	sbr.rel @p0 .LBB2_2-.Ltmp0, $4  }
0x2c: {  	_ = 	snop  }
0x2d: {  	s17 =	sshra.s32 s16, $0x2  }
0x2e: {  	s16 =	sadd.s32 $0x40, s16;
	v3 =	vadd.s32 v1, v2;
	v1 =	vld [tilespmem:s17+$0x0]  }
0x2f: {  	v2 =	vld [tilespmem:s17+$0x4E00];
	[tilespmem:s15+$0xD00] =	vst v3;
	s15 =	smov.u32 s17  }
0x30: {  	_ =	sdelay $0x3  }
0x31: {  	v1 =	vadd.s32 v1, v2  }
0x32: {  	[tilespmem:s15+$0xD00] =	vst v1  }
0x33: {  	[tilespmem:s30], [sflag:$0x1] =	stream.indirect.gather [hbm4b:s1+s28], $0x1, s29, s28, $0xb8;
	[tilespmem:$0x6E80] =	vst v63  }
0x34: {  	_ = 	snop  }
0x35: {  	[tilespmem:s31], [sflag:$0x1] =	stream.indirect.gather [hbm4b:s2+s28], $0x1, s29, s28, $0xb8;
	[tilespmem:$0x6E80] =	vst v63  }
0x36: {  	_ = 	snop  }
0x37: {  	[tilespmem:s11], [sflag:$0x1] =	stream.indirect.gather [hbm4b:s3+s28], $0x1, s29, s28, $0xb8;
	[tilespmem:$0x6E80] =	vst v63  }
0x38: {  	_ = 	snop  }
0x39: {  	[tilespmem:s0], [sflag:$0x1] =	stream.indirect.gather [hbm4b:s4+s28], $0x1, s29, s28, $0xb8;
	[tilespmem:$0x6E80] =	vst v63  }
0x3a: {  	s17 =	simm.s32 $0x0;
	s16 =	rddreg [dreg:$0x9]  }
0x3b: {  	[tilespmem:s28], [sflag:$0x3] =	stream.linear.gather [hbm4b:s16+s17], $0x680, $0x38;
	[tilespmem:$0x6E80] =	vst v63  }
0x3c: {  	_ =	swait.ge [sflag:s26], $0x680  }
0x3d: {  	[sflag:s26] =	ssyncset.done $0x0  }
0x3e: {  	s15 =	simm.s32 $0x0;
	[sflag:s26] =	ssyncadd.s32 $0xFFFFF980  }
0x3f: {  	v1 =	vld [tilespmem:s15+$0x680]  }
0x40: {  	s16 =	simm.s32 $0x40;
	v2 =	vld [tilespmem:s15+$0x4E00]  }
.LBB2_4:
0x41: {  	p0 =	sne.s32 s16, $0x19C0  }
.Ltmp1:
0x42: {  	_ = 	snop;
	(pc) =	sbr.rel @p0 .LBB2_4-.Ltmp1, $4  }
0x43: {  	_ = 	snop  }
0x44: {  	s17 =	sshra.s32 s16, $0x2  }
0x45: {  	s16 =	sadd.s32 $0x40, s16;
	v3 =	vadd.s32 v1, v2;
	v1 =	vld [tilespmem:s17+$0x680]  }
0x46: {  	v2 =	vld [tilespmem:s17+$0x4E00];
	[tilespmem:s15+$0x1380] =	vst v3;
	s15 =	smov.u32 s17  }
0x47: {  	_ =	sdelay $0x3  }
0x48: {  	v1 =	vadd.s32 v1, v2  }
0x49: {  	[tilespmem:s15+$0x1380] =	vst v1  }
0x4a: {  	[tilespmem:s25], [sflag:$0x2] =	stream.indirect.gather [hbm4b:s1+s28], $0x1, s5, s28, $0xb8;
	[tilespmem:$0x6E80] =	vst v63  }
0x4b: {  	_ = 	snop  }
0x4c: {  	[tilespmem:s7], [sflag:$0x2] =	stream.indirect.gather [hbm4b:s2+s28], $0x1, s5, s28, $0xb8;
	[tilespmem:$0x6E80] =	vst v63  }
0x4d: {  	_ = 	snop  }
0x4e: {  	[tilespmem:s8], [sflag:$0x2] =	stream.indirect.gather [hbm4b:s3+s28], $0x1, s5, s28, $0xb8;
	[tilespmem:$0x6E80] =	vst v63  }
0x4f: {  	_ = 	snop  }
0x50: {  	[tilespmem:s9], [sflag:$0x2] =	stream.indirect.gather [hbm4b:s4+s28], $0x1, s5, s28, $0xb8;
	[tilespmem:$0x6E80] =	vst v63  }
0x51: {  	_ =	swait.ge [sflag:s10], $0x680  }
0x52: {  	[sflag:s10] =	ssyncset.done $0x0  }
0x53: {  	[sflag:s10] =	ssyncadd.s32 $0xFFFFF980  }
0x54: {  	_ =	swait.ge [sflag:s10], $0x680  }
0x55: {  	[sflag:s10] =	ssyncset.done $0x0  }
0x56: {  	[sflag:s10] =	ssyncadd.s32 $0xFFFFF980  }
0x57: {  	_ =	swait.ge [sflag:s10], $0x680  }
0x58: {  	[sflag:s10] =	ssyncset.done $0x0  }
0x59: {  	[sflag:s10] =	ssyncadd.s32 $0xFFFFF980  }
0x5a: {  	s17 =	simm.s32 $0x0;
	_ =	swait.ge [sflag:s10], $0x680  }
0x5b: {  	v1 =	vmov s17;
	[sflag:s10] =	ssyncset.done $0x0  }
0x5c: {  	s15 =	simm.s32 $0x2700;
	v1 =	vshll.u32 v1, $0x2;
	[sflag:s10] =	ssyncadd.s32 $0xFFFFF980  }
0x5d: {  	v2 =	vor.u32 v0, v1;
	v1 =	vld [tilespmem:s15+$0xFFFFF300];
	_ =	sdelay $0x4  }
0x5e: {  	[tilespmem:v2+s12+$0x0] =	vst.idx.msk $0xffff, v1  }
0x5f: {  	v3 =	vor.u32 $0x1, v2;
	v1 =	vld [tilespmem:s15+$0xFFFFF980];
	_ =	sdelay $0x4  }
0x60: {  	[tilespmem:v3+s12+$0x0] =	vst.idx.msk $0xffff, v1  }
0x61: {  	v3 =	vor.u32 $0x2, v2;
	v1 =	vld [tilespmem:s15+$0x0];
	_ =	sdelay $0x4  }
0x62: {  	[tilespmem:v3+s12+$0x0] =	vst.idx.msk $0xffff, v1  }
0x63: {  	v2 =	vor.u32 $0x3, v2;
	v1 =	vld [tilespmem:s15+$0x680];
	_ =	sdelay $0x2  }
0x64: {  	s16 =	simm.s32 $0x10  }
0x65: {  	v3 =	vmov s16;
	s16 =	simm.s32 $0x20  }
.LBB2_6:
0x66: {  	p0 =	sne.s32 s16, $0x670;
	v3 =	vshll.u32 v3, $0x2;
	[tilespmem:v2+s12+$0x0] =	vst.idx.msk $0xffff, v1;
	s15 =	sadd.s32 $0x10, s15  }
0x67: {  	v2 =	vor.u32 v0, v3;
	v1 =	vld [tilespmem:s15+$0xFFFFF300];
	_ =	sdelay $0x4  }
0x68: {  	[tilespmem:v2+s12+$0x0] =	vst.idx.msk $0xffff, v1  }
0x69: {  	v3 =	vor.u32 $0x1, v2;
	v1 =	vld [tilespmem:s15+$0xFFFFF980];
	_ =	sdelay $0x4  }
0x6a: {  	[tilespmem:v3+s12+$0x0] =	vst.idx.msk $0xffff, v1  }
0x6b: {  	v3 =	vor.u32 $0x2, v2;
	v1 =	vld [tilespmem:s15+$0x0];
	_ =	sdelay $0x4  }
0x6c: {  	[tilespmem:v3+s12+$0x0] =	vst.idx.msk $0xffff, v1  }
.Ltmp2:
0x6d: {  	v2 =	vor.u32 $0x3, v2;
	v1 =	vld [tilespmem:s15+$0x680];
	(pc) =	sbr.rel @p0 .LBB2_6-.Ltmp2, $2  }
0x6e: {  	_ =	sdelay $0x2  }
0x6f: {  	v3 =	vmov s16;
	s16 =	sadd.s32 $0x10, s16  }
0x70: {  	_ =	sdelay $0x3  }
0x71: {  	v3 =	vshll.u32 v3, $0x2;
	[tilespmem:v2+s12+$0x0] =	vst.idx.msk $0xffff, v1;
	s15 =	sadd.s32 $0x10, s15  }
0x72: {  	v1 =	vor.u32 v0, v3;
	v2 =	vld [tilespmem:s15+$0xFFFFF300];
	_ =	sdelay $0x4  }
0x73: {  	[tilespmem:v1+s12+$0x0] =	vst.idx.msk $0xffff, v2  }
0x74: {  	v3 =	vor.u32 $0x1, v1;
	v2 =	vld [tilespmem:s15+$0xFFFFF980];
	_ =	sdelay $0x4  }
0x75: {  	[tilespmem:v3+s12+$0x0] =	vst.idx.msk $0xffff, v2  }
0x76: {  	v3 =	vor.u32 $0x2, v1;
	v2 =	vld [tilespmem:s15+$0x0];
	_ =	sdelay $0x4  }
0x77: {  	[tilespmem:v3+s12+$0x0] =	vst.idx.msk $0xffff, v2  }
0x78: {  	v1 =	vor.u32 $0x3, v1;
	v2 =	vld [tilespmem:s15+$0x680];
	_ =	sdelay $0x4  }
0x79: {  	s16 =	rddreg [dreg:$0x10];
	s15 =	simm.s32 $0x0;
	[tilespmem:v1+s12+$0x0] =	vst.idx.msk $0xffff, v2  }
0x7a: {  	[hbm4b:s16+s15] =	stream.linear.scatter [tilespmem:s12], [sflag:$0x3], $0x1A00, $0x38;
	[tilespmem:$0x6E80] =	vst v63  }
0x7b: {  	_ =	swait.ge [sflag:s26], $0x1A00  }
0x7c: {  	[sflag:s26] =	ssyncset.done $0x0  }
0x7d: {  	s17 =	rddreg [dreg:$0xa];
	[sflag:s26] =	ssyncadd.s32 $0xFFFFE600  }
0x7e: {  	[tilespmem:s15], [sflag:$0x3] =	stream.linear.gather [hbm4b:s17+s15], $0x680, $0x38;
	[tilespmem:$0x6E80] =	vst v63  }
0x7f: {  	_ =	swait.ge [sflag:s26], $0x680  }
0x80: {  	[sflag:s26] =	ssyncset.done $0x0  }
0x81: {  	s15 =	simm.s32 $0x0;
	[sflag:s26] =	ssyncadd.s32 $0xFFFFF980  }
0x82: {  	v1 =	vld [tilespmem:s15+$0x0]  }
0x83: {  	s16 =	simm.s32 $0x40;
	v2 =	vld [tilespmem:s15+$0x4E00]  }
.LBB2_8:
0x84: {  	p0 =	sne.s32 s16, $0x19C0  }
.Ltmp3:
0x85: {  	_ = 	snop;
	(pc) =	sbr.rel @p0 .LBB2_8-.Ltmp3, $4  }
0x86: {  	_ = 	snop  }
0x87: {  	s17 =	sshra.s32 s16, $0x2  }
0x88: {  	s16 =	sadd.s32 $0x40, s16;
	v3 =	vadd.s32 v1, v2;
	v1 =	vld [tilespmem:s17+$0x0]  }
0x89: {  	v2 =	vld [tilespmem:s17+$0x4E00];
	[tilespmem:s15+$0xD00] =	vst v3;
	s15 =	smov.u32 s17  }
0x8a: {  	_ =	sdelay $0x3  }
0x8b: {  	v1 =	vadd.s32 v1, v2  }
0x8c: {  	[tilespmem:s15+$0xD00] =	vst v1  }
0x8d: {  	[tilespmem:s30], [sflag:$0x1] =	stream.indirect.gather [hbm4b:s1+s28], $0x1, s29, s28, $0xb8;
	[tilespmem:$0x6E80] =	vst v63  }
0x8e: {  	_ = 	snop  }
0x8f: {  	[tilespmem:s31], [sflag:$0x1] =	stream.indirect.gather [hbm4b:s2+s28], $0x1, s29, s28, $0xb8;
	[tilespmem:$0x6E80] =	vst v63  }
0x90: {  	_ = 	snop  }
0x91: {  	[tilespmem:s11], [sflag:$0x1] =	stream.indirect.gather [hbm4b:s3+s28], $0x1, s29, s28, $0xb8;
	[tilespmem:$0x6E80] =	vst v63  }
0x92: {  	_ = 	snop  }
0x93: {  	[tilespmem:s0], [sflag:$0x1] =	stream.indirect.gather [hbm4b:s4+s28], $0x1, s29, s28, $0xb8;
	[tilespmem:$0x6E80] =	vst v63  }
0x94: {  	_ =	swait.ge [sflag:s13], $0x680  }
0x95: {  	[sflag:s13] =	ssyncset.done $0x0  }
0x96: {  	[sflag:s13] =	ssyncadd.s32 $0xFFFFF980  }
0x97: {  	_ =	swait.ge [sflag:s13], $0x680  }
0x98: {  	[sflag:s13] =	ssyncset.done $0x0  }
0x99: {  	[sflag:s13] =	ssyncadd.s32 $0xFFFFF980  }
0x9a: {  	_ =	swait.ge [sflag:s13], $0x680  }
0x9b: {  	[sflag:s13] =	ssyncset.done $0x0  }
0x9c: {  	[sflag:s13] =	ssyncadd.s32 $0xFFFFF980  }
0x9d: {  	s17 =	simm.s32 $0x0;
	_ =	swait.ge [sflag:s13], $0x680  }
0x9e: {  	v1 =	vmov s17;
	[sflag:s13] =	ssyncset.done $0x0  }
0x9f: {  	s15 =	simm.s32 $0x4100;
	v1 =	vshll.u32 v1, $0x2;
	[sflag:s13] =	ssyncadd.s32 $0xFFFFF980  }
0xa0: {  	v2 =	vor.u32 v0, v1;
	v1 =	vld [tilespmem:s15+$0xFFFFF300];
	_ =	sdelay $0x4  }
0xa1: {  	[tilespmem:v2+s12+$0x0] =	vst.idx.msk $0xffff, v1  }
0xa2: {  	v3 =	vor.u32 $0x1, v2;
	v1 =	vld [tilespmem:s15+$0xFFFFF980];
	_ =	sdelay $0x4  }
0xa3: {  	[tilespmem:v3+s12+$0x0] =	vst.idx.msk $0xffff, v1  }
0xa4: {  	v3 =	vor.u32 $0x2, v2;
	v1 =	vld [tilespmem:s15+$0x0];
	_ =	sdelay $0x4  }
0xa5: {  	[tilespmem:v3+s12+$0x0] =	vst.idx.msk $0xffff, v1  }
0xa6: {  	v2 =	vor.u32 $0x3, v2;
	v1 =	vld [tilespmem:s15+$0x680];
	_ =	sdelay $0x2  }
0xa7: {  	s16 =	simm.s32 $0x10  }
0xa8: {  	v3 =	vmov s16;
	s16 =	simm.s32 $0x20  }
.LBB2_10:
0xa9: {  	p0 =	sne.s32 s16, $0x670;
	v3 =	vshll.u32 v3, $0x2;
	[tilespmem:v2+s12+$0x0] =	vst.idx.msk $0xffff, v1;
	s15 =	sadd.s32 $0x10, s15  }
0xaa: {  	v2 =	vor.u32 v0, v3;
	v1 =	vld [tilespmem:s15+$0xFFFFF300];
	_ =	sdelay $0x4  }
0xab: {  	[tilespmem:v2+s12+$0x0] =	vst.idx.msk $0xffff, v1  }
0xac: {  	v3 =	vor.u32 $0x1, v2;
	v1 =	vld [tilespmem:s15+$0xFFFFF980];
	_ =	sdelay $0x4  }
0xad: {  	[tilespmem:v3+s12+$0x0] =	vst.idx.msk $0xffff, v1  }
0xae: {  	v3 =	vor.u32 $0x2, v2;
	v1 =	vld [tilespmem:s15+$0x0];
	_ =	sdelay $0x4  }
0xaf: {  	[tilespmem:v3+s12+$0x0] =	vst.idx.msk $0xffff, v1  }
.Ltmp4:
0xb0: {  	v2 =	vor.u32 $0x3, v2;
	v1 =	vld [tilespmem:s15+$0x680];
	(pc) =	sbr.rel @p0 .LBB2_10-.Ltmp4, $2  }
0xb1: {  	_ =	sdelay $0x2  }
0xb2: {  	v3 =	vmov s16;
	s16 =	sadd.s32 $0x10, s16  }
0xb3: {  	_ =	sdelay $0x3  }
0xb4: {  	v3 =	vshll.u32 v3, $0x2;
	[tilespmem:v2+s12+$0x0] =	vst.idx.msk $0xffff, v1;
	s15 =	sadd.s32 $0x10, s15  }
0xb5: {  	v1 =	vor.u32 v0, v3;
	v2 =	vld [tilespmem:s15+$0xFFFFF300];
	_ =	sdelay $0x4  }
0xb6: {  	[tilespmem:v1+s12+$0x0] =	vst.idx.msk $0xffff, v2  }
0xb7: {  	v3 =	vor.u32 $0x1, v1;
	v2 =	vld [tilespmem:s15+$0xFFFFF980];
	_ =	sdelay $0x4  }
0xb8: {  	[tilespmem:v3+s12+$0x0] =	vst.idx.msk $0xffff, v2  }
0xb9: {  	v3 =	vor.u32 $0x2, v1;
	v2 =	vld [tilespmem:s15+$0x0];
	_ =	sdelay $0x4  }
0xba: {  	[tilespmem:v3+s12+$0x0] =	vst.idx.msk $0xffff, v2  }
0xbb: {  	v1 =	vor.u32 $0x3, v1;
	v2 =	vld [tilespmem:s15+$0x680];
	_ =	sdelay $0x4  }
0xbc: {  	s16 =	rddreg [dreg:$0x11];
	s15 =	simm.s32 $0x0;
	[tilespmem:v1+s12+$0x0] =	vst.idx.msk $0xffff, v2  }
0xbd: {  	[hbm4b:s16+s15] =	stream.linear.scatter [tilespmem:s12], [sflag:$0x3], $0x1A00, $0x38;
	[tilespmem:$0x6E80] =	vst v63  }
0xbe: {  	_ =	swait.ge [sflag:s26], $0x1A00  }
0xbf: {  	[sflag:s26] =	ssyncset.done $0x0  }
0xc0: {  	s17 =	rddreg [dreg:$0xb];
	[sflag:s26] =	ssyncadd.s32 $0xFFFFE600  }
0xc1: {  	[tilespmem:s28], [sflag:$0x3] =	stream.linear.gather [hbm4b:s17+s15], $0x680, $0x38;
	[tilespmem:$0x6E80] =	vst v63  }
0xc2: {  	_ =	swait.ge [sflag:s26], $0x680  }
0xc3: {  	[sflag:s26] =	ssyncset.done $0x0  }
0xc4: {  	s15 =	simm.s32 $0x0;
	[sflag:s26] =	ssyncadd.s32 $0xFFFFF980  }
0xc5: {  	v1 =	vld [tilespmem:s15+$0x680]  }
0xc6: {  	s16 =	simm.s32 $0x40;
	v2 =	vld [tilespmem:s15+$0x4E00]  }
.LBB2_12:
0xc7: {  	p0 =	sne.s32 s16, $0x19C0  }
.Ltmp5:
0xc8: {  	_ = 	snop;
	(pc) =	sbr.rel @p0 .LBB2_12-.Ltmp5, $4  }
0xc9: {  	_ = 	snop  }
0xca: {  	s17 =	sshra.s32 s16, $0x2  }
0xcb: {  	s16 =	sadd.s32 $0x40, s16;
	v3 =	vadd.s32 v1, v2;
	v1 =	vld [tilespmem:s17+$0x680]  }
0xcc: {  	v2 =	vld [tilespmem:s17+$0x4E00];
	[tilespmem:s15+$0x1380] =	vst v3;
	s15 =	smov.u32 s17  }
0xcd: {  	_ =	sdelay $0x3  }
0xce: {  	v1 =	vadd.s32 v1, v2  }
0xcf: {  	[tilespmem:s15+$0x1380] =	vst v1  }
0xd0: {  	[tilespmem:s25], [sflag:$0x2] =	stream.indirect.gather [hbm4b:s1+s28], $0x1, s5, s28, $0xb8;
	[tilespmem:$0x6E80] =	vst v63  }
0xd1: {  	_ = 	snop  }
0xd2: {  	[tilespmem:s7], [sflag:$0x2] =	stream.indirect.gather [hbm4b:s2+s28], $0x1, s5, s28, $0xb8;
	[tilespmem:$0x6E80] =	vst v63  }
0xd3: {  	_ = 	snop  }
0xd4: {  	[tilespmem:s8], [sflag:$0x2] =	stream.indirect.gather [hbm4b:s3+s28], $0x1, s5, s28, $0xb8;
	[tilespmem:$0x6E80] =	vst v63  }
0xd5: {  	_ = 	snop  }
0xd6: {  	[tilespmem:s9], [sflag:$0x2] =	stream.indirect.gather [hbm4b:s4+s28], $0x1, s5, s28, $0xb8;
	[tilespmem:$0x6E80] =	vst v63  }
0xd7: {  	_ =	swait.ge [sflag:s10], $0x680  }
0xd8: {  	[sflag:s10] =	ssyncset.done $0x0  }
0xd9: {  	[sflag:s10] =	ssyncadd.s32 $0xFFFFF980  }
0xda: {  	_ =	swait.ge [sflag:s10], $0x680  }
0xdb: {  	[sflag:s10] =	ssyncset.done $0x0  }
0xdc: {  	[sflag:s10] =	ssyncadd.s32 $0xFFFFF980  }
0xdd: {  	_ =	swait.ge [sflag:s10], $0x680  }
0xde: {  	[sflag:s10] =	ssyncset.done $0x0  }
0xdf: {  	[sflag:s10] =	ssyncadd.s32 $0xFFFFF980  }
0xe0: {  	s17 =	simm.s32 $0x0;
	_ =	swait.ge [sflag:s10], $0x680  }
0xe1: {  	v1 =	vmov s17;
	[sflag:s10] =	ssyncset.done $0x0  }
0xe2: {  	s15 =	simm.s32 $0x2700;
	v1 =	vshll.u32 v1, $0x2;
	[sflag:s10] =	ssyncadd.s32 $0xFFFFF980  }
0xe3: {  	v2 =	vor.u32 v0, v1;
	v1 =	vld [tilespmem:s15+$0xFFFFF300];
	_ =	sdelay $0x4  }
0xe4: {  	[tilespmem:v2+s12+$0x0] =	vst.idx.msk $0xffff, v1  }
0xe5: {  	v3 =	vor.u32 $0x1, v2;
	v1 =	vld [tilespmem:s15+$0xFFFFF980];
	_ =	sdelay $0x4  }
0xe6: {  	[tilespmem:v3+s12+$0x0] =	vst.idx.msk $0xffff, v1  }
0xe7: {  	v3 =	vor.u32 $0x2, v2;
	v1 =	vld [tilespmem:s15+$0x0];
	_ =	sdelay $0x4  }
0xe8: {  	[tilespmem:v3+s12+$0x0] =	vst.idx.msk $0xffff, v1  }
0xe9: {  	v2 =	vor.u32 $0x3, v2;
	v1 =	vld [tilespmem:s15+$0x680];
	_ =	sdelay $0x2  }
0xea: {  	s16 =	simm.s32 $0x10  }
0xeb: {  	v3 =	vmov s16;
	s16 =	simm.s32 $0x20  }
.LBB2_14:
0xec: {  	p0 =	sne.s32 s16, $0x670;
	v3 =	vshll.u32 v3, $0x2;
	[tilespmem:v2+s12+$0x0] =	vst.idx.msk $0xffff, v1;
	s15 =	sadd.s32 $0x10, s15  }
0xed: {  	v2 =	vor.u32 v0, v3;
	v1 =	vld [tilespmem:s15+$0xFFFFF300];
	_ =	sdelay $0x4  }
0xee: {  	[tilespmem:v2+s12+$0x0] =	vst.idx.msk $0xffff, v1  }
0xef: {  	v3 =	vor.u32 $0x1, v2;
	v1 =	vld [tilespmem:s15+$0xFFFFF980];
	_ =	sdelay $0x4  }
0xf0: {  	[tilespmem:v3+s12+$0x0] =	vst.idx.msk $0xffff, v1  }
0xf1: {  	v3 =	vor.u32 $0x2, v2;
	v1 =	vld [tilespmem:s15+$0x0];
	_ =	sdelay $0x4  }
0xf2: {  	[tilespmem:v3+s12+$0x0] =	vst.idx.msk $0xffff, v1  }
.Ltmp6:
0xf3: {  	v2 =	vor.u32 $0x3, v2;
	v1 =	vld [tilespmem:s15+$0x680];
	(pc) =	sbr.rel @p0 .LBB2_14-.Ltmp6, $2  }
0xf4: {  	_ =	sdelay $0x2  }
0xf5: {  	v3 =	vmov s16;
	s16 =	sadd.s32 $0x10, s16  }
0xf6: {  	_ =	sdelay $0x3  }
0xf7: {  	v3 =	vshll.u32 v3, $0x2;
	[tilespmem:v2+s12+$0x0] =	vst.idx.msk $0xffff, v1;
	s15 =	sadd.s32 $0x10, s15  }
0xf8: {  	v1 =	vor.u32 v0, v3;
	v2 =	vld [tilespmem:s15+$0xFFFFF300];
	_ =	sdelay $0x4  }
0xf9: {  	[tilespmem:v1+s12+$0x0] =	vst.idx.msk $0xffff, v2  }
0xfa: {  	v3 =	vor.u32 $0x1, v1;
	v2 =	vld [tilespmem:s15+$0xFFFFF980];
	_ =	sdelay $0x4  }
0xfb: {  	[tilespmem:v3+s12+$0x0] =	vst.idx.msk $0xffff, v2  }
0xfc: {  	v3 =	vor.u32 $0x2, v1;
	v2 =	vld [tilespmem:s15+$0x0];
	_ =	sdelay $0x4  }
0xfd: {  	[tilespmem:v3+s12+$0x0] =	vst.idx.msk $0xffff, v2  }
0xfe: {  	v1 =	vor.u32 $0x3, v1;
	v2 =	vld [tilespmem:s15+$0x680];
	_ =	sdelay $0x4  }
0xff: {  	s17 =	simm.s32 $0x0;
	[tilespmem:v1+s12+$0x0] =	vst.idx.msk $0xffff, v2  }
0x100: {  	[hbm4b:s18+s17] =	stream.linear.scatter [tilespmem:s12], [sflag:$0x3], $0x1A00, $0x38;
	[tilespmem:$0x6E80] =	vst v63  }
0x101: {  	_ =	swait.ge [sflag:s26], $0x1A00  }
0x102: {  	[sflag:s26] =	ssyncset.done $0x0  }
0x103: {  	s16 =	rddreg [dreg:$0xc];
	[sflag:s26] =	ssyncadd.s32 $0xFFFFE600  }
0x104: {  	[tilespmem:s17], [sflag:$0x3] =	stream.linear.gather [hbm4b:s16+s17], $0x680, $0x38;
	[tilespmem:$0x6E80] =	vst v63  }
0x105: {  	_ =	swait.ge [sflag:s26], $0x680  }
0x106: {  	[sflag:s26] =	ssyncset.done $0x0  }
0x107: {  	s15 =	simm.s32 $0x0;
	[sflag:s26] =	ssyncadd.s32 $0xFFFFF980  }
0x108: {  	v1 =	vld [tilespmem:s15+$0x0]  }
0x109: {  	s16 =	simm.s32 $0x40;
	v2 =	vld [tilespmem:s15+$0x4E00]  }
.LBB2_16:
0x10a: {  	p0 =	sne.s32 s16, $0x19C0  }
.Ltmp7:
0x10b: {  	_ = 	snop;
	(pc) =	sbr.rel @p0 .LBB2_16-.Ltmp7, $4  }
0x10c: {  	_ = 	snop  }
0x10d: {  	s17 =	sshra.s32 s16, $0x2  }
0x10e: {  	s16 =	sadd.s32 $0x40, s16;
	v3 =	vadd.s32 v1, v2;
	v1 =	vld [tilespmem:s17+$0x0]  }
0x10f: {  	v2 =	vld [tilespmem:s17+$0x4E00];
	[tilespmem:s15+$0xD00] =	vst v3;
	s15 =	smov.u32 s17  }
0x110: {  	_ =	sdelay $0x3  }
0x111: {  	v1 =	vadd.s32 v1, v2  }
0x112: {  	[tilespmem:s15+$0xD00] =	vst v1  }
0x113: {  	[tilespmem:s30], [sflag:$0x1] =	stream.indirect.gather [hbm4b:s1+s28], $0x1, s29, s28, $0xb8;
	[tilespmem:$0x6E80] =	vst v63  }
0x114: {  	_ = 	snop  }
0x115: {  	[tilespmem:s31], [sflag:$0x1] =	stream.indirect.gather [hbm4b:s2+s28], $0x1, s29, s28, $0xb8;
	[tilespmem:$0x6E80] =	vst v63  }
0x116: {  	_ = 	snop  }
0x117: {  	[tilespmem:s11], [sflag:$0x1] =	stream.indirect.gather [hbm4b:s3+s28], $0x1, s29, s28, $0xb8;
	[tilespmem:$0x6E80] =	vst v63  }
0x118: {  	_ = 	snop  }
0x119: {  	[tilespmem:s0], [sflag:$0x1] =	stream.indirect.gather [hbm4b:s4+s28], $0x1, s29, s28, $0xb8;
	[tilespmem:$0x6E80] =	vst v63  }
0x11a: {  	_ =	swait.ge [sflag:s13], $0x680  }
0x11b: {  	[sflag:s13] =	ssyncset.done $0x0  }
0x11c: {  	[sflag:s13] =	ssyncadd.s32 $0xFFFFF980  }
0x11d: {  	_ =	swait.ge [sflag:s13], $0x680  }
0x11e: {  	[sflag:s13] =	ssyncset.done $0x0  }
0x11f: {  	[sflag:s13] =	ssyncadd.s32 $0xFFFFF980  }
0x120: {  	_ =	swait.ge [sflag:s13], $0x680  }
0x121: {  	[sflag:s13] =	ssyncset.done $0x0  }
0x122: {  	[sflag:s13] =	ssyncadd.s32 $0xFFFFF980  }
0x123: {  	s17 =	simm.s32 $0x0;
	_ =	swait.ge [sflag:s13], $0x680  }
0x124: {  	v1 =	vmov s17;
	[sflag:s13] =	ssyncset.done $0x0  }
0x125: {  	s15 =	simm.s32 $0x4100;
	v1 =	vshll.u32 v1, $0x2;
	[sflag:s13] =	ssyncadd.s32 $0xFFFFF980  }
0x126: {  	v2 =	vor.u32 v0, v1;
	v1 =	vld [tilespmem:s15+$0xFFFFF300];
	_ =	sdelay $0x4  }
0x127: {  	[tilespmem:v2+s12+$0x0] =	vst.idx.msk $0xffff, v1  }
0x128: {  	v3 =	vor.u32 $0x1, v2;
	v1 =	vld [tilespmem:s15+$0xFFFFF980];
	_ =	sdelay $0x4  }
0x129: {  	[tilespmem:v3+s12+$0x0] =	vst.idx.msk $0xffff, v1  }
0x12a: {  	v3 =	vor.u32 $0x2, v2;
	v1 =	vld [tilespmem:s15+$0x0];
	_ =	sdelay $0x4  }
0x12b: {  	[tilespmem:v3+s12+$0x0] =	vst.idx.msk $0xffff, v1  }
0x12c: {  	v2 =	vor.u32 $0x3, v2;
	v1 =	vld [tilespmem:s15+$0x680];
	_ =	sdelay $0x2  }
0x12d: {  	s16 =	simm.s32 $0x10  }
0x12e: {  	v3 =	vmov s16;
	s16 =	simm.s32 $0x20  }
.LBB2_18:
0x12f: {  	p0 =	sne.s32 s16, $0x670;
	v3 =	vshll.u32 v3, $0x2;
	[tilespmem:v2+s12+$0x0] =	vst.idx.msk $0xffff, v1;
	s15 =	sadd.s32 $0x10, s15  }
0x130: {  	v2 =	vor.u32 v0, v3;
	v1 =	vld [tilespmem:s15+$0xFFFFF300];
	_ =	sdelay $0x4  }
0x131: {  	[tilespmem:v2+s12+$0x0] =	vst.idx.msk $0xffff, v1  }
0x132: {  	v3 =	vor.u32 $0x1, v2;
	v1 =	vld [tilespmem:s15+$0xFFFFF980];
	_ =	sdelay $0x4  }
0x133: {  	[tilespmem:v3+s12+$0x0] =	vst.idx.msk $0xffff, v1  }
0x134: {  	v3 =	vor.u32 $0x2, v2;
	v1 =	vld [tilespmem:s15+$0x0];
	_ =	sdelay $0x4  }
0x135: {  	[tilespmem:v3+s12+$0x0] =	vst.idx.msk $0xffff, v1  }
.Ltmp8:
0x136: {  	v2 =	vor.u32 $0x3, v2;
	v1 =	vld [tilespmem:s15+$0x680];
	(pc) =	sbr.rel @p0 .LBB2_18-.Ltmp8, $2  }
0x137: {  	_ =	sdelay $0x2  }
0x138: {  	v3 =	vmov s16;
	s16 =	sadd.s32 $0x10, s16  }
0x139: {  	_ =	sdelay $0x3  }
0x13a: {  	v3 =	vshll.u32 v3, $0x2;
	[tilespmem:v2+s12+$0x0] =	vst.idx.msk $0xffff, v1;
	s15 =	sadd.s32 $0x10, s15  }
0x13b: {  	v1 =	vor.u32 v0, v3;
	v2 =	vld [tilespmem:s15+$0xFFFFF300];
	_ =	sdelay $0x4  }
0x13c: {  	[tilespmem:v1+s12+$0x0] =	vst.idx.msk $0xffff, v2  }
0x13d: {  	v3 =	vor.u32 $0x1, v1;
	v2 =	vld [tilespmem:s15+$0xFFFFF980];
	_ =	sdelay $0x4  }
0x13e: {  	[tilespmem:v3+s12+$0x0] =	vst.idx.msk $0xffff, v2  }
0x13f: {  	v3 =	vor.u32 $0x2, v1;
	v2 =	vld [tilespmem:s15+$0x0];
	_ =	sdelay $0x4  }
0x140: {  	[tilespmem:v3+s12+$0x0] =	vst.idx.msk $0xffff, v2  }
0x141: {  	v1 =	vor.u32 $0x3, v1;
	v2 =	vld [tilespmem:s15+$0x680];
	_ =	sdelay $0x4  }
0x142: {  	s17 =	simm.s32 $0x0;
	[tilespmem:v1+s12+$0x0] =	vst.idx.msk $0xffff, v2  }
0x143: {  	[hbm4b:s19+s17] =	stream.linear.scatter [tilespmem:s12], [sflag:$0x3], $0x1A00, $0x38;
	[tilespmem:$0x6E80] =	vst v63  }
0x144: {  	_ =	swait.ge [sflag:s26], $0x1A00  }
0x145: {  	[sflag:s26] =	ssyncset.done $0x0  }
0x146: {  	s16 =	rddreg [dreg:$0xd];
	[sflag:s26] =	ssyncadd.s32 $0xFFFFE600  }
0x147: {  	[tilespmem:s28], [sflag:$0x3] =	stream.linear.gather [hbm4b:s16+s17], $0x680, $0x38;
	[tilespmem:$0x6E80] =	vst v63  }
0x148: {  	_ =	swait.ge [sflag:s26], $0x680  }
0x149: {  	[sflag:s26] =	ssyncset.done $0x0  }
0x14a: {  	s15 =	simm.s32 $0x0;
	[sflag:s26] =	ssyncadd.s32 $0xFFFFF980  }
0x14b: {  	v1 =	vld [tilespmem:s15+$0x680]  }
0x14c: {  	s16 =	simm.s32 $0x40;
	v2 =	vld [tilespmem:s15+$0x4E00]  }
.LBB2_20:
0x14d: {  	p0 =	sne.s32 s16, $0x19C0  }
.Ltmp9:
0x14e: {  	_ = 	snop;
	(pc) =	sbr.rel @p0 .LBB2_20-.Ltmp9, $4  }
0x14f: {  	_ = 	snop  }
0x150: {  	s17 =	sshra.s32 s16, $0x2  }
0x151: {  	s16 =	sadd.s32 $0x40, s16;
	v3 =	vadd.s32 v1, v2;
	v1 =	vld [tilespmem:s17+$0x680]  }
0x152: {  	v2 =	vld [tilespmem:s17+$0x4E00];
	[tilespmem:s15+$0x1380] =	vst v3;
	s15 =	smov.u32 s17  }
0x153: {  	_ =	sdelay $0x3  }
0x154: {  	v1 =	vadd.s32 v1, v2  }
0x155: {  	[tilespmem:s15+$0x1380] =	vst v1  }
0x156: {  	[tilespmem:s25], [sflag:$0x2] =	stream.indirect.gather [hbm4b:s1+s28], $0x1, s5, s28, $0xb8;
	[tilespmem:$0x6E80] =	vst v63  }
0x157: {  	_ = 	snop  }
0x158: {  	[tilespmem:s7], [sflag:$0x2] =	stream.indirect.gather [hbm4b:s2+s28], $0x1, s5, s28, $0xb8;
	[tilespmem:$0x6E80] =	vst v63  }
0x159: {  	_ = 	snop  }
0x15a: {  	[tilespmem:s8], [sflag:$0x2] =	stream.indirect.gather [hbm4b:s3+s28], $0x1, s5, s28, $0xb8;
	[tilespmem:$0x6E80] =	vst v63  }
0x15b: {  	_ = 	snop  }
0x15c: {  	[tilespmem:s9], [sflag:$0x2] =	stream.indirect.gather [hbm4b:s4+s28], $0x1, s5, s28, $0xb8;
	[tilespmem:$0x6E80] =	vst v63  }
0x15d: {  	_ =	swait.ge [sflag:s10], $0x680  }
0x15e: {  	[sflag:s10] =	ssyncset.done $0x0  }
0x15f: {  	[sflag:s10] =	ssyncadd.s32 $0xFFFFF980  }
0x160: {  	_ =	swait.ge [sflag:s10], $0x680  }
0x161: {  	[sflag:s10] =	ssyncset.done $0x0  }
0x162: {  	[sflag:s10] =	ssyncadd.s32 $0xFFFFF980  }
0x163: {  	_ =	swait.ge [sflag:s10], $0x680  }
0x164: {  	[sflag:s10] =	ssyncset.done $0x0  }
0x165: {  	[sflag:s10] =	ssyncadd.s32 $0xFFFFF980  }
0x166: {  	s17 =	simm.s32 $0x0;
	_ =	swait.ge [sflag:s10], $0x680  }
0x167: {  	v1 =	vmov s17;
	[sflag:s10] =	ssyncset.done $0x0  }
0x168: {  	s15 =	simm.s32 $0x2700;
	v1 =	vshll.u32 v1, $0x2;
	[sflag:s10] =	ssyncadd.s32 $0xFFFFF980  }
0x169: {  	v2 =	vor.u32 v0, v1;
	v1 =	vld [tilespmem:s15+$0xFFFFF300];
	_ =	sdelay $0x4  }
0x16a: {  	[tilespmem:v2+s12+$0x0] =	vst.idx.msk $0xffff, v1  }
0x16b: {  	v3 =	vor.u32 $0x1, v2;
	v1 =	vld [tilespmem:s15+$0xFFFFF980];
	_ =	sdelay $0x4  }
0x16c: {  	[tilespmem:v3+s12+$0x0] =	vst.idx.msk $0xffff, v1  }
0x16d: {  	v3 =	vor.u32 $0x2, v2;
	v1 =	vld [tilespmem:s15+$0x0];
	_ =	sdelay $0x4  }
0x16e: {  	[tilespmem:v3+s12+$0x0] =	vst.idx.msk $0xffff, v1  }
0x16f: {  	v2 =	vor.u32 $0x3, v2;
	v1 =	vld [tilespmem:s15+$0x680];
	_ =	sdelay $0x2  }
0x170: {  	s16 =	simm.s32 $0x10  }
0x171: {  	v3 =	vmov s16;
	s16 =	simm.s32 $0x20  }
.LBB2_22:
0x172: {  	p0 =	sne.s32 s16, $0x670;
	v3 =	vshll.u32 v3, $0x2;
	[tilespmem:v2+s12+$0x0] =	vst.idx.msk $0xffff, v1;
	s15 =	sadd.s32 $0x10, s15  }
0x173: {  	v2 =	vor.u32 v0, v3;
	v1 =	vld [tilespmem:s15+$0xFFFFF300];
	_ =	sdelay $0x4  }
0x174: {  	[tilespmem:v2+s12+$0x0] =	vst.idx.msk $0xffff, v1  }
0x175: {  	v3 =	vor.u32 $0x1, v2;
	v1 =	vld [tilespmem:s15+$0xFFFFF980];
	_ =	sdelay $0x4  }
0x176: {  	[tilespmem:v3+s12+$0x0] =	vst.idx.msk $0xffff, v1  }
0x177: {  	v3 =	vor.u32 $0x2, v2;
	v1 =	vld [tilespmem:s15+$0x0];
	_ =	sdelay $0x4  }
0x178: {  	[tilespmem:v3+s12+$0x0] =	vst.idx.msk $0xffff, v1  }
.Ltmp10:
0x179: {  	v2 =	vor.u32 $0x3, v2;
	v1 =	vld [tilespmem:s15+$0x680];
	(pc) =	sbr.rel @p0 .LBB2_22-.Ltmp10, $2  }
0x17a: {  	_ =	sdelay $0x2  }
0x17b: {  	v3 =	vmov s16;
	s16 =	sadd.s32 $0x10, s16  }
0x17c: {  	_ =	sdelay $0x3  }
0x17d: {  	v3 =	vshll.u32 v3, $0x2;
	[tilespmem:v2+s12+$0x0] =	vst.idx.msk $0xffff, v1;
	s15 =	sadd.s32 $0x10, s15  }
0x17e: {  	v1 =	vor.u32 v0, v3;
	v2 =	vld [tilespmem:s15+$0xFFFFF300];
	_ =	sdelay $0x4  }
0x17f: {  	[tilespmem:v1+s12+$0x0] =	vst.idx.msk $0xffff, v2  }
0x180: {  	v3 =	vor.u32 $0x1, v1;
	v2 =	vld [tilespmem:s15+$0xFFFFF980];
	_ =	sdelay $0x4  }
0x181: {  	[tilespmem:v3+s12+$0x0] =	vst.idx.msk $0xffff, v2  }
0x182: {  	v3 =	vor.u32 $0x2, v1;
	v2 =	vld [tilespmem:s15+$0x0];
	_ =	sdelay $0x4  }
0x183: {  	[tilespmem:v3+s12+$0x0] =	vst.idx.msk $0xffff, v2  }
0x184: {  	v1 =	vor.u32 $0x3, v1;
	v2 =	vld [tilespmem:s15+$0x680];
	_ =	sdelay $0x4  }
0x185: {  	s17 =	simm.s32 $0x0;
	[tilespmem:v1+s12+$0x0] =	vst.idx.msk $0xffff, v2  }
0x186: {  	[hbm4b:s20+s17] =	stream.linear.scatter [tilespmem:s12], [sflag:$0x3], $0x1A00, $0x38;
	[tilespmem:$0x6E80] =	vst v63  }
0x187: {  	_ =	swait.ge [sflag:s26], $0x1A00  }
0x188: {  	[sflag:s26] =	ssyncset.done $0x0  }
0x189: {  	s16 =	rddreg [dreg:$0xe];
	[sflag:s26] =	ssyncadd.s32 $0xFFFFE600  }
0x18a: {  	[tilespmem:s17], [sflag:$0x3] =	stream.linear.gather [hbm4b:s16+s17], $0x680, $0x38;
	[tilespmem:$0x6E80] =	vst v63  }
0x18b: {  	_ =	swait.ge [sflag:s26], $0x680  }
0x18c: {  	[sflag:s26] =	ssyncset.done $0x0  }
0x18d: {  	s15 =	simm.s32 $0x0;
	[sflag:s26] =	ssyncadd.s32 $0xFFFFF980  }
0x18e: {  	v1 =	vld [tilespmem:s15+$0x0]  }
0x18f: {  	s16 =	simm.s32 $0x40;
	v2 =	vld [tilespmem:s15+$0x4E00]  }
.LBB2_24:
0x190: {  	p0 =	sne.s32 s16, $0x19C0  }
.Ltmp11:
0x191: {  	_ = 	snop;
	(pc) =	sbr.rel @p0 .LBB2_24-.Ltmp11, $4  }
0x192: {  	_ = 	snop  }
0x193: {  	s17 =	sshra.s32 s16, $0x2  }
0x194: {  	s16 =	sadd.s32 $0x40, s16;
	v3 =	vadd.s32 v1, v2;
	v1 =	vld [tilespmem:s17+$0x0]  }
0x195: {  	v2 =	vld [tilespmem:s17+$0x4E00];
	[tilespmem:s15+$0xD00] =	vst v3;
	s15 =	smov.u32 s17  }
0x196: {  	_ =	sdelay $0x3  }
0x197: {  	v1 =	vadd.s32 v1, v2  }
0x198: {  	[tilespmem:s15+$0xD00] =	vst v1  }
0x199: {  	[tilespmem:s30], [sflag:$0x1] =	stream.indirect.gather [hbm4b:s1+s28], $0x1, s29, s28, $0xb8;
	[tilespmem:$0x6E80] =	vst v63  }
0x19a: {  	_ = 	snop  }
0x19b: {  	[tilespmem:s31], [sflag:$0x1] =	stream.indirect.gather [hbm4b:s2+s28], $0x1, s29, s28, $0xb8;
	[tilespmem:$0x6E80] =	vst v63  }
0x19c: {  	_ = 	snop  }
0x19d: {  	[tilespmem:s11], [sflag:$0x1] =	stream.indirect.gather [hbm4b:s3+s28], $0x1, s29, s28, $0xb8;
	[tilespmem:$0x6E80] =	vst v63  }
0x19e: {  	_ = 	snop  }
0x19f: {  	[tilespmem:s0], [sflag:$0x1] =	stream.indirect.gather [hbm4b:s4+s28], $0x1, s29, s28, $0xb8;
	[tilespmem:$0x6E80] =	vst v63  }
0x1a0: {  	_ =	swait.ge [sflag:s13], $0x680  }
0x1a1: {  	[sflag:s13] =	ssyncset.done $0x0  }
0x1a2: {  	[sflag:s13] =	ssyncadd.s32 $0xFFFFF980  }
0x1a3: {  	_ =	swait.ge [sflag:s13], $0x680  }
0x1a4: {  	[sflag:s13] =	ssyncset.done $0x0  }
0x1a5: {  	[sflag:s13] =	ssyncadd.s32 $0xFFFFF980  }
0x1a6: {  	_ =	swait.ge [sflag:s13], $0x680  }
0x1a7: {  	[sflag:s13] =	ssyncset.done $0x0  }
0x1a8: {  	[sflag:s13] =	ssyncadd.s32 $0xFFFFF980  }
0x1a9: {  	s17 =	simm.s32 $0x0;
	_ =	swait.ge [sflag:s13], $0x680  }
0x1aa: {  	v1 =	vmov s17;
	[sflag:s13] =	ssyncset.done $0x0  }
0x1ab: {  	s15 =	simm.s32 $0x4100;
	v1 =	vshll.u32 v1, $0x2;
	[sflag:s13] =	ssyncadd.s32 $0xFFFFF980  }
0x1ac: {  	v2 =	vor.u32 v0, v1;
	v1 =	vld [tilespmem:s15+$0xFFFFF300];
	_ =	sdelay $0x4  }
0x1ad: {  	[tilespmem:v2+s12+$0x0] =	vst.idx.msk $0xffff, v1  }
0x1ae: {  	v3 =	vor.u32 $0x1, v2;
	v1 =	vld [tilespmem:s15+$0xFFFFF980];
	_ =	sdelay $0x4  }
0x1af: {  	[tilespmem:v3+s12+$0x0] =	vst.idx.msk $0xffff, v1  }
0x1b0: {  	v3 =	vor.u32 $0x2, v2;
	v1 =	vld [tilespmem:s15+$0x0];
	_ =	sdelay $0x4  }
0x1b1: {  	[tilespmem:v3+s12+$0x0] =	vst.idx.msk $0xffff, v1  }
0x1b2: {  	v2 =	vor.u32 $0x3, v2;
	v1 =	vld [tilespmem:s15+$0x680];
	_ =	sdelay $0x2  }
0x1b3: {  	s16 =	simm.s32 $0x10  }
0x1b4: {  	v3 =	vmov s16;
	s16 =	simm.s32 $0x20  }
.LBB2_26:
0x1b5: {  	p0 =	sne.s32 s16, $0x670;
	v3 =	vshll.u32 v3, $0x2;
	[tilespmem:v2+s12+$0x0] =	vst.idx.msk $0xffff, v1;
	s15 =	sadd.s32 $0x10, s15  }
0x1b6: {  	v2 =	vor.u32 v0, v3;
	v1 =	vld [tilespmem:s15+$0xFFFFF300];
	_ =	sdelay $0x4  }
0x1b7: {  	[tilespmem:v2+s12+$0x0] =	vst.idx.msk $0xffff, v1  }
0x1b8: {  	v3 =	vor.u32 $0x1, v2;
	v1 =	vld [tilespmem:s15+$0xFFFFF980];
	_ =	sdelay $0x4  }
0x1b9: {  	[tilespmem:v3+s12+$0x0] =	vst.idx.msk $0xffff, v1  }
0x1ba: {  	v3 =	vor.u32 $0x2, v2;
	v1 =	vld [tilespmem:s15+$0x0];
	_ =	sdelay $0x4  }
0x1bb: {  	[tilespmem:v3+s12+$0x0] =	vst.idx.msk $0xffff, v1  }
.Ltmp12:
0x1bc: {  	v2 =	vor.u32 $0x3, v2;
	v1 =	vld [tilespmem:s15+$0x680];
	(pc) =	sbr.rel @p0 .LBB2_26-.Ltmp12, $2  }
0x1bd: {  	_ =	sdelay $0x2  }
0x1be: {  	v3 =	vmov s16;
	s16 =	sadd.s32 $0x10, s16  }
0x1bf: {  	_ =	sdelay $0x3  }
0x1c0: {  	v3 =	vshll.u32 v3, $0x2;
	[tilespmem:v2+s12+$0x0] =	vst.idx.msk $0xffff, v1;
	s15 =	sadd.s32 $0x10, s15  }
0x1c1: {  	v1 =	vor.u32 v0, v3;
	v2 =	vld [tilespmem:s15+$0xFFFFF300];
	_ =	sdelay $0x4  }
0x1c2: {  	[tilespmem:v1+s12+$0x0] =	vst.idx.msk $0xffff, v2  }
0x1c3: {  	v3 =	vor.u32 $0x1, v1;
	v2 =	vld [tilespmem:s15+$0xFFFFF980];
	_ =	sdelay $0x4  }
0x1c4: {  	[tilespmem:v3+s12+$0x0] =	vst.idx.msk $0xffff, v2  }
0x1c5: {  	v3 =	vor.u32 $0x2, v1;
	v2 =	vld [tilespmem:s15+$0x0];
	_ =	sdelay $0x4  }
0x1c6: {  	[tilespmem:v3+s12+$0x0] =	vst.idx.msk $0xffff, v2  }
0x1c7: {  	v1 =	vor.u32 $0x3, v1;
	v2 =	vld [tilespmem:s15+$0x680];
	_ =	sdelay $0x4  }
0x1c8: {  	s17 =	simm.s32 $0x0;
	[tilespmem:v1+s12+$0x0] =	vst.idx.msk $0xffff, v2  }
0x1c9: {  	[hbm4b:s21+s17] =	stream.linear.scatter [tilespmem:s12], [sflag:$0x3], $0x1A00, $0x38;
	[tilespmem:$0x6E80] =	vst v63  }
0x1ca: {  	_ =	swait.ge [sflag:s26], $0x1A00  }
0x1cb: {  	[sflag:s26] =	ssyncset.done $0x0  }
0x1cc: {  	s16 =	rddreg [dreg:$0xf];
	[sflag:s26] =	ssyncadd.s32 $0xFFFFE600  }
0x1cd: {  	[tilespmem:s28], [sflag:$0x3] =	stream.linear.gather [hbm4b:s16+s17], $0x680, $0x38;
	[tilespmem:$0x6E80] =	vst v63  }
0x1ce: {  	_ =	swait.ge [sflag:s26], $0x680  }
0x1cf: {  	[sflag:s26] =	ssyncset.done $0x0  }
0x1d0: {  	s15 =	simm.s32 $0x0;
	[sflag:s26] =	ssyncadd.s32 $0xFFFFF980  }
0x1d1: {  	v1 =	vld [tilespmem:s15+$0x680]  }
0x1d2: {  	s16 =	simm.s32 $0x40;
	v2 =	vld [tilespmem:s15+$0x4E00]  }
.LBB2_28:
0x1d3: {  	p0 =	sne.s32 s16, $0x19C0  }
.Ltmp13:
0x1d4: {  	_ = 	snop;
	(pc) =	sbr.rel @p0 .LBB2_28-.Ltmp13, $4  }
0x1d5: {  	_ = 	snop  }
0x1d6: {  	s17 =	sshra.s32 s16, $0x2  }
0x1d7: {  	s16 =	sadd.s32 $0x40, s16;
	v3 =	vadd.s32 v1, v2;
	v1 =	vld [tilespmem:s17+$0x680]  }
0x1d8: {  	v2 =	vld [tilespmem:s17+$0x4E00];
	[tilespmem:s15+$0x1380] =	vst v3;
	s15 =	smov.u32 s17  }
0x1d9: {  	_ =	sdelay $0x3  }
0x1da: {  	v1 =	vadd.s32 v1, v2  }
0x1db: {  	[tilespmem:s15+$0x1380] =	vst v1  }
0x1dc: {  	[tilespmem:s25], [sflag:$0x2] =	stream.indirect.gather [hbm4b:s1+s28], $0x1, s5, s28, $0xb8;
	[tilespmem:$0x6E80] =	vst v63  }
0x1dd: {  	_ = 	snop  }
0x1de: {  	[tilespmem:s7], [sflag:$0x2] =	stream.indirect.gather [hbm4b:s2+s28], $0x1, s5, s28, $0xb8;
	[tilespmem:$0x6E80] =	vst v63  }
0x1df: {  	_ = 	snop  }
0x1e0: {  	[tilespmem:s8], [sflag:$0x2] =	stream.indirect.gather [hbm4b:s3+s28], $0x1, s5, s28, $0xb8;
	[tilespmem:$0x6E80] =	vst v63  }
0x1e1: {  	_ = 	snop  }
0x1e2: {  	[tilespmem:s9], [sflag:$0x2] =	stream.indirect.gather [hbm4b:s4+s28], $0x1, s5, s28, $0xb8;
	[tilespmem:$0x6E80] =	vst v63  }
0x1e3: {  	_ =	swait.ge [sflag:s10], $0x680  }
0x1e4: {  	[sflag:s10] =	ssyncset.done $0x0  }
0x1e5: {  	[sflag:s10] =	ssyncadd.s32 $0xFFFFF980  }
0x1e6: {  	_ =	swait.ge [sflag:s10], $0x680  }
0x1e7: {  	[sflag:s10] =	ssyncset.done $0x0  }
0x1e8: {  	[sflag:s10] =	ssyncadd.s32 $0xFFFFF980  }
0x1e9: {  	_ =	swait.ge [sflag:s10], $0x680  }
0x1ea: {  	[sflag:s10] =	ssyncset.done $0x0  }
0x1eb: {  	[sflag:s10] =	ssyncadd.s32 $0xFFFFF980  }
0x1ec: {  	s17 =	simm.s32 $0x0;
	_ =	swait.ge [sflag:s10], $0x680  }
0x1ed: {  	v1 =	vmov s17;
	[sflag:s10] =	ssyncset.done $0x0  }
0x1ee: {  	s15 =	simm.s32 $0x2700;
	v1 =	vshll.u32 v1, $0x2;
	[sflag:s10] =	ssyncadd.s32 $0xFFFFF980  }
0x1ef: {  	v2 =	vor.u32 v0, v1;
	v1 =	vld [tilespmem:s15+$0xFFFFF300];
	_ =	sdelay $0x4  }
0x1f0: {  	[tilespmem:v2+s12+$0x0] =	vst.idx.msk $0xffff, v1  }
0x1f1: {  	v3 =	vor.u32 $0x1, v2;
	v1 =	vld [tilespmem:s15+$0xFFFFF980];
	_ =	sdelay $0x4  }
0x1f2: {  	[tilespmem:v3+s12+$0x0] =	vst.idx.msk $0xffff, v1  }
0x1f3: {  	v3 =	vor.u32 $0x2, v2;
	v1 =	vld [tilespmem:s15+$0x0];
	_ =	sdelay $0x4  }
0x1f4: {  	[tilespmem:v3+s12+$0x0] =	vst.idx.msk $0xffff, v1  }
0x1f5: {  	v2 =	vor.u32 $0x3, v2;
	v1 =	vld [tilespmem:s15+$0x680];
	_ =	sdelay $0x2  }
0x1f6: {  	s16 =	simm.s32 $0x10  }
0x1f7: {  	v3 =	vmov s16;
	s16 =	simm.s32 $0x20  }
.LBB2_30:
0x1f8: {  	p0 =	sne.s32 s16, $0x670;
	v3 =	vshll.u32 v3, $0x2;
	[tilespmem:v2+s12+$0x0] =	vst.idx.msk $0xffff, v1;
	s15 =	sadd.s32 $0x10, s15  }
0x1f9: {  	v2 =	vor.u32 v0, v3;
	v1 =	vld [tilespmem:s15+$0xFFFFF300];
	_ =	sdelay $0x4  }
0x1fa: {  	[tilespmem:v2+s12+$0x0] =	vst.idx.msk $0xffff, v1  }
0x1fb: {  	v3 =	vor.u32 $0x1, v2;
	v1 =	vld [tilespmem:s15+$0xFFFFF980];
	_ =	sdelay $0x4  }
0x1fc: {  	[tilespmem:v3+s12+$0x0] =	vst.idx.msk $0xffff, v1  }
0x1fd: {  	v3 =	vor.u32 $0x2, v2;
	v1 =	vld [tilespmem:s15+$0x0];
	_ =	sdelay $0x4  }
0x1fe: {  	[tilespmem:v3+s12+$0x0] =	vst.idx.msk $0xffff, v1  }
.Ltmp14:
0x1ff: {  	v2 =	vor.u32 $0x3, v2;
	v1 =	vld [tilespmem:s15+$0x680];
	(pc) =	sbr.rel @p0 .LBB2_30-.Ltmp14, $2  }
0x200: {  	_ =	sdelay $0x2  }
0x201: {  	v3 =	vmov s16;
	s16 =	sadd.s32 $0x10, s16  }
0x202: {  	_ =	sdelay $0x3  }
0x203: {  	v3 =	vshll.u32 v3, $0x2;
	[tilespmem:v2+s12+$0x0] =	vst.idx.msk $0xffff, v1;
	s15 =	sadd.s32 $0x10, s15  }
0x204: {  	v1 =	vor.u32 v0, v3;
	v2 =	vld [tilespmem:s15+$0xFFFFF300];
	_ =	sdelay $0x4  }
0x205: {  	[tilespmem:v1+s12+$0x0] =	vst.idx.msk $0xffff, v2  }
0x206: {  	v3 =	vor.u32 $0x1, v1;
	v2 =	vld [tilespmem:s15+$0xFFFFF980];
	_ =	sdelay $0x4  }
0x207: {  	[tilespmem:v3+s12+$0x0] =	vst.idx.msk $0xffff, v2  }
0x208: {  	v3 =	vor.u32 $0x2, v1;
	v2 =	vld [tilespmem:s15+$0x0];
	_ =	sdelay $0x4  }
0x209: {  	[tilespmem:v3+s12+$0x0] =	vst.idx.msk $0xffff, v2  }
0x20a: {  	v1 =	vor.u32 $0x3, v1;
	v2 =	vld [tilespmem:s15+$0x680];
	_ =	sdelay $0x4  }
0x20b: {  	s17 =	simm.s32 $0x0;
	[tilespmem:v1+s12+$0x0] =	vst.idx.msk $0xffff, v2  }
0x20c: {  	[hbm4b:s22+s17] =	stream.linear.scatter [tilespmem:s12], [sflag:$0x3], $0x1A00, $0x38;
	[tilespmem:$0x6E80] =	vst v63  }
0x20d: {  	_ =	swait.ge [sflag:s26], $0x1A00  }
0x20e: {  	[sflag:s26] =	ssyncset.done $0x0  }
0x20f: {  	[sflag:s26] =	ssyncadd.s32 $0xFFFFE600  }
0x210: {  	_ =	swait.ge [sflag:s13], $0x680  }
0x211: {  	[sflag:s13] =	ssyncset.done $0x0  }
0x212: {  	[sflag:s13] =	ssyncadd.s32 $0xFFFFF980  }
0x213: {  	_ =	swait.ge [sflag:s13], $0x680  }
0x214: {  	[sflag:s13] =	ssyncset.done $0x0  }
0x215: {  	[sflag:s13] =	ssyncadd.s32 $0xFFFFF980  }
0x216: {  	_ =	swait.ge [sflag:s13], $0x680  }
0x217: {  	[sflag:s13] =	ssyncset.done $0x0  }
0x218: {  	[sflag:s13] =	ssyncadd.s32 $0xFFFFF980  }
0x219: {  	_ =	swait.ge [sflag:s13], $0x680  }
0x21a: {  	v1 =	vmov s17;
	[sflag:s13] =	ssyncset.done $0x0  }
0x21b: {  	s15 =	simm.s32 $0x4100;
	v1 =	vshll.u32 v1, $0x2;
	[sflag:s13] =	ssyncadd.s32 $0xFFFFF980  }
0x21c: {  	v2 =	vor.u32 v0, v1;
	v1 =	vld [tilespmem:s15+$0xFFFFF300];
	_ =	sdelay $0x4  }
0x21d: {  	[tilespmem:v2+s12+$0x0] =	vst.idx.msk $0xffff, v1  }
0x21e: {  	v3 =	vor.u32 $0x1, v2;
	v1 =	vld [tilespmem:s15+$0xFFFFF980];
	_ =	sdelay $0x4  }
0x21f: {  	[tilespmem:v3+s12+$0x0] =	vst.idx.msk $0xffff, v1  }
0x220: {  	v3 =	vor.u32 $0x2, v2;
	v1 =	vld [tilespmem:s15+$0x0];
	_ =	sdelay $0x4  }
0x221: {  	[tilespmem:v3+s12+$0x0] =	vst.idx.msk $0xffff, v1  }
0x222: {  	v2 =	vor.u32 $0x3, v2;
	v1 =	vld [tilespmem:s15+$0x680];
	_ =	sdelay $0x2  }
0x223: {  	s16 =	simm.s32 $0x10  }
0x224: {  	v3 =	vmov s16;
	s16 =	simm.s32 $0x20  }
.LBB2_32:
0x225: {  	p0 =	sne.s32 s16, $0x670;
	v3 =	vshll.u32 v3, $0x2;
	[tilespmem:v2+s12+$0x0] =	vst.idx.msk $0xffff, v1;
	s15 =	sadd.s32 $0x10, s15  }
0x226: {  	v2 =	vor.u32 v0, v3;
	v1 =	vld [tilespmem:s15+$0xFFFFF300];
	_ =	sdelay $0x4  }
0x227: {  	[tilespmem:v2+s12+$0x0] =	vst.idx.msk $0xffff, v1  }
0x228: {  	v3 =	vor.u32 $0x1, v2;
	v1 =	vld [tilespmem:s15+$0xFFFFF980];
	_ =	sdelay $0x4  }
0x229: {  	[tilespmem:v3+s12+$0x0] =	vst.idx.msk $0xffff, v1  }
0x22a: {  	v3 =	vor.u32 $0x2, v2;
	v1 =	vld [tilespmem:s15+$0x0];
	_ =	sdelay $0x4  }
0x22b: {  	[tilespmem:v3+s12+$0x0] =	vst.idx.msk $0xffff, v1  }
.Ltmp15:
0x22c: {  	v2 =	vor.u32 $0x3, v2;
	v1 =	vld [tilespmem:s15+$0x680];
	(pc) =	sbr.rel @p0 .LBB2_32-.Ltmp15, $2  }
0x22d: {  	_ =	sdelay $0x2  }
0x22e: {  	v3 =	vmov s16;
	s16 =	sadd.s32 $0x10, s16  }
0x22f: {  	_ =	sdelay $0x3  }
0x230: {  	v3 =	vshll.u32 v3, $0x2;
	[tilespmem:v2+s12+$0x0] =	vst.idx.msk $0xffff, v1;
	s15 =	sadd.s32 $0x10, s15  }
0x231: {  	v1 =	vor.u32 v0, v3;
	v2 =	vld [tilespmem:s15+$0xFFFFF300];
	_ =	sdelay $0x4  }
0x232: {  	[tilespmem:v1+s12+$0x0] =	vst.idx.msk $0xffff, v2  }
0x233: {  	v3 =	vor.u32 $0x1, v1;
	v2 =	vld [tilespmem:s15+$0xFFFFF980];
	_ =	sdelay $0x4  }
0x234: {  	[tilespmem:v3+s12+$0x0] =	vst.idx.msk $0xffff, v2  }
0x235: {  	v3 =	vor.u32 $0x2, v1;
	v2 =	vld [tilespmem:s15+$0x0];
	_ =	sdelay $0x4  }
0x236: {  	[tilespmem:v3+s12+$0x0] =	vst.idx.msk $0xffff, v2  }
0x237: {  	v1 =	vor.u32 $0x3, v1;
	v2 =	vld [tilespmem:s15+$0x680];
	_ =	sdelay $0x2  }
0x238: {  	s14 =	sadd.s32 $0x1, s14  }
0x239: {  	p0 =	sne.s32 s14, s24  }
.Ltmp16:
0x23a: {  	[tilespmem:v1+s12+$0x0] =	vst.idx.msk $0xffff, v2;
	(pc) =	sbr.rel @p0 .LBB2_1-.Ltmp16, $4  }
0x23b: {  	[hbm4b:s23+s6] =	stream.linear.scatter [tilespmem:s12], [sflag:$0x3], $0x1A00, $0x38;
	[tilespmem:$0x6E80] =	vst v63  }
0x23c: {  	_ =	swait.ge [sflag:s26], $0x1A00  }
0x23d: {  	[sflag:s26] =	ssyncset.done $0x0  }
0x23e: {  	[sflag:s26] =	ssyncadd.s32 $0xFFFFE600  }
0x23f: {  	_ =	sfence.sel $0x180000  }
0x240: {  	[bflag:$0x0] =	sbarrier.arrive $0xFFFF  }
0x241: {  	_ =	strace $0x9000004A  }
0x242: {  	s0 =	stileid.u32;
	[bflag:$0x2] =	sbarrier.arrive $0xFFFF  }
0x243: {  	p0 =	sne.s32 s0, $0x0;
	s0 =	rddreg [dreg:$0x7]  }
0x244: {  	s0 =	sadd.s32 @!p0 $0x100000, s0  }
0x245: {  	[sflag:s0] =	ssyncadd.tile.s32 @!p0 $0x1;
	_ =	shalt  }
.Lfunc_end2:
_tile_overlayer_lowered:
.L_overlay_start_2:
0x246: {  	(tag) =	ssettag $0x2  }
0x247: {  	s0 =	rddreg [dreg:$0x0];
	s2 =	stileid.u32  }
0x248: {  	s1 =	rddreg [dreg:$0x1];
	p0 =	sne.s32 s2, $0x0  }
0x249: {  	s3 =	rddreg [dreg:$0x2];
	[bflag:$0x3] =	sbarrier.arrive $0xFFFF;
	s2 =	simm.s32 @!p0 $0x1C03  }
0x24a: {  	[timem:s3], [sflag:s2] =	dma.local @!p0 [hbm:s0], s1  }
0x24b: {  	s0 =	simm.s32 @!p0 $0x3  }
0x24c: {  	_ =	swait.ge @!p0 [sflag:s0], s1  }
0x24d: {  	s1 =	ssub.s32 @!p0 $0x0, s1;
	[sflag:s0] =	ssyncset.done @!p0 $0x0  }
0x24e: {  	[sflag:s0] =	ssyncadd.s32 @!p0 s1  }
0x24f: {  	[bflag:$0x3] =	sbarrier.arrive $0xFFFF  }
0x250: {  	_ =	shalt  }

</sc_bundles>
